<compile_context>
chip_gen: v7x
topology: tpu7x:2x2x1
jax: 0.10.2.dev20260603
libtpu: 0.0.44.dev20260713+nightly
codegen_flags: <defaults>
</compile_context>

<pallas_src>
import functools

import jax
import jax.numpy as jnp
from jax import lax
from jax.experimental import pallas as pl
from jax.experimental.pallas import tpu as pltpu
from jax.experimental.pallas import tpu_sc as plsc

NC, NS = 2, 16
NW = NC * NS
CH = 128
BN = 1024
NP = 10240
FRAC_FAST = 0.71


def _sc_mesh():
    return plsc.VectorSubcoreMesh(core_axis_name="c", subcore_axis_name="s",
                                  num_cores=NC, num_subcores=NS)



def _sc_degree(dst3, n, nch_by_core):
    nchunk = dst3.shape[1]
    rps = n // NS

    def body(dst_hbm, out_hbm, didx, ones_v, buf_v, acc_sh):
        c = lax.axis_index("c")
        s = lax.axis_index("s")
        w = c * NS + s
        nch = jnp.where(c == 0, nch_by_core[0], nch_by_core[1])

        def fill_o(i, carry):
            ones_v[pl.ds(i * 16, 16)] = jnp.ones((16,), jnp.float32)
            return carry
        lax.fori_loop(0, CH // 16, fill_o, 0)

        def fill_z(i, carry):
            buf_v[pl.ds(i * 16, 16)] = jnp.zeros((16,), jnp.float32)
            return carry
        lax.fori_loop(0, rps // 16, fill_z, 0)

        pltpu.sync_copy(dst_hbm.at[w], didx)
        pltpu.sync_copy(buf_v, acc_sh.at[pl.ds(s * rps, rps)])
        plsc.subcore_barrier()

        def step(j, carry):
            pltpu.sync_copy(ones_v, acc_sh.at[didx.at[j]], add=True)
            return carry
        lax.fori_loop(0, nch, step, 0)

        plsc.subcore_barrier()
        pltpu.sync_copy(acc_sh.at[pl.ds(s * rps, rps)], buf_v)
        pltpu.sync_copy(buf_v, out_hbm.at[pl.ds(c * n + s * rps, rps)])

    out = pl.kernel(
        body,
        out_type=jax.ShapeDtypeStruct((NC * n,), jnp.float32),
        mesh=_sc_mesh(),
        scratch_types=[
            pltpu.VMEM((nchunk, CH), jnp.int32),
            pltpu.VMEM((CH,), jnp.float32),
            pltpu.VMEM((rps,), jnp.float32),
            pltpu.VMEM_SHARED((n,), jnp.float32),
        ],
    )(dst3)
    return out.reshape(NC, n)



def _sc_propagate(y, pidx3, nch_by_core):
    n, d = y.shape
    nchunk = pidx3.shape[1]
    rps = n // NS
    nz = rps // CH

    def body(y_hbm, pidx_hbm, out_hbm, pidx, cb, rows0, rows1, acc_sh,
             sem0, sem1, sem2, sem3):
        c = lax.axis_index("c")
        s = lax.axis_index("s")
        w = c * NS + s
        npair = jnp.where(c == 0, (nch_by_core[0] - 1) // 2,
                          (nch_by_core[1] - 1) // 2)

        def fill_z(i, carry):
            for cc in range(d // 16):
                rows0[i, pl.ds(cc * 16, 16)] = jnp.zeros((16,), jnp.float32)
            return carry
        lax.fori_loop(0, CH, fill_z, 0)

        zcs = [pltpu.async_copy(rows0, acc_sh.at[pl.ds(s * rps + k * CH, CH)],
                                sem1) for k in range(nz)]
        pltpu.sync_copy(pidx_hbm.at[w], pidx)
        for z in zcs:
            z.wait()
        plsc.subcore_barrier()

        def unpack(j, sr, dr):
            for k in range(CH // 16):
                v = pidx[j, pl.ds(k * 16, 16)]
                cb[sr, pl.ds(k * 16, 16)] = lax.shift_right_logical(v, 14)
                cb[dr, pl.ds(k * 16, 16)] = lax.bitwise_and(v, (1 << 14) - 1)

        unpack(0, 0, 1)
        pltpu.async_copy(y_hbm.at[cb.at[0]], rows0, sem0)

        def step(p, carry):
            c1 = 2 * p + 1
            unpack(c1, 2, 3)
            pltpu.async_copy(y_hbm.at[cb.at[2]], rows1, sem1)
            pltpu.make_async_copy(y_hbm.at[cb.at[0]], rows0, sem0).wait()
            pltpu.sync_copy(rows0, acc_sh.at[cb.at[1]], add=True)
            unpack(c1 + 1, 0, 1)
            pltpu.async_copy(y_hbm.at[cb.at[0]], rows0, sem0)
            pltpu.make_async_copy(y_hbm.at[cb.at[2]], rows1, sem1).wait()
            pltpu.sync_copy(rows1, acc_sh.at[cb.at[3]], add=True)
            return carry
        lax.fori_loop(0, npair, step, 0)

        pltpu.make_async_copy(y_hbm.at[cb.at[0]], rows0, sem0).wait()
        pltpu.sync_copy(rows0, acc_sh.at[cb.at[1]], add=True)

        plsc.subcore_barrier()
        rbuf = [rows0, rows1]
        sin = [sem0, sem1]
        sout = [sem2, sem3]

        def acc_slice(k):
            return acc_sh.at[pl.ds(s * rps + k * CH, CH)]

        def hbm_slice(k):
            return out_hbm.at[pl.ds(c * n + s * rps + k * CH, CH)]

        ins = {}
        outs = {}
        ins[0] = pltpu.async_copy(acc_slice(0), rbuf[0], sin[0])
        if nz > 1:
            ins[1] = pltpu.async_copy(acc_slice(1), rbuf[1], sin[1])
        for k in range(nz):
            ins[k].wait()
            outs[k] = pltpu.async_copy(rbuf[k % 2], hbm_slice(k), sout[k % 2])
            if k + 2 < nz:
                outs[k].wait()
                ins[k + 2] = pltpu.async_copy(acc_slice(k + 2), rbuf[k % 2],
                                              sin[k % 2])
        for k in range(max(nz - 2, 0), nz):
            outs[k].wait()

    out = pl.kernel(
        body,
        out_type=jax.ShapeDtypeStruct((NC * n, d), jnp.float32),
        mesh=_sc_mesh(),
        scratch_types=[
            pltpu.VMEM((nchunk, CH), jnp.int32),
            pltpu.VMEM((4, CH), jnp.int32),
            pltpu.VMEM((CH, d), jnp.float32),
            pltpu.VMEM((CH, d), jnp.float32),
            pltpu.VMEM_SHARED((n, d), jnp.float32),
            pltpu.SemaphoreType.DMA,
            pltpu.SemaphoreType.DMA,
            pltpu.SemaphoreType.DMA,
            pltpu.SemaphoreType.DMA,
        ],
    )(y, pidx3)
    return out.reshape(NC, n, d)



def _tc_prep(degt, x):
    n, d = x.shape

    def body(degt_ref, x_ref, y_ref, dinv_ref):
        deg = degt_ref[:, 0:1] + degt_ref[:, 1:2] + 1.0
        dinv = lax.rsqrt(deg)
        dinv_ref[...] = dinv
        y_ref[...] = x_ref[...] * dinv

    grid = (n // BN,)
    return pl.pallas_call(
        body,
        grid=grid,
        in_specs=[
            pl.BlockSpec((BN, NC), lambda i: (i, 0)),
            pl.BlockSpec((BN, d), lambda i: (i, 0)),
        ],
        out_specs=[
            pl.BlockSpec((BN, d), lambda i: (i, 0)),
            pl.BlockSpec((BN, 1), lambda i: (i, 0)),
        ],
        out_shape=[
            jax.ShapeDtypeStruct((n, d), jnp.float32),
            jax.ShapeDtypeStruct((n, 1), jnp.float32),
        ],
    )(degt, x)


def _tc_combine(p, yself, dinv, W, b):
    n, d = yself.shape

    def body(p_ref, y_ref, dinv_ref, w_ref, b_ref, out_ref):
        dv = dinv_ref[...]
        agg = (p_ref[0] + p_ref[1] + y_ref[...]) * dv
        h = jnp.dot(agg, w_ref[...], preferred_element_type=jnp.float32)
        h = jnp.maximum(h + b_ref[...], 0.0)
        out_ref[...] = h * dv

    grid = (n // BN,)
    return pl.pallas_call(
        body,
        grid=grid,
        in_specs=[
            pl.BlockSpec((NC, BN, d), lambda i: (0, i, 0)),
            pl.BlockSpec((BN, d), lambda i: (i, 0)),
            pl.BlockSpec((BN, 1), lambda i: (i, 0)),
            pl.BlockSpec((d, d), lambda i: (0, 0)),
            pl.BlockSpec((1, d), lambda i: (0, 0)),
        ],
        out_specs=pl.BlockSpec((BN, d), lambda i: (i, 0)),
        out_shape=jax.ShapeDtypeStruct((n, d), jnp.float32),
    )(p, yself, dinv, W, b)


def _tc_final(p, yself, dinv, W2, b2, W3, b3):
    n, d = yself.shape
    c_out = W3.shape[1]

    def body(p_ref, y_ref, dinv_ref, w2_ref, b2_ref, w3_ref, b3_ref, out_ref):
        dv = dinv_ref[...]
        agg = (p_ref[0] + p_ref[1] + y_ref[...]) * dv
        h = jnp.dot(agg, w2_ref[...], preferred_element_type=jnp.float32)
        h = jnp.maximum(h + b2_ref[...], 0.0)
        logits = jnp.dot(h, w3_ref[...], preferred_element_type=jnp.float32)
        logits = logits + b3_ref[...]
        m = jnp.max(logits, axis=1, keepdims=True)
        lse = m + jnp.log(jnp.sum(jnp.exp(logits - m), axis=1, keepdims=True))
        out_ref[...] = logits - lse

    grid = (n // BN,)
    return pl.pallas_call(
        body,
        grid=grid,
        in_specs=[
            pl.BlockSpec((NC, BN, d), lambda i: (0, i, 0)),
            pl.BlockSpec((BN, d), lambda i: (i, 0)),
            pl.BlockSpec((BN, 1), lambda i: (i, 0)),
            pl.BlockSpec((d, d), lambda i: (0, 0)),
            pl.BlockSpec((1, d), lambda i: (0, 0)),
            pl.BlockSpec((d, c_out), lambda i: (0, 0)),
            pl.BlockSpec((1, c_out), lambda i: (0, 0)),
        ],
        out_specs=pl.BlockSpec((BN, c_out), lambda i: (i, 0)),
        out_shape=jax.ShapeDtypeStruct((n, c_out), jnp.float32),
    )(p, yself, dinv, W2, b2, W3, b3)



def kernel(x, edge_index, W1, b1, W2, b2, W3, b3):
    n, d = x.shape
    e = edge_index.shape[1]
    src = edge_index[0]
    dst = edge_index[1]

    xp = jnp.pad(x, ((0, NP - n), (0, 0)))
    nchf = min(int(round(e * FRAC_FAST / (NS * CH))), -(-e // (NS * CH)))
    nchf += 1 - (nchf % 2)
    capf = NS * nchf * CH
    take = min(e, capf)
    nchs = max(-(-(e - take) // (NS * CH)), 1)
    nchs += 1 - (nchs % 2)
    caps = NS * nchs * CH
    nmax = max(nchf, nchs)
    pv = (n << 14) | n
    pk = (src << 14) | dst
    fastm = jnp.pad(pk[:take], (0, capf - take),
                    constant_values=pv).reshape(NS, nchf, CH)
    slowm = jnp.pad(pk[take:], (0, NS * nchs * CH - (e - take)),
                    constant_values=pv).reshape(NS, nchs, CH)
    fastm = jnp.pad(fastm, ((0, 0), (0, nmax - nchf), (0, 0)),
                    constant_values=pv)
    slowm = jnp.pad(slowm, ((0, 0), (0, nmax - nchs), (0, 0)),
                    constant_values=pv)
    pidx3 = jnp.concatenate([fastm, slowm], axis=0)
    dst3 = pidx3 & ((1 << 14) - 1)
    nbc = (nchf, nchs)
    degp = _sc_degree(dst3, NP, nbc)
    y1, dinv = _tc_prep(degp.T, xp)
    p1 = _sc_propagate(y1, pidx3, nbc)
    y2 = _tc_combine(p1, y1, dinv, W1, b1.reshape(1, d))
    p2 = _sc_propagate(y2, pidx3, nbc)
    out = _tc_final(p2, y2, dinv, W2, b2.reshape(1, d), W3, b3.reshape(1, -1))
    return out[:n]

# --- scband reference (transcript-rebuilt; emitter-appended) ---
"""Pipeline reference for scband-community-gnnwrapper-41918880809416 (READ-ONLY COPY).

The authoritative reference and input builder live on the scoring server;
editing this copy changes nothing except your own understanding.
"""

import jax, jax.numpy as jnp
import numpy as np

N = 10000
E = 320000
D = 128
C = 2


def setup_inputs(seed: int = 0) -> dict:
    key = jax.random.key(seed)
    ks = jax.random.split(key, 8)
    x = jax.random.normal(ks[0], (N, D), dtype=jnp.float32)
    edge_index = jax.random.randint(ks[1], (2, E), 0, N, dtype=jnp.int32)
    s = 1.0 / np.sqrt(D)
    W1 = jax.random.normal(ks[2], (D, D), dtype=jnp.float32) * s
    b1 = jnp.zeros((D,), dtype=jnp.float32)
    W2 = jax.random.normal(ks[3], (D, D), dtype=jnp.float32) * s
    b2 = jnp.zeros((D,), dtype=jnp.float32)
    W3 = jax.random.normal(ks[4], (D, C), dtype=jnp.float32) * s
    b3 = jnp.zeros((C,), dtype=jnp.float32)
    return {"x": x, "edge_index": edge_index, "W1": W1, "b1": b1, "W2": W2, "b2": b2, "W3": W3, "b3": b3}


def _gcn_conv(x, edge_index, W, b):
    # GCNConv: D^{-1/2} (A + I) D^{-1/2} X W + b
    n = x.shape[0]
    loops = jnp.arange(n, dtype=edge_index.dtype)
    src = jnp.concatenate([edge_index[0], loops])
    dst = jnp.concatenate([edge_index[1], loops])
    deg = jax.ops.segment_sum(jnp.ones_like(src, dtype=x.dtype), dst, num_segments=n)
    dinv = jnp.where(deg > 0, jax.lax.rsqrt(jnp.maximum(deg, 1e-12)), 0.0)
    norm = dinv[src] * dinv[dst]
    msg = x[src] * norm[:, None]
    agg = jax.ops.segment_sum(msg, dst, num_segments=n)
    return agg @ W + b


def reference(x, edge_index, W1, b1, W2, b2, W3, b3):
    h = jax.nn.relu(_gcn_conv(x, edge_index, W1, b1))
    # dropout is identity in eval mode
    h = jax.nn.relu(_gcn_conv(h, edge_index, W2, b2))
    logits = h @ W3 + b3
    return jax.nn.log_softmax(logits, axis=1)

if __name__ == "__main__":
    import jax
    _d = setup_inputs()
    print(jax.jit(kernel)(*tuple(_d.values())))

</pallas_src>

<mosaic_0001>
#map = affine_map<(d0, d1) -> (0, 0)>
#map1 = affine_map<(d0, d1) -> (0, 0, 0)>
module attributes {stable_mosaic.version = 14 : i64} {
  func.func @body(%arg0: i32, %arg1: i32, %arg2: memref<10240x128xf32, #tpu.memory_space<hbm>>, %arg3: memref<32x111x128xi32, #tpu.memory_space<hbm>>, %arg4: memref<20480x128xf32, #tpu.memory_space<hbm>>, %arg5: memref<111x128xi32, #tpu.memory_space<vmem>>, %arg6: memref<4x128xi32, #tpu.memory_space<vmem>>, %arg7: memref<128x128xf32, #tpu.memory_space<vmem>>, %arg8: memref<128x128xf32, #tpu.memory_space<vmem>>, %arg9: memref<10240x128xf32, #tpu.memory_space<vmem_shared>>, %arg10: memref<!tpu.dma_semaphore, #tpu.memory_space<semaphore_mem>>, %arg11: memref<!tpu.dma_semaphore, #tpu.memory_space<semaphore_mem>>, %arg12: memref<!tpu.dma_semaphore, #tpu.memory_space<semaphore_mem>>, %arg13: memref<!tpu.dma_semaphore, #tpu.memory_space<semaphore_mem>>) attributes {dimension_semantics = [#tpu.dimension_semantics<core_parallel>, #tpu.dimension_semantics<subcore_parallel>], iteration_bounds = array<i64: 2, 16>, scalar_prefetch = 0 : i64, scratch_operands = 9 : i64, tpu.core_type = #tpu.core_type<sc_vector_subcore>, window_params = [{transform_indices = #map}, {transform_indices = #map1}, {transform_indices = #map}]} {
    %mul3A = arith.constant 16 : i32
    %mul3A_0 = arith.muli %arg0, %mul3A : i32
    %add3A = arith.addi %mul3A_0, %arg1 : i32
    %eq3A = arith.constant 0 : i32
    %eq3A_1 = arith.cmpi eq, %arg0, %eq3A : i32
    %jit3A = arith.constant 55 : i32
    %jit3A_2 = arith.constant 23 : i32
    %select_n3A = arith.select %eq3A_1, %jit3A, %jit3A_2 : i32
    %scan3A = arith.constant 0 : i32
    %scan3A_3 = arith.constant 0 : i32
    %scan3A_4 = arith.constant 128 : i32
    %scan3A_5 = arith.addi %scan3A_3, %scan3A_4 : i32
    %scan3A_6 = arith.constant 1 : i32
    scf.for %scan3A_405 = %scan3A_3 to %scan3A_5 step %scan3A_6  : i32 {
      %broadcast_in_dim3A = arith.constant 0.000000e+00 : f32
      %broadcast_in_dim3A_406 = vector.broadcast %broadcast_in_dim3A : f32 to vector<16xf32>
      %swap3A_407 = arith.index_cast %scan3A_405 : i32 to index
      %swap3A_408 = arith.constant 0 : index
      %swap3A_409 = tpu.vector_load %arg7[%swap3A_407, %swap3A_408] {strides = array<i32>} : memref<128x128xf32, #tpu.memory_space<vmem>>, vector<1x16xf32>,
      %swap3A_410 = vector.shape_cast %swap3A_409 : vector<1x16xf32> to vector<16xf32>
      %swap3A_411 = vector.shape_cast %broadcast_in_dim3A_406 : vector<16xf32> to vector<1x16xf32>
      tpu.vector_store %arg7[%swap3A_407, %swap3A_408], %swap3A_411 {strides = array<i32>} : memref<128x128xf32, #tpu.memory_space<vmem>>, vector<1x16xf32>,
      %broadcast_in_dim3A_412 = arith.constant 0.000000e+00 : f32
      %broadcast_in_dim3A_413 = vector.broadcast %broadcast_in_dim3A_412 : f32 to vector<16xf32>
      %swap3A_414 = arith.index_cast %scan3A_405 : i32 to index
      %swap3A_415 = arith.constant 16 : index
      %swap3A_416 = tpu.vector_load %arg7[%swap3A_414, %swap3A_415] {strides = array<i32>} : memref<128x128xf32, #tpu.memory_space<vmem>>, vector<1x16xf32>,
      %swap3A_417 = vector.shape_cast %swap3A_416 : vector<1x16xf32> to vector<16xf32>
      %swap3A_418 = vector.shape_cast %broadcast_in_dim3A_413 : vector<16xf32> to vector<1x16xf32>
      tpu.vector_store %arg7[%swap3A_414, %swap3A_415], %swap3A_418 {strides = array<i32>} : memref<128x128xf32, #tpu.memory_space<vmem>>, vector<1x16xf32>,
      %broadcast_in_dim3A_419 = arith.constant 0.000000e+00 : f32
      %broadcast_in_dim3A_420 = vector.broadcast %broadcast_in_dim3A_419 : f32 to vector<16xf32>
      %swap3A_421 = arith.index_cast %scan3A_405 : i32 to index
      %swap3A_422 = arith.constant 32 : index
      %swap3A_423 = tpu.vector_load %arg7[%swap3A_421, %swap3A_422] {strides = array<i32>} : memref<128x128xf32, #tpu.memory_space<vmem>>, vector<1x16xf32>,
      %swap3A_424 = vector.shape_cast %swap3A_423 : vector<1x16xf32> to vector<16xf32>
      %swap3A_425 = vector.shape_cast %broadcast_in_dim3A_420 : vector<16xf32> to vector<1x16xf32>
      tpu.vector_store %arg7[%swap3A_421, %swap3A_422], %swap3A_425 {strides = array<i32>} : memref<128x128xf32, #tpu.memory_space<vmem>>, vector<1x16xf32>,
      %broadcast_in_dim3A_426 = arith.constant 0.000000e+00 : f32
      %broadcast_in_dim3A_427 = vector.broadcast %broadcast_in_dim3A_426 : f32 to vector<16xf32>
      %swap3A_428 = arith.index_cast %scan3A_405 : i32 to index
      %swap3A_429 = arith.constant 48 : index
      %swap3A_430 = tpu.vector_load %arg7[%swap3A_428, %swap3A_429] {strides = array<i32>} : memref<128x128xf32, #tpu.memory_space<vmem>>, vector<1x16xf32>,
      %swap3A_431 = vector.shape_cast %swap3A_430 : vector<1x16xf32> to vector<16xf32>
      %swap3A_432 = vector.shape_cast %broadcast_in_dim3A_427 : vector<16xf32> to vector<1x16xf32>
      tpu.vector_store %arg7[%swap3A_428, %swap3A_429], %swap3A_432 {strides = array<i32>} : memref<128x128xf32, #tpu.memory_space<vmem>>, vector<1x16xf32>,
      %broadcast_in_dim3A_433 = arith.constant 0.000000e+00 : f32
      %broadcast_in_dim3A_434 = vector.broadcast %broadcast_in_dim3A_433 : f32 to vector<16xf32>
      %swap3A_435 = arith.index_cast %scan3A_405 : i32 to index
      %swap3A_436 = arith.constant 64 : index
      %swap3A_437 = tpu.vector_load %arg7[%swap3A_435, %swap3A_436] {strides = array<i32>} : memref<128x128xf32, #tpu.memory_space<vmem>>, vector<1x16xf32>,
      %swap3A_438 = vector.shape_cast %swap3A_437 : vector<1x16xf32> to vector<16xf32>
      %swap3A_439 = vector.shape_cast %broadcast_in_dim3A_434 : vector<16xf32> to vector<1x16xf32>
      tpu.vector_store %arg7[%swap3A_435, %swap3A_436], %swap3A_439 {strides = array<i32>} : memref<128x128xf32, #tpu.memory_space<vmem>>, vector<1x16xf32>,
      %broadcast_in_dim3A_440 = arith.constant 0.000000e+00 : f32
      %broadcast_in_dim3A_441 = vector.broadcast %broadcast_in_dim3A_440 : f32 to vector<16xf32>
      %swap3A_442 = arith.index_cast %scan3A_405 : i32 to index
      %swap3A_443 = arith.constant 80 : index
      %swap3A_444 = tpu.vector_load %arg7[%swap3A_442, %swap3A_443] {strides = array<i32>} : memref<128x128xf32, #tpu.memory_space<vmem>>, vector<1x16xf32>,
      %swap3A_445 = vector.shape_cast %swap3A_444 : vector<1x16xf32> to vector<16xf32>
      %swap3A_446 = vector.shape_cast %broadcast_in_dim3A_441 : vector<16xf32> to vector<1x16xf32>
      tpu.vector_store %arg7[%swap3A_442, %swap3A_443], %swap3A_446 {strides = array<i32>} : memref<128x128xf32, #tpu.memory_space<vmem>>, vector<1x16xf32>,
      %broadcast_in_dim3A_447 = arith.constant 0.000000e+00 : f32
      %broadcast_in_dim3A_448 = vector.broadcast %broadcast_in_dim3A_447 : f32 to vector<16xf32>
      %swap3A_449 = arith.index_cast %scan3A_405 : i32 to index
      %swap3A_450 = arith.constant 96 : index
      %swap3A_451 = tpu.vector_load %arg7[%swap3A_449, %swap3A_450] {strides = array<i32>} : memref<128x128xf32, #tpu.memory_space<vmem>>, vector<1x16xf32>,
      %swap3A_452 = vector.shape_cast %swap3A_451 : vector<1x16xf32> to vector<16xf32>
      %swap3A_453 = vector.shape_cast %broadcast_in_dim3A_448 : vector<16xf32> to vector<1x16xf32>
      tpu.vector_store %arg7[%swap3A_449, %swap3A_450], %swap3A_453 {strides = array<i32>} : memref<128x128xf32, #tpu.memory_space<vmem>>, vector<1x16xf32>,
      %broadcast_in_dim3A_454 = arith.constant 0.000000e+00 : f32
      %broadcast_in_dim3A_455 = vector.broadcast %broadcast_in_dim3A_454 : f32 to vector<16xf32>
      %swap3A_456 = arith.index_cast %scan3A_405 : i32 to index
      %swap3A_457 = arith.constant 112 : index
      %swap3A_458 = tpu.vector_load %arg7[%swap3A_456, %swap3A_457] {strides = array<i32>} : memref<128x128xf32, #tpu.memory_space<vmem>>, vector<1x16xf32>,
      %swap3A_459 = vector.shape_cast %swap3A_458 : vector<1x16xf32> to vector<16xf32>
      %swap3A_460 = vector.shape_cast %broadcast_in_dim3A_455 : vector<16xf32> to vector<1x16xf32>
      tpu.vector_store %arg7[%swap3A_456, %swap3A_457], %swap3A_460 {strides = array<i32>} : memref<128x128xf32, #tpu.memory_space<vmem>>, vector<1x16xf32>,
    }
    %scan3A_7 = arith.constant 128 : i32
    %mul3A_8 = arith.constant 640 : i32
    %mul3A_9 = arith.muli %arg1, %mul3A_8 : i32
    %add3A_10 = arith.constant 0 : i32
    %add3A_11 = arith.addi %mul3A_9, %add3A_10 : i32
    %dma_start3A = arith.constant 0 : i32
    %dma_start3A_12 = tpu.memref_slice %arg9[%add3A_11, %dma_start3A] : memref<10240x128xf32, #tpu.memory_space<vmem_shared>> -> memref<128x128xf32, #tpu.memory_space<vmem_shared>>
    %dma_start3A_13 = arith.constant 0 : i32
    %dma_start3A_14 = tpu.memref_slice %arg9[%add3A_11, %dma_start3A_13] : memref<10240x128xf32, #tpu.memory_space<vmem_shared>> -> memref<128x128xf32, #tpu.memory_space<vmem_shared>>
    tpu.enqueue_dma source(%arg7 : memref<128x128xf32, #tpu.memory_space<vmem>>) target(%dma_start3A_14 : memref<128x128xf32, #tpu.memory_space<vmem_shared>>) target_semaphore(%arg11 : memref<!tpu.dma_semaphore, #tpu.memory_space<semaphore_mem>>)
    %mul3A_15 = arith.constant 640 : i32
    %mul3A_16 = arith.muli %arg1, %mul3A_15 : i32
    %add3A_17 = arith.constant 128 : i32
    %add3A_18 = arith.addi %mul3A_16, %add3A_17 : i32
    %dma_start3A_19 = arith.constant 0 : i32
    %dma_start3A_20 = tpu.memref_slice %arg9[%add3A_18, %dma_start3A_19] : memref<10240x128xf32, #tpu.memory_space<vmem_shared>> -> memref<128x128xf32, #tpu.memory_space<vmem_shared>>
    %dma_start3A_21 = arith.constant 0 : i32
    %dma_start3A_22 = tpu.memref_slice %arg9[%add3A_18, %dma_start3A_21] : memref<10240x128xf32, #tpu.memory_space<vmem_shared>> -> memref<128x128xf32, #tpu.memory_space<vmem_shared>>
    tpu.enqueue_dma source(%arg7 : memref<128x128xf32, #tpu.memory_space<vmem>>) target(%dma_start3A_22 : memref<128x128xf32, #tpu.memory_space<vmem_shared>>) target_semaphore(%arg11 : memref<!tpu.dma_semaphore, #tpu.memory_space<semaphore_mem>>)
    %mul3A_23 = arith.constant 640 : i32
    %mul3A_24 = arith.muli %arg1, %mul3A_23 : i32
    %add3A_25 = arith.constant 256 : i32
    %add3A_26 = arith.addi %mul3A_24, %add3A_25 : i32
    %dma_start3A_27 = arith.constant 0 : i32
    %dma_start3A_28 = tpu.memref_slice %arg9[%add3A_26, %dma_start3A_27] : memref<10240x128xf32, #tpu.memory_space<vmem_shared>> -> memref<128x128xf32, #tpu.memory_space<vmem_shared>>
    %dma_start3A_29 = arith.constant 0 : i32
    %dma_start3A_30 = tpu.memref_slice %arg9[%add3A_26, %dma_start3A_29] : memref<10240x128xf32, #tpu.memory_space<vmem_shared>> -> memref<128x128xf32, #tpu.memory_space<vmem_shared>>
    tpu.enqueue_dma source(%arg7 : memref<128x128xf32, #tpu.memory_space<vmem>>) target(%dma_start3A_30 : memref<128x128xf32, #tpu.memory_space<vmem_shared>>) target_semaphore(%arg11 : memref<!tpu.dma_semaphore, #tpu.memory_space<semaphore_mem>>)
    %mul3A_31 = arith.constant 640 : i32
    %mul3A_32 = arith.muli %arg1, %mul3A_31 : i32
    %add3A_33 = arith.constant 384 : i32
    %add3A_34 = arith.addi %mul3A_32, %add3A_33 : i32
    %dma_start3A_35 = arith.constant 0 : i32
    %dma_start3A_36 = tpu.memref_slice %arg9[%add3A_34, %dma_start3A_35] : memref<10240x128xf32, #tpu.memory_space<vmem_shared>> -> memref<128x128xf32, #tpu.memory_space<vmem_shared>>
    %dma_start3A_37 = arith.constant 0 : i32
    %dma_start3A_38 = tpu.memref_slice %arg9[%add3A_34, %dma_start3A_37] : memref<10240x128xf32, #tpu.memory_space<vmem_shared>> -> memref<128x128xf32, #tpu.memory_space<vmem_shared>>
    tpu.enqueue_dma source(%arg7 : memref<128x128xf32, #tpu.memory_space<vmem>>) target(%dma_start3A_38 : memref<128x128xf32, #tpu.memory_space<vmem_shared>>) target_semaphore(%arg11 : memref<!tpu.dma_semaphore, #tpu.memory_space<semaphore_mem>>)
    %mul3A_39 = arith.constant 640 : i32
    %mul3A_40 = arith.muli %arg1, %mul3A_39 : i32
    %add3A_41 = arith.constant 512 : i32
    %add3A_42 = arith.addi %mul3A_40, %add3A_41 : i32
    %dma_start3A_43 = arith.constant 0 : i32
    %dma_start3A_44 = tpu.memref_slice %arg9[%add3A_42, %dma_start3A_43] : memref<10240x128xf32, #tpu.memory_space<vmem_shared>> -> memref<128x128xf32, #tpu.memory_space<vmem_shared>>
    %dma_start3A_45 = arith.constant 0 : i32
    %dma_start3A_46 = tpu.memref_slice %arg9[%add3A_42, %dma_start3A_45] : memref<10240x128xf32, #tpu.memory_space<vmem_shared>> -> memref<128x128xf32, #tpu.memory_space<vmem_shared>>
    tpu.enqueue_dma source(%arg7 : memref<128x128xf32, #tpu.memory_space<vmem>>) target(%dma_start3A_46 : memref<128x128xf32, #tpu.memory_space<vmem_shared>>) target_semaphore(%arg11 : memref<!tpu.dma_semaphore, #tpu.memory_space<semaphore_mem>>)
    "tpu.region"() ({
      %run_scoped3A_405 = tpu.sem_alloc : memref<!tpu.dma_semaphore, #tpu.memory_space<semaphore_mem>>
      %dma_start3A_406 = arith.constant 0 : i32
      %dma_start3A_407 = arith.constant 0 : i32
      %dma_start3A_408 = tpu.memref_slice %arg3[%add3A, %dma_start3A_406, %dma_start3A_407] : memref<32x111x128xi32, #tpu.memory_space<hbm>> -> memref<1x111x128xi32, #tpu.memory_space<hbm>>
      %dma_start3A_409 = tpu.memref_squeeze %dma_start3A_408 : memref<1x111x128xi32, #tpu.memory_space<hbm>> -> memref<111x128xi32, #tpu.memory_space<hbm>>
      %dma_start3A_410 = arith.constant 0 : i32
      %dma_start3A_411 = arith.constant 0 : i32
      %dma_start3A_412 = tpu.memref_slice %arg3[%add3A, %dma_start3A_410, %dma_start3A_411] : memref<32x111x128xi32, #tpu.memory_space<hbm>> -> memref<1x111x128xi32, #tpu.memory_space<hbm>>
      %dma_start3A_413 = tpu.memref_squeeze %dma_start3A_412 : memref<1x111x128xi32, #tpu.memory_space<hbm>> -> memref<111x128xi32, #tpu.memory_space<hbm>>
      tpu.enqueue_dma source(%dma_start3A_413 : memref<111x128xi32, #tpu.memory_space<hbm>>) target(%arg5 : memref<111x128xi32, #tpu.memory_space<vmem>>) target_semaphore(%run_scoped3A_405 : memref<!tpu.dma_semaphore, #tpu.memory_space<semaphore_mem>>)
      %dma_wait3A_414 = arith.constant 0 : i32
      %dma_wait3A_415 = arith.constant 0 : i32
      %dma_wait3A_416 = tpu.memref_slice %arg3[%add3A, %dma_wait3A_414, %dma_wait3A_415] : memref<32x111x128xi32, #tpu.memory_space<hbm>> -> memref<1x111x128xi32, #tpu.memory_space<hbm>>
      %dma_wait3A_417 = tpu.memref_squeeze %dma_wait3A_416 : memref<1x111x128xi32, #tpu.memory_space<hbm>> -> memref<111x128xi32, #tpu.memory_space<hbm>>
      %dma_wait3A_418 = arith.constant 0 : i32
      %dma_wait3A_419 = arith.constant 0 : i32
      %dma_wait3A_420 = tpu.memref_slice %arg3[%add3A, %dma_wait3A_418, %dma_wait3A_419] : memref<32x111x128xi32, #tpu.memory_space<hbm>> -> memref<1x111x128xi32, #tpu.memory_space<hbm>>
      %dma_wait3A_421 = tpu.memref_squeeze %dma_wait3A_420 : memref<1x111x128xi32, #tpu.memory_space<hbm>> -> memref<111x128xi32, #tpu.memory_space<hbm>>
      tpu.wait_dma2 semaphore(%run_scoped3A_405 : memref<!tpu.dma_semaphore, #tpu.memory_space<semaphore_mem>>) src(%dma_wait3A_421 : memref<111x128xi32, #tpu.memory_space<hbm>>) dst(%arg5 : memref<111x128xi32, #tpu.memory_space<vmem>>)
      tpu.yield
    }) : () -> ()
    %dma_wait3A = arith.constant 0 : i32
    %dma_wait3A_47 = tpu.memref_slice %arg9[%add3A_11, %dma_wait3A] : memref<10240x128xf32, #tpu.memory_space<vmem_shared>> -> memref<128x128xf32, #tpu.memory_space<vmem_shared>>
    %dma_wait3A_48 = arith.constant 0 : i32
    %dma_wait3A_49 = tpu.memref_slice %arg9[%add3A_11, %dma_wait3A_48] : memref<10240x128xf32, #tpu.memory_space<vmem_shared>> -> memref<128x128xf32, #tpu.memory_space<vmem_shared>>
    tpu.wait_dma2 semaphore(%arg11 : memref<!tpu.dma_semaphore, #tpu.memory_space<semaphore_mem>>) src(%arg7 : memref<128x128xf32, #tpu.memory_space<vmem>>) dst(%dma_wait3A_49 : memref<128x128xf32, #tpu.memory_space<vmem_shared>>)
    %dma_wait3A_50 = arith.constant 0 : i32
    %dma_wait3A_51 = tpu.memref_slice %arg9[%add3A_18, %dma_wait3A_50] : memref<10240x128xf32, #tpu.memory_space<vmem_shared>> -> memref<128x128xf32, #tpu.memory_space<vmem_shared>>
    %dma_wait3A_52 = arith.constant 0 : i32
    %dma_wait3A_53 = tpu.memref_slice %arg9[%add3A_18, %dma_wait3A_52] : memref<10240x128xf32, #tpu.memory_space<vmem_shared>> -> memref<128x128xf32, #tpu.memory_space<vmem_shared>>
    tpu.wait_dma2 semaphore(%arg11 : memref<!tpu.dma_semaphore, #tpu.memory_space<semaphore_mem>>) src(%arg7 : memref<128x128xf32, #tpu.memory_space<vmem>>) dst(%dma_wait3A_53 : memref<128x128xf32, #tpu.memory_space<vmem_shared>>)
    %dma_wait3A_54 = arith.constant 0 : i32
    %dma_wait3A_55 = tpu.memref_slice %arg9[%add3A_26, %dma_wait3A_54] : memref<10240x128xf32, #tpu.memory_space<vmem_shared>> -> memref<128x128xf32, #tpu.memory_space<vmem_shared>>
    %dma_wait3A_56 = arith.constant 0 : i32
    %dma_wait3A_57 = tpu.memref_slice %arg9[%add3A_26, %dma_wait3A_56] : memref<10240x128xf32, #tpu.memory_space<vmem_shared>> -> memref<128x128xf32, #tpu.memory_space<vmem_shared>>
    tpu.wait_dma2 semaphore(%arg11 : memref<!tpu.dma_semaphore, #tpu.memory_space<semaphore_mem>>) src(%arg7 : memref<128x128xf32, #tpu.memory_space<vmem>>) dst(%dma_wait3A_57 : memref<128x128xf32, #tpu.memory_space<vmem_shared>>)
    %dma_wait3A_58 = arith.constant 0 : i32
    %dma_wait3A_59 = tpu.memref_slice %arg9[%add3A_34, %dma_wait3A_58] : memref<10240x128xf32, #tpu.memory_space<vmem_shared>> -> memref<128x128xf32, #tpu.memory_space<vmem_shared>>
    %dma_wait3A_60 = arith.constant 0 : i32
    %dma_wait3A_61 = tpu.memref_slice %arg9[%add3A_34, %dma_wait3A_60] : memref<10240x128xf32, #tpu.memory_space<vmem_shared>> -> memref<128x128xf32, #tpu.memory_space<vmem_shared>>
    tpu.wait_dma2 semaphore(%arg11 : memref<!tpu.dma_semaphore, #tpu.memory_space<semaphore_mem>>) src(%arg7 : memref<128x128xf32, #tpu.memory_space<vmem>>) dst(%dma_wait3A_61 : memref<128x128xf32, #tpu.memory_space<vmem_shared>>)
    %dma_wait3A_62 = arith.constant 0 : i32
    %dma_wait3A_63 = tpu.memref_slice %arg9[%add3A_42, %dma_wait3A_62] : memref<10240x128xf32, #tpu.memory_space<vmem_shared>> -> memref<128x128xf32, #tpu.memory_space<vmem_shared>>
    %dma_wait3A_64 = arith.constant 0 : i32
    %dma_wait3A_65 = tpu.memref_slice %arg9[%add3A_42, %dma_wait3A_64] : memref<10240x128xf32, #tpu.memory_space<vmem_shared>> -> memref<128x128xf32, #tpu.memory_space<vmem_shared>>
    tpu.wait_dma2 semaphore(%arg11 : memref<!tpu.dma_semaphore, #tpu.memory_space<semaphore_mem>>) src(%arg7 : memref<128x128xf32, #tpu.memory_space<vmem>>) dst(%dma_wait3A_65 : memref<128x128xf32, #tpu.memory_space<vmem_shared>>)
    %barrier3A = arith.constant 0 : index
    tpu.barrier barrier_id(%barrier3A)
    %get3A = arith.constant 0 : i32
    %get3A_66 = arith.index_cast %get3A : i32 to index
    %get3A_67 = arith.constant 0 : index
    %get3A_68 = tpu.vector_load %arg5[%get3A_66, %get3A_67] {strides = array<i32>} : memref<111x128xi32, #tpu.memory_space<vmem>>, vector<1x16xi32>,
    %get3A_69 = vector.shape_cast %get3A_68 : vector<1x16xi32> to vector<16xi32>
    %shift_right_logical3A = arith.constant 14 : i32
    %shift_right_logical3A_70 = vector.broadcast %shift_right_logical3A : i32 to vector<16xi32>
    %shift_right_logical3A_71 = arith.shrui %get3A_69, %shift_right_logical3A_70 : vector<16xi32>
    %swap3A = arith.constant 0 : i32
    %swap3A_72 = arith.index_cast %swap3A : i32 to index
    %swap3A_73 = arith.constant 0 : index
    %swap3A_74 = tpu.vector_load %arg6[%swap3A_72, %swap3A_73] {strides = array<i32>} : memref<4x128xi32, #tpu.memory_space<vmem>>, vector<1x16xi32>,
    %swap3A_75 = vector.shape_cast %swap3A_74 : vector<1x16xi32> to vector<16xi32>
    %swap3A_76 = vector.shape_cast %shift_right_logical3A_71 : vector<16xi32> to vector<1x16xi32>
    tpu.vector_store %arg6[%swap3A_72, %swap3A_73], %swap3A_76 {strides = array<i32>} : memref<4x128xi32, #tpu.memory_space<vmem>>, vector<1x16xi32>,
    %and3A = arith.constant 16383 : i32
    %and3A_77 = vector.broadcast %and3A : i32 to vector<16xi32>
    %and3A_78 = arith.andi %get3A_69, %and3A_77 : vector<16xi32>
    %swap3A_79 = arith.constant 1 : i32
    %swap3A_80 = arith.index_cast %swap3A_79 : i32 to index
    %swap3A_81 = arith.constant 0 : index
    %swap3A_82 = tpu.vector_load %arg6[%swap3A_80, %swap3A_81] {strides = array<i32>} : memref<4x128xi32, #tpu.memory_space<vmem>>, vector<1x16xi32>,
    %swap3A_83 = vector.shape_cast %swap3A_82 : vector<1x16xi32> to vector<16xi32>
    %swap3A_84 = vector.shape_cast %and3A_78 : vector<16xi32> to vector<1x16xi32>
    tpu.vector_store %arg6[%swap3A_80, %swap3A_81], %swap3A_84 {strides = array<i32>} : memref<4x128xi32, #tpu.memory_space<vmem>>, vector<1x16xi32>,
    %get3A_85 = arith.constant 0 : i32
    %get3A_86 = arith.index_cast %get3A_85 : i32 to index
    %get3A_87 = arith.constant 16 : index
    %get3A_88 = tpu.vector_load %arg5[%get3A_86, %get3A_87] {strides = array<i32>} : memref<111x128xi32, #tpu.memory_space<vmem>>, vector<1x16xi32>,
    %get3A_89 = vector.shape_cast %get3A_88 : vector<1x16xi32> to vector<16xi32>
    %shift_right_logical3A_90 = arith.constant 14 : i32
    %shift_right_logical3A_91 = vector.broadcast %shift_right_logical3A_90 : i32 to vector<16xi32>
    %shift_right_logical3A_92 = arith.shrui %get3A_89, %shift_right_logical3A_91 : vector<16xi32>
    %swap3A_93 = arith.constant 0 : i32
    %swap3A_94 = arith.index_cast %swap3A_93 : i32 to index
    %swap3A_95 = arith.constant 16 : index
    %swap3A_96 = tpu.vector_load %arg6[%swap3A_94, %swap3A_95] {strides = array<i32>} : memref<4x128xi32, #tpu.memory_space<vmem>>, vector<1x16xi32>,
    %swap3A_97 = vector.shape_cast %swap3A_96 : vector<1x16xi32> to vector<16xi32>
    %swap3A_98 = vector.shape_cast %shift_right_logical3A_92 : vector<16xi32> to vector<1x16xi32>
    tpu.vector_store %arg6[%swap3A_94, %swap3A_95], %swap3A_98 {strides = array<i32>} : memref<4x128xi32, #tpu.memory_space<vmem>>, vector<1x16xi32>,
    %and3A_99 = arith.constant 16383 : i32
    %and3A_100 = vector.broadcast %and3A_99 : i32 to vector<16xi32>
    %and3A_101 = arith.andi %get3A_89, %and3A_100 : vector<16xi32>
    %swap3A_102 = arith.constant 1 : i32
    %swap3A_103 = arith.index_cast %swap3A_102 : i32 to index
    %swap3A_104 = arith.constant 16 : index
    %swap3A_105 = tpu.vector_load %arg6[%swap3A_103, %swap3A_104] {strides = array<i32>} : memref<4x128xi32, #tpu.memory_space<vmem>>, vector<1x16xi32>,
    %swap3A_106 = vector.shape_cast %swap3A_105 : vector<1x16xi32> to vector<16xi32>
    %swap3A_107 = vector.shape_cast %and3A_101 : vector<16xi32> to vector<1x16xi32>
    tpu.vector_store %arg6[%swap3A_103, %swap3A_104], %swap3A_107 {strides = array<i32>} : memref<4x128xi32, #tpu.memory_space<vmem>>, vector<1x16xi32>,
    %get3A_108 = arith.constant 0 : i32
    %get3A_109 = arith.index_cast %get3A_108 : i32 to index
    %get3A_110 = arith.constant 32 : index
    %get3A_111 = tpu.vector_load %arg5[%get3A_109, %get3A_110] {strides = array<i32>} : memref<111x128xi32, #tpu.memory_space<vmem>>, vector<1x16xi32>,
    %get3A_112 = vector.shape_cast %get3A_111 : vector<1x16xi32> to vector<16xi32>
    %shift_right_logical3A_113 = arith.constant 14 : i32
    %shift_right_logical3A_114 = vector.broadcast %shift_right_logical3A_113 : i32 to vector<16xi32>
    %shift_right_logical3A_115 = arith.shrui %get3A_112, %shift_right_logical3A_114 : vector<16xi32>
    %swap3A_116 = arith.constant 0 : i32
    %swap3A_117 = arith.index_cast %swap3A_116 : i32 to index
    %swap3A_118 = arith.constant 32 : index
    %swap3A_119 = tpu.vector_load %arg6[%swap3A_117, %swap3A_118] {strides = array<i32>} : memref<4x128xi32, #tpu.memory_space<vmem>>, vector<1x16xi32>,
    %swap3A_120 = vector.shape_cast %swap3A_119 : vector<1x16xi32> to vector<16xi32>
    %swap3A_121 = vector.shape_cast %shift_right_logical3A_115 : vector<16xi32> to vector<1x16xi32>
    tpu.vector_store %arg6[%swap3A_117, %swap3A_118], %swap3A_121 {strides = array<i32>} : memref<4x128xi32, #tpu.memory_space<vmem>>, vector<1x16xi32>,
    %and3A_122 = arith.constant 16383 : i32
    %and3A_123 = vector.broadcast %and3A_122 : i32 to vector<16xi32>
    %and3A_124 = arith.andi %get3A_112, %and3A_123 : vector<16xi32>
    %swap3A_125 = arith.constant 1 : i32
    %swap3A_126 = arith.index_cast %swap3A_125 : i32 to index
    %swap3A_127 = arith.constant 32 : index
    %swap3A_128 = tpu.vector_load %arg6[%swap3A_126, %swap3A_127] {strides = array<i32>} : memref<4x128xi32, #tpu.memory_space<vmem>>, vector<1x16xi32>,
    %swap3A_129 = vector.shape_cast %swap3A_128 : vector<1x16xi32> to vector<16xi32>
    %swap3A_130 = vector.shape_cast %and3A_124 : vector<16xi32> to vector<1x16xi32>
    tpu.vector_store %arg6[%swap3A_126, %swap3A_127], %swap3A_130 {strides = array<i32>} : memref<4x128xi32, #tpu.memory_space<vmem>>, vector<1x16xi32>,
    %get3A_131 = arith.constant 0 : i32
    %get3A_132 = arith.index_cast %get3A_131 : i32 to index
    %get3A_133 = arith.constant 48 : index
    %get3A_134 = tpu.vector_load %arg5[%get3A_132, %get3A_133] {strides = array<i32>} : memref<111x128xi32, #tpu.memory_space<vmem>>, vector<1x16xi32>,
    %get3A_135 = vector.shape_cast %get3A_134 : vector<1x16xi32> to vector<16xi32>
    %shift_right_logical3A_136 = arith.constant 14 : i32
    %shift_right_logical3A_137 = vector.broadcast %shift_right_logical3A_136 : i32 to vector<16xi32>
    %shift_right_logical3A_138 = arith.shrui %get3A_135, %shift_right_logical3A_137 : vector<16xi32>
    %swap3A_139 = arith.constant 0 : i32
    %swap3A_140 = arith.index_cast %swap3A_139 : i32 to index
    %swap3A_141 = arith.constant 48 : index
    %swap3A_142 = tpu.vector_load %arg6[%swap3A_140, %swap3A_141] {strides = array<i32>} : memref<4x128xi32, #tpu.memory_space<vmem>>, vector<1x16xi32>,
    %swap3A_143 = vector.shape_cast %swap3A_142 : vector<1x16xi32> to vector<16xi32>
    %swap3A_144 = vector.shape_cast %shift_right_logical3A_138 : vector<16xi32> to vector<1x16xi32>
    tpu.vector_store %arg6[%swap3A_140, %swap3A_141], %swap3A_144 {strides = array<i32>} : memref<4x128xi32, #tpu.memory_space<vmem>>, vector<1x16xi32>,
    %and3A_145 = arith.constant 16383 : i32
    %and3A_146 = vector.broadcast %and3A_145 : i32 to vector<16xi32>
    %and3A_147 = arith.andi %get3A_135, %and3A_146 : vector<16xi32>
    %swap3A_148 = arith.constant 1 : i32
    %swap3A_149 = arith.index_cast %swap3A_148 : i32 to index
    %swap3A_150 = arith.constant 48 : index
    %swap3A_151 = tpu.vector_load %arg6[%swap3A_149, %swap3A_150] {strides = array<i32>} : memref<4x128xi32, #tpu.memory_space<vmem>>, vector<1x16xi32>,
    %swap3A_152 = vector.shape_cast %swap3A_151 : vector<1x16xi32> to vector<16xi32>
    %swap3A_153 = vector.shape_cast %and3A_147 : vector<16xi32> to vector<1x16xi32>
    tpu.vector_store %arg6[%swap3A_149, %swap3A_150], %swap3A_153 {strides = array<i32>} : memref<4x128xi32, #tpu.memory_space<vmem>>, vector<1x16xi32>,
    %get3A_154 = arith.constant 0 : i32
    %get3A_155 = arith.index_cast %get3A_154 : i32 to index
    %get3A_156 = arith.constant 64 : index
    %get3A_157 = tpu.vector_load %arg5[%get3A_155, %get3A_156] {strides = array<i32>} : memref<111x128xi32, #tpu.memory_space<vmem>>, vector<1x16xi32>,
    %get3A_158 = vector.shape_cast %get3A_157 : vector<1x16xi32> to vector<16xi32>
    %shift_right_logical3A_159 = arith.constant 14 : i32
    %shift_right_logical3A_160 = vector.broadcast %shift_right_logical3A_159 : i32 to vector<16xi32>
    %shift_right_logical3A_161 = arith.shrui %get3A_158, %shift_right_logical3A_160 : vector<16xi32>
    %swap3A_162 = arith.constant 0 : i32
    %swap3A_163 = arith.index_cast %swap3A_162 : i32 to index
    %swap3A_164 = arith.constant 64 : index
    %swap3A_165 = tpu.vector_load %arg6[%swap3A_163, %swap3A_164] {strides = array<i32>} : memref<4x128xi32, #tpu.memory_space<vmem>>, vector<1x16xi32>,
    %swap3A_166 = vector.shape_cast %swap3A_165 : vector<1x16xi32> to vector<16xi32>
    %swap3A_167 = vector.shape_cast %shift_right_logical3A_161 : vector<16xi32> to vector<1x16xi32>
    tpu.vector_store %arg6[%swap3A_163, %swap3A_164], %swap3A_167 {strides = array<i32>} : memref<4x128xi32, #tpu.memory_space<vmem>>, vector<1x16xi32>,
    %and3A_168 = arith.constant 16383 : i32
    %and3A_169 = vector.broadcast %and3A_168 : i32 to vector<16xi32>
    %and3A_170 = arith.andi %get3A_158, %and3A_169 : vector<16xi32>
    %swap3A_171 = arith.constant 1 : i32
    %swap3A_172 = arith.index_cast %swap3A_171 : i32 to index
    %swap3A_173 = arith.constant 64 : index
    %swap3A_174 = tpu.vector_load %arg6[%swap3A_172, %swap3A_173] {strides = array<i32>} : memref<4x128xi32, #tpu.memory_space<vmem>>, vector<1x16xi32>,
    %swap3A_175 = vector.shape_cast %swap3A_174 : vector<1x16xi32> to vector<16xi32>
    %swap3A_176 = vector.shape_cast %and3A_170 : vector<16xi32> to vector<1x16xi32>
    tpu.vector_store %arg6[%swap3A_172, %swap3A_173], %swap3A_176 {strides = array<i32>} : memref<4x128xi32, #tpu.memory_space<vmem>>, vector<1x16xi32>,
    %get3A_177 = arith.constant 0 : i32
    %get3A_178 = arith.index_cast %get3A_177 : i32 to index
    %get3A_179 = arith.constant 80 : index
    %get3A_180 = tpu.vector_load %arg5[%get3A_178, %get3A_179] {strides = array<i32>} : memref<111x128xi32, #tpu.memory_space<vmem>>, vector<1x16xi32>,
    %get3A_181 = vector.shape_cast %get3A_180 : vector<1x16xi32> to vector<16xi32>
    %shift_right_logical3A_182 = arith.constant 14 : i32
    %shift_right_logical3A_183 = vector.broadcast %shift_right_logical3A_182 : i32 to vector<16xi32>
    %shift_right_logical3A_184 = arith.shrui %get3A_181, %shift_right_logical3A_183 : vector<16xi32>
    %swap3A_185 = arith.constant 0 : i32
    %swap3A_186 = arith.index_cast %swap3A_185 : i32 to index
    %swap3A_187 = arith.constant 80 : index
    %swap3A_188 = tpu.vector_load %arg6[%swap3A_186, %swap3A_187] {strides = array<i32>} : memref<4x128xi32, #tpu.memory_space<vmem>>, vector<1x16xi32>,
    %swap3A_189 = vector.shape_cast %swap3A_188 : vector<1x16xi32> to vector<16xi32>
    %swap3A_190 = vector.shape_cast %shift_right_logical3A_184 : vector<16xi32> to vector<1x16xi32>
    tpu.vector_store %arg6[%swap3A_186, %swap3A_187], %swap3A_190 {strides = array<i32>} : memref<4x128xi32, #tpu.memory_space<vmem>>, vector<1x16xi32>,
    %and3A_191 = arith.constant 16383 : i32
    %and3A_192 = vector.broadcast %and3A_191 : i32 to vector<16xi32>
    %and3A_193 = arith.andi %get3A_181, %and3A_192 : vector<16xi32>
    %swap3A_194 = arith.constant 1 : i32
    %swap3A_195 = arith.index_cast %swap3A_194 : i32 to index
    %swap3A_196 = arith.constant 80 : index
    %swap3A_197 = tpu.vector_load %arg6[%swap3A_195, %swap3A_196] {strides = array<i32>} : memref<4x128xi32, #tpu.memory_space<vmem>>, vector<1x16xi32>,
    %swap3A_198 = vector.shape_cast %swap3A_197 : vector<1x16xi32> to vector<16xi32>
    %swap3A_199 = vector.shape_cast %and3A_193 : vector<16xi32> to vector<1x16xi32>
    tpu.vector_store %arg6[%swap3A_195, %swap3A_196], %swap3A_199 {strides = array<i32>} : memref<4x128xi32, #tpu.memory_space<vmem>>, vector<1x16xi32>,
    %get3A_200 = arith.constant 0 : i32
    %get3A_201 = arith.index_cast %get3A_200 : i32 to index
    %get3A_202 = arith.constant 96 : index
    %get3A_203 = tpu.vector_load %arg5[%get3A_201, %get3A_202] {strides = array<i32>} : memref<111x128xi32, #tpu.memory_space<vmem>>, vector<1x16xi32>,
    %get3A_204 = vector.shape_cast %get3A_203 : vector<1x16xi32> to vector<16xi32>
    %shift_right_logical3A_205 = arith.constant 14 : i32
    %shift_right_logical3A_206 = vector.broadcast %shift_right_logical3A_205 : i32 to vector<16xi32>
    %shift_right_logical3A_207 = arith.shrui %get3A_204, %shift_right_logical3A_206 : vector<16xi32>
    %swap3A_208 = arith.constant 0 : i32
    %swap3A_209 = arith.index_cast %swap3A_208 : i32 to index
    %swap3A_210 = arith.constant 96 : index
    %swap3A_211 = tpu.vector_load %arg6[%swap3A_209, %swap3A_210] {strides = array<i32>} : memref<4x128xi32, #tpu.memory_space<vmem>>, vector<1x16xi32>,
    %swap3A_212 = vector.shape_cast %swap3A_211 : vector<1x16xi32> to vector<16xi32>
    %swap3A_213 = vector.shape_cast %shift_right_logical3A_207 : vector<16xi32> to vector<1x16xi32>
    tpu.vector_store %arg6[%swap3A_209, %swap3A_210], %swap3A_213 {strides = array<i32>} : memref<4x128xi32, #tpu.memory_space<vmem>>, vector<1x16xi32>,
    %and3A_214 = arith.constant 16383 : i32
    %and3A_215 = vector.broadcast %and3A_214 : i32 to vector<16xi32>
    %and3A_216 = arith.andi %get3A_204, %and3A_215 : vector<16xi32>
    %swap3A_217 = arith.constant 1 : i32
    %swap3A_218 = arith.index_cast %swap3A_217 : i32 to index
    %swap3A_219 = arith.constant 96 : index
    %swap3A_220 = tpu.vector_load %arg6[%swap3A_218, %swap3A_219] {strides = array<i32>} : memref<4x128xi32, #tpu.memory_space<vmem>>, vector<1x16xi32>,
    %swap3A_221 = vector.shape_cast %swap3A_220 : vector<1x16xi32> to vector<16xi32>
    %swap3A_222 = vector.shape_cast %and3A_216 : vector<16xi32> to vector<1x16xi32>
    tpu.vector_store %arg6[%swap3A_218, %swap3A_219], %swap3A_222 {strides = array<i32>} : memref<4x128xi32, #tpu.memory_space<vmem>>, vector<1x16xi32>,
    %get3A_223 = arith.constant 0 : i32
    %get3A_224 = arith.index_cast %get3A_223 : i32 to index
    %get3A_225 = arith.constant 112 : index
    %get3A_226 = tpu.vector_load %arg5[%get3A_224, %get3A_225] {strides = array<i32>} : memref<111x128xi32, #tpu.memory_space<vmem>>, vector<1x16xi32>,
    %get3A_227 = vector.shape_cast %get3A_226 : vector<1x16xi32> to vector<16xi32>
    %shift_right_logical3A_228 = arith.constant 14 : i32
    %shift_right_logical3A_229 = vector.broadcast %shift_right_logical3A_228 : i32 to vector<16xi32>
    %shift_right_logical3A_230 = arith.shrui %get3A_227, %shift_right_logical3A_229 : vector<16xi32>
    %swap3A_231 = arith.constant 0 : i32
    %swap3A_232 = arith.index_cast %swap3A_231 : i32 to index
    %swap3A_233 = arith.constant 112 : index
    %swap3A_234 = tpu.vector_load %arg6[%swap3A_232, %swap3A_233] {strides = array<i32>} : memref<4x128xi32, #tpu.memory_space<vmem>>, vector<1x16xi32>,
    %swap3A_235 = vector.shape_cast %swap3A_234 : vector<1x16xi32> to vector<16xi32>
    %swap3A_236 = vector.shape_cast %shift_right_logical3A_230 : vector<16xi32> to vector<1x16xi32>
    tpu.vector_store %arg6[%swap3A_232, %swap3A_233], %swap3A_236 {strides = array<i32>} : memref<4x128xi32, #tpu.memory_space<vmem>>, vector<1x16xi32>,
    %and3A_237 = arith.constant 16383 : i32
    %and3A_238 = vector.broadcast %and3A_237 : i32 to vector<16xi32>
    %and3A_239 = arith.andi %get3A_227, %and3A_238 : vector<16xi32>
    %swap3A_240 = arith.constant 1 : i32
    %swap3A_241 = arith.index_cast %swap3A_240 : i32 to index
    %swap3A_242 = arith.constant 112 : index
    %swap3A_243 = tpu.vector_load %arg6[%swap3A_241, %swap3A_242] {strides = array<i32>} : memref<4x128xi32, #tpu.memory_space<vmem>>, vector<1x16xi32>,
    %swap3A_244 = vector.shape_cast %swap3A_243 : vector<1x16xi32> to vector<16xi32>
    %swap3A_245 = vector.shape_cast %and3A_239 : vector<16xi32> to vector<1x16xi32>
    tpu.vector_store %arg6[%swap3A_241, %swap3A_242], %swap3A_245 {strides = array<i32>} : memref<4x128xi32, #tpu.memory_space<vmem>>, vector<1x16xi32>,
    %dma_start3A_246 = arith.constant 0 : i32
    %dma_start3A_247 = arith.constant 0 : i32
    %dma_start3A_248 = tpu.memref_slice %arg6[%dma_start3A_246, %dma_start3A_247] : memref<4x128xi32, #tpu.memory_space<vmem>> -> memref<1x128xi32, #tpu.memory_space<vmem>>
    %dma_start3A_249 = tpu.memref_squeeze %dma_start3A_248 : memref<1x128xi32, #tpu.memory_space<vmem>> -> memref<128xi32, #tpu.memory_space<vmem>>
    %dma_start3A_250 = arith.constant 0 : i32
    %dma_start3A_251 = arith.constant 0 : i32
    %dma_start3A_252 = tpu.memref_slice %arg2[%dma_start3A_250, %dma_start3A_251] : memref<10240x128xf32, #tpu.memory_space<hbm>> -> memref<10240x128xf32, #tpu.memory_space<hbm>>
    tpu.enqueue_indirect_dma source(%dma_start3A_252 : memref<10240x128xf32, #tpu.memory_space<hbm>>) target(%arg7 : memref<128x128xf32, #tpu.memory_space<vmem>>) offsets(%dma_start3A_249 : memref<128xi32, #tpu.memory_space<vmem>>) semaphore(%arg10 : memref<!tpu.dma_semaphore, #tpu.memory_space<semaphore_mem>>)
    %while3A = arith.constant 0 : i32
    %while3A_253 = arith.constant 0 : i32
    %while3A_254 = arith.subi %select_n3A, %while3A_253 : i32
    %while3A_255 = arith.addi %while3A_253, %while3A_254 : i32
    %while3A_256 = arith.constant 1 : i32
    %while3A_257 = arith.divsi %while3A_254, %while3A_256 : i32
    %while3A_258 = arith.muli %while3A_257, %while3A_256 : i32
    %while3A_259 = arith.addi %while3A_253, %while3A_258 : i32
    %while3A_260 = arith.constant 1 : i32
    scf.for %while3A_405 = %while3A_253 to %while3A_259 step %while3A_260  : i32 {
      %mul3A_406 = arith.constant 2 : i32
      %mul3A_407 = arith.muli %mul3A_406, %while3A_405 : i32
      %add3A_408 = arith.constant 1 : i32
      %add3A_409 = arith.addi %mul3A_407, %add3A_408 : i32
      %get3A_410 = arith.index_cast %add3A_409 : i32 to index
      %get3A_411 = arith.constant 0 : index
      %get3A_412 = tpu.vector_load %arg5[%get3A_410, %get3A_411] {strides = array<i32>} : memref<111x128xi32, #tpu.memory_space<vmem>>, vector<1x16xi32>,
      %get3A_413 = vector.shape_cast %get3A_412 : vector<1x16xi32> to vector<16xi32>
      %shift_right_logical3A_414 = arith.constant 14 : i32
      %shift_right_logical3A_415 = vector.broadcast %shift_right_logical3A_414 : i32 to vector<16xi32>
      %shift_right_logical3A_416 = arith.shrui %get3A_413, %shift_right_logical3A_415 : vector<16xi32>
      %swap3A_417 = arith.constant 2 : i32
      %swap3A_418 = arith.index_cast %swap3A_417 : i32 to index
      %swap3A_419 = arith.constant 0 : index
      %swap3A_420 = tpu.vector_load %arg6[%swap3A_418, %swap3A_419] {strides = array<i32>} : memref<4x128xi32, #tpu.memory_space<vmem>>, vector<1x16xi32>,
      %swap3A_421 = vector.shape_cast %swap3A_420 : vector<1x16xi32> to vector<16xi32>
      %swap3A_422 = vector.shape_cast %shift_right_logical3A_416 : vector<16xi32> to vector<1x16xi32>
      tpu.vector_store %arg6[%swap3A_418, %swap3A_419], %swap3A_422 {strides = array<i32>} : memref<4x128xi32, #tpu.memory_space<vmem>>, vector<1x16xi32>,
      %and3A_423 = arith.constant 16383 : i32
      %and3A_424 = vector.broadcast %and3A_423 : i32 to vector<16xi32>
      %and3A_425 = arith.andi %get3A_413, %and3A_424 : vector<16xi32>
      %swap3A_426 = arith.constant 3 : i32
      %swap3A_427 = arith.index_cast %swap3A_426 : i32 to index
      %swap3A_428 = arith.constant 0 : index
      %swap3A_429 = tpu.vector_load %arg6[%swap3A_427, %swap3A_428] {strides = array<i32>} : memref<4x128xi32, #tpu.memory_space<vmem>>, vector<1x16xi32>,
      %swap3A_430 = vector.shape_cast %swap3A_429 : vector<1x16xi32> to vector<16xi32>
      %swap3A_431 = vector.shape_cast %and3A_425 : vector<16xi32> to vector<1x16xi32>
      tpu.vector_store %arg6[%swap3A_427, %swap3A_428], %swap3A_431 {strides = array<i32>} : memref<4x128xi32, #tpu.memory_space<vmem>>, vector<1x16xi32>,
      %get3A_432 = arith.index_cast %add3A_409 : i32 to index
      %get3A_433 = arith.constant 16 : index
      %get3A_434 = tpu.vector_load %arg5[%get3A_432, %get3A_433] {strides = array<i32>} : memref<111x128xi32, #tpu.memory_space<vmem>>, vector<1x16xi32>,
      %get3A_435 = vector.shape_cast %get3A_434 : vector<1x16xi32> to vector<16xi32>
      %shift_right_logical3A_436 = arith.constant 14 : i32
      %shift_right_logical3A_437 = vector.broadcast %shift_right_logical3A_436 : i32 to vector<16xi32>
      %shift_right_logical3A_438 = arith.shrui %get3A_435, %shift_right_logical3A_437 : vector<16xi32>
      %swap3A_439 = arith.constant 2 : i32
      %swap3A_440 = arith.index_cast %swap3A_439 : i32 to index
      %swap3A_441 = arith.constant 16 : index
      %swap3A_442 = tpu.vector_load %arg6[%swap3A_440, %swap3A_441] {strides = array<i32>} : memref<4x128xi32, #tpu.memory_space<vmem>>, vector<1x16xi32>,
      %swap3A_443 = vector.shape_cast %swap3A_442 : vector<1x16xi32> to vector<16xi32>
      %swap3A_444 = vector.shape_cast %shift_right_logical3A_438 : vector<16xi32> to vector<1x16xi32>
      tpu.vector_store %arg6[%swap3A_440, %swap3A_441], %swap3A_444 {strides = array<i32>} : memref<4x128xi32, #tpu.memory_space<vmem>>, vector<1x16xi32>,
      %and3A_445 = arith.constant 16383 : i32
      %and3A_446 = vector.broadcast %and3A_445 : i32 to vector<16xi32>
      %and3A_447 = arith.andi %get3A_435, %and3A_446 : vector<16xi32>
      %swap3A_448 = arith.constant 3 : i32
      %swap3A_449 = arith.index_cast %swap3A_448 : i32 to index
      %swap3A_450 = arith.constant 16 : index
      %swap3A_451 = tpu.vector_load %arg6[%swap3A_449, %swap3A_450] {strides = array<i32>} : memref<4x128xi32, #tpu.memory_space<vmem>>, vector<1x16xi32>,
      %swap3A_452 = vector.shape_cast %swap3A_451 : vector<1x16xi32> to vector<16xi32>
      %swap3A_453 = vector.shape_cast %and3A_447 : vector<16xi32> to vector<1x16xi32>
      tpu.vector_store %arg6[%swap3A_449, %swap3A_450], %swap3A_453 {strides = array<i32>} : memref<4x128xi32, #tpu.memory_space<vmem>>, vector<1x16xi32>,
      %get3A_454 = arith.index_cast %add3A_409 : i32 to index
      %get3A_455 = arith.constant 32 : index
      %get3A_456 = tpu.vector_load %arg5[%get3A_454, %get3A_455] {strides = array<i32>} : memref<111x128xi32, #tpu.memory_space<vmem>>, vector<1x16xi32>,
      %get3A_457 = vector.shape_cast %get3A_456 : vector<1x16xi32> to vector<16xi32>
      %shift_right_logical3A_458 = arith.constant 14 : i32
      %shift_right_logical3A_459 = vector.broadcast %shift_right_logical3A_458 : i32 to vector<16xi32>
      %shift_right_logical3A_460 = arith.shrui %get3A_457, %shift_right_logical3A_459 : vector<16xi32>
      %swap3A_461 = arith.constant 2 : i32
      %swap3A_462 = arith.index_cast %swap3A_461 : i32 to index
      %swap3A_463 = arith.constant 32 : index
      %swap3A_464 = tpu.vector_load %arg6[%swap3A_462, %swap3A_463] {strides = array<i32>} : memref<4x128xi32, #tpu.memory_space<vmem>>, vector<1x16xi32>,
      %swap3A_465 = vector.shape_cast %swap3A_464 : vector<1x16xi32> to vector<16xi32>
      %swap3A_466 = vector.shape_cast %shift_right_logical3A_460 : vector<16xi32> to vector<1x16xi32>
      tpu.vector_store %arg6[%swap3A_462, %swap3A_463], %swap3A_466 {strides = array<i32>} : memref<4x128xi32, #tpu.memory_space<vmem>>, vector<1x16xi32>,
      %and3A_467 = arith.constant 16383 : i32
      %and3A_468 = vector.broadcast %and3A_467 : i32 to vector<16xi32>
      %and3A_469 = arith.andi %get3A_457, %and3A_468 : vector<16xi32>
      %swap3A_470 = arith.constant 3 : i32
      %swap3A_471 = arith.index_cast %swap3A_470 : i32 to index
      %swap3A_472 = arith.constant 32 : index
      %swap3A_473 = tpu.vector_load %arg6[%swap3A_471, %swap3A_472] {strides = array<i32>} : memref<4x128xi32, #tpu.memory_space<vmem>>, vector<1x16xi32>,
      %swap3A_474 = vector.shape_cast %swap3A_473 : vector<1x16xi32> to vector<16xi32>
      %swap3A_475 = vector.shape_cast %and3A_469 : vector<16xi32> to vector<1x16xi32>
      tpu.vector_store %arg6[%swap3A_471, %swap3A_472], %swap3A_475 {strides = array<i32>} : memref<4x128xi32, #tpu.memory_space<vmem>>, vector<1x16xi32>,
      %get3A_476 = arith.index_cast %add3A_409 : i32 to index
      %get3A_477 = arith.constant 48 : index
      %get3A_478 = tpu.vector_load %arg5[%get3A_476, %get3A_477] {strides = array<i32>} : memref<111x128xi32, #tpu.memory_space<vmem>>, vector<1x16xi32>,
      %get3A_479 = vector.shape_cast %get3A_478 : vector<1x16xi32> to vector<16xi32>
      %shift_right_logical3A_480 = arith.constant 14 : i32
      %shift_right_logical3A_481 = vector.broadcast %shift_right_logical3A_480 : i32 to vector<16xi32>
      %shift_right_logical3A_482 = arith.shrui %get3A_479, %shift_right_logical3A_481 : vector<16xi32>
      %swap3A_483 = arith.constant 2 : i32
      %swap3A_484 = arith.index_cast %swap3A_483 : i32 to index
      %swap3A_485 = arith.constant 48 : index
      %swap3A_486 = tpu.vector_load %arg6[%swap3A_484, %swap3A_485] {strides = array<i32>} : memref<4x128xi32, #tpu.memory_space<vmem>>, vector<1x16xi32>,
      %swap3A_487 = vector.shape_cast %swap3A_486 : vector<1x16xi32> to vector<16xi32>
      %swap3A_488 = vector.shape_cast %shift_right_logical3A_482 : vector<16xi32> to vector<1x16xi32>
      tpu.vector_store %arg6[%swap3A_484, %swap3A_485], %swap3A_488 {strides = array<i32>} : memref<4x128xi32, #tpu.memory_space<vmem>>, vector<1x16xi32>,
      %and3A_489 = arith.constant 16383 : i32
      %and3A_490 = vector.broadcast %and3A_489 : i32 to vector<16xi32>
      %and3A_491 = arith.andi %get3A_479, %and3A_490 : vector<16xi32>
      %swap3A_492 = arith.constant 3 : i32
      %swap3A_493 = arith.index_cast %swap3A_492 : i32 to index
      %swap3A_494 = arith.constant 48 : index
      %swap3A_495 = tpu.vector_load %arg6[%swap3A_493, %swap3A_494] {strides = array<i32>} : memref<4x128xi32, #tpu.memory_space<vmem>>, vector<1x16xi32>,
      %swap3A_496 = vector.shape_cast %swap3A_495 : vector<1x16xi32> to vector<16xi32>
      %swap3A_497 = vector.shape_cast %and3A_491 : vector<16xi32> to vector<1x16xi32>
      tpu.vector_store %arg6[%swap3A_493, %swap3A_494], %swap3A_497 {strides = array<i32>} : memref<4x128xi32, #tpu.memory_space<vmem>>, vector<1x16xi32>,
      %get3A_498 = arith.index_cast %add3A_409 : i32 to index
      %get3A_499 = arith.constant 64 : index
      %get3A_500 = tpu.vector_load %arg5[%get3A_498, %get3A_499] {strides = array<i32>} : memref<111x128xi32, #tpu.memory_space<vmem>>, vector<1x16xi32>,
      %get3A_501 = vector.shape_cast %get3A_500 : vector<1x16xi32> to vector<16xi32>
      %shift_right_logical3A_502 = arith.constant 14 : i32
      %shift_right_logical3A_503 = vector.broadcast %shift_right_logical3A_502 : i32 to vector<16xi32>
      %shift_right_logical3A_504 = arith.shrui %get3A_501, %shift_right_logical3A_503 : vector<16xi32>
      %swap3A_505 = arith.constant 2 : i32
      %swap3A_506 = arith.index_cast %swap3A_505 : i32 to index
      %swap3A_507 = arith.constant 64 : index
      %swap3A_508 = tpu.vector_load %arg6[%swap3A_506, %swap3A_507] {strides = array<i32>} : memref<4x128xi32, #tpu.memory_space<vmem>>, vector<1x16xi32>,
      %swap3A_509 = vector.shape_cast %swap3A_508 : vector<1x16xi32> to vector<16xi32>
      %swap3A_510 = vector.shape_cast %shift_right_logical3A_504 : vector<16xi32> to vector<1x16xi32>
      tpu.vector_store %arg6[%swap3A_506, %swap3A_507], %swap3A_510 {strides = array<i32>} : memref<4x128xi32, #tpu.memory_space<vmem>>, vector<1x16xi32>,
      %and3A_511 = arith.constant 16383 : i32
      %and3A_512 = vector.broadcast %and3A_511 : i32 to vector<16xi32>
      %and3A_513 = arith.andi %get3A_501, %and3A_512 : vector<16xi32>
      %swap3A_514 = arith.constant 3 : i32
      %swap3A_515 = arith.index_cast %swap3A_514 : i32 to index
      %swap3A_516 = arith.constant 64 : index
      %swap3A_517 = tpu.vector_load %arg6[%swap3A_515, %swap3A_516] {strides = array<i32>} : memref<4x128xi32, #tpu.memory_space<vmem>>, vector<1x16xi32>,
      %swap3A_518 = vector.shape_cast %swap3A_517 : vector<1x16xi32> to vector<16xi32>
      %swap3A_519 = vector.shape_cast %and3A_513 : vector<16xi32> to vector<1x16xi32>
      tpu.vector_store %arg6[%swap3A_515, %swap3A_516], %swap3A_519 {strides = array<i32>} : memref<4x128xi32, #tpu.memory_space<vmem>>, vector<1x16xi32>,
      %get3A_520 = arith.index_cast %add3A_409 : i32 to index
      %get3A_521 = arith.constant 80 : index
      %get3A_522 = tpu.vector_load %arg5[%get3A_520, %get3A_521] {strides = array<i32>} : memref<111x128xi32, #tpu.memory_space<vmem>>, vector<1x16xi32>,
      %get3A_523 = vector.shape_cast %get3A_522 : vector<1x16xi32> to vector<16xi32>
      %shift_right_logical3A_524 = arith.constant 14 : i32
      %shift_right_logical3A_525 = vector.broadcast %shift_right_logical3A_524 : i32 to vector<16xi32>
      %shift_right_logical3A_526 = arith.shrui %get3A_523, %shift_right_logical3A_525 : vector<16xi32>
      %swap3A_527 = arith.constant 2 : i32
      %swap3A_528 = arith.index_cast %swap3A_527 : i32 to index
      %swap3A_529 = arith.constant 80 : index
      %swap3A_530 = tpu.vector_load %arg6[%swap3A_528, %swap3A_529] {strides = array<i32>} : memref<4x128xi32, #tpu.memory_space<vmem>>, vector<1x16xi32>,
      %swap3A_531 = vector.shape_cast %swap3A_530 : vector<1x16xi32> to vector<16xi32>
      %swap3A_532 = vector.shape_cast %shift_right_logical3A_526 : vector<16xi32> to vector<1x16xi32>
      tpu.vector_store %arg6[%swap3A_528, %swap3A_529], %swap3A_532 {strides = array<i32>} : memref<4x128xi32, #tpu.memory_space<vmem>>, vector<1x16xi32>,
      %and3A_533 = arith.constant 16383 : i32
      %and3A_534 = vector.broadcast %and3A_533 : i32 to vector<16xi32>
      %and3A_535 = arith.andi %get3A_523, %and3A_534 : vector<16xi32>
      %swap3A_536 = arith.constant 3 : i32
      %swap3A_537 = arith.index_cast %swap3A_536 : i32 to index
      %swap3A_538 = arith.constant 80 : index
      %swap3A_539 = tpu.vector_load %arg6[%swap3A_537, %swap3A_538] {strides = array<i32>} : memref<4x128xi32, #tpu.memory_space<vmem>>, vector<1x16xi32>,
      %swap3A_540 = vector.shape_cast %swap3A_539 : vector<1x16xi32> to vector<16xi32>
      %swap3A_541 = vector.shape_cast %and3A_535 : vector<16xi32> to vector<1x16xi32>
      tpu.vector_store %arg6[%swap3A_537, %swap3A_538], %swap3A_541 {strides = array<i32>} : memref<4x128xi32, #tpu.memory_space<vmem>>, vector<1x16xi32>,
      %get3A_542 = arith.index_cast %add3A_409 : i32 to index
      %get3A_543 = arith.constant 96 : index
      %get3A_544 = tpu.vector_load %arg5[%get3A_542, %get3A_543] {strides = array<i32>} : memref<111x128xi32, #tpu.memory_space<vmem>>, vector<1x16xi32>,
      %get3A_545 = vector.shape_cast %get3A_544 : vector<1x16xi32> to vector<16xi32>
      %shift_right_logical3A_546 = arith.constant 14 : i32
      %shift_right_logical3A_547 = vector.broadcast %shift_right_logical3A_546 : i32 to vector<16xi32>
      %shift_right_logical3A_548 = arith.shrui %get3A_545, %shift_right_logical3A_547 : vector<16xi32>
      %swap3A_549 = arith.constant 2 : i32
      %swap3A_550 = arith.index_cast %swap3A_549 : i32 to index
      %swap3A_551 = arith.constant 96 : index
      %swap3A_552 = tpu.vector_load %arg6[%swap3A_550, %swap3A_551] {strides = array<i32>} : memref<4x128xi32, #tpu.memory_space<vmem>>, vector<1x16xi32>,
      %swap3A_553 = vector.shape_cast %swap3A_552 : vector<1x16xi32> to vector<16xi32>
      %swap3A_554 = vector.shape_cast %shift_right_logical3A_548 : vector<16xi32> to vector<1x16xi32>
      tpu.vector_store %arg6[%swap3A_550, %swap3A_551], %swap3A_554 {strides = array<i32>} : memref<4x128xi32, #tpu.memory_space<vmem>>, vector<1x16xi32>,
      %and3A_555 = arith.constant 16383 : i32
      %and3A_556 = vector.broadcast %and3A_555 : i32 to vector<16xi32>
      %and3A_557 = arith.andi %get3A_545, %and3A_556 : vector<16xi32>
      %swap3A_558 = arith.constant 3 : i32
      %swap3A_559 = arith.index_cast %swap3A_558 : i32 to index
      %swap3A_560 = arith.constant 96 : index
      %swap3A_561 = tpu.vector_load %arg6[%swap3A_559, %swap3A_560] {strides = array<i32>} : memref<4x128xi32, #tpu.memory_space<vmem>>, vector<1x16xi32>,
      %swap3A_562 = vector.shape_cast %swap3A_561 : vector<1x16xi32> to vector<16xi32>
      %swap3A_563 = vector.shape_cast %and3A_557 : vector<16xi32> to vector<1x16xi32>
      tpu.vector_store %arg6[%swap3A_559, %swap3A_560], %swap3A_563 {strides = array<i32>} : memref<4x128xi32, #tpu.memory_space<vmem>>, vector<1x16xi32>,
      %get3A_564 = arith.index_cast %add3A_409 : i32 to index
      %get3A_565 = arith.constant 112 : index
      %get3A_566 = tpu.vector_load %arg5[%get3A_564, %get3A_565] {strides = array<i32>} : memref<111x128xi32, #tpu.memory_space<vmem>>, vector<1x16xi32>,
      %get3A_567 = vector.shape_cast %get3A_566 : vector<1x16xi32> to vector<16xi32>
      %shift_right_logical3A_568 = arith.constant 14 : i32
      %shift_right_logical3A_569 = vector.broadcast %shift_right_logical3A_568 : i32 to vector<16xi32>
      %shift_right_logical3A_570 = arith.shrui %get3A_567, %shift_right_logical3A_569 : vector<16xi32>
      %swap3A_571 = arith.constant 2 : i32
      %swap3A_572 = arith.index_cast %swap3A_571 : i32 to index
      %swap3A_573 = arith.constant 112 : index
      %swap3A_574 = tpu.vector_load %arg6[%swap3A_572, %swap3A_573] {strides = array<i32>} : memref<4x128xi32, #tpu.memory_space<vmem>>, vector<1x16xi32>,
      %swap3A_575 = vector.shape_cast %swap3A_574 : vector<1x16xi32> to vector<16xi32>
      %swap3A_576 = vector.shape_cast %shift_right_logical3A_570 : vector<16xi32> to vector<1x16xi32>
      tpu.vector_store %arg6[%swap3A_572, %swap3A_573], %swap3A_576 {strides = array<i32>} : memref<4x128xi32, #tpu.memory_space<vmem>>, vector<1x16xi32>,
      %and3A_577 = arith.constant 16383 : i32
      %and3A_578 = vector.broadcast %and3A_577 : i32 to vector<16xi32>
      %and3A_579 = arith.andi %get3A_567, %and3A_578 : vector<16xi32>
      %swap3A_580 = arith.constant 3 : i32
      %swap3A_581 = arith.index_cast %swap3A_580 : i32 to index
      %swap3A_582 = arith.constant 112 : index
      %swap3A_583 = tpu.vector_load %arg6[%swap3A_581, %swap3A_582] {strides = array<i32>} : memref<4x128xi32, #tpu.memory_space<vmem>>, vector<1x16xi32>,
      %swap3A_584 = vector.shape_cast %swap3A_583 : vector<1x16xi32> to vector<16xi32>
      %swap3A_585 = vector.shape_cast %and3A_579 : vector<16xi32> to vector<1x16xi32>
      tpu.vector_store %arg6[%swap3A_581, %swap3A_582], %swap3A_585 {strides = array<i32>} : memref<4x128xi32, #tpu.memory_space<vmem>>, vector<1x16xi32>,
      %dma_start3A_586 = arith.constant 2 : i32
      %dma_start3A_587 = arith.constant 0 : i32
      %dma_start3A_588 = tpu.memref_slice %arg6[%dma_start3A_586, %dma_start3A_587] : memref<4x128xi32, #tpu.memory_space<vmem>> -> memref<1x128xi32, #tpu.memory_space<vmem>>
      %dma_start3A_589 = tpu.memref_squeeze %dma_start3A_588 : memref<1x128xi32, #tpu.memory_space<vmem>> -> memref<128xi32, #tpu.memory_space<vmem>>
      %dma_start3A_590 = arith.constant 0 : i32
      %dma_start3A_591 = arith.constant 0 : i32
      %dma_start3A_592 = tpu.memref_slice %arg2[%dma_start3A_590, %dma_start3A_591] : memref<10240x128xf32, #tpu.memory_space<hbm>> -> memref<10240x128xf32, #tpu.memory_space<hbm>>
      tpu.enqueue_indirect_dma source(%dma_start3A_592 : memref<10240x128xf32, #tpu.memory_space<hbm>>) target(%arg8 : memref<128x128xf32, #tpu.memory_space<vmem>>) offsets(%dma_start3A_589 : memref<128xi32, #tpu.memory_space<vmem>>) semaphore(%arg11 : memref<!tpu.dma_semaphore, #tpu.memory_space<semaphore_mem>>)
      %dma_wait3A_593 = arith.constant 0 : i32
      %dma_wait3A_594 = arith.constant 0 : i32
      %dma_wait3A_595 = tpu.memref_slice %arg6[%dma_wait3A_593, %dma_wait3A_594] : memref<4x128xi32, #tpu.memory_space<vmem>> -> memref<1x128xi32, #tpu.memory_space<vmem>>
      %dma_wait3A_596 = tpu.memref_squeeze %dma_wait3A_595 : memref<1x128xi32, #tpu.memory_space<vmem>> -> memref<128xi32, #tpu.memory_space<vmem>>
      %dma_wait3A_597 = arith.constant 0 : i32
      %dma_wait3A_598 = arith.constant 0 : i32
      %dma_wait3A_599 = tpu.memref_slice %arg2[%dma_wait3A_597, %dma_wait3A_598] : memref<10240x128xf32, #tpu.memory_space<hbm>> -> memref<10240x128xf32, #tpu.memory_space<hbm>>
      tpu.wait_indirect_dma semaphore(%arg10 : memref<!tpu.dma_semaphore, #tpu.memory_space<semaphore_mem>>) src(%dma_wait3A_599 : memref<10240x128xf32, #tpu.memory_space<hbm>>) dst(%arg7 : memref<128x128xf32, #tpu.memory_space<vmem>>)
      %run_scoped3A_600 = arith.constant 1 : i32
      "tpu.region"() ({
        %run_scoped3A_794 = tpu.sem_alloc : memref<!tpu.dma_semaphore, #tpu.memory_space<semaphore_mem>>
        %dma_start3A_795 = arith.constant 0 : i32
        %dma_start3A_796 = tpu.memref_slice %arg6[%run_scoped3A_600, %dma_start3A_795] : memref<4x128xi32, #tpu.memory_space<vmem>> -> memref<1x128xi32, #tpu.memory_space<vmem>>
        %dma_start3A_797 = tpu.memref_squeeze %dma_start3A_796 : memref<1x128xi32, #tpu.memory_space<vmem>> -> memref<128xi32, #tpu.memory_space<vmem>>
        %dma_start3A_798 = arith.constant 0 : i32
        %dma_start3A_799 = arith.constant 0 : i32
        %dma_start3A_800 = tpu.memref_slice %arg9[%dma_start3A_798, %dma_start3A_799] : memref<10240x128xf32, #tpu.memory_space<vmem_shared>> -> memref<10240x128xf32, #tpu.memory_space<vmem_shared>>
        tpu.enqueue_indirect_dma source(%arg7 : memref<128x128xf32, #tpu.memory_space<vmem>>) target(%dma_start3A_800 : memref<10240x128xf32, #tpu.memory_space<vmem_shared>>) offsets(%dma_start3A_797 : memref<128xi32, #tpu.memory_space<vmem>>) semaphore(%run_scoped3A_794 : memref<!tpu.dma_semaphore, #tpu.memory_space<semaphore_mem>>) {add = true}
        %dma_wait3A_801 = arith.constant 0 : i32
        %dma_wait3A_802 = tpu.memref_slice %arg6[%run_scoped3A_600, %dma_wait3A_801] : memref<4x128xi32, #tpu.memory_space<vmem>> -> memref<1x128xi32, #tpu.memory_space<vmem>>
        %dma_wait3A_803 = tpu.memref_squeeze %dma_wait3A_802 : memref<1x128xi32, #tpu.memory_space<vmem>> -> memref<128xi32, #tpu.memory_space<vmem>>
        %dma_wait3A_804 = arith.constant 0 : i32
        %dma_wait3A_805 = arith.constant 0 : i32
        %dma_wait3A_806 = tpu.memref_slice %arg9[%dma_wait3A_804, %dma_wait3A_805] : memref<10240x128xf32, #tpu.memory_space<vmem_shared>> -> memref<10240x128xf32, #tpu.memory_space<vmem_shared>>
        tpu.wait_indirect_dma semaphore(%run_scoped3A_794 : memref<!tpu.dma_semaphore, #tpu.memory_space<semaphore_mem>>) src(%arg7 : memref<128x128xf32, #tpu.memory_space<vmem>>) dst(%dma_wait3A_806 : memref<10240x128xf32, #tpu.memory_space<vmem_shared>>)
        tpu.yield
      }) : () -> ()
      %add3A_601 = arith.constant 1 : i32
      %add3A_602 = arith.addi %add3A_409, %add3A_601 : i32
      %get3A_603 = arith.index_cast %add3A_602 : i32 to index
      %get3A_604 = arith.constant 0 : index
      %get3A_605 = tpu.vector_load %arg5[%get3A_603, %get3A_604] {strides = array<i32>} : memref<111x128xi32, #tpu.memory_space<vmem>>, vector<1x16xi32>,
      %get3A_606 = vector.shape_cast %get3A_605 : vector<1x16xi32> to vector<16xi32>
      %shift_right_logical3A_607 = arith.constant 14 : i32
      %shift_right_logical3A_608 = vector.broadcast %shift_right_logical3A_607 : i32 to vector<16xi32>
      %shift_right_logical3A_609 = arith.shrui %get3A_606, %shift_right_logical3A_608 : vector<16xi32>
      %swap3A_610 = arith.constant 0 : i32
      %swap3A_611 = arith.index_cast %swap3A_610 : i32 to index
      %swap3A_612 = arith.constant 0 : index
      %swap3A_613 = tpu.vector_load %arg6[%swap3A_611, %swap3A_612] {strides = array<i32>} : memref<4x128xi32, #tpu.memory_space<vmem>>, vector<1x16xi32>,
      %swap3A_614 = vector.shape_cast %swap3A_613 : vector<1x16xi32> to vector<16xi32>
      %swap3A_615 = vector.shape_cast %shift_right_logical3A_609 : vector<16xi32> to vector<1x16xi32>
      tpu.vector_store %arg6[%swap3A_611, %swap3A_612], %swap3A_615 {strides = array<i32>} : memref<4x128xi32, #tpu.memory_space<vmem>>, vector<1x16xi32>,
      %and3A_616 = arith.constant 16383 : i32
      %and3A_617 = vector.broadcast %and3A_616 : i32 to vector<16xi32>
      %and3A_618 = arith.andi %get3A_606, %and3A_617 : vector<16xi32>
      %swap3A_619 = arith.constant 1 : i32
      %swap3A_620 = arith.index_cast %swap3A_619 : i32 to index
      %swap3A_621 = arith.constant 0 : index
      %swap3A_622 = tpu.vector_load %arg6[%swap3A_620, %swap3A_621] {strides = array<i32>} : memref<4x128xi32, #tpu.memory_space<vmem>>, vector<1x16xi32>,
      %swap3A_623 = vector.shape_cast %swap3A_622 : vector<1x16xi32> to vector<16xi32>
      %swap3A_624 = vector.shape_cast %and3A_618 : vector<16xi32> to vector<1x16xi32>
      tpu.vector_store %arg6[%swap3A_620, %swap3A_621], %swap3A_624 {strides = array<i32>} : memref<4x128xi32, #tpu.memory_space<vmem>>, vector<1x16xi32>,
      %get3A_625 = arith.index_cast %add3A_602 : i32 to index
      %get3A_626 = arith.constant 16 : index
      %get3A_627 = tpu.vector_load %arg5[%get3A_625, %get3A_626] {strides = array<i32>} : memref<111x128xi32, #tpu.memory_space<vmem>>, vector<1x16xi32>,
      %get3A_628 = vector.shape_cast %get3A_627 : vector<1x16xi32> to vector<16xi32>
      %shift_right_logical3A_629 = arith.constant 14 : i32
      %shift_right_logical3A_630 = vector.broadcast %shift_right_logical3A_629 : i32 to vector<16xi32>
      %shift_right_logical3A_631 = arith.shrui %get3A_628, %shift_right_logical3A_630 : vector<16xi32>
      %swap3A_632 = arith.constant 0 : i32
      %swap3A_633 = arith.index_cast %swap3A_632 : i32 to index
      %swap3A_634 = arith.constant 16 : index
      %swap3A_635 = tpu.vector_load %arg6[%swap3A_633, %swap3A_634] {strides = array<i32>} : memref<4x128xi32, #tpu.memory_space<vmem>>, vector<1x16xi32>,
      %swap3A_636 = vector.shape_cast %swap3A_635 : vector<1x16xi32> to vector<16xi32>
      %swap3A_637 = vector.shape_cast %shift_right_logical3A_631 : vector<16xi32> to vector<1x16xi32>
      tpu.vector_store %arg6[%swap3A_633, %swap3A_634], %swap3A_637 {strides = array<i32>} : memref<4x128xi32, #tpu.memory_space<vmem>>, vector<1x16xi32>,
      %and3A_638 = arith.constant 16383 : i32
      %and3A_639 = vector.broadcast %and3A_638 : i32 to vector<16xi32>
      %and3A_640 = arith.andi %get3A_628, %and3A_639 : vector<16xi32>
      %swap3A_641 = arith.constant 1 : i32
      %swap3A_642 = arith.index_cast %swap3A_641 : i32 to index
      %swap3A_643 = arith.constant 16 : index
      %swap3A_644 = tpu.vector_load %arg6[%swap3A_642, %swap3A_643] {strides = array<i32>} : memref<4x128xi32, #tpu.memory_space<vmem>>, vector<1x16xi32>,
      %swap3A_645 = vector.shape_cast %swap3A_644 : vector<1x16xi32> to vector<16xi32>
      %swap3A_646 = vector.shape_cast %and3A_640 : vector<16xi32> to vector<1x16xi32>
      tpu.vector_store %arg6[%swap3A_642, %swap3A_643], %swap3A_646 {strides = array<i32>} : memref<4x128xi32, #tpu.memory_space<vmem>>, vector<1x16xi32>,
      %get3A_647 = arith.index_cast %add3A_602 : i32 to index
      %get3A_648 = arith.constant 32 : index
      %get3A_649 = tpu.vector_load %arg5[%get3A_647, %get3A_648] {strides = array<i32>} : memref<111x128xi32, #tpu.memory_space<vmem>>, vector<1x16xi32>,
      %get3A_650 = vector.shape_cast %get3A_649 : vector<1x16xi32> to vector<16xi32>
      %shift_right_logical3A_651 = arith.constant 14 : i32
      %shift_right_logical3A_652 = vector.broadcast %shift_right_logical3A_651 : i32 to vector<16xi32>
      %shift_right_logical3A_653 = arith.shrui %get3A_650, %shift_right_logical3A_652 : vector<16xi32>
      %swap3A_654 = arith.constant 0 : i32
      %swap3A_655 = arith.index_cast %swap3A_654 : i32 to index
      %swap3A_656 = arith.constant 32 : index
      %swap3A_657 = tpu.vector_load %arg6[%swap3A_655, %swap3A_656] {strides = array<i32>} : memref<4x128xi32, #tpu.memory_space<vmem>>, vector<1x16xi32>,
      %swap3A_658 = vector.shape_cast %swap3A_657 : vector<1x16xi32> to vector<16xi32>
      %swap3A_659 = vector.shape_cast %shift_right_logical3A_653 : vector<16xi32> to vector<1x16xi32>
      tpu.vector_store %arg6[%swap3A_655, %swap3A_656], %swap3A_659 {strides = array<i32>} : memref<4x128xi32, #tpu.memory_space<vmem>>, vector<1x16xi32>,
      %and3A_660 = arith.constant 16383 : i32
      %and3A_661 = vector.broadcast %and3A_660 : i32 to vector<16xi32>
      %and3A_662 = arith.andi %get3A_650, %and3A_661 : vector<16xi32>
      %swap3A_663 = arith.constant 1 : i32
      %swap3A_664 = arith.index_cast %swap3A_663 : i32 to index
      %swap3A_665 = arith.constant 32 : index
      %swap3A_666 = tpu.vector_load %arg6[%swap3A_664, %swap3A_665] {strides = array<i32>} : memref<4x128xi32, #tpu.memory_space<vmem>>, vector<1x16xi32>,
      %swap3A_667 = vector.shape_cast %swap3A_666 : vector<1x16xi32> to vector<16xi32>
      %swap3A_668 = vector.shape_cast %and3A_662 : vector<16xi32> to vector<1x16xi32>
      tpu.vector_store %arg6[%swap3A_664, %swap3A_665], %swap3A_668 {strides = array<i32>} : memref<4x128xi32, #tpu.memory_space<vmem>>, vector<1x16xi32>,
      %get3A_669 = arith.index_cast %add3A_602 : i32 to index
      %get3A_670 = arith.constant 48 : index
      %get3A_671 = tpu.vector_load %arg5[%get3A_669, %get3A_670] {strides = array<i32>} : memref<111x128xi32, #tpu.memory_space<vmem>>, vector<1x16xi32>,
      %get3A_672 = vector.shape_cast %get3A_671 : vector<1x16xi32> to vector<16xi32>
      %shift_right_logical3A_673 = arith.constant 14 : i32
      %shift_right_logical3A_674 = vector.broadcast %shift_right_logical3A_673 : i32 to vector<16xi32>
      %shift_right_logical3A_675 = arith.shrui %get3A_672, %shift_right_logical3A_674 : vector<16xi32>
      %swap3A_676 = arith.constant 0 : i32
      %swap3A_677 = arith.index_cast %swap3A_676 : i32 to index
      %swap3A_678 = arith.constant 48 : index
      %swap3A_679 = tpu.vector_load %arg6[%swap3A_677, %swap3A_678] {strides = array<i32>} : memref<4x128xi32, #tpu.memory_space<vmem>>, vector<1x16xi32>,
      %swap3A_680 = vector.shape_cast %swap3A_679 : vector<1x16xi32> to vector<16xi32>
      %swap3A_681 = vector.shape_cast %shift_right_logical3A_675 : vector<16xi32> to vector<1x16xi32>
      tpu.vector_store %arg6[%swap3A_677, %swap3A_678], %swap3A_681 {strides = array<i32>} : memref<4x128xi32, #tpu.memory_space<vmem>>, vector<1x16xi32>,
      %and3A_682 = arith.constant 16383 : i32
      %and3A_683 = vector.broadcast %and3A_682 : i32 to vector<16xi32>
      %and3A_684 = arith.andi %get3A_672, %and3A_683 : vector<16xi32>
      %swap3A_685 = arith.constant 1 : i32
      %swap3A_686 = arith.index_cast %swap3A_685 : i32 to index
      %swap3A_687 = arith.constant 48 : index
      %swap3A_688 = tpu.vector_load %arg6[%swap3A_686, %swap3A_687] {strides = array<i32>} : memref<4x128xi32, #tpu.memory_space<vmem>>, vector<1x16xi32>,
      %swap3A_689 = vector.shape_cast %swap3A_688 : vector<1x16xi32> to vector<16xi32>
      %swap3A_690 = vector.shape_cast %and3A_684 : vector<16xi32> to vector<1x16xi32>
      tpu.vector_store %arg6[%swap3A_686, %swap3A_687], %swap3A_690 {strides = array<i32>} : memref<4x128xi32, #tpu.memory_space<vmem>>, vector<1x16xi32>,
      %get3A_691 = arith.index_cast %add3A_602 : i32 to index
      %get3A_692 = arith.constant 64 : index
      %get3A_693 = tpu.vector_load %arg5[%get3A_691, %get3A_692] {strides = array<i32>} : memref<111x128xi32, #tpu.memory_space<vmem>>, vector<1x16xi32>,
      %get3A_694 = vector.shape_cast %get3A_693 : vector<1x16xi32> to vector<16xi32>
      %shift_right_logical3A_695 = arith.constant 14 : i32
      %shift_right_logical3A_696 = vector.broadcast %shift_right_logical3A_695 : i32 to vector<16xi32>
      %shift_right_logical3A_697 = arith.shrui %get3A_694, %shift_right_logical3A_696 : vector<16xi32>
      %swap3A_698 = arith.constant 0 : i32
      %swap3A_699 = arith.index_cast %swap3A_698 : i32 to index
      %swap3A_700 = arith.constant 64 : index
      %swap3A_701 = tpu.vector_load %arg6[%swap3A_699, %swap3A_700] {strides = array<i32>} : memref<4x128xi32, #tpu.memory_space<vmem>>, vector<1x16xi32>,
      %swap3A_702 = vector.shape_cast %swap3A_701 : vector<1x16xi32> to vector<16xi32>
      %swap3A_703 = vector.shape_cast %shift_right_logical3A_697 : vector<16xi32> to vector<1x16xi32>
      tpu.vector_store %arg6[%swap3A_699, %swap3A_700], %swap3A_703 {strides = array<i32>} : memref<4x128xi32, #tpu.memory_space<vmem>>, vector<1x16xi32>,
      %and3A_704 = arith.constant 16383 : i32
      %and3A_705 = vector.broadcast %and3A_704 : i32 to vector<16xi32>
      %and3A_706 = arith.andi %get3A_694, %and3A_705 : vector<16xi32>
      %swap3A_707 = arith.constant 1 : i32
      %swap3A_708 = arith.index_cast %swap3A_707 : i32 to index
      %swap3A_709 = arith.constant 64 : index
      %swap3A_710 = tpu.vector_load %arg6[%swap3A_708, %swap3A_709] {strides = array<i32>} : memref<4x128xi32, #tpu.memory_space<vmem>>, vector<1x16xi32>,
      %swap3A_711 = vector.shape_cast %swap3A_710 : vector<1x16xi32> to vector<16xi32>
      %swap3A_712 = vector.shape_cast %and3A_706 : vector<16xi32> to vector<1x16xi32>
      tpu.vector_store %arg6[%swap3A_708, %swap3A_709], %swap3A_712 {strides = array<i32>} : memref<4x128xi32, #tpu.memory_space<vmem>>, vector<1x16xi32>,
      %get3A_713 = arith.index_cast %add3A_602 : i32 to index
      %get3A_714 = arith.constant 80 : index
      %get3A_715 = tpu.vector_load %arg5[%get3A_713, %get3A_714] {strides = array<i32>} : memref<111x128xi32, #tpu.memory_space<vmem>>, vector<1x16xi32>,
      %get3A_716 = vector.shape_cast %get3A_715 : vector<1x16xi32> to vector<16xi32>
      %shift_right_logical3A_717 = arith.constant 14 : i32
      %shift_right_logical3A_718 = vector.broadcast %shift_right_logical3A_717 : i32 to vector<16xi32>
      %shift_right_logical3A_719 = arith.shrui %get3A_716, %shift_right_logical3A_718 : vector<16xi32>
      %swap3A_720 = arith.constant 0 : i32
      %swap3A_721 = arith.index_cast %swap3A_720 : i32 to index
      %swap3A_722 = arith.constant 80 : index
      %swap3A_723 = tpu.vector_load %arg6[%swap3A_721, %swap3A_722] {strides = array<i32>} : memref<4x128xi32, #tpu.memory_space<vmem>>, vector<1x16xi32>,
      %swap3A_724 = vector.shape_cast %swap3A_723 : vector<1x16xi32> to vector<16xi32>
      %swap3A_725 = vector.shape_cast %shift_right_logical3A_719 : vector<16xi32> to vector<1x16xi32>
      tpu.vector_store %arg6[%swap3A_721, %swap3A_722], %swap3A_725 {strides = array<i32>} : memref<4x128xi32, #tpu.memory_space<vmem>>, vector<1x16xi32>,
      %and3A_726 = arith.constant 16383 : i32
      %and3A_727 = vector.broadcast %and3A_726 : i32 to vector<16xi32>
      %and3A_728 = arith.andi %get3A_716, %and3A_727 : vector<16xi32>
      %swap3A_729 = arith.constant 1 : i32
      %swap3A_730 = arith.index_cast %swap3A_729 : i32 to index
      %swap3A_731 = arith.constant 80 : index
      %swap3A_732 = tpu.vector_load %arg6[%swap3A_730, %swap3A_731] {strides = array<i32>} : memref<4x128xi32, #tpu.memory_space<vmem>>, vector<1x16xi32>,
      %swap3A_733 = vector.shape_cast %swap3A_732 : vector<1x16xi32> to vector<16xi32>
      %swap3A_734 = vector.shape_cast %and3A_728 : vector<16xi32> to vector<1x16xi32>
      tpu.vector_store %arg6[%swap3A_730, %swap3A_731], %swap3A_734 {strides = array<i32>} : memref<4x128xi32, #tpu.memory_space<vmem>>, vector<1x16xi32>,
      %get3A_735 = arith.index_cast %add3A_602 : i32 to index
      %get3A_736 = arith.constant 96 : index
      %get3A_737 = tpu.vector_load %arg5[%get3A_735, %get3A_736] {strides = array<i32>} : memref<111x128xi32, #tpu.memory_space<vmem>>, vector<1x16xi32>,
      %get3A_738 = vector.shape_cast %get3A_737 : vector<1x16xi32> to vector<16xi32>
      %shift_right_logical3A_739 = arith.constant 14 : i32
      %shift_right_logical3A_740 = vector.broadcast %shift_right_logical3A_739 : i32 to vector<16xi32>
      %shift_right_logical3A_741 = arith.shrui %get3A_738, %shift_right_logical3A_740 : vector<16xi32>
      %swap3A_742 = arith.constant 0 : i32
      %swap3A_743 = arith.index_cast %swap3A_742 : i32 to index
      %swap3A_744 = arith.constant 96 : index
      %swap3A_745 = tpu.vector_load %arg6[%swap3A_743, %swap3A_744] {strides = array<i32>} : memref<4x128xi32, #tpu.memory_space<vmem>>, vector<1x16xi32>,
      %swap3A_746 = vector.shape_cast %swap3A_745 : vector<1x16xi32> to vector<16xi32>
      %swap3A_747 = vector.shape_cast %shift_right_logical3A_741 : vector<16xi32> to vector<1x16xi32>
      tpu.vector_store %arg6[%swap3A_743, %swap3A_744], %swap3A_747 {strides = array<i32>} : memref<4x128xi32, #tpu.memory_space<vmem>>, vector<1x16xi32>,
      %and3A_748 = arith.constant 16383 : i32
      %and3A_749 = vector.broadcast %and3A_748 : i32 to vector<16xi32>
      %and3A_750 = arith.andi %get3A_738, %and3A_749 : vector<16xi32>
      %swap3A_751 = arith.constant 1 : i32
      %swap3A_752 = arith.index_cast %swap3A_751 : i32 to index
      %swap3A_753 = arith.constant 96 : index
      %swap3A_754 = tpu.vector_load %arg6[%swap3A_752, %swap3A_753] {strides = array<i32>} : memref<4x128xi32, #tpu.memory_space<vmem>>, vector<1x16xi32>,
      %swap3A_755 = vector.shape_cast %swap3A_754 : vector<1x16xi32> to vector<16xi32>
      %swap3A_756 = vector.shape_cast %and3A_750 : vector<16xi32> to vector<1x16xi32>
      tpu.vector_store %arg6[%swap3A_752, %swap3A_753], %swap3A_756 {strides = array<i32>} : memref<4x128xi32, #tpu.memory_space<vmem>>, vector<1x16xi32>,
      %get3A_757 = arith.index_cast %add3A_602 : i32 to index
      %get3A_758 = arith.constant 112 : index
      %get3A_759 = tpu.vector_load %arg5[%get3A_757, %get3A_758] {strides = array<i32>} : memref<111x128xi32, #tpu.memory_space<vmem>>, vector<1x16xi32>,
      %get3A_760 = vector.shape_cast %get3A_759 : vector<1x16xi32> to vector<16xi32>
      %shift_right_logical3A_761 = arith.constant 14 : i32
      %shift_right_logical3A_762 = vector.broadcast %shift_right_logical3A_761 : i32 to vector<16xi32>
      %shift_right_logical3A_763 = arith.shrui %get3A_760, %shift_right_logical3A_762 : vector<16xi32>
      %swap3A_764 = arith.constant 0 : i32
      %swap3A_765 = arith.index_cast %swap3A_764 : i32 to index
      %swap3A_766 = arith.constant 112 : index
      %swap3A_767 = tpu.vector_load %arg6[%swap3A_765, %swap3A_766] {strides = array<i32>} : memref<4x128xi32, #tpu.memory_space<vmem>>, vector<1x16xi32>,
      %swap3A_768 = vector.shape_cast %swap3A_767 : vector<1x16xi32> to vector<16xi32>
      %swap3A_769 = vector.shape_cast %shift_right_logical3A_763 : vector<16xi32> to vector<1x16xi32>
      tpu.vector_store %arg6[%swap3A_765, %swap3A_766], %swap3A_769 {strides = array<i32>} : memref<4x128xi32, #tpu.memory_space<vmem>>, vector<1x16xi32>,
      %and3A_770 = arith.constant 16383 : i32
      %and3A_771 = vector.broadcast %and3A_770 : i32 to vector<16xi32>
      %and3A_772 = arith.andi %get3A_760, %and3A_771 : vector<16xi32>
      %swap3A_773 = arith.constant 1 : i32
      %swap3A_774 = arith.index_cast %swap3A_773 : i32 to index
      %swap3A_775 = arith.constant 112 : index
      %swap3A_776 = tpu.vector_load %arg6[%swap3A_774, %swap3A_775] {strides = array<i32>} : memref<4x128xi32, #tpu.memory_space<vmem>>, vector<1x16xi32>,
      %swap3A_777 = vector.shape_cast %swap3A_776 : vector<1x16xi32> to vector<16xi32>
      %swap3A_778 = vector.shape_cast %and3A_772 : vector<16xi32> to vector<1x16xi32>
      tpu.vector_store %arg6[%swap3A_774, %swap3A_775], %swap3A_778 {strides = array<i32>} : memref<4x128xi32, #tpu.memory_space<vmem>>, vector<1x16xi32>,
      %dma_start3A_779 = arith.constant 0 : i32
      %dma_start3A_780 = arith.constant 0 : i32
      %dma_start3A_781 = tpu.memref_slice %arg6[%dma_start3A_779, %dma_start3A_780] : memref<4x128xi32, #tpu.memory_space<vmem>> -> memref<1x128xi32, #tpu.memory_space<vmem>>
      %dma_start3A_782 = tpu.memref_squeeze %dma_start3A_781 : memref<1x128xi32, #tpu.memory_space<vmem>> -> memref<128xi32, #tpu.memory_space<vmem>>
      %dma_start3A_783 = arith.constant 0 : i32
      %dma_start3A_784 = arith.constant 0 : i32
      %dma_start3A_785 = tpu.memref_slice %arg2[%dma_start3A_783, %dma_start3A_784] : memref<10240x128xf32, #tpu.memory_space<hbm>> -> memref<10240x128xf32, #tpu.memory_space<hbm>>
      tpu.enqueue_indirect_dma source(%dma_start3A_785 : memref<10240x128xf32, #tpu.memory_space<hbm>>) target(%arg7 : memref<128x128xf32, #tpu.memory_space<vmem>>) offsets(%dma_start3A_782 : memref<128xi32, #tpu.memory_space<vmem>>) semaphore(%arg10 : memref<!tpu.dma_semaphore, #tpu.memory_space<semaphore_mem>>)
      %dma_wait3A_786 = arith.constant 2 : i32
      %dma_wait3A_787 = arith.constant 0 : i32
      %dma_wait3A_788 = tpu.memref_slice %arg6[%dma_wait3A_786, %dma_wait3A_787] : memref<4x128xi32, #tpu.memory_space<vmem>> -> memref<1x128xi32, #tpu.memory_space<vmem>>
      %dma_wait3A_789 = tpu.memref_squeeze %dma_wait3A_788 : memref<1x128xi32, #tpu.memory_space<vmem>> -> memref<128xi32, #tpu.memory_space<vmem>>
      %dma_wait3A_790 = arith.constant 0 : i32
      %dma_wait3A_791 = arith.constant 0 : i32
      %dma_wait3A_792 = tpu.memref_slice %arg2[%dma_wait3A_790, %dma_wait3A_791] : memref<10240x128xf32, #tpu.memory_space<hbm>> -> memref<10240x128xf32, #tpu.memory_space<hbm>>
      tpu.wait_indirect_dma semaphore(%arg11 : memref<!tpu.dma_semaphore, #tpu.memory_space<semaphore_mem>>) src(%dma_wait3A_792 : memref<10240x128xf32, #tpu.memory_space<hbm>>) dst(%arg8 : memref<128x128xf32, #tpu.memory_space<vmem>>)
      %run_scoped3A_793 = arith.constant 3 : i32
      "tpu.region"() ({
        %run_scoped3A_794 = tpu.sem_alloc : memref<!tpu.dma_semaphore, #tpu.memory_space<semaphore_mem>>
        %dma_start3A_795 = arith.constant 0 : i32
        %dma_start3A_796 = tpu.memref_slice %arg6[%run_scoped3A_793, %dma_start3A_795] : memref<4x128xi32, #tpu.memory_space<vmem>> -> memref<1x128xi32, #tpu.memory_space<vmem>>
        %dma_start3A_797 = tpu.memref_squeeze %dma_start3A_796 : memref<1x128xi32, #tpu.memory_space<vmem>> -> memref<128xi32, #tpu.memory_space<vmem>>
        %dma_start3A_798 = arith.constant 0 : i32
        %dma_start3A_799 = arith.constant 0 : i32
        %dma_start3A_800 = tpu.memref_slice %arg9[%dma_start3A_798, %dma_start3A_799] : memref<10240x128xf32, #tpu.memory_space<vmem_shared>> -> memref<10240x128xf32, #tpu.memory_space<vmem_shared>>
        tpu.enqueue_indirect_dma source(%arg8 : memref<128x128xf32, #tpu.memory_space<vmem>>) target(%dma_start3A_800 : memref<10240x128xf32, #tpu.memory_space<vmem_shared>>) offsets(%dma_start3A_797 : memref<128xi32, #tpu.memory_space<vmem>>) semaphore(%run_scoped3A_794 : memref<!tpu.dma_semaphore, #tpu.memory_space<semaphore_mem>>) {add = true}
        %dma_wait3A_801 = arith.constant 0 : i32
        %dma_wait3A_802 = tpu.memref_slice %arg6[%run_scoped3A_793, %dma_wait3A_801] : memref<4x128xi32, #tpu.memory_space<vmem>> -> memref<1x128xi32, #tpu.memory_space<vmem>>
        %dma_wait3A_803 = tpu.memref_squeeze %dma_wait3A_802 : memref<1x128xi32, #tpu.memory_space<vmem>> -> memref<128xi32, #tpu.memory_space<vmem>>
        %dma_wait3A_804 = arith.constant 0 : i32
        %dma_wait3A_805 = arith.constant 0 : i32
        %dma_wait3A_806 = tpu.memref_slice %arg9[%dma_wait3A_804, %dma_wait3A_805] : memref<10240x128xf32, #tpu.memory_space<vmem_shared>> -> memref<10240x128xf32, #tpu.memory_space<vmem_shared>>
        tpu.wait_indirect_dma semaphore(%run_scoped3A_794 : memref<!tpu.dma_semaphore, #tpu.memory_space<semaphore_mem>>) src(%arg8 : memref<128x128xf32, #tpu.memory_space<vmem>>) dst(%dma_wait3A_806 : memref<10240x128xf32, #tpu.memory_space<vmem_shared>>)
        tpu.yield
      }) : () -> ()
    }
    %while3A_261 = arith.constant 1 : i32
    scf.for %while3A_405 = %while3A_259 to %while3A_255 step %while3A_261  : i32 {
      %mul3A_406 = arith.constant 2 : i32
      %mul3A_407 = arith.muli %mul3A_406, %while3A_405 : i32
      %add3A_408 = arith.constant 1 : i32
      %add3A_409 = arith.addi %mul3A_407, %add3A_408 : i32
      %get3A_410 = arith.index_cast %add3A_409 : i32 to index
      %get3A_411 = arith.constant 0 : index
      %get3A_412 = tpu.vector_load %arg5[%get3A_410, %get3A_411] {strides = array<i32>} : memref<111x128xi32, #tpu.memory_space<vmem>>, vector<1x16xi32>,
      %get3A_413 = vector.shape_cast %get3A_412 : vector<1x16xi32> to vector<16xi32>
      %shift_right_logical3A_414 = arith.constant 14 : i32
      %shift_right_logical3A_415 = vector.broadcast %shift_right_logical3A_414 : i32 to vector<16xi32>
      %shift_right_logical3A_416 = arith.shrui %get3A_413, %shift_right_logical3A_415 : vector<16xi32>
      %swap3A_417 = arith.constant 2 : i32
      %swap3A_418 = arith.index_cast %swap3A_417 : i32 to index
      %swap3A_419 = arith.constant 0 : index
      %swap3A_420 = tpu.vector_load %arg6[%swap3A_418, %swap3A_419] {strides = array<i32>} : memref<4x128xi32, #tpu.memory_space<vmem>>, vector<1x16xi32>,
      %swap3A_421 = vector.shape_cast %swap3A_420 : vector<1x16xi32> to vector<16xi32>
      %swap3A_422 = vector.shape_cast %shift_right_logical3A_416 : vector<16xi32> to vector<1x16xi32>
      tpu.vector_store %arg6[%swap3A_418, %swap3A_419], %swap3A_422 {strides = array<i32>} : memref<4x128xi32, #tpu.memory_space<vmem>>, vector<1x16xi32>,
      %and3A_423 = arith.constant 16383 : i32
      %and3A_424 = vector.broadcast %and3A_423 : i32 to vector<16xi32>
      %and3A_425 = arith.andi %get3A_413, %and3A_424 : vector<16xi32>
      %swap3A_426 = arith.constant 3 : i32
      %swap3A_427 = arith.index_cast %swap3A_426 : i32 to index
      %swap3A_428 = arith.constant 0 : index
      %swap3A_429 = tpu.vector_load %arg6[%swap3A_427, %swap3A_428] {strides = array<i32>} : memref<4x128xi32, #tpu.memory_space<vmem>>, vector<1x16xi32>,
      %swap3A_430 = vector.shape_cast %swap3A_429 : vector<1x16xi32> to vector<16xi32>
      %swap3A_431 = vector.shape_cast %and3A_425 : vector<16xi32> to vector<1x16xi32>
      tpu.vector_store %arg6[%swap3A_427, %swap3A_428], %swap3A_431 {strides = array<i32>} : memref<4x128xi32, #tpu.memory_space<vmem>>, vector<1x16xi32>,
      %get3A_432 = arith.index_cast %add3A_409 : i32 to index
      %get3A_433 = arith.constant 16 : index
      %get3A_434 = tpu.vector_load %arg5[%get3A_432, %get3A_433] {strides = array<i32>} : memref<111x128xi32, #tpu.memory_space<vmem>>, vector<1x16xi32>,
      %get3A_435 = vector.shape_cast %get3A_434 : vector<1x16xi32> to vector<16xi32>
      %shift_right_logical3A_436 = arith.constant 14 : i32
      %shift_right_logical3A_437 = vector.broadcast %shift_right_logical3A_436 : i32 to vector<16xi32>
      %shift_right_logical3A_438 = arith.shrui %get3A_435, %shift_right_logical3A_437 : vector<16xi32>
      %swap3A_439 = arith.constant 2 : i32
      %swap3A_440 = arith.index_cast %swap3A_439 : i32 to index
      %swap3A_441 = arith.constant 16 : index
      %swap3A_442 = tpu.vector_load %arg6[%swap3A_440, %swap3A_441] {strides = array<i32>} : memref<4x128xi32, #tpu.memory_space<vmem>>, vector<1x16xi32>,
      %swap3A_443 = vector.shape_cast %swap3A_442 : vector<1x16xi32> to vector<16xi32>
      %swap3A_444 = vector.shape_cast %shift_right_logical3A_438 : vector<16xi32> to vector<1x16xi32>
      tpu.vector_store %arg6[%swap3A_440, %swap3A_441], %swap3A_444 {strides = array<i32>} : memref<4x128xi32, #tpu.memory_space<vmem>>, vector<1x16xi32>,
      %and3A_445 = arith.constant 16383 : i32
      %and3A_446 = vector.broadcast %and3A_445 : i32 to vector<16xi32>
      %and3A_447 = arith.andi %get3A_435, %and3A_446 : vector<16xi32>
      %swap3A_448 = arith.constant 3 : i32
      %swap3A_449 = arith.index_cast %swap3A_448 : i32 to index
      %swap3A_450 = arith.constant 16 : index
      %swap3A_451 = tpu.vector_load %arg6[%swap3A_449, %swap3A_450] {strides = array<i32>} : memref<4x128xi32, #tpu.memory_space<vmem>>, vector<1x16xi32>,
      %swap3A_452 = vector.shape_cast %swap3A_451 : vector<1x16xi32> to vector<16xi32>
      %swap3A_453 = vector.shape_cast %and3A_447 : vector<16xi32> to vector<1x16xi32>
      tpu.vector_store %arg6[%swap3A_449, %swap3A_450], %swap3A_453 {strides = array<i32>} : memref<4x128xi32, #tpu.memory_space<vmem>>, vector<1x16xi32>,
      %get3A_454 = arith.index_cast %add3A_409 : i32 to index
      %get3A_455 = arith.constant 32 : index
      %get3A_456 = tpu.vector_load %arg5[%get3A_454, %get3A_455] {strides = array<i32>} : memref<111x128xi32, #tpu.memory_space<vmem>>, vector<1x16xi32>,
      %get3A_457 = vector.shape_cast %get3A_456 : vector<1x16xi32> to vector<16xi32>
      %shift_right_logical3A_458 = arith.constant 14 : i32
      %shift_right_logical3A_459 = vector.broadcast %shift_right_logical3A_458 : i32 to vector<16xi32>
      %shift_right_logical3A_460 = arith.shrui %get3A_457, %shift_right_logical3A_459 : vector<16xi32>
      %swap3A_461 = arith.constant 2 : i32
      %swap3A_462 = arith.index_cast %swap3A_461 : i32 to index
      %swap3A_463 = arith.constant 32 : index
      %swap3A_464 = tpu.vector_load %arg6[%swap3A_462, %swap3A_463] {strides = array<i32>} : memref<4x128xi32, #tpu.memory_space<vmem>>, vector<1x16xi32>,
      %swap3A_465 = vector.shape_cast %swap3A_464 : vector<1x16xi32> to vector<16xi32>
      %swap3A_466 = vector.shape_cast %shift_right_logical3A_460 : vector<16xi32> to vector<1x16xi32>
      tpu.vector_store %arg6[%swap3A_462, %swap3A_463], %swap3A_466 {strides = array<i32>} : memref<4x128xi32, #tpu.memory_space<vmem>>, vector<1x16xi32>,
      %and3A_467 = arith.constant 16383 : i32
      %and3A_468 = vector.broadcast %and3A_467 : i32 to vector<16xi32>
      %and3A_469 = arith.andi %get3A_457, %and3A_468 : vector<16xi32>
      %swap3A_470 = arith.constant 3 : i32
      %swap3A_471 = arith.index_cast %swap3A_470 : i32 to index
      %swap3A_472 = arith.constant 32 : index
      %swap3A_473 = tpu.vector_load %arg6[%swap3A_471, %swap3A_472] {strides = array<i32>} : memref<4x128xi32, #tpu.memory_space<vmem>>, vector<1x16xi32>,
      %swap3A_474 = vector.shape_cast %swap3A_473 : vector<1x16xi32> to vector<16xi32>
      %swap3A_475 = vector.shape_cast %and3A_469 : vector<16xi32> to vector<1x16xi32>
      tpu.vector_store %arg6[%swap3A_471, %swap3A_472], %swap3A_475 {strides = array<i32>} : memref<4x128xi32, #tpu.memory_space<vmem>>, vector<1x16xi32>,
      %get3A_476 = arith.index_cast %add3A_409 : i32 to index
      %get3A_477 = arith.constant 48 : index
      %get3A_478 = tpu.vector_load %arg5[%get3A_476, %get3A_477] {strides = array<i32>} : memref<111x128xi32, #tpu.memory_space<vmem>>, vector<1x16xi32>,
      %get3A_479 = vector.shape_cast %get3A_478 : vector<1x16xi32> to vector<16xi32>
      %shift_right_logical3A_480 = arith.constant 14 : i32
      %shift_right_logical3A_481 = vector.broadcast %shift_right_logical3A_480 : i32 to vector<16xi32>
      %shift_right_logical3A_482 = arith.shrui %get3A_479, %shift_right_logical3A_481 : vector<16xi32>
      %swap3A_483 = arith.constant 2 : i32
      %swap3A_484 = arith.index_cast %swap3A_483 : i32 to index
      %swap3A_485 = arith.constant 48 : index
      %swap3A_486 = tpu.vector_load %arg6[%swap3A_484, %swap3A_485] {strides = array<i32>} : memref<4x128xi32, #tpu.memory_space<vmem>>, vector<1x16xi32>,
      %swap3A_487 = vector.shape_cast %swap3A_486 : vector<1x16xi32> to vector<16xi32>
      %swap3A_488 = vector.shape_cast %shift_right_logical3A_482 : vector<16xi32> to vector<1x16xi32>
      tpu.vector_store %arg6[%swap3A_484, %swap3A_485], %swap3A_488 {strides = array<i32>} : memref<4x128xi32, #tpu.memory_space<vmem>>, vector<1x16xi32>,
      %and3A_489 = arith.constant 16383 : i32
      %and3A_490 = vector.broadcast %and3A_489 : i32 to vector<16xi32>
      %and3A_491 = arith.andi %get3A_479, %and3A_490 : vector<16xi32>
      %swap3A_492 = arith.constant 3 : i32
      %swap3A_493 = arith.index_cast %swap3A_492 : i32 to index
      %swap3A_494 = arith.constant 48 : index
      %swap3A_495 = tpu.vector_load %arg6[%swap3A_493, %swap3A_494] {strides = array<i32>} : memref<4x128xi32, #tpu.memory_space<vmem>>, vector<1x16xi32>,
      %swap3A_496 = vector.shape_cast %swap3A_495 : vector<1x16xi32> to vector<16xi32>
      %swap3A_497 = vector.shape_cast %and3A_491 : vector<16xi32> to vector<1x16xi32>
      tpu.vector_store %arg6[%swap3A_493, %swap3A_494], %swap3A_497 {strides = array<i32>} : memref<4x128xi32, #tpu.memory_space<vmem>>, vector<1x16xi32>,
      %get3A_498 = arith.index_cast %add3A_409 : i32 to index
      %get3A_499 = arith.constant 64 : index
      %get3A_500 = tpu.vector_load %arg5[%get3A_498, %get3A_499] {strides = array<i32>} : memref<111x128xi32, #tpu.memory_space<vmem>>, vector<1x16xi32>,
      %get3A_501 = vector.shape_cast %get3A_500 : vector<1x16xi32> to vector<16xi32>
      %shift_right_logical3A_502 = arith.constant 14 : i32
      %shift_right_logical3A_503 = vector.broadcast %shift_right_logical3A_502 : i32 to vector<16xi32>
      %shift_right_logical3A_504 = arith.shrui %get3A_501, %shift_right_logical3A_503 : vector<16xi32>
      %swap3A_505 = arith.constant 2 : i32
      %swap3A_506 = arith.index_cast %swap3A_505 : i32 to index
      %swap3A_507 = arith.constant 64 : index
      %swap3A_508 = tpu.vector_load %arg6[%swap3A_506, %swap3A_507] {strides = array<i32>} : memref<4x128xi32, #tpu.memory_space<vmem>>, vector<1x16xi32>,
      %swap3A_509 = vector.shape_cast %swap3A_508 : vector<1x16xi32> to vector<16xi32>
      %swap3A_510 = vector.shape_cast %shift_right_logical3A_504 : vector<16xi32> to vector<1x16xi32>
      tpu.vector_store %arg6[%swap3A_506, %swap3A_507], %swap3A_510 {strides = array<i32>} : memref<4x128xi32, #tpu.memory_space<vmem>>, vector<1x16xi32>,
      %and3A_511 = arith.constant 16383 : i32
      %and3A_512 = vector.broadcast %and3A_511 : i32 to vector<16xi32>
      %and3A_513 = arith.andi %get3A_501, %and3A_512 : vector<16xi32>
      %swap3A_514 = arith.constant 3 : i32
      %swap3A_515 = arith.index_cast %swap3A_514 : i32 to index
      %swap3A_516 = arith.constant 64 : index
      %swap3A_517 = tpu.vector_load %arg6[%swap3A_515, %swap3A_516] {strides = array<i32>} : memref<4x128xi32, #tpu.memory_space<vmem>>, vector<1x16xi32>,
      %swap3A_518 = vector.shape_cast %swap3A_517 : vector<1x16xi32> to vector<16xi32>
      %swap3A_519 = vector.shape_cast %and3A_513 : vector<16xi32> to vector<1x16xi32>
      tpu.vector_store %arg6[%swap3A_515, %swap3A_516], %swap3A_519 {strides = array<i32>} : memref<4x128xi32, #tpu.memory_space<vmem>>, vector<1x16xi32>,
      %get3A_520 = arith.index_cast %add3A_409 : i32 to index
      %get3A_521 = arith.constant 80 : index
      %get3A_522 = tpu.vector_load %arg5[%get3A_520, %get3A_521] {strides = array<i32>} : memref<111x128xi32, #tpu.memory_space<vmem>>, vector<1x16xi32>,
      %get3A_523 = vector.shape_cast %get3A_522 : vector<1x16xi32> to vector<16xi32>
      %shift_right_logical3A_524 = arith.constant 14 : i32
      %shift_right_logical3A_525 = vector.broadcast %shift_right_logical3A_524 : i32 to vector<16xi32>
      %shift_right_logical3A_526 = arith.shrui %get3A_523, %shift_right_logical3A_525 : vector<16xi32>
      %swap3A_527 = arith.constant 2 : i32
      %swap3A_528 = arith.index_cast %swap3A_527 : i32 to index
      %swap3A_529 = arith.constant 80 : index
      %swap3A_530 = tpu.vector_load %arg6[%swap3A_528, %swap3A_529] {strides = array<i32>} : memref<4x128xi32, #tpu.memory_space<vmem>>, vector<1x16xi32>,
      %swap3A_531 = vector.shape_cast %swap3A_530 : vector<1x16xi32> to vector<16xi32>
      %swap3A_532 = vector.shape_cast %shift_right_logical3A_526 : vector<16xi32> to vector<1x16xi32>
      tpu.vector_store %arg6[%swap3A_528, %swap3A_529], %swap3A_532 {strides = array<i32>} : memref<4x128xi32, #tpu.memory_space<vmem>>, vector<1x16xi32>,
      %and3A_533 = arith.constant 16383 : i32
      %and3A_534 = vector.broadcast %and3A_533 : i32 to vector<16xi32>
      %and3A_535 = arith.andi %get3A_523, %and3A_534 : vector<16xi32>
      %swap3A_536 = arith.constant 3 : i32
      %swap3A_537 = arith.index_cast %swap3A_536 : i32 to index
      %swap3A_538 = arith.constant 80 : index
      %swap3A_539 = tpu.vector_load %arg6[%swap3A_537, %swap3A_538] {strides = array<i32>} : memref<4x128xi32, #tpu.memory_space<vmem>>, vector<1x16xi32>,
      %swap3A_540 = vector.shape_cast %swap3A_539 : vector<1x16xi32> to vector<16xi32>
      %swap3A_541 = vector.shape_cast %and3A_535 : vector<16xi32> to vector<1x16xi32>
      tpu.vector_store %arg6[%swap3A_537, %swap3A_538], %swap3A_541 {strides = array<i32>} : memref<4x128xi32, #tpu.memory_space<vmem>>, vector<1x16xi32>,
      %get3A_542 = arith.index_cast %add3A_409 : i32 to index
      %get3A_543 = arith.constant 96 : index
      %get3A_544 = tpu.vector_load %arg5[%get3A_542, %get3A_543] {strides = array<i32>} : memref<111x128xi32, #tpu.memory_space<vmem>>, vector<1x16xi32>,
      %get3A_545 = vector.shape_cast %get3A_544 : vector<1x16xi32> to vector<16xi32>
      %shift_right_logical3A_546 = arith.constant 14 : i32
      %shift_right_logical3A_547 = vector.broadcast %shift_right_logical3A_546 : i32 to vector<16xi32>
      %shift_right_logical3A_548 = arith.shrui %get3A_545, %shift_right_logical3A_547 : vector<16xi32>
      %swap3A_549 = arith.constant 2 : i32
      %swap3A_550 = arith.index_cast %swap3A_549 : i32 to index
      %swap3A_551 = arith.constant 96 : index
      %swap3A_552 = tpu.vector_load %arg6[%swap3A_550, %swap3A_551] {strides = array<i32>} : memref<4x128xi32, #tpu.memory_space<vmem>>, vector<1x16xi32>,
      %swap3A_553 = vector.shape_cast %swap3A_552 : vector<1x16xi32> to vector<16xi32>
      %swap3A_554 = vector.shape_cast %shift_right_logical3A_548 : vector<16xi32> to vector<1x16xi32>
      tpu.vector_store %arg6[%swap3A_550, %swap3A_551], %swap3A_554 {strides = array<i32>} : memref<4x128xi32, #tpu.memory_space<vmem>>, vector<1x16xi32>,
      %and3A_555 = arith.constant 16383 : i32
      %and3A_556 = vector.broadcast %and3A_555 : i32 to vector<16xi32>
      %and3A_557 = arith.andi %get3A_545, %and3A_556 : vector<16xi32>
      %swap3A_558 = arith.constant 3 : i32
      %swap3A_559 = arith.index_cast %swap3A_558 : i32 to index
      %swap3A_560 = arith.constant 96 : index
      %swap3A_561 = tpu.vector_load %arg6[%swap3A_559, %swap3A_560] {strides = array<i32>} : memref<4x128xi32, #tpu.memory_space<vmem>>, vector<1x16xi32>,
      %swap3A_562 = vector.shape_cast %swap3A_561 : vector<1x16xi32> to vector<16xi32>
      %swap3A_563 = vector.shape_cast %and3A_557 : vector<16xi32> to vector<1x16xi32>
      tpu.vector_store %arg6[%swap3A_559, %swap3A_560], %swap3A_563 {strides = array<i32>} : memref<4x128xi32, #tpu.memory_space<vmem>>, vector<1x16xi32>,
      %get3A_564 = arith.index_cast %add3A_409 : i32 to index
      %get3A_565 = arith.constant 112 : index
      %get3A_566 = tpu.vector_load %arg5[%get3A_564, %get3A_565] {strides = array<i32>} : memref<111x128xi32, #tpu.memory_space<vmem>>, vector<1x16xi32>,
      %get3A_567 = vector.shape_cast %get3A_566 : vector<1x16xi32> to vector<16xi32>
      %shift_right_logical3A_568 = arith.constant 14 : i32
      %shift_right_logical3A_569 = vector.broadcast %shift_right_logical3A_568 : i32 to vector<16xi32>
      %shift_right_logical3A_570 = arith.shrui %get3A_567, %shift_right_logical3A_569 : vector<16xi32>
      %swap3A_571 = arith.constant 2 : i32
      %swap3A_572 = arith.index_cast %swap3A_571 : i32 to index
      %swap3A_573 = arith.constant 112 : index
      %swap3A_574 = tpu.vector_load %arg6[%swap3A_572, %swap3A_573] {strides = array<i32>} : memref<4x128xi32, #tpu.memory_space<vmem>>, vector<1x16xi32>,
      %swap3A_575 = vector.shape_cast %swap3A_574 : vector<1x16xi32> to vector<16xi32>
      %swap3A_576 = vector.shape_cast %shift_right_logical3A_570 : vector<16xi32> to vector<1x16xi32>
      tpu.vector_store %arg6[%swap3A_572, %swap3A_573], %swap3A_576 {strides = array<i32>} : memref<4x128xi32, #tpu.memory_space<vmem>>, vector<1x16xi32>,
      %and3A_577 = arith.constant 16383 : i32
      %and3A_578 = vector.broadcast %and3A_577 : i32 to vector<16xi32>
      %and3A_579 = arith.andi %get3A_567, %and3A_578 : vector<16xi32>
      %swap3A_580 = arith.constant 3 : i32
      %swap3A_581 = arith.index_cast %swap3A_580 : i32 to index
      %swap3A_582 = arith.constant 112 : index
      %swap3A_583 = tpu.vector_load %arg6[%swap3A_581, %swap3A_582] {strides = array<i32>} : memref<4x128xi32, #tpu.memory_space<vmem>>, vector<1x16xi32>,
      %swap3A_584 = vector.shape_cast %swap3A_583 : vector<1x16xi32> to vector<16xi32>
      %swap3A_585 = vector.shape_cast %and3A_579 : vector<16xi32> to vector<1x16xi32>
      tpu.vector_store %arg6[%swap3A_581, %swap3A_582], %swap3A_585 {strides = array<i32>} : memref<4x128xi32, #tpu.memory_space<vmem>>, vector<1x16xi32>,
      %dma_start3A_586 = arith.constant 2 : i32
      %dma_start3A_587 = arith.constant 0 : i32
      %dma_start3A_588 = tpu.memref_slice %arg6[%dma_start3A_586, %dma_start3A_587] : memref<4x128xi32, #tpu.memory_space<vmem>> -> memref<1x128xi32, #tpu.memory_space<vmem>>
      %dma_start3A_589 = tpu.memref_squeeze %dma_start3A_588 : memref<1x128xi32, #tpu.memory_space<vmem>> -> memref<128xi32, #tpu.memory_space<vmem>>
      %dma_start3A_590 = arith.constant 0 : i32
      %dma_start3A_591 = arith.constant 0 : i32
      %dma_start3A_592 = tpu.memref_slice %arg2[%dma_start3A_590, %dma_start3A_591] : memref<10240x128xf32, #tpu.memory_space<hbm>> -> memref<10240x128xf32, #tpu.memory_space<hbm>>
      tpu.enqueue_indirect_dma source(%dma_start3A_592 : memref<10240x128xf32, #tpu.memory_space<hbm>>) target(%arg8 : memref<128x128xf32, #tpu.memory_space<vmem>>) offsets(%dma_start3A_589 : memref<128xi32, #tpu.memory_space<vmem>>) semaphore(%arg11 : memref<!tpu.dma_semaphore, #tpu.memory_space<semaphore_mem>>)
      %dma_wait3A_593 = arith.constant 0 : i32
      %dma_wait3A_594 = arith.constant 0 : i32
      %dma_wait3A_595 = tpu.memref_slice %arg6[%dma_wait3A_593, %dma_wait3A_594] : memref<4x128xi32, #tpu.memory_space<vmem>> -> memref<1x128xi32, #tpu.memory_space<vmem>>
      %dma_wait3A_596 = tpu.memref_squeeze %dma_wait3A_595 : memref<1x128xi32, #tpu.memory_space<vmem>> -> memref<128xi32, #tpu.memory_space<vmem>>
      %dma_wait3A_597 = arith.constant 0 : i32
      %dma_wait3A_598 = arith.constant 0 : i32
      %dma_wait3A_599 = tpu.memref_slice %arg2[%dma_wait3A_597, %dma_wait3A_598] : memref<10240x128xf32, #tpu.memory_space<hbm>> -> memref<10240x128xf32, #tpu.memory_space<hbm>>
      tpu.wait_indirect_dma semaphore(%arg10 : memref<!tpu.dma_semaphore, #tpu.memory_space<semaphore_mem>>) src(%dma_wait3A_599 : memref<10240x128xf32, #tpu.memory_space<hbm>>) dst(%arg7 : memref<128x128xf32, #tpu.memory_space<vmem>>)
      %run_scoped3A_600 = arith.constant 1 : i32
      "tpu.region"() ({
        %run_scoped3A_794 = tpu.sem_alloc : memref<!tpu.dma_semaphore, #tpu.memory_space<semaphore_mem>>
        %dma_start3A_795 = arith.constant 0 : i32
        %dma_start3A_796 = tpu.memref_slice %arg6[%run_scoped3A_600, %dma_start3A_795] : memref<4x128xi32, #tpu.memory_space<vmem>> -> memref<1x128xi32, #tpu.memory_space<vmem>>
        %dma_start3A_797 = tpu.memref_squeeze %dma_start3A_796 : memref<1x128xi32, #tpu.memory_space<vmem>> -> memref<128xi32, #tpu.memory_space<vmem>>
        %dma_start3A_798 = arith.constant 0 : i32
        %dma_start3A_799 = arith.constant 0 : i32
        %dma_start3A_800 = tpu.memref_slice %arg9[%dma_start3A_798, %dma_start3A_799] : memref<10240x128xf32, #tpu.memory_space<vmem_shared>> -> memref<10240x128xf32, #tpu.memory_space<vmem_shared>>
        tpu.enqueue_indirect_dma source(%arg7 : memref<128x128xf32, #tpu.memory_space<vmem>>) target(%dma_start3A_800 : memref<10240x128xf32, #tpu.memory_space<vmem_shared>>) offsets(%dma_start3A_797 : memref<128xi32, #tpu.memory_space<vmem>>) semaphore(%run_scoped3A_794 : memref<!tpu.dma_semaphore, #tpu.memory_space<semaphore_mem>>) {add = true}
        %dma_wait3A_801 = arith.constant 0 : i32
        %dma_wait3A_802 = tpu.memref_slice %arg6[%run_scoped3A_600, %dma_wait3A_801] : memref<4x128xi32, #tpu.memory_space<vmem>> -> memref<1x128xi32, #tpu.memory_space<vmem>>
        %dma_wait3A_803 = tpu.memref_squeeze %dma_wait3A_802 : memref<1x128xi32, #tpu.memory_space<vmem>> -> memref<128xi32, #tpu.memory_space<vmem>>
        %dma_wait3A_804 = arith.constant 0 : i32
        %dma_wait3A_805 = arith.constant 0 : i32
        %dma_wait3A_806 = tpu.memref_slice %arg9[%dma_wait3A_804, %dma_wait3A_805] : memref<10240x128xf32, #tpu.memory_space<vmem_shared>> -> memref<10240x128xf32, #tpu.memory_space<vmem_shared>>
        tpu.wait_indirect_dma semaphore(%run_scoped3A_794 : memref<!tpu.dma_semaphore, #tpu.memory_space<semaphore_mem>>) src(%arg7 : memref<128x128xf32, #tpu.memory_space<vmem>>) dst(%dma_wait3A_806 : memref<10240x128xf32, #tpu.memory_space<vmem_shared>>)
        tpu.yield
      }) : () -> ()
      %add3A_601 = arith.constant 1 : i32
      %add3A_602 = arith.addi %add3A_409, %add3A_601 : i32
      %get3A_603 = arith.index_cast %add3A_602 : i32 to index
      %get3A_604 = arith.constant 0 : index
      %get3A_605 = tpu.vector_load %arg5[%get3A_603, %get3A_604] {strides = array<i32>} : memref<111x128xi32, #tpu.memory_space<vmem>>, vector<1x16xi32>,
      %get3A_606 = vector.shape_cast %get3A_605 : vector<1x16xi32> to vector<16xi32>
      %shift_right_logical3A_607 = arith.constant 14 : i32
      %shift_right_logical3A_608 = vector.broadcast %shift_right_logical3A_607 : i32 to vector<16xi32>
      %shift_right_logical3A_609 = arith.shrui %get3A_606, %shift_right_logical3A_608 : vector<16xi32>
      %swap3A_610 = arith.constant 0 : i32
      %swap3A_611 = arith.index_cast %swap3A_610 : i32 to index
      %swap3A_612 = arith.constant 0 : index
      %swap3A_613 = tpu.vector_load %arg6[%swap3A_611, %swap3A_612] {strides = array<i32>} : memref<4x128xi32, #tpu.memory_space<vmem>>, vector<1x16xi32>,
      %swap3A_614 = vector.shape_cast %swap3A_613 : vector<1x16xi32> to vector<16xi32>
      %swap3A_615 = vector.shape_cast %shift_right_logical3A_609 : vector<16xi32> to vector<1x16xi32>
      tpu.vector_store %arg6[%swap3A_611, %swap3A_612], %swap3A_615 {strides = array<i32>} : memref<4x128xi32, #tpu.memory_space<vmem>>, vector<1x16xi32>,
      %and3A_616 = arith.constant 16383 : i32
      %and3A_617 = vector.broadcast %and3A_616 : i32 to vector<16xi32>
      %and3A_618 = arith.andi %get3A_606, %and3A_617 : vector<16xi32>
      %swap3A_619 = arith.constant 1 : i32
      %swap3A_620 = arith.index_cast %swap3A_619 : i32 to index
      %swap3A_621 = arith.constant 0 : index
      %swap3A_622 = tpu.vector_load %arg6[%swap3A_620, %swap3A_621] {strides = array<i32>} : memref<4x128xi32, #tpu.memory_space<vmem>>, vector<1x16xi32>,
      %swap3A_623 = vector.shape_cast %swap3A_622 : vector<1x16xi32> to vector<16xi32>
      %swap3A_624 = vector.shape_cast %and3A_618 : vector<16xi32> to vector<1x16xi32>
      tpu.vector_store %arg6[%swap3A_620, %swap3A_621], %swap3A_624 {strides = array<i32>} : memref<4x128xi32, #tpu.memory_space<vmem>>, vector<1x16xi32>,
      %get3A_625 = arith.index_cast %add3A_602 : i32 to index
      %get3A_626 = arith.constant 16 : index
      %get3A_627 = tpu.vector_load %arg5[%get3A_625, %get3A_626] {strides = array<i32>} : memref<111x128xi32, #tpu.memory_space<vmem>>, vector<1x16xi32>,
      %get3A_628 = vector.shape_cast %get3A_627 : vector<1x16xi32> to vector<16xi32>
      %shift_right_logical3A_629 = arith.constant 14 : i32
      %shift_right_logical3A_630 = vector.broadcast %shift_right_logical3A_629 : i32 to vector<16xi32>
      %shift_right_logical3A_631 = arith.shrui %get3A_628, %shift_right_logical3A_630 : vector<16xi32>
      %swap3A_632 = arith.constant 0 : i32
      %swap3A_633 = arith.index_cast %swap3A_632 : i32 to index
      %swap3A_634 = arith.constant 16 : index
      %swap3A_635 = tpu.vector_load %arg6[%swap3A_633, %swap3A_634] {strides = array<i32>} : memref<4x128xi32, #tpu.memory_space<vmem>>, vector<1x16xi32>,
      %swap3A_636 = vector.shape_cast %swap3A_635 : vector<1x16xi32> to vector<16xi32>
      %swap3A_637 = vector.shape_cast %shift_right_logical3A_631 : vector<16xi32> to vector<1x16xi32>
      tpu.vector_store %arg6[%swap3A_633, %swap3A_634], %swap3A_637 {strides = array<i32>} : memref<4x128xi32, #tpu.memory_space<vmem>>, vector<1x16xi32>,
      %and3A_638 = arith.constant 16383 : i32
      %and3A_639 = vector.broadcast %and3A_638 : i32 to vector<16xi32>
      %and3A_640 = arith.andi %get3A_628, %and3A_639 : vector<16xi32>
      %swap3A_641 = arith.constant 1 : i32
      %swap3A_642 = arith.index_cast %swap3A_641 : i32 to index
      %swap3A_643 = arith.constant 16 : index
      %swap3A_644 = tpu.vector_load %arg6[%swap3A_642, %swap3A_643] {strides = array<i32>} : memref<4x128xi32, #tpu.memory_space<vmem>>, vector<1x16xi32>,
      %swap3A_645 = vector.shape_cast %swap3A_644 : vector<1x16xi32> to vector<16xi32>
      %swap3A_646 = vector.shape_cast %and3A_640 : vector<16xi32> to vector<1x16xi32>
      tpu.vector_store %arg6[%swap3A_642, %swap3A_643], %swap3A_646 {strides = array<i32>} : memref<4x128xi32, #tpu.memory_space<vmem>>, vector<1x16xi32>,
      %get3A_647 = arith.index_cast %add3A_602 : i32 to index
      %get3A_648 = arith.constant 32 : index
      %get3A_649 = tpu.vector_load %arg5[%get3A_647, %get3A_648] {strides = array<i32>} : memref<111x128xi32, #tpu.memory_space<vmem>>, vector<1x16xi32>,
      %get3A_650 = vector.shape_cast %get3A_649 : vector<1x16xi32> to vector<16xi32>
      %shift_right_logical3A_651 = arith.constant 14 : i32
      %shift_right_logical3A_652 = vector.broadcast %shift_right_logical3A_651 : i32 to vector<16xi32>
      %shift_right_logical3A_653 = arith.shrui %get3A_650, %shift_right_logical3A_652 : vector<16xi32>
      %swap3A_654 = arith.constant 0 : i32
      %swap3A_655 = arith.index_cast %swap3A_654 : i32 to index
      %swap3A_656 = arith.constant 32 : index
      %swap3A_657 = tpu.vector_load %arg6[%swap3A_655, %swap3A_656] {strides = array<i32>} : memref<4x128xi32, #tpu.memory_space<vmem>>, vector<1x16xi32>,
      %swap3A_658 = vector.shape_cast %swap3A_657 : vector<1x16xi32> to vector<16xi32>
      %swap3A_659 = vector.shape_cast %shift_right_logical3A_653 : vector<16xi32> to vector<1x16xi32>
      tpu.vector_store %arg6[%swap3A_655, %swap3A_656], %swap3A_659 {strides = array<i32>} : memref<4x128xi32, #tpu.memory_space<vmem>>, vector<1x16xi32>,
      %and3A_660 = arith.constant 16383 : i32
      %and3A_661 = vector.broadcast %and3A_660 : i32 to vector<16xi32>
      %and3A_662 = arith.andi %get3A_650, %and3A_661 : vector<16xi32>
      %swap3A_663 = arith.constant 1 : i32
      %swap3A_664 = arith.index_cast %swap3A_663 : i32 to index
      %swap3A_665 = arith.constant 32 : index
      %swap3A_666 = tpu.vector_load %arg6[%swap3A_664, %swap3A_665] {strides = array<i32>} : memref<4x128xi32, #tpu.memory_space<vmem>>, vector<1x16xi32>,
      %swap3A_667 = vector.shape_cast %swap3A_666 : vector<1x16xi32> to vector<16xi32>
      %swap3A_668 = vector.shape_cast %and3A_662 : vector<16xi32> to vector<1x16xi32>
      tpu.vector_store %arg6[%swap3A_664, %swap3A_665], %swap3A_668 {strides = array<i32>} : memref<4x128xi32, #tpu.memory_space<vmem>>, vector<1x16xi32>,
      %get3A_669 = arith.index_cast %add3A_602 : i32 to index
      %get3A_670 = arith.constant 48 : index
      %get3A_671 = tpu.vector_load %arg5[%get3A_669, %get3A_670] {strides = array<i32>} : memref<111x128xi32, #tpu.memory_space<vmem>>, vector<1x16xi32>,
      %get3A_672 = vector.shape_cast %get3A_671 : vector<1x16xi32> to vector<16xi32>
      %shift_right_logical3A_673 = arith.constant 14 : i32
      %shift_right_logical3A_674 = vector.broadcast %shift_right_logical3A_673 : i32 to vector<16xi32>
      %shift_right_logical3A_675 = arith.shrui %get3A_672, %shift_right_logical3A_674 : vector<16xi32>
      %swap3A_676 = arith.constant 0 : i32
      %swap3A_677 = arith.index_cast %swap3A_676 : i32 to index
      %swap3A_678 = arith.constant 48 : index
      %swap3A_679 = tpu.vector_load %arg6[%swap3A_677, %swap3A_678] {strides = array<i32>} : memref<4x128xi32, #tpu.memory_space<vmem>>, vector<1x16xi32>,
      %swap3A_680 = vector.shape_cast %swap3A_679 : vector<1x16xi32> to vector<16xi32>
      %swap3A_681 = vector.shape_cast %shift_right_logical3A_675 : vector<16xi32> to vector<1x16xi32>
      tpu.vector_store %arg6[%swap3A_677, %swap3A_678], %swap3A_681 {strides = array<i32>} : memref<4x128xi32, #tpu.memory_space<vmem>>, vector<1x16xi32>,
      %and3A_682 = arith.constant 16383 : i32
      %and3A_683 = vector.broadcast %and3A_682 : i32 to vector<16xi32>
      %and3A_684 = arith.andi %get3A_672, %and3A_683 : vector<16xi32>
      %swap3A_685 = arith.constant 1 : i32
      %swap3A_686 = arith.index_cast %swap3A_685 : i32 to index
      %swap3A_687 = arith.constant 48 : index
      %swap3A_688 = tpu.vector_load %arg6[%swap3A_686, %swap3A_687] {strides = array<i32>} : memref<4x128xi32, #tpu.memory_space<vmem>>, vector<1x16xi32>,
      %swap3A_689 = vector.shape_cast %swap3A_688 : vector<1x16xi32> to vector<16xi32>
      %swap3A_690 = vector.shape_cast %and3A_684 : vector<16xi32> to vector<1x16xi32>
      tpu.vector_store %arg6[%swap3A_686, %swap3A_687], %swap3A_690 {strides = array<i32>} : memref<4x128xi32, #tpu.memory_space<vmem>>, vector<1x16xi32>,
      %get3A_691 = arith.index_cast %add3A_602 : i32 to index
      %get3A_692 = arith.constant 64 : index
      %get3A_693 = tpu.vector_load %arg5[%get3A_691, %get3A_692] {strides = array<i32>} : memref<111x128xi32, #tpu.memory_space<vmem>>, vector<1x16xi32>,
      %get3A_694 = vector.shape_cast %get3A_693 : vector<1x16xi32> to vector<16xi32>
      %shift_right_logical3A_695 = arith.constant 14 : i32
      %shift_right_logical3A_696 = vector.broadcast %shift_right_logical3A_695 : i32 to vector<16xi32>
      %shift_right_logical3A_697 = arith.shrui %get3A_694, %shift_right_logical3A_696 : vector<16xi32>
      %swap3A_698 = arith.constant 0 : i32
      %swap3A_699 = arith.index_cast %swap3A_698 : i32 to index
      %swap3A_700 = arith.constant 64 : index
      %swap3A_701 = tpu.vector_load %arg6[%swap3A_699, %swap3A_700] {strides = array<i32>} : memref<4x128xi32, #tpu.memory_space<vmem>>, vector<1x16xi32>,
      %swap3A_702 = vector.shape_cast %swap3A_701 : vector<1x16xi32> to vector<16xi32>
      %swap3A_703 = vector.shape_cast %shift_right_logical3A_697 : vector<16xi32> to vector<1x16xi32>
      tpu.vector_store %arg6[%swap3A_699, %swap3A_700], %swap3A_703 {strides = array<i32>} : memref<4x128xi32, #tpu.memory_space<vmem>>, vector<1x16xi32>,
      %and3A_704 = arith.constant 16383 : i32
      %and3A_705 = vector.broadcast %and3A_704 : i32 to vector<16xi32>
      %and3A_706 = arith.andi %get3A_694, %and3A_705 : vector<16xi32>
      %swap3A_707 = arith.constant 1 : i32
      %swap3A_708 = arith.index_cast %swap3A_707 : i32 to index
      %swap3A_709 = arith.constant 64 : index
      %swap3A_710 = tpu.vector_load %arg6[%swap3A_708, %swap3A_709] {strides = array<i32>} : memref<4x128xi32, #tpu.memory_space<vmem>>, vector<1x16xi32>,
      %swap3A_711 = vector.shape_cast %swap3A_710 : vector<1x16xi32> to vector<16xi32>
      %swap3A_712 = vector.shape_cast %and3A_706 : vector<16xi32> to vector<1x16xi32>
      tpu.vector_store %arg6[%swap3A_708, %swap3A_709], %swap3A_712 {strides = array<i32>} : memref<4x128xi32, #tpu.memory_space<vmem>>, vector<1x16xi32>,
      %get3A_713 = arith.index_cast %add3A_602 : i32 to index
      %get3A_714 = arith.constant 80 : index
      %get3A_715 = tpu.vector_load %arg5[%get3A_713, %get3A_714] {strides = array<i32>} : memref<111x128xi32, #tpu.memory_space<vmem>>, vector<1x16xi32>,
      %get3A_716 = vector.shape_cast %get3A_715 : vector<1x16xi32> to vector<16xi32>
      %shift_right_logical3A_717 = arith.constant 14 : i32
      %shift_right_logical3A_718 = vector.broadcast %shift_right_logical3A_717 : i32 to vector<16xi32>
      %shift_right_logical3A_719 = arith.shrui %get3A_716, %shift_right_logical3A_718 : vector<16xi32>
      %swap3A_720 = arith.constant 0 : i32
      %swap3A_721 = arith.index_cast %swap3A_720 : i32 to index
      %swap3A_722 = arith.constant 80 : index
      %swap3A_723 = tpu.vector_load %arg6[%swap3A_721, %swap3A_722] {strides = array<i32>} : memref<4x128xi32, #tpu.memory_space<vmem>>, vector<1x16xi32>,
      %swap3A_724 = vector.shape_cast %swap3A_723 : vector<1x16xi32> to vector<16xi32>
      %swap3A_725 = vector.shape_cast %shift_right_logical3A_719 : vector<16xi32> to vector<1x16xi32>
      tpu.vector_store %arg6[%swap3A_721, %swap3A_722], %swap3A_725 {strides = array<i32>} : memref<4x128xi32, #tpu.memory_space<vmem>>, vector<1x16xi32>,
      %and3A_726 = arith.constant 16383 : i32
      %and3A_727 = vector.broadcast %and3A_726 : i32 to vector<16xi32>
      %and3A_728 = arith.andi %get3A_716, %and3A_727 : vector<16xi32>
      %swap3A_729 = arith.constant 1 : i32
      %swap3A_730 = arith.index_cast %swap3A_729 : i32 to index
      %swap3A_731 = arith.constant 80 : index
      %swap3A_732 = tpu.vector_load %arg6[%swap3A_730, %swap3A_731] {strides = array<i32>} : memref<4x128xi32, #tpu.memory_space<vmem>>, vector<1x16xi32>,
      %swap3A_733 = vector.shape_cast %swap3A_732 : vector<1x16xi32> to vector<16xi32>
      %swap3A_734 = vector.shape_cast %and3A_728 : vector<16xi32> to vector<1x16xi32>
      tpu.vector_store %arg6[%swap3A_730, %swap3A_731], %swap3A_734 {strides = array<i32>} : memref<4x128xi32, #tpu.memory_space<vmem>>, vector<1x16xi32>,
      %get3A_735 = arith.index_cast %add3A_602 : i32 to index
      %get3A_736 = arith.constant 96 : index
      %get3A_737 = tpu.vector_load %arg5[%get3A_735, %get3A_736] {strides = array<i32>} : memref<111x128xi32, #tpu.memory_space<vmem>>, vector<1x16xi32>,
      %get3A_738 = vector.shape_cast %get3A_737 : vector<1x16xi32> to vector<16xi32>
      %shift_right_logical3A_739 = arith.constant 14 : i32
      %shift_right_logical3A_740 = vector.broadcast %shift_right_logical3A_739 : i32 to vector<16xi32>
      %shift_right_logical3A_741 = arith.shrui %get3A_738, %shift_right_logical3A_740 : vector<16xi32>
      %swap3A_742 = arith.constant 0 : i32
      %swap3A_743 = arith.index_cast %swap3A_742 : i32 to index
      %swap3A_744 = arith.constant 96 : index
      %swap3A_745 = tpu.vector_load %arg6[%swap3A_743, %swap3A_744] {strides = array<i32>} : memref<4x128xi32, #tpu.memory_space<vmem>>, vector<1x16xi32>,
      %swap3A_746 = vector.shape_cast %swap3A_745 : vector<1x16xi32> to vector<16xi32>
      %swap3A_747 = vector.shape_cast %shift_right_logical3A_741 : vector<16xi32> to vector<1x16xi32>
      tpu.vector_store %arg6[%swap3A_743, %swap3A_744], %swap3A_747 {strides = array<i32>} : memref<4x128xi32, #tpu.memory_space<vmem>>, vector<1x16xi32>,
      %and3A_748 = arith.constant 16383 : i32
      %and3A_749 = vector.broadcast %and3A_748 : i32 to vector<16xi32>
      %and3A_750 = arith.andi %get3A_738, %and3A_749 : vector<16xi32>
      %swap3A_751 = arith.constant 1 : i32
      %swap3A_752 = arith.index_cast %swap3A_751 : i32 to index
      %swap3A_753 = arith.constant 96 : index
      %swap3A_754 = tpu.vector_load %arg6[%swap3A_752, %swap3A_753] {strides = array<i32>} : memref<4x128xi32, #tpu.memory_space<vmem>>, vector<1x16xi32>,
      %swap3A_755 = vector.shape_cast %swap3A_754 : vector<1x16xi32> to vector<16xi32>
      %swap3A_756 = vector.shape_cast %and3A_750 : vector<16xi32> to vector<1x16xi32>
      tpu.vector_store %arg6[%swap3A_752, %swap3A_753], %swap3A_756 {strides = array<i32>} : memref<4x128xi32, #tpu.memory_space<vmem>>, vector<1x16xi32>,
      %get3A_757 = arith.index_cast %add3A_602 : i32 to index
      %get3A_758 = arith.constant 112 : index
      %get3A_759 = tpu.vector_load %arg5[%get3A_757, %get3A_758] {strides = array<i32>} : memref<111x128xi32, #tpu.memory_space<vmem>>, vector<1x16xi32>,
      %get3A_760 = vector.shape_cast %get3A_759 : vector<1x16xi32> to vector<16xi32>
      %shift_right_logical3A_761 = arith.constant 14 : i32
      %shift_right_logical3A_762 = vector.broadcast %shift_right_logical3A_761 : i32 to vector<16xi32>
      %shift_right_logical3A_763 = arith.shrui %get3A_760, %shift_right_logical3A_762 : vector<16xi32>
      %swap3A_764 = arith.constant 0 : i32
      %swap3A_765 = arith.index_cast %swap3A_764 : i32 to index
      %swap3A_766 = arith.constant 112 : index
      %swap3A_767 = tpu.vector_load %arg6[%swap3A_765, %swap3A_766] {strides = array<i32>} : memref<4x128xi32, #tpu.memory_space<vmem>>, vector<1x16xi32>,
      %swap3A_768 = vector.shape_cast %swap3A_767 : vector<1x16xi32> to vector<16xi32>
      %swap3A_769 = vector.shape_cast %shift_right_logical3A_763 : vector<16xi32> to vector<1x16xi32>
      tpu.vector_store %arg6[%swap3A_765, %swap3A_766], %swap3A_769 {strides = array<i32>} : memref<4x128xi32, #tpu.memory_space<vmem>>, vector<1x16xi32>,
      %and3A_770 = arith.constant 16383 : i32
      %and3A_771 = vector.broadcast %and3A_770 : i32 to vector<16xi32>
      %and3A_772 = arith.andi %get3A_760, %and3A_771 : vector<16xi32>
      %swap3A_773 = arith.constant 1 : i32
      %swap3A_774 = arith.index_cast %swap3A_773 : i32 to index
      %swap3A_775 = arith.constant 112 : index
      %swap3A_776 = tpu.vector_load %arg6[%swap3A_774, %swap3A_775] {strides = array<i32>} : memref<4x128xi32, #tpu.memory_space<vmem>>, vector<1x16xi32>,
      %swap3A_777 = vector.shape_cast %swap3A_776 : vector<1x16xi32> to vector<16xi32>
      %swap3A_778 = vector.shape_cast %and3A_772 : vector<16xi32> to vector<1x16xi32>
      tpu.vector_store %arg6[%swap3A_774, %swap3A_775], %swap3A_778 {strides = array<i32>} : memref<4x128xi32, #tpu.memory_space<vmem>>, vector<1x16xi32>,
      %dma_start3A_779 = arith.constant 0 : i32
      %dma_start3A_780 = arith.constant 0 : i32
      %dma_start3A_781 = tpu.memref_slice %arg6[%dma_start3A_779, %dma_start3A_780] : memref<4x128xi32, #tpu.memory_space<vmem>> -> memref<1x128xi32, #tpu.memory_space<vmem>>
      %dma_start3A_782 = tpu.memref_squeeze %dma_start3A_781 : memref<1x128xi32, #tpu.memory_space<vmem>> -> memref<128xi32, #tpu.memory_space<vmem>>
      %dma_start3A_783 = arith.constant 0 : i32
      %dma_start3A_784 = arith.constant 0 : i32
      %dma_start3A_785 = tpu.memref_slice %arg2[%dma_start3A_783, %dma_start3A_784] : memref<10240x128xf32, #tpu.memory_space<hbm>> -> memref<10240x128xf32, #tpu.memory_space<hbm>>
      tpu.enqueue_indirect_dma source(%dma_start3A_785 : memref<10240x128xf32, #tpu.memory_space<hbm>>) target(%arg7 : memref<128x128xf32, #tpu.memory_space<vmem>>) offsets(%dma_start3A_782 : memref<128xi32, #tpu.memory_space<vmem>>) semaphore(%arg10 : memref<!tpu.dma_semaphore, #tpu.memory_space<semaphore_mem>>)
      %dma_wait3A_786 = arith.constant 2 : i32
      %dma_wait3A_787 = arith.constant 0 : i32
      %dma_wait3A_788 = tpu.memref_slice %arg6[%dma_wait3A_786, %dma_wait3A_787] : memref<4x128xi32, #tpu.memory_space<vmem>> -> memref<1x128xi32, #tpu.memory_space<vmem>>
      %dma_wait3A_789 = tpu.memref_squeeze %dma_wait3A_788 : memref<1x128xi32, #tpu.memory_space<vmem>> -> memref<128xi32, #tpu.memory_space<vmem>>
      %dma_wait3A_790 = arith.constant 0 : i32
      %dma_wait3A_791 = arith.constant 0 : i32
      %dma_wait3A_792 = tpu.memref_slice %arg2[%dma_wait3A_790, %dma_wait3A_791] : memref<10240x128xf32, #tpu.memory_space<hbm>> -> memref<10240x128xf32, #tpu.memory_space<hbm>>
      tpu.wait_indirect_dma semaphore(%arg11 : memref<!tpu.dma_semaphore, #tpu.memory_space<semaphore_mem>>) src(%dma_wait3A_792 : memref<10240x128xf32, #tpu.memory_space<hbm>>) dst(%arg8 : memref<128x128xf32, #tpu.memory_space<vmem>>)
      %run_scoped3A_793 = arith.constant 3 : i32
      "tpu.region"() ({
        %run_scoped3A_794 = tpu.sem_alloc : memref<!tpu.dma_semaphore, #tpu.memory_space<semaphore_mem>>
        %dma_start3A_795 = arith.constant 0 : i32
        %dma_start3A_796 = tpu.memref_slice %arg6[%run_scoped3A_793, %dma_start3A_795] : memref<4x128xi32, #tpu.memory_space<vmem>> -> memref<1x128xi32, #tpu.memory_space<vmem>>
        %dma_start3A_797 = tpu.memref_squeeze %dma_start3A_796 : memref<1x128xi32, #tpu.memory_space<vmem>> -> memref<128xi32, #tpu.memory_space<vmem>>
        %dma_start3A_798 = arith.constant 0 : i32
        %dma_start3A_799 = arith.constant 0 : i32
        %dma_start3A_800 = tpu.memref_slice %arg9[%dma_start3A_798, %dma_start3A_799] : memref<10240x128xf32, #tpu.memory_space<vmem_shared>> -> memref<10240x128xf32, #tpu.memory_space<vmem_shared>>
        tpu.enqueue_indirect_dma source(%arg8 : memref<128x128xf32, #tpu.memory_space<vmem>>) target(%dma_start3A_800 : memref<10240x128xf32, #tpu.memory_space<vmem_shared>>) offsets(%dma_start3A_797 : memref<128xi32, #tpu.memory_space<vmem>>) semaphore(%run_scoped3A_794 : memref<!tpu.dma_semaphore, #tpu.memory_space<semaphore_mem>>) {add = true}
        %dma_wait3A_801 = arith.constant 0 : i32
        %dma_wait3A_802 = tpu.memref_slice %arg6[%run_scoped3A_793, %dma_wait3A_801] : memref<4x128xi32, #tpu.memory_space<vmem>> -> memref<1x128xi32, #tpu.memory_space<vmem>>
        %dma_wait3A_803 = tpu.memref_squeeze %dma_wait3A_802 : memref<1x128xi32, #tpu.memory_space<vmem>> -> memref<128xi32, #tpu.memory_space<vmem>>
        %dma_wait3A_804 = arith.constant 0 : i32
        %dma_wait3A_805 = arith.constant 0 : i32
        %dma_wait3A_806 = tpu.memref_slice %arg9[%dma_wait3A_804, %dma_wait3A_805] : memref<10240x128xf32, #tpu.memory_space<vmem_shared>> -> memref<10240x128xf32, #tpu.memory_space<vmem_shared>>
        tpu.wait_indirect_dma semaphore(%run_scoped3A_794 : memref<!tpu.dma_semaphore, #tpu.memory_space<semaphore_mem>>) src(%arg8 : memref<128x128xf32, #tpu.memory_space<vmem>>) dst(%dma_wait3A_806 : memref<10240x128xf32, #tpu.memory_space<vmem_shared>>)
        tpu.yield
      }) : () -> ()
    }
    %dma_wait3A_262 = arith.constant 0 : i32
    %dma_wait3A_263 = arith.constant 0 : i32
    %dma_wait3A_264 = tpu.memref_slice %arg6[%dma_wait3A_262, %dma_wait3A_263] : memref<4x128xi32, #tpu.memory_space<vmem>> -> memref<1x128xi32, #tpu.memory_space<vmem>>
    %dma_wait3A_265 = tpu.memref_squeeze %dma_wait3A_264 : memref<1x128xi32, #tpu.memory_space<vmem>> -> memref<128xi32, #tpu.memory_space<vmem>>
    %dma_wait3A_266 = arith.constant 0 : i32
    %dma_wait3A_267 = arith.constant 0 : i32
    %dma_wait3A_268 = tpu.memref_slice %arg2[%dma_wait3A_266, %dma_wait3A_267] : memref<10240x128xf32, #tpu.memory_space<hbm>> -> memref<10240x128xf32, #tpu.memory_space<hbm>>
    tpu.wait_indirect_dma semaphore(%arg10 : memref<!tpu.dma_semaphore, #tpu.memory_space<semaphore_mem>>) src(%dma_wait3A_268 : memref<10240x128xf32, #tpu.memory_space<hbm>>) dst(%arg7 : memref<128x128xf32, #tpu.memory_space<vmem>>)
    %run_scoped3A = arith.constant 1 : i32
    "tpu.region"() ({
      %run_scoped3A_405 = tpu.sem_alloc : memref<!tpu.dma_semaphore, #tpu.memory_space<semaphore_mem>>
      %dma_start3A_406 = arith.constant 0 : i32
      %dma_start3A_407 = tpu.memref_slice %arg6[%run_scoped3A, %dma_start3A_406] : memref<4x128xi32, #tpu.memory_space<vmem>> -> memref<1x128xi32, #tpu.memory_space<vmem>>
      %dma_start3A_408 = tpu.memref_squeeze %dma_start3A_407 : memref<1x128xi32, #tpu.memory_space<vmem>> -> memref<128xi32, #tpu.memory_space<vmem>>
      %dma_start3A_409 = arith.constant 0 : i32
      %dma_start3A_410 = arith.constant 0 : i32
      %dma_start3A_411 = tpu.memref_slice %arg9[%dma_start3A_409, %dma_start3A_410] : memref<10240x128xf32, #tpu.memory_space<vmem_shared>> -> memref<10240x128xf32, #tpu.memory_space<vmem_shared>>
      tpu.enqueue_indirect_dma source(%arg7 : memref<128x128xf32, #tpu.memory_space<vmem>>) target(%dma_start3A_411 : memref<10240x128xf32, #tpu.memory_space<vmem_shared>>) offsets(%dma_start3A_408 : memref<128xi32, #tpu.memory_space<vmem>>) semaphore(%run_scoped3A_405 : memref<!tpu.dma_semaphore, #tpu.memory_space<semaphore_mem>>) {add = true}
      %dma_wait3A_412 = arith.constant 0 : i32
      %dma_wait3A_413 = tpu.memref_slice %arg6[%run_scoped3A, %dma_wait3A_412] : memref<4x128xi32, #tpu.memory_space<vmem>> -> memref<1x128xi32, #tpu.memory_space<vmem>>
      %dma_wait3A_414 = tpu.memref_squeeze %dma_wait3A_413 : memref<1x128xi32, #tpu.memory_space<vmem>> -> memref<128xi32, #tpu.memory_space<vmem>>
      %dma_wait3A_415 = arith.constant 0 : i32
      %dma_wait3A_416 = arith.constant 0 : i32
      %dma_wait3A_417 = tpu.memref_slice %arg9[%dma_wait3A_415, %dma_wait3A_416] : memref<10240x128xf32, #tpu.memory_space<vmem_shared>> -> memref<10240x128xf32, #tpu.memory_space<vmem_shared>>
      tpu.wait_indirect_dma semaphore(%run_scoped3A_405 : memref<!tpu.dma_semaphore, #tpu.memory_space<semaphore_mem>>) src(%arg7 : memref<128x128xf32, #tpu.memory_space<vmem>>) dst(%dma_wait3A_417 : memref<10240x128xf32, #tpu.memory_space<vmem_shared>>)
      tpu.yield
    }) : () -> ()
    %barrier3A_269 = arith.constant 0 : index
    tpu.barrier barrier_id(%barrier3A_269)
    %mul3A_270 = arith.constant 640 : i32
    %mul3A_271 = arith.muli %arg1, %mul3A_270 : i32
    %add3A_272 = arith.constant 0 : i32
    %add3A_273 = arith.addi %mul3A_271, %add3A_272 : i32
    %dma_start3A_274 = arith.constant 0 : i32
    %dma_start3A_275 = tpu.memref_slice %arg9[%add3A_273, %dma_start3A_274] : memref<10240x128xf32, #tpu.memory_space<vmem_shared>> -> memref<128x128xf32, #tpu.memory_space<vmem_shared>>
    %dma_start3A_276 = arith.constant 0 : i32
    %dma_start3A_277 = tpu.memref_slice %arg9[%add3A_273, %dma_start3A_276] : memref<10240x128xf32, #tpu.memory_space<vmem_shared>> -> memref<128x128xf32, #tpu.memory_space<vmem_shared>>
    tpu.enqueue_dma source(%dma_start3A_277 : memref<128x128xf32, #tpu.memory_space<vmem_shared>>) target(%arg7 : memref<128x128xf32, #tpu.memory_space<vmem>>) target_semaphore(%arg10 : memref<!tpu.dma_semaphore, #tpu.memory_space<semaphore_mem>>)
    %mul3A_278 = arith.constant 640 : i32
    %mul3A_279 = arith.muli %arg1, %mul3A_278 : i32
    %add3A_280 = arith.constant 128 : i32
    %add3A_281 = arith.addi %mul3A_279, %add3A_280 : i32
    %dma_start3A_282 = arith.constant 0 : i32
    %dma_start3A_283 = tpu.memref_slice %arg9[%add3A_281, %dma_start3A_282] : memref<10240x128xf32, #tpu.memory_space<vmem_shared>> -> memref<128x128xf32, #tpu.memory_space<vmem_shared>>
    %dma_start3A_284 = arith.constant 0 : i32
    %dma_start3A_285 = tpu.memref_slice %arg9[%add3A_281, %dma_start3A_284] : memref<10240x128xf32, #tpu.memory_space<vmem_shared>> -> memref<128x128xf32, #tpu.memory_space<vmem_shared>>
    tpu.enqueue_dma source(%dma_start3A_285 : memref<128x128xf32, #tpu.memory_space<vmem_shared>>) target(%arg8 : memref<128x128xf32, #tpu.memory_space<vmem>>) target_semaphore(%arg11 : memref<!tpu.dma_semaphore, #tpu.memory_space<semaphore_mem>>)
    %dma_wait3A_286 = arith.constant 0 : i32
    %dma_wait3A_287 = tpu.memref_slice %arg9[%add3A_273, %dma_wait3A_286] : memref<10240x128xf32, #tpu.memory_space<vmem_shared>> -> memref<128x128xf32, #tpu.memory_space<vmem_shared>>
    %dma_wait3A_288 = arith.constant 0 : i32
    %dma_wait3A_289 = tpu.memref_slice %arg9[%add3A_273, %dma_wait3A_288] : memref<10240x128xf32, #tpu.memory_space<vmem_shared>> -> memref<128x128xf32, #tpu.memory_space<vmem_shared>>
    tpu.wait_dma2 semaphore(%arg10 : memref<!tpu.dma_semaphore, #tpu.memory_space<semaphore_mem>>) src(%dma_wait3A_289 : memref<128x128xf32, #tpu.memory_space<vmem_shared>>) dst(%arg7 : memref<128x128xf32, #tpu.memory_space<vmem>>)
    %mul3A_290 = arith.constant 10240 : i32
    %mul3A_291 = arith.muli %arg0, %mul3A_290 : i32
    %mul3A_292 = arith.constant 640 : i32
    %mul3A_293 = arith.muli %arg1, %mul3A_292 : i32
    %add3A_294 = arith.addi %mul3A_291, %mul3A_293 : i32
    %add3A_295 = arith.constant 0 : i32
    %add3A_296 = arith.addi %add3A_294, %add3A_295 : i32
    %dma_start3A_297 = arith.constant 0 : i32
    %dma_start3A_298 = tpu.memref_slice %arg4[%add3A_296, %dma_start3A_297] : memref<20480x128xf32, #tpu.memory_space<hbm>> -> memref<128x128xf32, #tpu.memory_space<hbm>>
    %dma_start3A_299 = arith.constant 0 : i32
    %dma_start3A_300 = tpu.memref_slice %arg4[%add3A_296, %dma_start3A_299] : memref<20480x128xf32, #tpu.memory_space<hbm>> -> memref<128x128xf32, #tpu.memory_space<hbm>>
    tpu.enqueue_dma source(%arg7 : memref<128x128xf32, #tpu.memory_space<vmem>>) target(%dma_start3A_300 : memref<128x128xf32, #tpu.memory_space<hbm>>) target_semaphore(%arg12 : memref<!tpu.dma_semaphore, #tpu.memory_space<semaphore_mem>>)
    %dma_wait3A_301 = arith.constant 0 : i32
    %dma_wait3A_302 = tpu.memref_slice %arg4[%add3A_296, %dma_wait3A_301] : memref<20480x128xf32, #tpu.memory_space<hbm>> -> memref<128x128xf32, #tpu.memory_space<hbm>>
    %dma_wait3A_303 = arith.constant 0 : i32
    %dma_wait3A_304 = tpu.memref_slice %arg4[%add3A_296, %dma_wait3A_303] : memref<20480x128xf32, #tpu.memory_space<hbm>> -> memref<128x128xf32, #tpu.memory_space<hbm>>
    tpu.wait_dma2 semaphore(%arg12 : memref<!tpu.dma_semaphore, #tpu.memory_space<semaphore_mem>>) src(%arg7 : memref<128x128xf32, #tpu.memory_space<vmem>>) dst(%dma_wait3A_304 : memref<128x128xf32, #tpu.memory_space<hbm>>)
    %mul3A_305 = arith.constant 640 : i32
    %mul3A_306 = arith.muli %arg1, %mul3A_305 : i32
    %add3A_307 = arith.constant 256 : i32
    %add3A_308 = arith.addi %mul3A_306, %add3A_307 : i32
    %dma_start3A_309 = arith.constant 0 : i32
    %dma_start3A_310 = tpu.memref_slice %arg9[%add3A_308, %dma_start3A_309] : memref<10240x128xf32, #tpu.memory_space<vmem_shared>> -> memref<128x128xf32, #tpu.memory_space<vmem_shared>>
    %dma_start3A_311 = arith.constant 0 : i32
    %dma_start3A_312 = tpu.memref_slice %arg9[%add3A_308, %dma_start3A_311] : memref<10240x128xf32, #tpu.memory_space<vmem_shared>> -> memref<128x128xf32, #tpu.memory_space<vmem_shared>>
    tpu.enqueue_dma source(%dma_start3A_312 : memref<128x128xf32, #tpu.memory_space<vmem_shared>>) target(%arg7 : memref<128x128xf32, #tpu.memory_space<vmem>>) target_semaphore(%arg10 : memref<!tpu.dma_semaphore, #tpu.memory_space<semaphore_mem>>)
    %dma_wait3A_313 = arith.constant 0 : i32
    %dma_wait3A_314 = tpu.memref_slice %arg9[%add3A_281, %dma_wait3A_313] : memref<10240x128xf32, #tpu.memory_space<vmem_shared>> -> memref<128x128xf32, #tpu.memory_space<vmem_shared>>
    %dma_wait3A_315 = arith.constant 0 : i32
    %dma_wait3A_316 = tpu.memref_slice %arg9[%add3A_281, %dma_wait3A_315] : memref<10240x128xf32, #tpu.memory_space<vmem_shared>> -> memref<128x128xf32, #tpu.memory_space<vmem_shared>>
    tpu.wait_dma2 semaphore(%arg11 : memref<!tpu.dma_semaphore, #tpu.memory_space<semaphore_mem>>) src(%dma_wait3A_316 : memref<128x128xf32, #tpu.memory_space<vmem_shared>>) dst(%arg8 : memref<128x128xf32, #tpu.memory_space<vmem>>)
    %mul3A_317 = arith.constant 10240 : i32
    %mul3A_318 = arith.muli %arg0, %mul3A_317 : i32
    %mul3A_319 = arith.constant 640 : i32
    %mul3A_320 = arith.muli %arg1, %mul3A_319 : i32
    %add3A_321 = arith.addi %mul3A_318, %mul3A_320 : i32
    %add3A_322 = arith.constant 128 : i32
    %add3A_323 = arith.addi %add3A_321, %add3A_322 : i32
    %dma_start3A_324 = arith.constant 0 : i32
    %dma_start3A_325 = tpu.memref_slice %arg4[%add3A_323, %dma_start3A_324] : memref<20480x128xf32, #tpu.memory_space<hbm>> -> memref<128x128xf32, #tpu.memory_space<hbm>>
    %dma_start3A_326 = arith.constant 0 : i32
    %dma_start3A_327 = tpu.memref_slice %arg4[%add3A_323, %dma_start3A_326] : memref<20480x128xf32, #tpu.memory_space<hbm>> -> memref<128x128xf32, #tpu.memory_space<hbm>>
    tpu.enqueue_dma source(%arg8 : memref<128x128xf32, #tpu.memory_space<vmem>>) target(%dma_start3A_327 : memref<128x128xf32, #tpu.memory_space<hbm>>) target_semaphore(%arg13 : memref<!tpu.dma_semaphore, #tpu.memory_space<semaphore_mem>>)
    %dma_wait3A_328 = arith.constant 0 : i32
    %dma_wait3A_329 = tpu.memref_slice %arg4[%add3A_323, %dma_wait3A_328] : memref<20480x128xf32, #tpu.memory_space<hbm>> -> memref<128x128xf32, #tpu.memory_space<hbm>>
    %dma_wait3A_330 = arith.constant 0 : i32
    %dma_wait3A_331 = tpu.memref_slice %arg4[%add3A_323, %dma_wait3A_330] : memref<20480x128xf32, #tpu.memory_space<hbm>> -> memref<128x128xf32, #tpu.memory_space<hbm>>
    tpu.wait_dma2 semaphore(%arg13 : memref<!tpu.dma_semaphore, #tpu.memory_space<semaphore_mem>>) src(%arg8 : memref<128x128xf32, #tpu.memory_space<vmem>>) dst(%dma_wait3A_331 : memref<128x128xf32, #tpu.memory_space<hbm>>)
    %mul3A_332 = arith.constant 640 : i32
    %mul3A_333 = arith.muli %arg1, %mul3A_332 : i32
    %add3A_334 = arith.constant 384 : i32
    %add3A_335 = arith.addi %mul3A_333, %add3A_334 : i32
    %dma_start3A_336 = arith.constant 0 : i32
    %dma_start3A_337 = tpu.memref_slice %arg9[%add3A_335, %dma_start3A_336] : memref<10240x128xf32, #tpu.memory_space<vmem_shared>> -> memref<128x128xf32, #tpu.memory_space<vmem_shared>>
    %dma_start3A_338 = arith.constant 0 : i32
    %dma_start3A_339 = tpu.memref_slice %arg9[%add3A_335, %dma_start3A_338] : memref<10240x128xf32, #tpu.memory_space<vmem_shared>> -> memref<128x128xf32, #tpu.memory_space<vmem_shared>>
    tpu.enqueue_dma source(%dma_start3A_339 : memref<128x128xf32, #tpu.memory_space<vmem_shared>>) target(%arg8 : memref<128x128xf32, #tpu.memory_space<vmem>>) target_semaphore(%arg11 : memref<!tpu.dma_semaphore, #tpu.memory_space<semaphore_mem>>)
    %dma_wait3A_340 = arith.constant 0 : i32
    %dma_wait3A_341 = tpu.memref_slice %arg9[%add3A_308, %dma_wait3A_340] : memref<10240x128xf32, #tpu.memory_space<vmem_shared>> -> memref<128x128xf32, #tpu.memory_space<vmem_shared>>
    %dma_wait3A_342 = arith.constant 0 : i32
    %dma_wait3A_343 = tpu.memref_slice %arg9[%add3A_308, %dma_wait3A_342] : memref<10240x128xf32, #tpu.memory_space<vmem_shared>> -> memref<128x128xf32, #tpu.memory_space<vmem_shared>>
    tpu.wait_dma2 semaphore(%arg10 : memref<!tpu.dma_semaphore, #tpu.memory_space<semaphore_mem>>) src(%dma_wait3A_343 : memref<128x128xf32, #tpu.memory_space<vmem_shared>>) dst(%arg7 : memref<128x128xf32, #tpu.memory_space<vmem>>)
    %mul3A_344 = arith.constant 10240 : i32
    %mul3A_345 = arith.muli %arg0, %mul3A_344 : i32
    %mul3A_346 = arith.constant 640 : i32
    %mul3A_347 = arith.muli %arg1, %mul3A_346 : i32
    %add3A_348 = arith.addi %mul3A_345, %mul3A_347 : i32
    %add3A_349 = arith.constant 256 : i32
    %add3A_350 = arith.addi %add3A_348, %add3A_349 : i32
    %dma_start3A_351 = arith.constant 0 : i32
    %dma_start3A_352 = tpu.memref_slice %arg4[%add3A_350, %dma_start3A_351] : memref<20480x128xf32, #tpu.memory_space<hbm>> -> memref<128x128xf32, #tpu.memory_space<hbm>>
    %dma_start3A_353 = arith.constant 0 : i32
    %dma_start3A_354 = tpu.memref_slice %arg4[%add3A_350, %dma_start3A_353] : memref<20480x128xf32, #tpu.memory_space<hbm>> -> memref<128x128xf32, #tpu.memory_space<hbm>>
    tpu.enqueue_dma source(%arg7 : memref<128x128xf32, #tpu.memory_space<vmem>>) target(%dma_start3A_354 : memref<128x128xf32, #tpu.memory_space<hbm>>) target_semaphore(%arg12 : memref<!tpu.dma_semaphore, #tpu.memory_space<semaphore_mem>>)
    %dma_wait3A_355 = arith.constant 0 : i32
    %dma_wait3A_356 = tpu.memref_slice %arg4[%add3A_350, %dma_wait3A_355] : memref<20480x128xf32, #tpu.memory_space<hbm>> -> memref<128x128xf32, #tpu.memory_space<hbm>>
    %dma_wait3A_357 = arith.constant 0 : i32
    %dma_wait3A_358 = tpu.memref_slice %arg4[%add3A_350, %dma_wait3A_357] : memref<20480x128xf32, #tpu.memory_space<hbm>> -> memref<128x128xf32, #tpu.memory_space<hbm>>
    tpu.wait_dma2 semaphore(%arg12 : memref<!tpu.dma_semaphore, #tpu.memory_space<semaphore_mem>>) src(%arg7 : memref<128x128xf32, #tpu.memory_space<vmem>>) dst(%dma_wait3A_358 : memref<128x128xf32, #tpu.memory_space<hbm>>)
    %mul3A_359 = arith.constant 640 : i32
    %mul3A_360 = arith.muli %arg1, %mul3A_359 : i32
    %add3A_361 = arith.constant 512 : i32
    %add3A_362 = arith.addi %mul3A_360, %add3A_361 : i32
    %dma_start3A_363 = arith.constant 0 : i32
    %dma_start3A_364 = tpu.memref_slice %arg9[%add3A_362, %dma_start3A_363] : memref<10240x128xf32, #tpu.memory_space<vmem_shared>> -> memref<128x128xf32, #tpu.memory_space<vmem_shared>>
    %dma_start3A_365 = arith.constant 0 : i32
    %dma_start3A_366 = tpu.memref_slice %arg9[%add3A_362, %dma_start3A_365] : memref<10240x128xf32, #tpu.memory_space<vmem_shared>> -> memref<128x128xf32, #tpu.memory_space<vmem_shared>>
    tpu.enqueue_dma source(%dma_start3A_366 : memref<128x128xf32, #tpu.memory_space<vmem_shared>>) target(%arg7 : memref<128x128xf32, #tpu.memory_space<vmem>>) target_semaphore(%arg10 : memref<!tpu.dma_semaphore, #tpu.memory_space<semaphore_mem>>)
    %dma_wait3A_367 = arith.constant 0 : i32
    %dma_wait3A_368 = tpu.memref_slice %arg9[%add3A_335, %dma_wait3A_367] : memref<10240x128xf32, #tpu.memory_space<vmem_shared>> -> memref<128x128xf32, #tpu.memory_space<vmem_shared>>
    %dma_wait3A_369 = arith.constant 0 : i32
    %dma_wait3A_370 = tpu.memref_slice %arg9[%add3A_335, %dma_wait3A_369] : memref<10240x128xf32, #tpu.memory_space<vmem_shared>> -> memref<128x128xf32, #tpu.memory_space<vmem_shared>>
    tpu.wait_dma2 semaphore(%arg11 : memref<!tpu.dma_semaphore, #tpu.memory_space<semaphore_mem>>) src(%dma_wait3A_370 : memref<128x128xf32, #tpu.memory_space<vmem_shared>>) dst(%arg8 : memref<128x128xf32, #tpu.memory_space<vmem>>)
    %mul3A_371 = arith.constant 10240 : i32
    %mul3A_372 = arith.muli %arg0, %mul3A_371 : i32
    %mul3A_373 = arith.constant 640 : i32
    %mul3A_374 = arith.muli %arg1, %mul3A_373 : i32
    %add3A_375 = arith.addi %mul3A_372, %mul3A_374 : i32
    %add3A_376 = arith.constant 384 : i32
    %add3A_377 = arith.addi %add3A_375, %add3A_376 : i32
    %dma_start3A_378 = arith.constant 0 : i32
    %dma_start3A_379 = tpu.memref_slice %arg4[%add3A_377, %dma_start3A_378] : memref<20480x128xf32, #tpu.memory_space<hbm>> -> memref<128x128xf32, #tpu.memory_space<hbm>>
    %dma_start3A_380 = arith.constant 0 : i32
    %dma_start3A_381 = tpu.memref_slice %arg4[%add3A_377, %dma_start3A_380] : memref<20480x128xf32, #tpu.memory_space<hbm>> -> memref<128x128xf32, #tpu.memory_space<hbm>>
    tpu.enqueue_dma source(%arg8 : memref<128x128xf32, #tpu.memory_space<vmem>>) target(%dma_start3A_381 : memref<128x128xf32, #tpu.memory_space<hbm>>) target_semaphore(%arg13 : memref<!tpu.dma_semaphore, #tpu.memory_space<semaphore_mem>>)
    %dma_wait3A_382 = arith.constant 0 : i32
    %dma_wait3A_383 = tpu.memref_slice %arg9[%add3A_362, %dma_wait3A_382] : memref<10240x128xf32, #tpu.memory_space<vmem_shared>> -> memref<128x128xf32, #tpu.memory_space<vmem_shared>>
    %dma_wait3A_384 = arith.constant 0 : i32
    %dma_wait3A_385 = tpu.memref_slice %arg9[%add3A_362, %dma_wait3A_384] : memref<10240x128xf32, #tpu.memory_space<vmem_shared>> -> memref<128x128xf32, #tpu.memory_space<vmem_shared>>
    tpu.wait_dma2 semaphore(%arg10 : memref<!tpu.dma_semaphore, #tpu.memory_space<semaphore_mem>>) src(%dma_wait3A_385 : memref<128x128xf32, #tpu.memory_space<vmem_shared>>) dst(%arg7 : memref<128x128xf32, #tpu.memory_space<vmem>>)
    %mul3A_386 = arith.constant 10240 : i32
    %mul3A_387 = arith.muli %arg0, %mul3A_386 : i32
    %mul3A_388 = arith.constant 640 : i32
    %mul3A_389 = arith.muli %arg1, %mul3A_388 : i32
    %add3A_390 = arith.addi %mul3A_387, %mul3A_389 : i32
    %add3A_391 = arith.constant 512 : i32
    %add3A_392 = arith.addi %add3A_390, %add3A_391 : i32
    %dma_start3A_393 = arith.constant 0 : i32
    %dma_start3A_394 = tpu.memref_slice %arg4[%add3A_392, %dma_start3A_393] : memref<20480x128xf32, #tpu.memory_space<hbm>> -> memref<128x128xf32, #tpu.memory_space<hbm>>
    %dma_start3A_395 = arith.constant 0 : i32
    %dma_start3A_396 = tpu.memref_slice %arg4[%add3A_392, %dma_start3A_395] : memref<20480x128xf32, #tpu.memory_space<hbm>> -> memref<128x128xf32, #tpu.memory_space<hbm>>
    tpu.enqueue_dma source(%arg7 : memref<128x128xf32, #tpu.memory_space<vmem>>) target(%dma_start3A_396 : memref<128x128xf32, #tpu.memory_space<hbm>>) target_semaphore(%arg12 : memref<!tpu.dma_semaphore, #tpu.memory_space<semaphore_mem>>)
    %dma_wait3A_397 = arith.constant 0 : i32
    %dma_wait3A_398 = tpu.memref_slice %arg4[%add3A_377, %dma_wait3A_397] : memref<20480x128xf32, #tpu.memory_space<hbm>> -> memref<128x128xf32, #tpu.memory_space<hbm>>
    %dma_wait3A_399 = arith.constant 0 : i32
    %dma_wait3A_400 = tpu.memref_slice %arg4[%add3A_377, %dma_wait3A_399] : memref<20480x128xf32, #tpu.memory_space<hbm>> -> memref<128x128xf32, #tpu.memory_space<hbm>>
    tpu.wait_dma2 semaphore(%arg13 : memref<!tpu.dma_semaphore, #tpu.memory_space<semaphore_mem>>) src(%arg8 : memref<128x128xf32, #tpu.memory_space<vmem>>) dst(%dma_wait3A_400 : memref<128x128xf32, #tpu.memory_space<hbm>>)
    %dma_wait3A_401 = arith.constant 0 : i32
    %dma_wait3A_402 = tpu.memref_slice %arg4[%add3A_392, %dma_wait3A_401] : memref<20480x128xf32, #tpu.memory_space<hbm>> -> memref<128x128xf32, #tpu.memory_space<hbm>>
    %dma_wait3A_403 = arith.constant 0 : i32
    %dma_wait3A_404 = tpu.memref_slice %arg4[%add3A_392, %dma_wait3A_403] : memref<20480x128xf32, #tpu.memory_space<hbm>> -> memref<128x128xf32, #tpu.memory_space<hbm>>
    tpu.wait_dma2 semaphore(%arg12 : memref<!tpu.dma_semaphore, #tpu.memory_space<semaphore_mem>>) src(%arg7 : memref<128x128xf32, #tpu.memory_space<vmem>>) dst(%dma_wait3A_404 : memref<128x128xf32, #tpu.memory_space<hbm>>)
    return
  }
}

#map = affine_map<(d0, d1) -> (0, 0, 0)>
#map1 = affine_map<(d0, d1) -> (0)>
module attributes {stable_mosaic.version = 14 : i64} {
  func.func @body(%arg0: i32, %arg1: i32, %arg2: memref<32x111x128xi32, #tpu.memory_space<hbm>>, %arg3: memref<20480xf32, #tpu.memory_space<hbm>>, %arg4: memref<111x128xi32, #tpu.memory_space<vmem>>, %arg5: memref<128xf32, #tpu.memory_space<vmem>>, %arg6: memref<640xf32, #tpu.memory_space<vmem>>, %arg7: memref<10240xf32, #tpu.memory_space<vmem_shared>>) attributes {dimension_semantics = [#tpu.dimension_semantics<core_parallel>, #tpu.dimension_semantics<subcore_parallel>], iteration_bounds = array<i64: 2, 16>, scalar_prefetch = 0 : i64, scratch_operands = 4 : i64, tpu.core_type = #tpu.core_type<sc_vector_subcore>, window_params = [{transform_indices = #map}, {transform_indices = #map1}]} {
    %mul3A = arith.constant 16 : i32
    %mul3A_0 = arith.muli %arg0, %mul3A : i32
    %add3A = arith.addi %mul3A_0, %arg1 : i32
    %eq3A = arith.constant 0 : i32
    %eq3A_1 = arith.cmpi eq, %arg0, %eq3A : i32
    %jit3A = arith.constant 111 : i32
    %jit3A_2 = arith.constant 47 : i32
    %select_n3A = arith.select %eq3A_1, %jit3A, %jit3A_2 : i32
    %scan3A = arith.constant 0 : i32
    %scan3A_3 = arith.constant 0 : i32
    %scan3A_4 = arith.constant 8 : i32
    %scan3A_5 = arith.addi %scan3A_3, %scan3A_4 : i32
    %scan3A_6 = arith.constant 1 : i32
    scf.for %scan3A_33 = %scan3A_3 to %scan3A_5 step %scan3A_6  : i32 {
      %broadcast_in_dim3A = arith.constant 1.000000e+00 : f32
      %broadcast_in_dim3A_34 = vector.broadcast %broadcast_in_dim3A : f32 to vector<16xf32>
      %mul3A_35 = arith.constant 16 : i32
      %mul3A_36 = arith.muli %scan3A_33, %mul3A_35 : i32
      %swap3A = arith.index_cast %mul3A_36 : i32 to index
      %swap3A_37 = tpu.vector_load %arg5[%swap3A] {strides = array<i32>} : memref<128xf32, #tpu.memory_space<vmem>>, vector<16xf32>,
      %swap3A_38 = vector.shape_cast %swap3A_37 : vector<16xf32> to vector<16xf32>
      %swap3A_39 = vector.shape_cast %broadcast_in_dim3A_34 : vector<16xf32> to vector<16xf32>
      tpu.vector_store %arg5[%swap3A], %swap3A_39 {strides = array<i32>} : memref<128xf32, #tpu.memory_space<vmem>>, vector<16xf32>,
    }
    %scan3A_7 = arith.constant 8 : i32
    %scan3A_8 = arith.constant 0 : i32
    %scan3A_9 = arith.constant 0 : i32
    %scan3A_10 = arith.constant 40 : i32
    %scan3A_11 = arith.addi %scan3A_9, %scan3A_10 : i32
    %scan3A_12 = arith.constant 1 : i32
    scf.for %scan3A_33 = %scan3A_9 to %scan3A_11 step %scan3A_12  : i32 {
      %broadcast_in_dim3A = arith.constant 0.000000e+00 : f32
      %broadcast_in_dim3A_34 = vector.broadcast %broadcast_in_dim3A : f32 to vector<16xf32>
      %mul3A_35 = arith.constant 16 : i32
      %mul3A_36 = arith.muli %scan3A_33, %mul3A_35 : i32
      %swap3A = arith.index_cast %mul3A_36 : i32 to index
      %swap3A_37 = tpu.vector_load %arg6[%swap3A] {strides = array<i32>} : memref<640xf32, #tpu.memory_space<vmem>>, vector<16xf32>,
      %swap3A_38 = vector.shape_cast %swap3A_37 : vector<16xf32> to vector<16xf32>
      %swap3A_39 = vector.shape_cast %broadcast_in_dim3A_34 : vector<16xf32> to vector<16xf32>
      tpu.vector_store %arg6[%swap3A], %swap3A_39 {strides = array<i32>} : memref<640xf32, #tpu.memory_space<vmem>>, vector<16xf32>,
    }
    %scan3A_13 = arith.constant 40 : i32
    "tpu.region"() ({
      %run_scoped3A = tpu.sem_alloc : memref<!tpu.dma_semaphore, #tpu.memory_space<semaphore_mem>>
      %dma_start3A = arith.constant 0 : i32
      %dma_start3A_33 = arith.constant 0 : i32
      %dma_start3A_34 = tpu.memref_slice %arg2[%add3A, %dma_start3A, %dma_start3A_33] : memref<32x111x128xi32, #tpu.memory_space<hbm>> -> memref<1x111x128xi32, #tpu.memory_space<hbm>>
      %dma_start3A_35 = tpu.memref_squeeze %dma_start3A_34 : memref<1x111x128xi32, #tpu.memory_space<hbm>> -> memref<111x128xi32, #tpu.memory_space<hbm>>
      %dma_start3A_36 = arith.constant 0 : i32
      %dma_start3A_37 = arith.constant 0 : i32
      %dma_start3A_38 = tpu.memref_slice %arg2[%add3A, %dma_start3A_36, %dma_start3A_37] : memref<32x111x128xi32, #tpu.memory_space<hbm>> -> memref<1x111x128xi32, #tpu.memory_space<hbm>>
      %dma_start3A_39 = tpu.memref_squeeze %dma_start3A_38 : memref<1x111x128xi32, #tpu.memory_space<hbm>> -> memref<111x128xi32, #tpu.memory_space<hbm>>
      tpu.enqueue_dma source(%dma_start3A_39 : memref<111x128xi32, #tpu.memory_space<hbm>>) target(%arg4 : memref<111x128xi32, #tpu.memory_space<vmem>>) target_semaphore(%run_scoped3A : memref<!tpu.dma_semaphore, #tpu.memory_space<semaphore_mem>>)
      %dma_wait3A = arith.constant 0 : i32
      %dma_wait3A_40 = arith.constant 0 : i32
      %dma_wait3A_41 = tpu.memref_slice %arg2[%add3A, %dma_wait3A, %dma_wait3A_40] : memref<32x111x128xi32, #tpu.memory_space<hbm>> -> memref<1x111x128xi32, #tpu.memory_space<hbm>>
      %dma_wait3A_42 = tpu.memref_squeeze %dma_wait3A_41 : memref<1x111x128xi32, #tpu.memory_space<hbm>> -> memref<111x128xi32, #tpu.memory_space<hbm>>
      %dma_wait3A_43 = arith.constant 0 : i32
      %dma_wait3A_44 = arith.constant 0 : i32
      %dma_wait3A_45 = tpu.memref_slice %arg2[%add3A, %dma_wait3A_43, %dma_wait3A_44] : memref<32x111x128xi32, #tpu.memory_space<hbm>> -> memref<1x111x128xi32, #tpu.memory_space<hbm>>
      %dma_wait3A_46 = tpu.memref_squeeze %dma_wait3A_45 : memref<1x111x128xi32, #tpu.memory_space<hbm>> -> memref<111x128xi32, #tpu.memory_space<hbm>>
      tpu.wait_dma2 semaphore(%run_scoped3A : memref<!tpu.dma_semaphore, #tpu.memory_space<semaphore_mem>>) src(%dma_wait3A_46 : memref<111x128xi32, #tpu.memory_space<hbm>>) dst(%arg4 : memref<111x128xi32, #tpu.memory_space<vmem>>)
      tpu.yield
    }) : () -> ()
    %mul3A_14 = arith.constant 640 : i32
    %mul3A_15 = arith.muli %arg1, %mul3A_14 : i32
    "tpu.region"() ({
      %run_scoped3A = tpu.sem_alloc : memref<!tpu.dma_semaphore, #tpu.memory_space<semaphore_mem>>
      %dma_start3A = tpu.memref_slice %arg7[%mul3A_15] : memref<10240xf32, #tpu.memory_space<vmem_shared>> -> memref<640xf32, #tpu.memory_space<vmem_shared>>
      %dma_start3A_33 = tpu.memref_slice %arg7[%mul3A_15] : memref<10240xf32, #tpu.memory_space<vmem_shared>> -> memref<640xf32, #tpu.memory_space<vmem_shared>>
      tpu.enqueue_dma source(%arg6 : memref<640xf32, #tpu.memory_space<vmem>>) target(%dma_start3A_33 : memref<640xf32, #tpu.memory_space<vmem_shared>>) target_semaphore(%run_scoped3A : memref<!tpu.dma_semaphore, #tpu.memory_space<semaphore_mem>>)
      %dma_wait3A = tpu.memref_slice %arg7[%mul3A_15] : memref<10240xf32, #tpu.memory_space<vmem_shared>> -> memref<640xf32, #tpu.memory_space<vmem_shared>>
      %dma_wait3A_34 = tpu.memref_slice %arg7[%mul3A_15] : memref<10240xf32, #tpu.memory_space<vmem_shared>> -> memref<640xf32, #tpu.memory_space<vmem_shared>>
      tpu.wait_dma2 semaphore(%run_scoped3A : memref<!tpu.dma_semaphore, #tpu.memory_space<semaphore_mem>>) src(%arg6 : memref<640xf32, #tpu.memory_space<vmem>>) dst(%dma_wait3A_34 : memref<640xf32, #tpu.memory_space<vmem_shared>>)
      tpu.yield
    }) : () -> ()
    %barrier3A = arith.constant 0 : index
    tpu.barrier barrier_id(%barrier3A)
    %while3A = arith.constant 0 : i32
    %while3A_16 = arith.constant 0 : i32
    %while3A_17 = arith.subi %select_n3A, %while3A_16 : i32
    %while3A_18 = arith.addi %while3A_16, %while3A_17 : i32
    %while3A_19 = arith.constant 1 : i32
    %while3A_20 = arith.divsi %while3A_17, %while3A_19 : i32
    %while3A_21 = arith.muli %while3A_20, %while3A_19 : i32
    %while3A_22 = arith.addi %while3A_16, %while3A_21 : i32
    %while3A_23 = arith.constant 1 : i32
    scf.for %while3A_33 = %while3A_16 to %while3A_22 step %while3A_23  : i32 {
      "tpu.region"() ({
        %run_scoped3A = tpu.sem_alloc : memref<!tpu.dma_semaphore, #tpu.memory_space<semaphore_mem>>
        %dma_start3A = arith.constant 0 : i32
        %dma_start3A_34 = tpu.memref_slice %arg4[%while3A_33, %dma_start3A] : memref<111x128xi32, #tpu.memory_space<vmem>> -> memref<1x128xi32, #tpu.memory_space<vmem>>
        %dma_start3A_35 = tpu.memref_squeeze %dma_start3A_34 : memref<1x128xi32, #tpu.memory_space<vmem>> -> memref<128xi32, #tpu.memory_space<vmem>>
        %dma_start3A_36 = arith.constant 0 : i32
        %dma_start3A_37 = tpu.memref_slice %arg7[%dma_start3A_36] : memref<10240xf32, #tpu.memory_space<vmem_shared>> -> memref<10240xf32, #tpu.memory_space<vmem_shared>>
        tpu.enqueue_indirect_dma source(%arg5 : memref<128xf32, #tpu.memory_space<vmem>>) target(%dma_start3A_37 : memref<10240xf32, #tpu.memory_space<vmem_shared>>) offsets(%dma_start3A_35 : memref<128xi32, #tpu.memory_space<vmem>>) semaphore(%run_scoped3A : memref<!tpu.dma_semaphore, #tpu.memory_space<semaphore_mem>>) {add = true}
        %dma_wait3A = arith.constant 0 : i32
        %dma_wait3A_38 = tpu.memref_slice %arg4[%while3A_33, %dma_wait3A] : memref<111x128xi32, #tpu.memory_space<vmem>> -> memref<1x128xi32, #tpu.memory_space<vmem>>
        %dma_wait3A_39 = tpu.memref_squeeze %dma_wait3A_38 : memref<1x128xi32, #tpu.memory_space<vmem>> -> memref<128xi32, #tpu.memory_space<vmem>>
        %dma_wait3A_40 = arith.constant 0 : i32
        %dma_wait3A_41 = tpu.memref_slice %arg7[%dma_wait3A_40] : memref<10240xf32, #tpu.memory_space<vmem_shared>> -> memref<10240xf32, #tpu.memory_space<vmem_shared>>
        tpu.wait_indirect_dma semaphore(%run_scoped3A : memref<!tpu.dma_semaphore, #tpu.memory_space<semaphore_mem>>) src(%arg5 : memref<128xf32, #tpu.memory_space<vmem>>) dst(%dma_wait3A_41 : memref<10240xf32, #tpu.memory_space<vmem_shared>>)
        tpu.yield
      }) : () -> ()
    }
    %while3A_24 = arith.constant 1 : i32
    scf.for %while3A_33 = %while3A_22 to %while3A_18 step %while3A_24  : i32 {
      "tpu.region"() ({
        %run_scoped3A = tpu.sem_alloc : memref<!tpu.dma_semaphore, #tpu.memory_space<semaphore_mem>>
        %dma_start3A = arith.constant 0 : i32
        %dma_start3A_34 = tpu.memref_slice %arg4[%while3A_33, %dma_start3A] : memref<111x128xi32, #tpu.memory_space<vmem>> -> memref<1x128xi32, #tpu.memory_space<vmem>>
        %dma_start3A_35 = tpu.memref_squeeze %dma_start3A_34 : memref<1x128xi32, #tpu.memory_space<vmem>> -> memref<128xi32, #tpu.memory_space<vmem>>
        %dma_start3A_36 = arith.constant 0 : i32
        %dma_start3A_37 = tpu.memref_slice %arg7[%dma_start3A_36] : memref<10240xf32, #tpu.memory_space<vmem_shared>> -> memref<10240xf32, #tpu.memory_space<vmem_shared>>
        tpu.enqueue_indirect_dma source(%arg5 : memref<128xf32, #tpu.memory_space<vmem>>) target(%dma_start3A_37 : memref<10240xf32, #tpu.memory_space<vmem_shared>>) offsets(%dma_start3A_35 : memref<128xi32, #tpu.memory_space<vmem>>) semaphore(%run_scoped3A : memref<!tpu.dma_semaphore, #tpu.memory_space<semaphore_mem>>) {add = true}
        %dma_wait3A = arith.constant 0 : i32
        %dma_wait3A_38 = tpu.memref_slice %arg4[%while3A_33, %dma_wait3A] : memref<111x128xi32, #tpu.memory_space<vmem>> -> memref<1x128xi32, #tpu.memory_space<vmem>>
        %dma_wait3A_39 = tpu.memref_squeeze %dma_wait3A_38 : memref<1x128xi32, #tpu.memory_space<vmem>> -> memref<128xi32, #tpu.memory_space<vmem>>
        %dma_wait3A_40 = arith.constant 0 : i32
        %dma_wait3A_41 = tpu.memref_slice %arg7[%dma_wait3A_40] : memref<10240xf32, #tpu.memory_space<vmem_shared>> -> memref<10240xf32, #tpu.memory_space<vmem_shared>>
        tpu.wait_indirect_dma semaphore(%run_scoped3A : memref<!tpu.dma_semaphore, #tpu.memory_space<semaphore_mem>>) src(%arg5 : memref<128xf32, #tpu.memory_space<vmem>>) dst(%dma_wait3A_41 : memref<10240xf32, #tpu.memory_space<vmem_shared>>)
        tpu.yield
      }) : () -> ()
    }
    %barrier3A_25 = arith.constant 0 : index
    tpu.barrier barrier_id(%barrier3A_25)
    %mul3A_26 = arith.constant 640 : i32
    %mul3A_27 = arith.muli %arg1, %mul3A_26 : i32
    "tpu.region"() ({
      %run_scoped3A = tpu.sem_alloc : memref<!tpu.dma_semaphore, #tpu.memory_space<semaphore_mem>>
      %dma_start3A = tpu.memref_slice %arg7[%mul3A_27] : memref<10240xf32, #tpu.memory_space<vmem_shared>> -> memref<640xf32, #tpu.memory_space<vmem_shared>>
      %dma_start3A_33 = tpu.memref_slice %arg7[%mul3A_27] : memref<10240xf32, #tpu.memory_space<vmem_shared>> -> memref<640xf32, #tpu.memory_space<vmem_shared>>
      tpu.enqueue_dma source(%dma_start3A_33 : memref<640xf32, #tpu.memory_space<vmem_shared>>) target(%arg6 : memref<640xf32, #tpu.memory_space<vmem>>) target_semaphore(%run_scoped3A : memref<!tpu.dma_semaphore, #tpu.memory_space<semaphore_mem>>)
      %dma_wait3A = tpu.memref_slice %arg7[%mul3A_27] : memref<10240xf32, #tpu.memory_space<vmem_shared>> -> memref<640xf32, #tpu.memory_space<vmem_shared>>
      %dma_wait3A_34 = tpu.memref_slice %arg7[%mul3A_27] : memref<10240xf32, #tpu.memory_space<vmem_shared>> -> memref<640xf32, #tpu.memory_space<vmem_shared>>
      tpu.wait_dma2 semaphore(%run_scoped3A : memref<!tpu.dma_semaphore, #tpu.memory_space<semaphore_mem>>) src(%dma_wait3A_34 : memref<640xf32, #tpu.memory_space<vmem_shared>>) dst(%arg6 : memref<640xf32, #tpu.memory_space<vmem>>)
      tpu.yield
    }) : () -> ()
    %mul3A_28 = arith.constant 10240 : i32
    %mul3A_29 = arith.muli %arg0, %mul3A_28 : i32
    %mul3A_30 = arith.constant 640 : i32
    %mul3A_31 = arith.muli %arg1, %mul3A_30 : i32
    %add3A_32 = arith.addi %mul3A_29, %mul3A_31 : i32
    "tpu.region"() ({
      %run_scoped3A = tpu.sem_alloc : memref<!tpu.dma_semaphore, #tpu.memory_space<semaphore_mem>>
      %dma_start3A = tpu.memref_slice %arg3[%add3A_32] : memref<20480xf32, #tpu.memory_space<hbm>> -> memref<640xf32, #tpu.memory_space<hbm>>
      %dma_start3A_33 = tpu.memref_slice %arg3[%add3A_32] : memref<20480xf32, #tpu.memory_space<hbm>> -> memref<640xf32, #tpu.memory_space<hbm>>
      tpu.enqueue_dma source(%arg6 : memref<640xf32, #tpu.memory_space<vmem>>) target(%dma_start3A_33 : memref<640xf32, #tpu.memory_space<hbm>>) target_semaphore(%run_scoped3A : memref<!tpu.dma_semaphore, #tpu.memory_space<semaphore_mem>>)
      %dma_wait3A = tpu.memref_slice %arg3[%add3A_32] : memref<20480xf32, #tpu.memory_space<hbm>> -> memref<640xf32, #tpu.memory_space<hbm>>
      %dma_wait3A_34 = tpu.memref_slice %arg3[%add3A_32] : memref<20480xf32, #tpu.memory_space<hbm>> -> memref<640xf32, #tpu.memory_space<hbm>>
      tpu.wait_dma2 semaphore(%run_scoped3A : memref<!tpu.dma_semaphore, #tpu.memory_space<semaphore_mem>>) src(%arg6 : memref<640xf32, #tpu.memory_space<vmem>>) dst(%dma_wait3A_34 : memref<640xf32, #tpu.memory_space<hbm>>)
      tpu.yield
    }) : () -> ()
    return
  }
}

#map = affine_map<(d0, d1) -> (0, 0)>
#map1 = affine_map<(d0, d1) -> (0, 0, 0)>
module attributes {stable_mosaic.version = 14 : i64} {
  func.func @body(%arg0: i32, %arg1: i32, %arg2: memref<10240x128xf32, #tpu.memory_space<hbm>>, %arg3: memref<32x111x128xi32, #tpu.memory_space<hbm>>, %arg4: memref<20480x128xf32, #tpu.memory_space<hbm>>, %arg5: memref<111x128xi32, #tpu.memory_space<vmem>>, %arg6: memref<4x128xi32, #tpu.memory_space<vmem>>, %arg7: memref<128x128xf32, #tpu.memory_space<vmem>>, %arg8: memref<128x128xf32, #tpu.memory_space<vmem>>, %arg9: memref<10240x128xf32, #tpu.memory_space<vmem_shared>>, %arg10: memref<!tpu.dma_semaphore, #tpu.memory_space<semaphore_mem>>, %arg11: memref<!tpu.dma_semaphore, #tpu.memory_space<semaphore_mem>>, %arg12: memref<!tpu.dma_semaphore, #tpu.memory_space<semaphore_mem>>, %arg13: memref<!tpu.dma_semaphore, #tpu.memory_space<semaphore_mem>>) attributes {dimension_semantics = [#tpu.dimension_semantics<core_parallel>, #tpu.dimension_semantics<subcore_parallel>], iteration_bounds = array<i64: 2, 16>, scalar_prefetch = 0 : i64, scratch_operands = 9 : i64, tpu.core_type = #tpu.core_type<sc_vector_subcore>, window_params = [{transform_indices = #map}, {transform_indices = #map1}, {transform_indices = #map}]} {
    %mul3A = arith.constant 16 : i32
    %mul3A_0 = arith.muli %arg0, %mul3A : i32
    %add3A = arith.addi %mul3A_0, %arg1 : i32
    %eq3A = arith.constant 0 : i32
    %eq3A_1 = arith.cmpi eq, %arg0, %eq3A : i32
    %jit3A = arith.constant 55 : i32
    %jit3A_2 = arith.constant 23 : i32
    %select_n3A = arith.select %eq3A_1, %jit3A, %jit3A_2 : i32
    %scan3A = arith.constant 0 : i32
    %scan3A_3 = arith.constant 0 : i32
    %scan3A_4 = arith.constant 128 : i32
    %scan3A_5 = arith.addi %scan3A_3, %scan3A_4 : i32
    %scan3A_6 = arith.constant 1 : i32
    scf.for %scan3A_405 = %scan3A_3 to %scan3A_5 step %scan3A_6  : i32 {
      %broadcast_in_dim3A = arith.constant 0.000000e+00 : f32
      %broadcast_in_dim3A_406 = vector.broadcast %broadcast_in_dim3A : f32 to vector<16xf32>
      %swap3A_407 = arith.index_cast %scan3A_405 : i32 to index
      %swap3A_408 = arith.constant 0 : index
      %swap3A_409 = tpu.vector_load %arg7[%swap3A_407, %swap3A_408] {strides = array<i32>} : memref<128x128xf32, #tpu.memory_space<vmem>>, vector<1x16xf32>,
      %swap3A_410 = vector.shape_cast %swap3A_409 : vector<1x16xf32> to vector<16xf32>
      %swap3A_411 = vector.shape_cast %broadcast_in_dim3A_406 : vector<16xf32> to vector<1x16xf32>
      tpu.vector_store %arg7[%swap3A_407, %swap3A_408], %swap3A_411 {strides = array<i32>} : memref<128x128xf32, #tpu.memory_space<vmem>>, vector<1x16xf32>,
      %broadcast_in_dim3A_412 = arith.constant 0.000000e+00 : f32
      %broadcast_in_dim3A_413 = vector.broadcast %broadcast_in_dim3A_412 : f32 to vector<16xf32>
      %swap3A_414 = arith.index_cast %scan3A_405 : i32 to index
      %swap3A_415 = arith.constant 16 : index
      %swap3A_416 = tpu.vector_load %arg7[%swap3A_414, %swap3A_415] {strides = array<i32>} : memref<128x128xf32, #tpu.memory_space<vmem>>, vector<1x16xf32>,
      %swap3A_417 = vector.shape_cast %swap3A_416 : vector<1x16xf32> to vector<16xf32>
      %swap3A_418 = vector.shape_cast %broadcast_in_dim3A_413 : vector<16xf32> to vector<1x16xf32>
      tpu.vector_store %arg7[%swap3A_414, %swap3A_415], %swap3A_418 {strides = array<i32>} : memref<128x128xf32, #tpu.memory_space<vmem>>, vector<1x16xf32>,
      %broadcast_in_dim3A_419 = arith.constant 0.000000e+00 : f32
      %broadcast_in_dim3A_420 = vector.broadcast %broadcast_in_dim3A_419 : f32 to vector<16xf32>
      %swap3A_421 = arith.index_cast %scan3A_405 : i32 to index
      %swap3A_422 = arith.constant 32 : index
      %swap3A_423 = tpu.vector_load %arg7[%swap3A_421, %swap3A_422] {strides = array<i32>} : memref<128x128xf32, #tpu.memory_space<vmem>>, vector<1x16xf32>,
      %swap3A_424 = vector.shape_cast %swap3A_423 : vector<1x16xf32> to vector<16xf32>
      %swap3A_425 = vector.shape_cast %broadcast_in_dim3A_420 : vector<16xf32> to vector<1x16xf32>
      tpu.vector_store %arg7[%swap3A_421, %swap3A_422], %swap3A_425 {strides = array<i32>} : memref<128x128xf32, #tpu.memory_space<vmem>>, vector<1x16xf32>,
      %broadcast_in_dim3A_426 = arith.constant 0.000000e+00 : f32
      %broadcast_in_dim3A_427 = vector.broadcast %broadcast_in_dim3A_426 : f32 to vector<16xf32>
      %swap3A_428 = arith.index_cast %scan3A_405 : i32 to index
      %swap3A_429 = arith.constant 48 : index
      %swap3A_430 = tpu.vector_load %arg7[%swap3A_428, %swap3A_429] {strides = array<i32>} : memref<128x128xf32, #tpu.memory_space<vmem>>, vector<1x16xf32>,
      %swap3A_431 = vector.shape_cast %swap3A_430 : vector<1x16xf32> to vector<16xf32>
      %swap3A_432 = vector.shape_cast %broadcast_in_dim3A_427 : vector<16xf32> to vector<1x16xf32>
      tpu.vector_store %arg7[%swap3A_428, %swap3A_429], %swap3A_432 {strides = array<i32>} : memref<128x128xf32, #tpu.memory_space<vmem>>, vector<1x16xf32>,
      %broadcast_in_dim3A_433 = arith.constant 0.000000e+00 : f32
      %broadcast_in_dim3A_434 = vector.broadcast %broadcast_in_dim3A_433 : f32 to vector<16xf32>
      %swap3A_435 = arith.index_cast %scan3A_405 : i32 to index
      %swap3A_436 = arith.constant 64 : index
      %swap3A_437 = tpu.vector_load %arg7[%swap3A_435, %swap3A_436] {strides = array<i32>} : memref<128x128xf32, #tpu.memory_space<vmem>>, vector<1x16xf32>,
      %swap3A_438 = vector.shape_cast %swap3A_437 : vector<1x16xf32> to vector<16xf32>
      %swap3A_439 = vector.shape_cast %broadcast_in_dim3A_434 : vector<16xf32> to vector<1x16xf32>
      tpu.vector_store %arg7[%swap3A_435, %swap3A_436], %swap3A_439 {strides = array<i32>} : memref<128x128xf32, #tpu.memory_space<vmem>>, vector<1x16xf32>,
      %broadcast_in_dim3A_440 = arith.constant 0.000000e+00 : f32
      %broadcast_in_dim3A_441 = vector.broadcast %broadcast_in_dim3A_440 : f32 to vector<16xf32>
      %swap3A_442 = arith.index_cast %scan3A_405 : i32 to index
      %swap3A_443 = arith.constant 80 : index
      %swap3A_444 = tpu.vector_load %arg7[%swap3A_442, %swap3A_443] {strides = array<i32>} : memref<128x128xf32, #tpu.memory_space<vmem>>, vector<1x16xf32>,
      %swap3A_445 = vector.shape_cast %swap3A_444 : vector<1x16xf32> to vector<16xf32>
      %swap3A_446 = vector.shape_cast %broadcast_in_dim3A_441 : vector<16xf32> to vector<1x16xf32>
      tpu.vector_store %arg7[%swap3A_442, %swap3A_443], %swap3A_446 {strides = array<i32>} : memref<128x128xf32, #tpu.memory_space<vmem>>, vector<1x16xf32>,
      %broadcast_in_dim3A_447 = arith.constant 0.000000e+00 : f32
      %broadcast_in_dim3A_448 = vector.broadcast %broadcast_in_dim3A_447 : f32 to vector<16xf32>
      %swap3A_449 = arith.index_cast %scan3A_405 : i32 to index
      %swap3A_450 = arith.constant 96 : index
      %swap3A_451 = tpu.vector_load %arg7[%swap3A_449, %swap3A_450] {strides = array<i32>} : memref<128x128xf32, #tpu.memory_space<vmem>>, vector<1x16xf32>,
      %swap3A_452 = vector.shape_cast %swap3A_451 : vector<1x16xf32> to vector<16xf32>
      %swap3A_453 = vector.shape_cast %broadcast_in_dim3A_448 : vector<16xf32> to vector<1x16xf32>
      tpu.vector_store %arg7[%swap3A_449, %swap3A_450], %swap3A_453 {strides = array<i32>} : memref<128x128xf32, #tpu.memory_space<vmem>>, vector<1x16xf32>,
      %broadcast_in_dim3A_454 = arith.constant 0.000000e+00 : f32
      %broadcast_in_dim3A_455 = vector.broadcast %broadcast_in_dim3A_454 : f32 to vector<16xf32>
      %swap3A_456 = arith.index_cast %scan3A_405 : i32 to index
      %swap3A_457 = arith.constant 112 : index
      %swap3A_458 = tpu.vector_load %arg7[%swap3A_456, %swap3A_457] {strides = array<i32>} : memref<128x128xf32, #tpu.memory_space<vmem>>, vector<1x16xf32>,
      %swap3A_459 = vector.shape_cast %swap3A_458 : vector<1x16xf32> to vector<16xf32>
      %swap3A_460 = vector.shape_cast %broadcast_in_dim3A_455 : vector<16xf32> to vector<1x16xf32>
      tpu.vector_store %arg7[%swap3A_456, %swap3A_457], %swap3A_460 {strides = array<i32>} : memref<128x128xf32, #tpu.memory_space<vmem>>, vector<1x16xf32>,
    }
    %scan3A_7 = arith.constant 128 : i32
    %mul3A_8 = arith.constant 640 : i32
    %mul3A_9 = arith.muli %arg1, %mul3A_8 : i32
    %add3A_10 = arith.constant 0 : i32
    %add3A_11 = arith.addi %mul3A_9, %add3A_10 : i32
    %dma_start3A = arith.constant 0 : i32
    %dma_start3A_12 = tpu.memref_slice %arg9[%add3A_11, %dma_start3A] : memref<10240x128xf32, #tpu.memory_space<vmem_shared>> -> memref<128x128xf32, #tpu.memory_space<vmem_shared>>
    %dma_start3A_13 = arith.constant 0 : i32
    %dma_start3A_14 = tpu.memref_slice %arg9[%add3A_11, %dma_start3A_13] : memref<10240x128xf32, #tpu.memory_space<vmem_shared>> -> memref<128x128xf32, #tpu.memory_space<vmem_shared>>
    tpu.enqueue_dma source(%arg7 : memref<128x128xf32, #tpu.memory_space<vmem>>) target(%dma_start3A_14 : memref<128x128xf32, #tpu.memory_space<vmem_shared>>) target_semaphore(%arg11 : memref<!tpu.dma_semaphore, #tpu.memory_space<semaphore_mem>>)
    %mul3A_15 = arith.constant 640 : i32
    %mul3A_16 = arith.muli %arg1, %mul3A_15 : i32
    %add3A_17 = arith.constant 128 : i32
    %add3A_18 = arith.addi %mul3A_16, %add3A_17 : i32
    %dma_start3A_19 = arith.constant 0 : i32
    %dma_start3A_20 = tpu.memref_slice %arg9[%add3A_18, %dma_start3A_19] : memref<10240x128xf32, #tpu.memory_space<vmem_shared>> -> memref<128x128xf32, #tpu.memory_space<vmem_shared>>
    %dma_start3A_21 = arith.constant 0 : i32
    %dma_start3A_22 = tpu.memref_slice %arg9[%add3A_18, %dma_start3A_21] : memref<10240x128xf32, #tpu.memory_space<vmem_shared>> -> memref<128x128xf32, #tpu.memory_space<vmem_shared>>
    tpu.enqueue_dma source(%arg7 : memref<128x128xf32, #tpu.memory_space<vmem>>) target(%dma_start3A_22 : memref<128x128xf32, #tpu.memory_space<vmem_shared>>) target_semaphore(%arg11 : memref<!tpu.dma_semaphore, #tpu.memory_space<semaphore_mem>>)
    %mul3A_23 = arith.constant 640 : i32
    %mul3A_24 = arith.muli %arg1, %mul3A_23 : i32
    %add3A_25 = arith.constant 256 : i32
    %add3A_26 = arith.addi %mul3A_24, %add3A_25 : i32
    %dma_start3A_27 = arith.constant 0 : i32
    %dma_start3A_28 = tpu.memref_slice %arg9[%add3A_26, %dma_start3A_27] : memref<10240x128xf32, #tpu.memory_space<vmem_shared>> -> memref<128x128xf32, #tpu.memory_space<vmem_shared>>
    %dma_start3A_29 = arith.constant 0 : i32
    %dma_start3A_30 = tpu.memref_slice %arg9[%add3A_26, %dma_start3A_29] : memref<10240x128xf32, #tpu.memory_space<vmem_shared>> -> memref<128x128xf32, #tpu.memory_space<vmem_shared>>
    tpu.enqueue_dma source(%arg7 : memref<128x128xf32, #tpu.memory_space<vmem>>) target(%dma_start3A_30 : memref<128x128xf32, #tpu.memory_space<vmem_shared>>) target_semaphore(%arg11 : memref<!tpu.dma_semaphore, #tpu.memory_space<semaphore_mem>>)
    %mul3A_31 = arith.constant 640 : i32
    %mul3A_32 = arith.muli %arg1, %mul3A_31 : i32
    %add3A_33 = arith.constant 384 : i32
    %add3A_34 = arith.addi %mul3A_32, %add3A_33 : i32
    %dma_start3A_35 = arith.constant 0 : i32
    %dma_start3A_36 = tpu.memref_slice %arg9[%add3A_34, %dma_start3A_35] : memref<10240x128xf32, #tpu.memory_space<vmem_shared>> -> memref<128x128xf32, #tpu.memory_space<vmem_shared>>
    %dma_start3A_37 = arith.constant 0 : i32
    %dma_start3A_38 = tpu.memref_slice %arg9[%add3A_34, %dma_start3A_37] : memref<10240x128xf32, #tpu.memory_space<vmem_shared>> -> memref<128x128xf32, #tpu.memory_space<vmem_shared>>
    tpu.enqueue_dma source(%arg7 : memref<128x128xf32, #tpu.memory_space<vmem>>) target(%dma_start3A_38 : memref<128x128xf32, #tpu.memory_space<vmem_shared>>) target_semaphore(%arg11 : memref<!tpu.dma_semaphore, #tpu.memory_space<semaphore_mem>>)
    %mul3A_39 = arith.constant 640 : i32
    %mul3A_40 = arith.muli %arg1, %mul3A_39 : i32
    %add3A_41 = arith.constant 512 : i32
    %add3A_42 = arith.addi %mul3A_40, %add3A_41 : i32
    %dma_start3A_43 = arith.constant 0 : i32
    %dma_start3A_44 = tpu.memref_slice %arg9[%add3A_42, %dma_start3A_43] : memref<10240x128xf32, #tpu.memory_space<vmem_shared>> -> memref<128x128xf32, #tpu.memory_space<vmem_shared>>
    %dma_start3A_45 = arith.constant 0 : i32
    %dma_start3A_46 = tpu.memref_slice %arg9[%add3A_42, %dma_start3A_45] : memref<10240x128xf32, #tpu.memory_space<vmem_shared>> -> memref<128x128xf32, #tpu.memory_space<vmem_shared>>
    tpu.enqueue_dma source(%arg7 : memref<128x128xf32, #tpu.memory_space<vmem>>) target(%dma_start3A_46 : memref<128x128xf32, #tpu.memory_space<vmem_shared>>) target_semaphore(%arg11 : memref<!tpu.dma_semaphore, #tpu.memory_space<semaphore_mem>>)
    "tpu.region"() ({
      %run_scoped3A_405 = tpu.sem_alloc : memref<!tpu.dma_semaphore, #tpu.memory_space<semaphore_mem>>
      %dma_start3A_406 = arith.constant 0 : i32
      %dma_start3A_407 = arith.constant 0 : i32
      %dma_start3A_408 = tpu.memref_slice %arg3[%add3A, %dma_start3A_406, %dma_start3A_407] : memref<32x111x128xi32, #tpu.memory_space<hbm>> -> memref<1x111x128xi32, #tpu.memory_space<hbm>>
      %dma_start3A_409 = tpu.memref_squeeze %dma_start3A_408 : memref<1x111x128xi32, #tpu.memory_space<hbm>> -> memref<111x128xi32, #tpu.memory_space<hbm>>
      %dma_start3A_410 = arith.constant 0 : i32
      %dma_start3A_411 = arith.constant 0 : i32
      %dma_start3A_412 = tpu.memref_slice %arg3[%add3A, %dma_start3A_410, %dma_start3A_411] : memref<32x111x128xi32, #tpu.memory_space<hbm>> -> memref<1x111x128xi32, #tpu.memory_space<hbm>>
      %dma_start3A_413 = tpu.memref_squeeze %dma_start3A_412 : memref<1x111x128xi32, #tpu.memory_space<hbm>> -> memref<111x128xi32, #tpu.memory_space<hbm>>
      tpu.enqueue_dma source(%dma_start3A_413 : memref<111x128xi32, #tpu.memory_space<hbm>>) target(%arg5 : memref<111x128xi32, #tpu.memory_space<vmem>>) target_semaphore(%run_scoped3A_405 : memref<!tpu.dma_semaphore, #tpu.memory_space<semaphore_mem>>)
      %dma_wait3A_414 = arith.constant 0 : i32
      %dma_wait3A_415 = arith.constant 0 : i32
      %dma_wait3A_416 = tpu.memref_slice %arg3[%add3A, %dma_wait3A_414, %dma_wait3A_415] : memref<32x111x128xi32, #tpu.memory_space<hbm>> -> memref<1x111x128xi32, #tpu.memory_space<hbm>>
      %dma_wait3A_417 = tpu.memref_squeeze %dma_wait3A_416 : memref<1x111x128xi32, #tpu.memory_space<hbm>> -> memref<111x128xi32, #tpu.memory_space<hbm>>
      %dma_wait3A_418 = arith.constant 0 : i32
      %dma_wait3A_419 = arith.constant 0 : i32
      %dma_wait3A_420 = tpu.memref_slice %arg3[%add3A, %dma_wait3A_418, %dma_wait3A_419] : memref<32x111x128xi32, #tpu.memory_space<hbm>> -> memref<1x111x128xi32, #tpu.memory_space<hbm>>
      %dma_wait3A_421 = tpu.memref_squeeze %dma_wait3A_420 : memref<1x111x128xi32, #tpu.memory_space<hbm>> -> memref<111x128xi32, #tpu.memory_space<hbm>>
      tpu.wait_dma2 semaphore(%run_scoped3A_405 : memref<!tpu.dma_semaphore, #tpu.memory_space<semaphore_mem>>) src(%dma_wait3A_421 : memref<111x128xi32, #tpu.memory_space<hbm>>) dst(%arg5 : memref<111x128xi32, #tpu.memory_space<vmem>>)
      tpu.yield
    }) : () -> ()
    %dma_wait3A = arith.constant 0 : i32
    %dma_wait3A_47 = tpu.memref_slice %arg9[%add3A_11, %dma_wait3A] : memref<10240x128xf32, #tpu.memory_space<vmem_shared>> -> memref<128x128xf32, #tpu.memory_space<vmem_shared>>
    %dma_wait3A_48 = arith.constant 0 : i32
    %dma_wait3A_49 = tpu.memref_slice %arg9[%add3A_11, %dma_wait3A_48] : memref<10240x128xf32, #tpu.memory_space<vmem_shared>> -> memref<128x128xf32, #tpu.memory_space<vmem_shared>>
    tpu.wait_dma2 semaphore(%arg11 : memref<!tpu.dma_semaphore, #tpu.memory_space<semaphore_mem>>) src(%arg7 : memref<128x128xf32, #tpu.memory_space<vmem>>) dst(%dma_wait3A_49 : memref<128x128xf32, #tpu.memory_space<vmem_shared>>)
    %dma_wait3A_50 = arith.constant 0 : i32
    %dma_wait3A_51 = tpu.memref_slice %arg9[%add3A_18, %dma_wait3A_50] : memref<10240x128xf32, #tpu.memory_space<vmem_shared>> -> memref<128x128xf32, #tpu.memory_space<vmem_shared>>
    %dma_wait3A_52 = arith.constant 0 : i32
    %dma_wait3A_53 = tpu.memref_slice %arg9[%add3A_18, %dma_wait3A_52] : memref<10240x128xf32, #tpu.memory_space<vmem_shared>> -> memref<128x128xf32, #tpu.memory_space<vmem_shared>>
    tpu.wait_dma2 semaphore(%arg11 : memref<!tpu.dma_semaphore, #tpu.memory_space<semaphore_mem>>) src(%arg7 : memref<128x128xf32, #tpu.memory_space<vmem>>) dst(%dma_wait3A_53 : memref<128x128xf32, #tpu.memory_space<vmem_shared>>)
    %dma_wait3A_54 = arith.constant 0 : i32
    %dma_wait3A_55 = tpu.memref_slice %arg9[%add3A_26, %dma_wait3A_54] : memref<10240x128xf32, #tpu.memory_space<vmem_shared>> -> memref<128x128xf32, #tpu.memory_space<vmem_shared>>
    %dma_wait3A_56 = arith.constant 0 : i32
    %dma_wait3A_57 = tpu.memref_slice %arg9[%add3A_26, %dma_wait3A_56] : memref<10240x128xf32, #tpu.memory_space<vmem_shared>> -> memref<128x128xf32, #tpu.memory_space<vmem_shared>>
    tpu.wait_dma2 semaphore(%arg11 : memref<!tpu.dma_semaphore, #tpu.memory_space<semaphore_mem>>) src(%arg7 : memref<128x128xf32, #tpu.memory_space<vmem>>) dst(%dma_wait3A_57 : memref<128x128xf32, #tpu.memory_space<vmem_shared>>)
    %dma_wait3A_58 = arith.constant 0 : i32
    %dma_wait3A_59 = tpu.memref_slice %arg9[%add3A_34, %dma_wait3A_58] : memref<10240x128xf32, #tpu.memory_space<vmem_shared>> -> memref<128x128xf32, #tpu.memory_space<vmem_shared>>
    %dma_wait3A_60 = arith.constant 0 : i32
    %dma_wait3A_61 = tpu.memref_slice %arg9[%add3A_34, %dma_wait3A_60] : memref<10240x128xf32, #tpu.memory_space<vmem_shared>> -> memref<128x128xf32, #tpu.memory_space<vmem_shared>>
    tpu.wait_dma2 semaphore(%arg11 : memref<!tpu.dma_semaphore, #tpu.memory_space<semaphore_mem>>) src(%arg7 : memref<128x128xf32, #tpu.memory_space<vmem>>) dst(%dma_wait3A_61 : memref<128x128xf32, #tpu.memory_space<vmem_shared>>)
    %dma_wait3A_62 = arith.constant 0 : i32
    %dma_wait3A_63 = tpu.memref_slice %arg9[%add3A_42, %dma_wait3A_62] : memref<10240x128xf32, #tpu.memory_space<vmem_shared>> -> memref<128x128xf32, #tpu.memory_space<vmem_shared>>
    %dma_wait3A_64 = arith.constant 0 : i32
    %dma_wait3A_65 = tpu.memref_slice %arg9[%add3A_42, %dma_wait3A_64] : memref<10240x128xf32, #tpu.memory_space<vmem_shared>> -> memref<128x128xf32, #tpu.memory_space<vmem_shared>>
    tpu.wait_dma2 semaphore(%arg11 : memref<!tpu.dma_semaphore, #tpu.memory_space<semaphore_mem>>) src(%arg7 : memref<128x128xf32, #tpu.memory_space<vmem>>) dst(%dma_wait3A_65 : memref<128x128xf32, #tpu.memory_space<vmem_shared>>)
    %barrier3A = arith.constant 0 : index
    tpu.barrier barrier_id(%barrier3A)
    %get3A = arith.constant 0 : i32
    %get3A_66 = arith.index_cast %get3A : i32 to index
    %get3A_67 = arith.constant 0 : index
    %get3A_68 = tpu.vector_load %arg5[%get3A_66, %get3A_67] {strides = array<i32>} : memref<111x128xi32, #tpu.memory_space<vmem>>, vector<1x16xi32>,
    %get3A_69 = vector.shape_cast %get3A_68 : vector<1x16xi32> to vector<16xi32>
    %shift_right_logical3A = arith.constant 14 : i32
    %shift_right_logical3A_70 = vector.broadcast %shift_right_logical3A : i32 to vector<16xi32>
    %shift_right_logical3A_71 = arith.shrui %get3A_69, %shift_right_logical3A_70 : vector<16xi32>
    %swap3A = arith.constant 0 : i32
    %swap3A_72 = arith.index_cast %swap3A : i32 to index
    %swap3A_73 = arith.constant 0 : index
    %swap3A_74 = tpu.vector_load %arg6[%swap3A_72, %swap3A_73] {strides = array<i32>} : memref<4x128xi32, #tpu.memory_space<vmem>>, vector<1x16xi32>,
    %swap3A_75 = vector.shape_cast %swap3A_74 : vector<1x16xi32> to vector<16xi32>
    %swap3A_76 = vector.shape_cast %shift_right_logical3A_71 : vector<16xi32> to vector<1x16xi32>
    tpu.vector_store %arg6[%swap3A_72, %swap3A_73], %swap3A_76 {strides = array<i32>} : memref<4x128xi32, #tpu.memory_space<vmem>>, vector<1x16xi32>,
    %and3A = arith.constant 16383 : i32
    %and3A_77 = vector.broadcast %and3A : i32 to vector<16xi32>
    %and3A_78 = arith.andi %get3A_69, %and3A_77 : vector<16xi32>
    %swap3A_79 = arith.constant 1 : i32
    %swap3A_80 = arith.index_cast %swap3A_79 : i32 to index
    %swap3A_81 = arith.constant 0 : index
    %swap3A_82 = tpu.vector_load %arg6[%swap3A_80, %swap3A_81] {strides = array<i32>} : memref<4x128xi32, #tpu.memory_space<vmem>>, vector<1x16xi32>,
    %swap3A_83 = vector.shape_cast %swap3A_82 : vector<1x16xi32> to vector<16xi32>
    %swap3A_84 = vector.shape_cast %and3A_78 : vector<16xi32> to vector<1x16xi32>
    tpu.vector_store %arg6[%swap3A_80, %swap3A_81], %swap3A_84 {strides = array<i32>} : memref<4x128xi32, #tpu.memory_space<vmem>>, vector<1x16xi32>,
    %get3A_85 = arith.constant 0 : i32
    %get3A_86 = arith.index_cast %get3A_85 : i32 to index
    %get3A_87 = arith.constant 16 : index
    %get3A_88 = tpu.vector_load %arg5[%get3A_86, %get3A_87] {strides = array<i32>} : memref<111x128xi32, #tpu.memory_space<vmem>>, vector<1x16xi32>,
    %get3A_89 = vector.shape_cast %get3A_88 : vector<1x16xi32> to vector<16xi32>
    %shift_right_logical3A_90 = arith.constant 14 : i32
    %shift_right_logical3A_91 = vector.broadcast %shift_right_logical3A_90 : i32 to vector<16xi32>
    %shift_right_logical3A_92 = arith.shrui %get3A_89, %shift_right_logical3A_91 : vector<16xi32>
    %swap3A_93 = arith.constant 0 : i32
    %swap3A_94 = arith.index_cast %swap3A_93 : i32 to index
    %swap3A_95 = arith.constant 16 : index
    %swap3A_96 = tpu.vector_load %arg6[%swap3A_94, %swap3A_95] {strides = array<i32>} : memref<4x128xi32, #tpu.memory_space<vmem>>, vector<1x16xi32>,
    %swap3A_97 = vector.shape_cast %swap3A_96 : vector<1x16xi32> to vector<16xi32>
    %swap3A_98 = vector.shape_cast %shift_right_logical3A_92 : vector<16xi32> to vector<1x16xi32>
    tpu.vector_store %arg6[%swap3A_94, %swap3A_95], %swap3A_98 {strides = array<i32>} : memref<4x128xi32, #tpu.memory_space<vmem>>, vector<1x16xi32>,
    %and3A_99 = arith.constant 16383 : i32
    %and3A_100 = vector.broadcast %and3A_99 : i32 to vector<16xi32>
    %and3A_101 = arith.andi %get3A_89, %and3A_100 : vector<16xi32>
    %swap3A_102 = arith.constant 1 : i32
    %swap3A_103 = arith.index_cast %swap3A_102 : i32 to index
    %swap3A_104 = arith.constant 16 : index
    %swap3A_105 = tpu.vector_load %arg6[%swap3A_103, %swap3A_104] {strides = array<i32>} : memref<4x128xi32, #tpu.memory_space<vmem>>, vector<1x16xi32>,
    %swap3A_106 = vector.shape_cast %swap3A_105 : vector<1x16xi32> to vector<16xi32>
    %swap3A_107 = vector.shape_cast %and3A_101 : vector<16xi32> to vector<1x16xi32>
    tpu.vector_store %arg6[%swap3A_103, %swap3A_104], %swap3A_107 {strides = array<i32>} : memref<4x128xi32, #tpu.memory_space<vmem>>, vector<1x16xi32>,
    %get3A_108 = arith.constant 0 : i32
    %get3A_109 = arith.index_cast %get3A_108 : i32 to index
    %get3A_110 = arith.constant 32 : index
    %get3A_111 = tpu.vector_load %arg5[%get3A_109, %get3A_110] {strides = array<i32>} : memref<111x128xi32, #tpu.memory_space<vmem>>, vector<1x16xi32>,
    %get3A_112 = vector.shape_cast %get3A_111 : vector<1x16xi32> to vector<16xi32>
    %shift_right_logical3A_113 = arith.constant 14 : i32
    %shift_right_logical3A_114 = vector.broadcast %shift_right_logical3A_113 : i32 to vector<16xi32>
    %shift_right_logical3A_115 = arith.shrui %get3A_112, %shift_right_logical3A_114 : vector<16xi32>
    %swap3A_116 = arith.constant 0 : i32
    %swap3A_117 = arith.index_cast %swap3A_116 : i32 to index
    %swap3A_118 = arith.constant 32 : index
    %swap3A_119 = tpu.vector_load %arg6[%swap3A_117, %swap3A_118] {strides = array<i32>} : memref<4x128xi32, #tpu.memory_space<vmem>>, vector<1x16xi32>,
    %swap3A_120 = vector.shape_cast %swap3A_119 : vector<1x16xi32> to vector<16xi32>
    %swap3A_121 = vector.shape_cast %shift_right_logical3A_115 : vector<16xi32> to vector<1x16xi32>
    tpu.vector_store %arg6[%swap3A_117, %swap3A_118], %swap3A_121 {strides = array<i32>} : memref<4x128xi32, #tpu.memory_space<vmem>>, vector<1x16xi32>,
    %and3A_122 = arith.constant 16383 : i32
    %and3A_123 = vector.broadcast %and3A_122 : i32 to vector<16xi32>
    %and3A_124 = arith.andi %get3A_112, %and3A_123 : vector<16xi32>
    %swap3A_125 = arith.constant 1 : i32
    %swap3A_126 = arith.index_cast %swap3A_125 : i32 to index
    %swap3A_127 = arith.constant 32 : index
    %swap3A_128 = tpu.vector_load %arg6[%swap3A_126, %swap3A_127] {strides = array<i32>} : memref<4x128xi32, #tpu.memory_space<vmem>>, vector<1x16xi32>,
    %swap3A_129 = vector.shape_cast %swap3A_128 : vector<1x16xi32> to vector<16xi32>
    %swap3A_130 = vector.shape_cast %and3A_124 : vector<16xi32> to vector<1x16xi32>
    tpu.vector_store %arg6[%swap3A_126, %swap3A_127], %swap3A_130 {strides = array<i32>} : memref<4x128xi32, #tpu.memory_space<vmem>>, vector<1x16xi32>,
    %get3A_131 = arith.constant 0 : i32
    %get3A_132 = arith.index_cast %get3A_131 : i32 to index
    %get3A_133 = arith.constant 48 : index
    %get3A_134 = tpu.vector_load %arg5[%get3A_132, %get3A_133] {strides = array<i32>} : memref<111x128xi32, #tpu.memory_space<vmem>>, vector<1x16xi32>,
    %get3A_135 = vector.shape_cast %get3A_134 : vector<1x16xi32> to vector<16xi32>
    %shift_right_logical3A_136 = arith.constant 14 : i32
    %shift_right_logical3A_137 = vector.broadcast %shift_right_logical3A_136 : i32 to vector<16xi32>
    %shift_right_logical3A_138 = arith.shrui %get3A_135, %shift_right_logical3A_137 : vector<16xi32>
    %swap3A_139 = arith.constant 0 : i32
    %swap3A_140 = arith.index_cast %swap3A_139 : i32 to index
    %swap3A_141 = arith.constant 48 : index
    %swap3A_142 = tpu.vector_load %arg6[%swap3A_140, %swap3A_141] {strides = array<i32>} : memref<4x128xi32, #tpu.memory_space<vmem>>, vector<1x16xi32>,
    %swap3A_143 = vector.shape_cast %swap3A_142 : vector<1x16xi32> to vector<16xi32>
    %swap3A_144 = vector.shape_cast %shift_right_logical3A_138 : vector<16xi32> to vector<1x16xi32>
    tpu.vector_store %arg6[%swap3A_140, %swap3A_141], %swap3A_144 {strides = array<i32>} : memref<4x128xi32, #tpu.memory_space<vmem>>, vector<1x16xi32>,
    %and3A_145 = arith.constant 16383 : i32
    %and3A_146 = vector.broadcast %and3A_145 : i32 to vector<16xi32>
    %and3A_147 = arith.andi %get3A_135, %and3A_146 : vector<16xi32>
    %swap3A_148 = arith.constant 1 : i32
    %swap3A_149 = arith.index_cast %swap3A_148 : i32 to index
    %swap3A_150 = arith.constant 48 : index
    %swap3A_151 = tpu.vector_load %arg6[%swap3A_149, %swap3A_150] {strides = array<i32>} : memref<4x128xi32, #tpu.memory_space<vmem>>, vector<1x16xi32>,
    %swap3A_152 = vector.shape_cast %swap3A_151 : vector<1x16xi32> to vector<16xi32>
    %swap3A_153 = vector.shape_cast %and3A_147 : vector<16xi32> to vector<1x16xi32>
    tpu.vector_store %arg6[%swap3A_149, %swap3A_150], %swap3A_153 {strides = array<i32>} : memref<4x128xi32, #tpu.memory_space<vmem>>, vector<1x16xi32>,
    %get3A_154 = arith.constant 0 : i32
    %get3A_155 = arith.index_cast %get3A_154 : i32 to index
    %get3A_156 = arith.constant 64 : index
    %get3A_157 = tpu.vector_load %arg5[%get3A_155, %get3A_156] {strides = array<i32>} : memref<111x128xi32, #tpu.memory_space<vmem>>, vector<1x16xi32>,
    %get3A_158 = vector.shape_cast %get3A_157 : vector<1x16xi32> to vector<16xi32>
    %shift_right_logical3A_159 = arith.constant 14 : i32
    %shift_right_logical3A_160 = vector.broadcast %shift_right_logical3A_159 : i32 to vector<16xi32>
    %shift_right_logical3A_161 = arith.shrui %get3A_158, %shift_right_logical3A_160 : vector<16xi32>
    %swap3A_162 = arith.constant 0 : i32
    %swap3A_163 = arith.index_cast %swap3A_162 : i32 to index
    %swap3A_164 = arith.constant 64 : index
    %swap3A_165 = tpu.vector_load %arg6[%swap3A_163, %swap3A_164] {strides = array<i32>} : memref<4x128xi32, #tpu.memory_space<vmem>>, vector<1x16xi32>,
    %swap3A_166 = vector.shape_cast %swap3A_165 : vector<1x16xi32> to vector<16xi32>
    %swap3A_167 = vector.shape_cast %shift_right_logical3A_161 : vector<16xi32> to vector<1x16xi32>
    tpu.vector_store %arg6[%swap3A_163, %swap3A_164], %swap3A_167 {strides = array<i32>} : memref<4x128xi32, #tpu.memory_space<vmem>>, vector<1x16xi32>,
    %and3A_168 = arith.constant 16383 : i32
    %and3A_169 = vector.broadcast %and3A_168 : i32 to vector<16xi32>
    %and3A_170 = arith.andi %get3A_158, %and3A_169 : vector<16xi32>
    %swap3A_171 = arith.constant 1 : i32
    %swap3A_172 = arith.index_cast %swap3A_171 : i32 to index
    %swap3A_173 = arith.constant 64 : index
    %swap3A_174 = tpu.vector_load %arg6[%swap3A_172, %swap3A_173] {strides = array<i32>} : memref<4x128xi32, #tpu.memory_space<vmem>>, vector<1x16xi32>,
    %swap3A_175 = vector.shape_cast %swap3A_174 : vector<1x16xi32> to vector<16xi32>
    %swap3A_176 = vector.shape_cast %and3A_170 : vector<16xi32> to vector<1x16xi32>
    tpu.vector_store %arg6[%swap3A_172, %swap3A_173], %swap3A_176 {strides = array<i32>} : memref<4x128xi32, #tpu.memory_space<vmem>>, vector<1x16xi32>,
    %get3A_177 = arith.constant 0 : i32
    %get3A_178 = arith.index_cast %get3A_177 : i32 to index
    %get3A_179 = arith.constant 80 : index
    %get3A_180 = tpu.vector_load %arg5[%get3A_178, %get3A_179] {strides = array<i32>} : memref<111x128xi32, #tpu.memory_space<vmem>>, vector<1x16xi32>,
    %get3A_181 = vector.shape_cast %get3A_180 : vector<1x16xi32> to vector<16xi32>
    %shift_right_logical3A_182 = arith.constant 14 : i32
    %shift_right_logical3A_183 = vector.broadcast %shift_right_logical3A_182 : i32 to vector<16xi32>
    %shift_right_logical3A_184 = arith.shrui %get3A_181, %shift_right_logical3A_183 : vector<16xi32>
    %swap3A_185 = arith.constant 0 : i32
    %swap3A_186 = arith.index_cast %swap3A_185 : i32 to index
    %swap3A_187 = arith.constant 80 : index
    %swap3A_188 = tpu.vector_load %arg6[%swap3A_186, %swap3A_187] {strides = array<i32>} : memref<4x128xi32, #tpu.memory_space<vmem>>, vector<1x16xi32>,
    %swap3A_189 = vector.shape_cast %swap3A_188 : vector<1x16xi32> to vector<16xi32>
    %swap3A_190 = vector.shape_cast %shift_right_logical3A_184 : vector<16xi32> to vector<1x16xi32>
    tpu.vector_store %arg6[%swap3A_186, %swap3A_187], %swap3A_190 {strides = array<i32>} : memref<4x128xi32, #tpu.memory_space<vmem>>, vector<1x16xi32>,
    %and3A_191 = arith.constant 16383 : i32
    %and3A_192 = vector.broadcast %and3A_191 : i32 to vector<16xi32>
    %and3A_193 = arith.andi %get3A_181, %and3A_192 : vector<16xi32>
    %swap3A_194 = arith.constant 1 : i32
    %swap3A_195 = arith.index_cast %swap3A_194 : i32 to index
    %swap3A_196 = arith.constant 80 : index
    %swap3A_197 = tpu.vector_load %arg6[%swap3A_195, %swap3A_196] {strides = array<i32>} : memref<4x128xi32, #tpu.memory_space<vmem>>, vector<1x16xi32>,
    %swap3A_198 = vector.shape_cast %swap3A_197 : vector<1x16xi32> to vector<16xi32>
    %swap3A_199 = vector.shape_cast %and3A_193 : vector<16xi32> to vector<1x16xi32>
    tpu.vector_store %arg6[%swap3A_195, %swap3A_196], %swap3A_199 {strides = array<i32>} : memref<4x128xi32, #tpu.memory_space<vmem>>, vector<1x16xi32>,
    %get3A_200 = arith.constant 0 : i32
    %get3A_201 = arith.index_cast %get3A_200 : i32 to index
    %get3A_202 = arith.constant 96 : index
    %get3A_203 = tpu.vector_load %arg5[%get3A_201, %get3A_202] {strides = array<i32>} : memref<111x128xi32, #tpu.memory_space<vmem>>, vector<1x16xi32>,
    %get3A_204 = vector.shape_cast %get3A_203 : vector<1x16xi32> to vector<16xi32>
    %shift_right_logical3A_205 = arith.constant 14 : i32
    %shift_right_logical3A_206 = vector.broadcast %shift_right_logical3A_205 : i32 to vector<16xi32>
    %shift_right_logical3A_207 = arith.shrui %get3A_204, %shift_right_logical3A_206 : vector<16xi32>
    %swap3A_208 = arith.constant 0 : i32
    %swap3A_209 = arith.index_cast %swap3A_208 : i32 to index
    %swap3A_210 = arith.constant 96 : index
    %swap3A_211 = tpu.vector_load %arg6[%swap3A_209, %swap3A_210] {strides = array<i32>} : memref<4x128xi32, #tpu.memory_space<vmem>>, vector<1x16xi32>,
    %swap3A_212 = vector.shape_cast %swap3A_211 : vector<1x16xi32> to vector<16xi32>
    %swap3A_213 = vector.shape_cast %shift_right_logical3A_207 : vector<16xi32> to vector<1x16xi32>
    tpu.vector_store %arg6[%swap3A_209, %swap3A_210], %swap3A_213 {strides = array<i32>} : memref<4x128xi32, #tpu.memory_space<vmem>>, vector<1x16xi32>,
    %and3A_214 = arith.constant 16383 : i32
    %and3A_215 = vector.broadcast %and3A_214 : i32 to vector<16xi32>
    %and3A_216 = arith.andi %get3A_204, %and3A_215 : vector<16xi32>
    %swap3A_217 = arith.constant 1 : i32
    %swap3A_218 = arith.index_cast %swap3A_217 : i32 to index
    %swap3A_219 = arith.constant 96 : index
    %swap3A_220 = tpu.vector_load %arg6[%swap3A_218, %swap3A_219] {strides = array<i32>} : memref<4x128xi32, #tpu.memory_space<vmem>>, vector<1x16xi32>,
    %swap3A_221 = vector.shape_cast %swap3A_220 : vector<1x16xi32> to vector<16xi32>
    %swap3A_222 = vector.shape_cast %and3A_216 : vector<16xi32> to vector<1x16xi32>
    tpu.vector_store %arg6[%swap3A_218, %swap3A_219], %swap3A_222 {strides = array<i32>} : memref<4x128xi32, #tpu.memory_space<vmem>>, vector<1x16xi32>,
    %get3A_223 = arith.constant 0 : i32
    %get3A_224 = arith.index_cast %get3A_223 : i32 to index
    %get3A_225 = arith.constant 112 : index
    %get3A_226 = tpu.vector_load %arg5[%get3A_224, %get3A_225] {strides = array<i32>} : memref<111x128xi32, #tpu.memory_space<vmem>>, vector<1x16xi32>,
    %get3A_227 = vector.shape_cast %get3A_226 : vector<1x16xi32> to vector<16xi32>
    %shift_right_logical3A_228 = arith.constant 14 : i32
    %shift_right_logical3A_229 = vector.broadcast %shift_right_logical3A_228 : i32 to vector<16xi32>
    %shift_right_logical3A_230 = arith.shrui %get3A_227, %shift_right_logical3A_229 : vector<16xi32>
    %swap3A_231 = arith.constant 0 : i32
    %swap3A_232 = arith.index_cast %swap3A_231 : i32 to index
    %swap3A_233 = arith.constant 112 : index
    %swap3A_234 = tpu.vector_load %arg6[%swap3A_232, %swap3A_233] {strides = array<i32>} : memref<4x128xi32, #tpu.memory_space<vmem>>, vector<1x16xi32>,
    %swap3A_235 = vector.shape_cast %swap3A_234 : vector<1x16xi32> to vector<16xi32>
    %swap3A_236 = vector.shape_cast %shift_right_logical3A_230 : vector<16xi32> to vector<1x16xi32>
    tpu.vector_store %arg6[%swap3A_232, %swap3A_233], %swap3A_236 {strides = array<i32>} : memref<4x128xi32, #tpu.memory_space<vmem>>, vector<1x16xi32>,
    %and3A_237 = arith.constant 16383 : i32
    %and3A_238 = vector.broadcast %and3A_237 : i32 to vector<16xi32>
    %and3A_239 = arith.andi %get3A_227, %and3A_238 : vector<16xi32>
    %swap3A_240 = arith.constant 1 : i32
    %swap3A_241 = arith.index_cast %swap3A_240 : i32 to index
    %swap3A_242 = arith.constant 112 : index
    %swap3A_243 = tpu.vector_load %arg6[%swap3A_241, %swap3A_242] {strides = array<i32>} : memref<4x128xi32, #tpu.memory_space<vmem>>, vector<1x16xi32>,
    %swap3A_244 = vector.shape_cast %swap3A_243 : vector<1x16xi32> to vector<16xi32>
    %swap3A_245 = vector.shape_cast %and3A_239 : vector<16xi32> to vector<1x16xi32>
    tpu.vector_store %arg6[%swap3A_241, %swap3A_242], %swap3A_245 {strides = array<i32>} : memref<4x128xi32, #tpu.memory_space<vmem>>, vector<1x16xi32>,
    %dma_start3A_246 = arith.constant 0 : i32
    %dma_start3A_247 = arith.constant 0 : i32
    %dma_start3A_248 = tpu.memref_slice %arg6[%dma_start3A_246, %dma_start3A_247] : memref<4x128xi32, #tpu.memory_space<vmem>> -> memref<1x128xi32, #tpu.memory_space<vmem>>
    %dma_start3A_249 = tpu.memref_squeeze %dma_start3A_248 : memref<1x128xi32, #tpu.memory_space<vmem>> -> memref<128xi32, #tpu.memory_space<vmem>>
    %dma_start3A_250 = arith.constant 0 : i32
    %dma_start3A_251 = arith.constant 0 : i32
    %dma_start3A_252 = tpu.memref_slice %arg2[%dma_start3A_250, %dma_start3A_251] : memref<10240x128xf32, #tpu.memory_space<hbm>> -> memref<10240x128xf32, #tpu.memory_space<hbm>>
    tpu.enqueue_indirect_dma source(%dma_start3A_252 : memref<10240x128xf32, #tpu.memory_space<hbm>>) target(%arg7 : memref<128x128xf32, #tpu.memory_space<vmem>>) offsets(%dma_start3A_249 : memref<128xi32, #tpu.memory_space<vmem>>) semaphore(%arg10 : memref<!tpu.dma_semaphore, #tpu.memory_space<semaphore_mem>>)
    %while3A = arith.constant 0 : i32
    %while3A_253 = arith.constant 0 : i32
    %while3A_254 = arith.subi %select_n3A, %while3A_253 : i32
    %while3A_255 = arith.addi %while3A_253, %while3A_254 : i32
    %while3A_256 = arith.constant 1 : i32
    %while3A_257 = arith.divsi %while3A_254, %while3A_256 : i32
    %while3A_258 = arith.muli %while3A_257, %while3A_256 : i32
    %while3A_259 = arith.addi %while3A_253, %while3A_258 : i32
    %while3A_260 = arith.constant 1 : i32
    scf.for %while3A_405 = %while3A_253 to %while3A_259 step %while3A_260  : i32 {
      %mul3A_406 = arith.constant 2 : i32
      %mul3A_407 = arith.muli %mul3A_406, %while3A_405 : i32
      %add3A_408 = arith.constant 1 : i32
      %add3A_409 = arith.addi %mul3A_407, %add3A_408 : i32
      %get3A_410 = arith.index_cast %add3A_409 : i32 to index
      %get3A_411 = arith.constant 0 : index
      %get3A_412 = tpu.vector_load %arg5[%get3A_410, %get3A_411] {strides = array<i32>} : memref<111x128xi32, #tpu.memory_space<vmem>>, vector<1x16xi32>,
      %get3A_413 = vector.shape_cast %get3A_412 : vector<1x16xi32> to vector<16xi32>
      %shift_right_logical3A_414 = arith.constant 14 : i32
      %shift_right_logical3A_415 = vector.broadcast %shift_right_logical3A_414 : i32 to vector<16xi32>
      %shift_right_logical3A_416 = arith.shrui %get3A_413, %shift_right_logical3A_415 : vector<16xi32>
      %swap3A_417 = arith.constant 2 : i32
      %swap3A_418 = arith.index_cast %swap3A_417 : i32 to index
      %swap3A_419 = arith.constant 0 : index
      %swap3A_420 = tpu.vector_load %arg6[%swap3A_418, %swap3A_419] {strides = array<i32>} : memref<4x128xi32, #tpu.memory_space<vmem>>, vector<1x16xi32>,
      %swap3A_421 = vector.shape_cast %swap3A_420 : vector<1x16xi32> to vector<16xi32>
      %swap3A_422 = vector.shape_cast %shift_right_logical3A_416 : vector<16xi32> to vector<1x16xi32>
      tpu.vector_store %arg6[%swap3A_418, %swap3A_419], %swap3A_422 {strides = array<i32>} : memref<4x128xi32, #tpu.memory_space<vmem>>, vector<1x16xi32>,
      %and3A_423 = arith.constant 16383 : i32
      %and3A_424 = vector.broadcast %and3A_423 : i32 to vector<16xi32>
      %and3A_425 = arith.andi %get3A_413, %and3A_424 : vector<16xi32>
      %swap3A_426 = arith.constant 3 : i32
      %swap3A_427 = arith.index_cast %swap3A_426 : i32 to index
      %swap3A_428 = arith.constant 0 : index
      %swap3A_429 = tpu.vector_load %arg6[%swap3A_427, %swap3A_428] {strides = array<i32>} : memref<4x128xi32, #tpu.memory_space<vmem>>, vector<1x16xi32>,
      %swap3A_430 = vector.shape_cast %swap3A_429 : vector<1x16xi32> to vector<16xi32>
      %swap3A_431 = vector.shape_cast %and3A_425 : vector<16xi32> to vector<1x16xi32>
      tpu.vector_store %arg6[%swap3A_427, %swap3A_428], %swap3A_431 {strides = array<i32>} : memref<4x128xi32, #tpu.memory_space<vmem>>, vector<1x16xi32>,
      %get3A_432 = arith.index_cast %add3A_409 : i32 to index
      %get3A_433 = arith.constant 16 : index
      %get3A_434 = tpu.vector_load %arg5[%get3A_432, %get3A_433] {strides = array<i32>} : memref<111x128xi32, #tpu.memory_space<vmem>>, vector<1x16xi32>,
      %get3A_435 = vector.shape_cast %get3A_434 : vector<1x16xi32> to vector<16xi32>
      %shift_right_logical3A_436 = arith.constant 14 : i32
      %shift_right_logical3A_437 = vector.broadcast %shift_right_logical3A_436 : i32 to vector<16xi32>
      %shift_right_logical3A_438 = arith.shrui %get3A_435, %shift_right_logical3A_437 : vector<16xi32>
      %swap3A_439 = arith.constant 2 : i32
      %swap3A_440 = arith.index_cast %swap3A_439 : i32 to index
      %swap3A_441 = arith.constant 16 : index
      %swap3A_442 = tpu.vector_load %arg6[%swap3A_440, %swap3A_441] {strides = array<i32>} : memref<4x128xi32, #tpu.memory_space<vmem>>, vector<1x16xi32>,
      %swap3A_443 = vector.shape_cast %swap3A_442 : vector<1x16xi32> to vector<16xi32>
      %swap3A_444 = vector.shape_cast %shift_right_logical3A_438 : vector<16xi32> to vector<1x16xi32>
      tpu.vector_store %arg6[%swap3A_440, %swap3A_441], %swap3A_444 {strides = array<i32>} : memref<4x128xi32, #tpu.memory_space<vmem>>, vector<1x16xi32>,
      %and3A_445 = arith.constant 16383 : i32
      %and3A_446 = vector.broadcast %and3A_445 : i32 to vector<16xi32>
      %and3A_447 = arith.andi %get3A_435, %and3A_446 : vector<16xi32>
      %swap3A_448 = arith.constant 3 : i32
      %swap3A_449 = arith.index_cast %swap3A_448 : i32 to index
      %swap3A_450 = arith.constant 16 : index
      %swap3A_451 = tpu.vector_load %arg6[%swap3A_449, %swap3A_450] {strides = array<i32>} : memref<4x128xi32, #tpu.memory_space<vmem>>, vector<1x16xi32>,
      %swap3A_452 = vector.shape_cast %swap3A_451 : vector<1x16xi32> to vector<16xi32>
      %swap3A_453 = vector.shape_cast %and3A_447 : vector<16xi32> to vector<1x16xi32>
      tpu.vector_store %arg6[%swap3A_449, %swap3A_450], %swap3A_453 {strides = array<i32>} : memref<4x128xi32, #tpu.memory_space<vmem>>, vector<1x16xi32>,
      %get3A_454 = arith.index_cast %add3A_409 : i32 to index
      %get3A_455 = arith.constant 32 : index
      %get3A_456 = tpu.vector_load %arg5[%get3A_454, %get3A_455] {strides = array<i32>} : memref<111x128xi32, #tpu.memory_space<vmem>>, vector<1x16xi32>,
      %get3A_457 = vector.shape_cast %get3A_456 : vector<1x16xi32> to vector<16xi32>
      %shift_right_logical3A_458 = arith.constant 14 : i32
      %shift_right_logical3A_459 = vector.broadcast %shift_right_logical3A_458 : i32 to vector<16xi32>
      %shift_right_logical3A_460 = arith.shrui %get3A_457, %shift_right_logical3A_459 : vector<16xi32>
      %swap3A_461 = arith.constant 2 : i32
      %swap3A_462 = arith.index_cast %swap3A_461 : i32 to index
      %swap3A_463 = arith.constant 32 : index
      %swap3A_464 = tpu.vector_load %arg6[%swap3A_462, %swap3A_463] {strides = array<i32>} : memref<4x128xi32, #tpu.memory_space<vmem>>, vector<1x16xi32>,
      %swap3A_465 = vector.shape_cast %swap3A_464 : vector<1x16xi32> to vector<16xi32>
      %swap3A_466 = vector.shape_cast %shift_right_logical3A_460 : vector<16xi32> to vector<1x16xi32>
      tpu.vector_store %arg6[%swap3A_462, %swap3A_463], %swap3A_466 {strides = array<i32>} : memref<4x128xi32, #tpu.memory_space<vmem>>, vector<1x16xi32>,
      %and3A_467 = arith.constant 16383 : i32
      %and3A_468 = vector.broadcast %and3A_467 : i32 to vector<16xi32>
      %and3A_469 = arith.andi %get3A_457, %and3A_468 : vector<16xi32>
      %swap3A_470 = arith.constant 3 : i32
      %swap3A_471 = arith.index_cast %swap3A_470 : i32 to index
      %swap3A_472 = arith.constant 32 : index
      %swap3A_473 = tpu.vector_load %arg6[%swap3A_471, %swap3A_472] {strides = array<i32>} : memref<4x128xi32, #tpu.memory_space<vmem>>, vector<1x16xi32>,
      %swap3A_474 = vector.shape_cast %swap3A_473 : vector<1x16xi32> to vector<16xi32>
      %swap3A_475 = vector.shape_cast %and3A_469 : vector<16xi32> to vector<1x16xi32>
      tpu.vector_store %arg6[%swap3A_471, %swap3A_472], %swap3A_475 {strides = array<i32>} : memref<4x128xi32, #tpu.memory_space<vmem>>, vector<1x16xi32>,
      %get3A_476 = arith.index_cast %add3A_409 : i32 to index
      %get3A_477 = arith.constant 48 : index
      %get3A_478 = tpu.vector_load %arg5[%get3A_476, %get3A_477] {strides = array<i32>} : memref<111x128xi32, #tpu.memory_space<vmem>>, vector<1x16xi32>,
      %get3A_479 = vector.shape_cast %get3A_478 : vector<1x16xi32> to vector<16xi32>
      %shift_right_logical3A_480 = arith.constant 14 : i32
      %shift_right_logical3A_481 = vector.broadcast %shift_right_logical3A_480 : i32 to vector<16xi32>
      %shift_right_logical3A_482 = arith.shrui %get3A_479, %shift_right_logical3A_481 : vector<16xi32>
      %swap3A_483 = arith.constant 2 : i32
      %swap3A_484 = arith.index_cast %swap3A_483 : i32 to index
      %swap3A_485 = arith.constant 48 : index
      %swap3A_486 = tpu.vector_load %arg6[%swap3A_484, %swap3A_485] {strides = array<i32>} : memref<4x128xi32, #tpu.memory_space<vmem>>, vector<1x16xi32>,
      %swap3A_487 = vector.shape_cast %swap3A_486 : vector<1x16xi32> to vector<16xi32>
      %swap3A_488 = vector.shape_cast %shift_right_logical3A_482 : vector<16xi32> to vector<1x16xi32>
      tpu.vector_store %arg6[%swap3A_484, %swap3A_485], %swap3A_488 {strides = array<i32>} : memref<4x128xi32, #tpu.memory_space<vmem>>, vector<1x16xi32>,
      %and3A_489 = arith.constant 16383 : i32
      %and3A_490 = vector.broadcast %and3A_489 : i32 to vector<16xi32>
      %and3A_491 = arith.andi %get3A_479, %and3A_490 : vector<16xi32>
      %swap3A_492 = arith.constant 3 : i32
      %swap3A_493 = arith.index_cast %swap3A_492 : i32 to index
      %swap3A_494 = arith.constant 48 : index
      %swap3A_495 = tpu.vector_load %arg6[%swap3A_493, %swap3A_494] {strides = array<i32>} : memref<4x128xi32, #tpu.memory_space<vmem>>, vector<1x16xi32>,
      %swap3A_496 = vector.shape_cast %swap3A_495 : vector<1x16xi32> to vector<16xi32>
      %swap3A_497 = vector.shape_cast %and3A_491 : vector<16xi32> to vector<1x16xi32>
      tpu.vector_store %arg6[%swap3A_493, %swap3A_494], %swap3A_497 {strides = array<i32>} : memref<4x128xi32, #tpu.memory_space<vmem>>, vector<1x16xi32>,
      %get3A_498 = arith.index_cast %add3A_409 : i32 to index
      %get3A_499 = arith.constant 64 : index
      %get3A_500 = tpu.vector_load %arg5[%get3A_498, %get3A_499] {strides = array<i32>} : memref<111x128xi32, #tpu.memory_space<vmem>>, vector<1x16xi32>,
      %get3A_501 = vector.shape_cast %get3A_500 : vector<1x16xi32> to vector<16xi32>
      %shift_right_logical3A_502 = arith.constant 14 : i32
      %shift_right_logical3A_503 = vector.broadcast %shift_right_logical3A_502 : i32 to vector<16xi32>
      %shift_right_logical3A_504 = arith.shrui %get3A_501, %shift_right_logical3A_503 : vector<16xi32>
      %swap3A_505 = arith.constant 2 : i32
      %swap3A_506 = arith.index_cast %swap3A_505 : i32 to index
      %swap3A_507 = arith.constant 64 : index
      %swap3A_508 = tpu.vector_load %arg6[%swap3A_506, %swap3A_507] {strides = array<i32>} : memref<4x128xi32, #tpu.memory_space<vmem>>, vector<1x16xi32>,
      %swap3A_509 = vector.shape_cast %swap3A_508 : vector<1x16xi32> to vector<16xi32>
      %swap3A_510 = vector.shape_cast %shift_right_logical3A_504 : vector<16xi32> to vector<1x16xi32>
      tpu.vector_store %arg6[%swap3A_506, %swap3A_507], %swap3A_510 {strides = array<i32>} : memref<4x128xi32, #tpu.memory_space<vmem>>, vector<1x16xi32>,
      %and3A_511 = arith.constant 16383 : i32
      %and3A_512 = vector.broadcast %and3A_511 : i32 to vector<16xi32>
      %and3A_513 = arith.andi %get3A_501, %and3A_512 : vector<16xi32>
      %swap3A_514 = arith.constant 3 : i32
      %swap3A_515 = arith.index_cast %swap3A_514 : i32 to index
      %swap3A_516 = arith.constant 64 : index
      %swap3A_517 = tpu.vector_load %arg6[%swap3A_515, %swap3A_516] {strides = array<i32>} : memref<4x128xi32, #tpu.memory_space<vmem>>, vector<1x16xi32>,
      %swap3A_518 = vector.shape_cast %swap3A_517 : vector<1x16xi32> to vector<16xi32>
      %swap3A_519 = vector.shape_cast %and3A_513 : vector<16xi32> to vector<1x16xi32>
      tpu.vector_store %arg6[%swap3A_515, %swap3A_516], %swap3A_519 {strides = array<i32>} : memref<4x128xi32, #tpu.memory_space<vmem>>, vector<1x16xi32>,
      %get3A_520 = arith.index_cast %add3A_409 : i32 to index
      %get3A_521 = arith.constant 80 : index
      %get3A_522 = tpu.vector_load %arg5[%get3A_520, %get3A_521] {strides = array<i32>} : memref<111x128xi32, #tpu.memory_space<vmem>>, vector<1x16xi32>,
      %get3A_523 = vector.shape_cast %get3A_522 : vector<1x16xi32> to vector<16xi32>
      %shift_right_logical3A_524 = arith.constant 14 : i32
      %shift_right_logical3A_525 = vector.broadcast %shift_right_logical3A_524 : i32 to vector<16xi32>
      %shift_right_logical3A_526 = arith.shrui %get3A_523, %shift_right_logical3A_525 : vector<16xi32>
      %swap3A_527 = arith.constant 2 : i32
      %swap3A_528 = arith.index_cast %swap3A_527 : i32 to index
      %swap3A_529 = arith.constant 80 : index
      %swap3A_530 = tpu.vector_load %arg6[%swap3A_528, %swap3A_529] {strides = array<i32>} : memref<4x128xi32, #tpu.memory_space<vmem>>, vector<1x16xi32>,
      %swap3A_531 = vector.shape_cast %swap3A_530 : vector<1x16xi32> to vector<16xi32>
      %swap3A_532 = vector.shape_cast %shift_right_logical3A_526 : vector<16xi32> to vector<1x16xi32>
      tpu.vector_store %arg6[%swap3A_528, %swap3A_529], %swap3A_532 {strides = array<i32>} : memref<4x128xi32, #tpu.memory_space<vmem>>, vector<1x16xi32>,
      %and3A_533 = arith.constant 16383 : i32
      %and3A_534 = vector.broadcast %and3A_533 : i32 to vector<16xi32>
      %and3A_535 = arith.andi %get3A_523, %and3A_534 : vector<16xi32>
      %swap3A_536 = arith.constant 3 : i32
      %swap3A_537 = arith.index_cast %swap3A_536 : i32 to index
      %swap3A_538 = arith.constant 80 : index
      %swap3A_539 = tpu.vector_load %arg6[%swap3A_537, %swap3A_538] {strides = array<i32>} : memref<4x128xi32, #tpu.memory_space<vmem>>, vector<1x16xi32>,
      %swap3A_540 = vector.shape_cast %swap3A_539 : vector<1x16xi32> to vector<16xi32>
      %swap3A_541 = vector.shape_cast %and3A_535 : vector<16xi32> to vector<1x16xi32>
      tpu.vector_store %arg6[%swap3A_537, %swap3A_538], %swap3A_541 {strides = array<i32>} : memref<4x128xi32, #tpu.memory_space<vmem>>, vector<1x16xi32>,
      %get3A_542 = arith.index_cast %add3A_409 : i32 to index
      %get3A_543 = arith.constant 96 : index
      %get3A_544 = tpu.vector_load %arg5[%get3A_542, %get3A_543] {strides = array<i32>} : memref<111x128xi32, #tpu.memory_space<vmem>>, vector<1x16xi32>,
      %get3A_545 = vector.shape_cast %get3A_544 : vector<1x16xi32> to vector<16xi32>
      %shift_right_logical3A_546 = arith.constant 14 : i32
      %shift_right_logical3A_547 = vector.broadcast %shift_right_logical3A_546 : i32 to vector<16xi32>
      %shift_right_logical3A_548 = arith.shrui %get3A_545, %shift_right_logical3A_547 : vector<16xi32>
      %swap3A_549 = arith.constant 2 : i32
      %swap3A_550 = arith.index_cast %swap3A_549 : i32 to index
      %swap3A_551 = arith.constant 96 : index
      %swap3A_552 = tpu.vector_load %arg6[%swap3A_550, %swap3A_551] {strides = array<i32>} : memref<4x128xi32, #tpu.memory_space<vmem>>, vector<1x16xi32>,
      %swap3A_553 = vector.shape_cast %swap3A_552 : vector<1x16xi32> to vector<16xi32>
      %swap3A_554 = vector.shape_cast %shift_right_logical3A_548 : vector<16xi32> to vector<1x16xi32>
      tpu.vector_store %arg6[%swap3A_550, %swap3A_551], %swap3A_554 {strides = array<i32>} : memref<4x128xi32, #tpu.memory_space<vmem>>, vector<1x16xi32>,
      %and3A_555 = arith.constant 16383 : i32
      %and3A_556 = vector.broadcast %and3A_555 : i32 to vector<16xi32>
      %and3A_557 = arith.andi %get3A_545, %and3A_556 : vector<16xi32>
      %swap3A_558 = arith.constant 3 : i32
      %swap3A_559 = arith.index_cast %swap3A_558 : i32 to index
      %swap3A_560 = arith.constant 96 : index
      %swap3A_561 = tpu.vector_load %arg6[%swap3A_559, %swap3A_560] {strides = array<i32>} : memref<4x128xi32, #tpu.memory_space<vmem>>, vector<1x16xi32>,
      %swap3A_562 = vector.shape_cast %swap3A_561 : vector<1x16xi32> to vector<16xi32>
      %swap3A_563 = vector.shape_cast %and3A_557 : vector<16xi32> to vector<1x16xi32>
      tpu.vector_store %arg6[%swap3A_559, %swap3A_560], %swap3A_563 {strides = array<i32>} : memref<4x128xi32, #tpu.memory_space<vmem>>, vector<1x16xi32>,
      %get3A_564 = arith.index_cast %add3A_409 : i32 to index
      %get3A_565 = arith.constant 112 : index
      %get3A_566 = tpu.vector_load %arg5[%get3A_564, %get3A_565] {strides = array<i32>} : memref<111x128xi32, #tpu.memory_space<vmem>>, vector<1x16xi32>,
      %get3A_567 = vector.shape_cast %get3A_566 : vector<1x16xi32> to vector<16xi32>
      %shift_right_logical3A_568 = arith.constant 14 : i32
      %shift_right_logical3A_569 = vector.broadcast %shift_right_logical3A_568 : i32 to vector<16xi32>
      %shift_right_logical3A_570 = arith.shrui %get3A_567, %shift_right_logical3A_569 : vector<16xi32>
      %swap3A_571 = arith.constant 2 : i32
      %swap3A_572 = arith.index_cast %swap3A_571 : i32 to index
      %swap3A_573 = arith.constant 112 : index
      %swap3A_574 = tpu.vector_load %arg6[%swap3A_572, %swap3A_573] {strides = array<i32>} : memref<4x128xi32, #tpu.memory_space<vmem>>, vector<1x16xi32>,
      %swap3A_575 = vector.shape_cast %swap3A_574 : vector<1x16xi32> to vector<16xi32>
      %swap3A_576 = vector.shape_cast %shift_right_logical3A_570 : vector<16xi32> to vector<1x16xi32>
      tpu.vector_store %arg6[%swap3A_572, %swap3A_573], %swap3A_576 {strides = array<i32>} : memref<4x128xi32, #tpu.memory_space<vmem>>, vector<1x16xi32>,
      %and3A_577 = arith.constant 16383 : i32
      %and3A_578 = vector.broadcast %and3A_577 : i32 to vector<16xi32>
      %and3A_579 = arith.andi %get3A_567, %and3A_578 : vector<16xi32>
      %swap3A_580 = arith.constant 3 : i32
      %swap3A_581 = arith.index_cast %swap3A_580 : i32 to index
      %swap3A_582 = arith.constant 112 : index
      %swap3A_583 = tpu.vector_load %arg6[%swap3A_581, %swap3A_582] {strides = array<i32>} : memref<4x128xi32, #tpu.memory_space<vmem>>, vector<1x16xi32>,
      %swap3A_584 = vector.shape_cast %swap3A_583 : vector<1x16xi32> to vector<16xi32>
      %swap3A_585 = vector.shape_cast %and3A_579 : vector<16xi32> to vector<1x16xi32>
      tpu.vector_store %arg6[%swap3A_581, %swap3A_582], %swap3A_585 {strides = array<i32>} : memref<4x128xi32, #tpu.memory_space<vmem>>, vector<1x16xi32>,
      %dma_start3A_586 = arith.constant 2 : i32
      %dma_start3A_587 = arith.constant 0 : i32
      %dma_start3A_588 = tpu.memref_slice %arg6[%dma_start3A_586, %dma_start3A_587] : memref<4x128xi32, #tpu.memory_space<vmem>> -> memref<1x128xi32, #tpu.memory_space<vmem>>
      %dma_start3A_589 = tpu.memref_squeeze %dma_start3A_588 : memref<1x128xi32, #tpu.memory_space<vmem>> -> memref<128xi32, #tpu.memory_space<vmem>>
      %dma_start3A_590 = arith.constant 0 : i32
      %dma_start3A_591 = arith.constant 0 : i32
      %dma_start3A_592 = tpu.memref_slice %arg2[%dma_start3A_590, %dma_start3A_591] : memref<10240x128xf32, #tpu.memory_space<hbm>> -> memref<10240x128xf32, #tpu.memory_space<hbm>>
      tpu.enqueue_indirect_dma source(%dma_start3A_592 : memref<10240x128xf32, #tpu.memory_space<hbm>>) target(%arg8 : memref<128x128xf32, #tpu.memory_space<vmem>>) offsets(%dma_start3A_589 : memref<128xi32, #tpu.memory_space<vmem>>) semaphore(%arg11 : memref<!tpu.dma_semaphore, #tpu.memory_space<semaphore_mem>>)
      %dma_wait3A_593 = arith.constant 0 : i32
      %dma_wait3A_594 = arith.constant 0 : i32
      %dma_wait3A_595 = tpu.memref_slice %arg6[%dma_wait3A_593, %dma_wait3A_594] : memref<4x128xi32, #tpu.memory_space<vmem>> -> memref<1x128xi32, #tpu.memory_space<vmem>>
      %dma_wait3A_596 = tpu.memref_squeeze %dma_wait3A_595 : memref<1x128xi32, #tpu.memory_space<vmem>> -> memref<128xi32, #tpu.memory_space<vmem>>
      %dma_wait3A_597 = arith.constant 0 : i32
      %dma_wait3A_598 = arith.constant 0 : i32
      %dma_wait3A_599 = tpu.memref_slice %arg2[%dma_wait3A_597, %dma_wait3A_598] : memref<10240x128xf32, #tpu.memory_space<hbm>> -> memref<10240x128xf32, #tpu.memory_space<hbm>>
      tpu.wait_indirect_dma semaphore(%arg10 : memref<!tpu.dma_semaphore, #tpu.memory_space<semaphore_mem>>) src(%dma_wait3A_599 : memref<10240x128xf32, #tpu.memory_space<hbm>>) dst(%arg7 : memref<128x128xf32, #tpu.memory_space<vmem>>)
      %run_scoped3A_600 = arith.constant 1 : i32
      "tpu.region"() ({
        %run_scoped3A_794 = tpu.sem_alloc : memref<!tpu.dma_semaphore, #tpu.memory_space<semaphore_mem>>
        %dma_start3A_795 = arith.constant 0 : i32
        %dma_start3A_796 = tpu.memref_slice %arg6[%run_scoped3A_600, %dma_start3A_795] : memref<4x128xi32, #tpu.memory_space<vmem>> -> memref<1x128xi32, #tpu.memory_space<vmem>>
        %dma_start3A_797 = tpu.memref_squeeze %dma_start3A_796 : memref<1x128xi32, #tpu.memory_space<vmem>> -> memref<128xi32, #tpu.memory_space<vmem>>
        %dma_start3A_798 = arith.constant 0 : i32
        %dma_start3A_799 = arith.constant 0 : i32
        %dma_start3A_800 = tpu.memref_slice %arg9[%dma_start3A_798, %dma_start3A_799] : memref<10240x128xf32, #tpu.memory_space<vmem_shared>> -> memref<10240x128xf32, #tpu.memory_space<vmem_shared>>
        tpu.enqueue_indirect_dma source(%arg7 : memref<128x128xf32, #tpu.memory_space<vmem>>) target(%dma_start3A_800 : memref<10240x128xf32, #tpu.memory_space<vmem_shared>>) offsets(%dma_start3A_797 : memref<128xi32, #tpu.memory_space<vmem>>) semaphore(%run_scoped3A_794 : memref<!tpu.dma_semaphore, #tpu.memory_space<semaphore_mem>>) {add = true}
        %dma_wait3A_801 = arith.constant 0 : i32
        %dma_wait3A_802 = tpu.memref_slice %arg6[%run_scoped3A_600, %dma_wait3A_801] : memref<4x128xi32, #tpu.memory_space<vmem>> -> memref<1x128xi32, #tpu.memory_space<vmem>>
        %dma_wait3A_803 = tpu.memref_squeeze %dma_wait3A_802 : memref<1x128xi32, #tpu.memory_space<vmem>> -> memref<128xi32, #tpu.memory_space<vmem>>
        %dma_wait3A_804 = arith.constant 0 : i32
        %dma_wait3A_805 = arith.constant 0 : i32
        %dma_wait3A_806 = tpu.memref_slice %arg9[%dma_wait3A_804, %dma_wait3A_805] : memref<10240x128xf32, #tpu.memory_space<vmem_shared>> -> memref<10240x128xf32, #tpu.memory_space<vmem_shared>>
        tpu.wait_indirect_dma semaphore(%run_scoped3A_794 : memref<!tpu.dma_semaphore, #tpu.memory_space<semaphore_mem>>) src(%arg7 : memref<128x128xf32, #tpu.memory_space<vmem>>) dst(%dma_wait3A_806 : memref<10240x128xf32, #tpu.memory_space<vmem_shared>>)
        tpu.yield
      }) : () -> ()
      %add3A_601 = arith.constant 1 : i32
      %add3A_602 = arith.addi %add3A_409, %add3A_601 : i32
      %get3A_603 = arith.index_cast %add3A_602 : i32 to index
      %get3A_604 = arith.constant 0 : index
      %get3A_605 = tpu.vector_load %arg5[%get3A_603, %get3A_604] {strides = array<i32>} : memref<111x128xi32, #tpu.memory_space<vmem>>, vector<1x16xi32>,
      %get3A_606 = vector.shape_cast %get3A_605 : vector<1x16xi32> to vector<16xi32>
      %shift_right_logical3A_607 = arith.constant 14 : i32
      %shift_right_logical3A_608 = vector.broadcast %shift_right_logical3A_607 : i32 to vector<16xi32>
      %shift_right_logical3A_609 = arith.shrui %get3A_606, %shift_right_logical3A_608 : vector<16xi32>
      %swap3A_610 = arith.constant 0 : i32
      %swap3A_611 = arith.index_cast %swap3A_610 : i32 to index
      %swap3A_612 = arith.constant 0 : index
      %swap3A_613 = tpu.vector_load %arg6[%swap3A_611, %swap3A_612] {strides = array<i32>} : memref<4x128xi32, #tpu.memory_space<vmem>>, vector<1x16xi32>,
      %swap3A_614 = vector.shape_cast %swap3A_613 : vector<1x16xi32> to vector<16xi32>
      %swap3A_615 = vector.shape_cast %shift_right_logical3A_609 : vector<16xi32> to vector<1x16xi32>
      tpu.vector_store %arg6[%swap3A_611, %swap3A_612], %swap3A_615 {strides = array<i32>} : memref<4x128xi32, #tpu.memory_space<vmem>>, vector<1x16xi32>,
      %and3A_616 = arith.constant 16383 : i32
      %and3A_617 = vector.broadcast %and3A_616 : i32 to vector<16xi32>
      %and3A_618 = arith.andi %get3A_606, %and3A_617 : vector<16xi32>
      %swap3A_619 = arith.constant 1 : i32
      %swap3A_620 = arith.index_cast %swap3A_619 : i32 to index
      %swap3A_621 = arith.constant 0 : index
      %swap3A_622 = tpu.vector_load %arg6[%swap3A_620, %swap3A_621] {strides = array<i32>} : memref<4x128xi32, #tpu.memory_space<vmem>>, vector<1x16xi32>,
      %swap3A_623 = vector.shape_cast %swap3A_622 : vector<1x16xi32> to vector<16xi32>
      %swap3A_624 = vector.shape_cast %and3A_618 : vector<16xi32> to vector<1x16xi32>
      tpu.vector_store %arg6[%swap3A_620, %swap3A_621], %swap3A_624 {strides = array<i32>} : memref<4x128xi32, #tpu.memory_space<vmem>>, vector<1x16xi32>,
      %get3A_625 = arith.index_cast %add3A_602 : i32 to index
      %get3A_626 = arith.constant 16 : index
      %get3A_627 = tpu.vector_load %arg5[%get3A_625, %get3A_626] {strides = array<i32>} : memref<111x128xi32, #tpu.memory_space<vmem>>, vector<1x16xi32>,
      %get3A_628 = vector.shape_cast %get3A_627 : vector<1x16xi32> to vector<16xi32>
      %shift_right_logical3A_629 = arith.constant 14 : i32
      %shift_right_logical3A_630 = vector.broadcast %shift_right_logical3A_629 : i32 to vector<16xi32>
      %shift_right_logical3A_631 = arith.shrui %get3A_628, %shift_right_logical3A_630 : vector<16xi32>
      %swap3A_632 = arith.constant 0 : i32
      %swap3A_633 = arith.index_cast %swap3A_632 : i32 to index
      %swap3A_634 = arith.constant 16 : index
      %swap3A_635 = tpu.vector_load %arg6[%swap3A_633, %swap3A_634] {strides = array<i32>} : memref<4x128xi32, #tpu.memory_space<vmem>>, vector<1x16xi32>,
      %swap3A_636 = vector.shape_cast %swap3A_635 : vector<1x16xi32> to vector<16xi32>
      %swap3A_637 = vector.shape_cast %shift_right_logical3A_631 : vector<16xi32> to vector<1x16xi32>
      tpu.vector_store %arg6[%swap3A_633, %swap3A_634], %swap3A_637 {strides = array<i32>} : memref<4x128xi32, #tpu.memory_space<vmem>>, vector<1x16xi32>,
      %and3A_638 = arith.constant 16383 : i32
      %and3A_639 = vector.broadcast %and3A_638 : i32 to vector<16xi32>
      %and3A_640 = arith.andi %get3A_628, %and3A_639 : vector<16xi32>
      %swap3A_641 = arith.constant 1 : i32
      %swap3A_642 = arith.index_cast %swap3A_641 : i32 to index
      %swap3A_643 = arith.constant 16 : index
      %swap3A_644 = tpu.vector_load %arg6[%swap3A_642, %swap3A_643] {strides = array<i32>} : memref<4x128xi32, #tpu.memory_space<vmem>>, vector<1x16xi32>,
      %swap3A_645 = vector.shape_cast %swap3A_644 : vector<1x16xi32> to vector<16xi32>
      %swap3A_646 = vector.shape_cast %and3A_640 : vector<16xi32> to vector<1x16xi32>
      tpu.vector_store %arg6[%swap3A_642, %swap3A_643], %swap3A_646 {strides = array<i32>} : memref<4x128xi32, #tpu.memory_space<vmem>>, vector<1x16xi32>,
      %get3A_647 = arith.index_cast %add3A_602 : i32 to index
      %get3A_648 = arith.constant 32 : index
      %get3A_649 = tpu.vector_load %arg5[%get3A_647, %get3A_648] {strides = array<i32>} : memref<111x128xi32, #tpu.memory_space<vmem>>, vector<1x16xi32>,
      %get3A_650 = vector.shape_cast %get3A_649 : vector<1x16xi32> to vector<16xi32>
      %shift_right_logical3A_651 = arith.constant 14 : i32
      %shift_right_logical3A_652 = vector.broadcast %shift_right_logical3A_651 : i32 to vector<16xi32>
      %shift_right_logical3A_653 = arith.shrui %get3A_650, %shift_right_logical3A_652 : vector<16xi32>
      %swap3A_654 = arith.constant 0 : i32
      %swap3A_655 = arith.index_cast %swap3A_654 : i32 to index
      %swap3A_656 = arith.constant 32 : index
      %swap3A_657 = tpu.vector_load %arg6[%swap3A_655, %swap3A_656] {strides = array<i32>} : memref<4x128xi32, #tpu.memory_space<vmem>>, vector<1x16xi32>,
      %swap3A_658 = vector.shape_cast %swap3A_657 : vector<1x16xi32> to vector<16xi32>
      %swap3A_659 = vector.shape_cast %shift_right_logical3A_653 : vector<16xi32> to vector<1x16xi32>
      tpu.vector_store %arg6[%swap3A_655, %swap3A_656], %swap3A_659 {strides = array<i32>} : memref<4x128xi32, #tpu.memory_space<vmem>>, vector<1x16xi32>,
      %and3A_660 = arith.constant 16383 : i32
      %and3A_661 = vector.broadcast %and3A_660 : i32 to vector<16xi32>
      %and3A_662 = arith.andi %get3A_650, %and3A_661 : vector<16xi32>
      %swap3A_663 = arith.constant 1 : i32
      %swap3A_664 = arith.index_cast %swap3A_663 : i32 to index
      %swap3A_665 = arith.constant 32 : index
      %swap3A_666 = tpu.vector_load %arg6[%swap3A_664, %swap3A_665] {strides = array<i32>} : memref<4x128xi32, #tpu.memory_space<vmem>>, vector<1x16xi32>,
      %swap3A_667 = vector.shape_cast %swap3A_666 : vector<1x16xi32> to vector<16xi32>
      %swap3A_668 = vector.shape_cast %and3A_662 : vector<16xi32> to vector<1x16xi32>
      tpu.vector_store %arg6[%swap3A_664, %swap3A_665], %swap3A_668 {strides = array<i32>} : memref<4x128xi32, #tpu.memory_space<vmem>>, vector<1x16xi32>,
      %get3A_669 = arith.index_cast %add3A_602 : i32 to index
      %get3A_670 = arith.constant 48 : index
      %get3A_671 = tpu.vector_load %arg5[%get3A_669, %get3A_670] {strides = array<i32>} : memref<111x128xi32, #tpu.memory_space<vmem>>, vector<1x16xi32>,
      %get3A_672 = vector.shape_cast %get3A_671 : vector<1x16xi32> to vector<16xi32>
      %shift_right_logical3A_673 = arith.constant 14 : i32
      %shift_right_logical3A_674 = vector.broadcast %shift_right_logical3A_673 : i32 to vector<16xi32>
      %shift_right_logical3A_675 = arith.shrui %get3A_672, %shift_right_logical3A_674 : vector<16xi32>
      %swap3A_676 = arith.constant 0 : i32
      %swap3A_677 = arith.index_cast %swap3A_676 : i32 to index
      %swap3A_678 = arith.constant 48 : index
      %swap3A_679 = tpu.vector_load %arg6[%swap3A_677, %swap3A_678] {strides = array<i32>} : memref<4x128xi32, #tpu.memory_space<vmem>>, vector<1x16xi32>,
      %swap3A_680 = vector.shape_cast %swap3A_679 : vector<1x16xi32> to vector<16xi32>
      %swap3A_681 = vector.shape_cast %shift_right_logical3A_675 : vector<16xi32> to vector<1x16xi32>
      tpu.vector_store %arg6[%swap3A_677, %swap3A_678], %swap3A_681 {strides = array<i32>} : memref<4x128xi32, #tpu.memory_space<vmem>>, vector<1x16xi32>,
      %and3A_682 = arith.constant 16383 : i32
      %and3A_683 = vector.broadcast %and3A_682 : i32 to vector<16xi32>
      %and3A_684 = arith.andi %get3A_672, %and3A_683 : vector<16xi32>
      %swap3A_685 = arith.constant 1 : i32
      %swap3A_686 = arith.index_cast %swap3A_685 : i32 to index
      %swap3A_687 = arith.constant 48 : index
      %swap3A_688 = tpu.vector_load %arg6[%swap3A_686, %swap3A_687] {strides = array<i32>} : memref<4x128xi32, #tpu.memory_space<vmem>>, vector<1x16xi32>,
      %swap3A_689 = vector.shape_cast %swap3A_688 : vector<1x16xi32> to vector<16xi32>
      %swap3A_690 = vector.shape_cast %and3A_684 : vector<16xi32> to vector<1x16xi32>
      tpu.vector_store %arg6[%swap3A_686, %swap3A_687], %swap3A_690 {strides = array<i32>} : memref<4x128xi32, #tpu.memory_space<vmem>>, vector<1x16xi32>,
      %get3A_691 = arith.index_cast %add3A_602 : i32 to index
      %get3A_692 = arith.constant 64 : index
      %get3A_693 = tpu.vector_load %arg5[%get3A_691, %get3A_692] {strides = array<i32>} : memref<111x128xi32, #tpu.memory_space<vmem>>, vector<1x16xi32>,
      %get3A_694 = vector.shape_cast %get3A_693 : vector<1x16xi32> to vector<16xi32>
      %shift_right_logical3A_695 = arith.constant 14 : i32
      %shift_right_logical3A_696 = vector.broadcast %shift_right_logical3A_695 : i32 to vector<16xi32>
      %shift_right_logical3A_697 = arith.shrui %get3A_694, %shift_right_logical3A_696 : vector<16xi32>
      %swap3A_698 = arith.constant 0 : i32
      %swap3A_699 = arith.index_cast %swap3A_698 : i32 to index
      %swap3A_700 = arith.constant 64 : index
      %swap3A_701 = tpu.vector_load %arg6[%swap3A_699, %swap3A_700] {strides = array<i32>} : memref<4x128xi32, #tpu.memory_space<vmem>>, vector<1x16xi32>,
      %swap3A_702 = vector.shape_cast %swap3A_701 : vector<1x16xi32> to vector<16xi32>
      %swap3A_703 = vector.shape_cast %shift_right_logical3A_697 : vector<16xi32> to vector<1x16xi32>
      tpu.vector_store %arg6[%swap3A_699, %swap3A_700], %swap3A_703 {strides = array<i32>} : memref<4x128xi32, #tpu.memory_space<vmem>>, vector<1x16xi32>,
      %and3A_704 = arith.constant 16383 : i32
      %and3A_705 = vector.broadcast %and3A_704 : i32 to vector<16xi32>
      %and3A_706 = arith.andi %get3A_694, %and3A_705 : vector<16xi32>
      %swap3A_707 = arith.constant 1 : i32
      %swap3A_708 = arith.index_cast %swap3A_707 : i32 to index
      %swap3A_709 = arith.constant 64 : index
      %swap3A_710 = tpu.vector_load %arg6[%swap3A_708, %swap3A_709] {strides = array<i32>} : memref<4x128xi32, #tpu.memory_space<vmem>>, vector<1x16xi32>,
      %swap3A_711 = vector.shape_cast %swap3A_710 : vector<1x16xi32> to vector<16xi32>
      %swap3A_712 = vector.shape_cast %and3A_706 : vector<16xi32> to vector<1x16xi32>
      tpu.vector_store %arg6[%swap3A_708, %swap3A_709], %swap3A_712 {strides = array<i32>} : memref<4x128xi32, #tpu.memory_space<vmem>>, vector<1x16xi32>,
      %get3A_713 = arith.index_cast %add3A_602 : i32 to index
      %get3A_714 = arith.constant 80 : index
      %get3A_715 = tpu.vector_load %arg5[%get3A_713, %get3A_714] {strides = array<i32>} : memref<111x128xi32, #tpu.memory_space<vmem>>, vector<1x16xi32>,
      %get3A_716 = vector.shape_cast %get3A_715 : vector<1x16xi32> to vector<16xi32>
      %shift_right_logical3A_717 = arith.constant 14 : i32
      %shift_right_logical3A_718 = vector.broadcast %shift_right_logical3A_717 : i32 to vector<16xi32>
      %shift_right_logical3A_719 = arith.shrui %get3A_716, %shift_right_logical3A_718 : vector<16xi32>
      %swap3A_720 = arith.constant 0 : i32
      %swap3A_721 = arith.index_cast %swap3A_720 : i32 to index
      %swap3A_722 = arith.constant 80 : index
      %swap3A_723 = tpu.vector_load %arg6[%swap3A_721, %swap3A_722] {strides = array<i32>} : memref<4x128xi32, #tpu.memory_space<vmem>>, vector<1x16xi32>,
      %swap3A_724 = vector.shape_cast %swap3A_723 : vector<1x16xi32> to vector<16xi32>
      %swap3A_725 = vector.shape_cast %shift_right_logical3A_719 : vector<16xi32> to vector<1x16xi32>
      tpu.vector_store %arg6[%swap3A_721, %swap3A_722], %swap3A_725 {strides = array<i32>} : memref<4x128xi32, #tpu.memory_space<vmem>>, vector<1x16xi32>,
      %and3A_726 = arith.constant 16383 : i32
      %and3A_727 = vector.broadcast %and3A_726 : i32 to vector<16xi32>
      %and3A_728 = arith.andi %get3A_716, %and3A_727 : vector<16xi32>
      %swap3A_729 = arith.constant 1 : i32
      %swap3A_730 = arith.index_cast %swap3A_729 : i32 to index
      %swap3A_731 = arith.constant 80 : index
      %swap3A_732 = tpu.vector_load %arg6[%swap3A_730, %swap3A_731] {strides = array<i32>} : memref<4x128xi32, #tpu.memory_space<vmem>>, vector<1x16xi32>,
      %swap3A_733 = vector.shape_cast %swap3A_732 : vector<1x16xi32> to vector<16xi32>
      %swap3A_734 = vector.shape_cast %and3A_728 : vector<16xi32> to vector<1x16xi32>
      tpu.vector_store %arg6[%swap3A_730, %swap3A_731], %swap3A_734 {strides = array<i32>} : memref<4x128xi32, #tpu.memory_space<vmem>>, vector<1x16xi32>,
      %get3A_735 = arith.index_cast %add3A_602 : i32 to index
      %get3A_736 = arith.constant 96 : index
      %get3A_737 = tpu.vector_load %arg5[%get3A_735, %get3A_736] {strides = array<i32>} : memref<111x128xi32, #tpu.memory_space<vmem>>, vector<1x16xi32>,
      %get3A_738 = vector.shape_cast %get3A_737 : vector<1x16xi32> to vector<16xi32>
      %shift_right_logical3A_739 = arith.constant 14 : i32
      %shift_right_logical3A_740 = vector.broadcast %shift_right_logical3A_739 : i32 to vector<16xi32>
      %shift_right_logical3A_741 = arith.shrui %get3A_738, %shift_right_logical3A_740 : vector<16xi32>
      %swap3A_742 = arith.constant 0 : i32
      %swap3A_743 = arith.index_cast %swap3A_742 : i32 to index
      %swap3A_744 = arith.constant 96 : index
      %swap3A_745 = tpu.vector_load %arg6[%swap3A_743, %swap3A_744] {strides = array<i32>} : memref<4x128xi32, #tpu.memory_space<vmem>>, vector<1x16xi32>,
      %swap3A_746 = vector.shape_cast %swap3A_745 : vector<1x16xi32> to vector<16xi32>
      %swap3A_747 = vector.shape_cast %shift_right_logical3A_741 : vector<16xi32> to vector<1x16xi32>
      tpu.vector_store %arg6[%swap3A_743, %swap3A_744], %swap3A_747 {strides = array<i32>} : memref<4x128xi32, #tpu.memory_space<vmem>>, vector<1x16xi32>,
      %and3A_748 = arith.constant 16383 : i32
      %and3A_749 = vector.broadcast %and3A_748 : i32 to vector<16xi32>
      %and3A_750 = arith.andi %get3A_738, %and3A_749 : vector<16xi32>
      %swap3A_751 = arith.constant 1 : i32
      %swap3A_752 = arith.index_cast %swap3A_751 : i32 to index
      %swap3A_753 = arith.constant 96 : index
      %swap3A_754 = tpu.vector_load %arg6[%swap3A_752, %swap3A_753] {strides = array<i32>} : memref<4x128xi32, #tpu.memory_space<vmem>>, vector<1x16xi32>,
      %swap3A_755 = vector.shape_cast %swap3A_754 : vector<1x16xi32> to vector<16xi32>
      %swap3A_756 = vector.shape_cast %and3A_750 : vector<16xi32> to vector<1x16xi32>
      tpu.vector_store %arg6[%swap3A_752, %swap3A_753], %swap3A_756 {strides = array<i32>} : memref<4x128xi32, #tpu.memory_space<vmem>>, vector<1x16xi32>,
      %get3A_757 = arith.index_cast %add3A_602 : i32 to index
      %get3A_758 = arith.constant 112 : index
      %get3A_759 = tpu.vector_load %arg5[%get3A_757, %get3A_758] {strides = array<i32>} : memref<111x128xi32, #tpu.memory_space<vmem>>, vector<1x16xi32>,
      %get3A_760 = vector.shape_cast %get3A_759 : vector<1x16xi32> to vector<16xi32>
      %shift_right_logical3A_761 = arith.constant 14 : i32
      %shift_right_logical3A_762 = vector.broadcast %shift_right_logical3A_761 : i32 to vector<16xi32>
      %shift_right_logical3A_763 = arith.shrui %get3A_760, %shift_right_logical3A_762 : vector<16xi32>
      %swap3A_764 = arith.constant 0 : i32
      %swap3A_765 = arith.index_cast %swap3A_764 : i32 to index
      %swap3A_766 = arith.constant 112 : index
      %swap3A_767 = tpu.vector_load %arg6[%swap3A_765, %swap3A_766] {strides = array<i32>} : memref<4x128xi32, #tpu.memory_space<vmem>>, vector<1x16xi32>,
      %swap3A_768 = vector.shape_cast %swap3A_767 : vector<1x16xi32> to vector<16xi32>
      %swap3A_769 = vector.shape_cast %shift_right_logical3A_763 : vector<16xi32> to vector<1x16xi32>
      tpu.vector_store %arg6[%swap3A_765, %swap3A_766], %swap3A_769 {strides = array<i32>} : memref<4x128xi32, #tpu.memory_space<vmem>>, vector<1x16xi32>,
      %and3A_770 = arith.constant 16383 : i32
      %and3A_771 = vector.broadcast %and3A_770 : i32 to vector<16xi32>
      %and3A_772 = arith.andi %get3A_760, %and3A_771 : vector<16xi32>
      %swap3A_773 = arith.constant 1 : i32
      %swap3A_774 = arith.index_cast %swap3A_773 : i32 to index
      %swap3A_775 = arith.constant 112 : index
      %swap3A_776 = tpu.vector_load %arg6[%swap3A_774, %swap3A_775] {strides = array<i32>} : memref<4x128xi32, #tpu.memory_space<vmem>>, vector<1x16xi32>,
      %swap3A_777 = vector.shape_cast %swap3A_776 : vector<1x16xi32> to vector<16xi32>
      %swap3A_778 = vector.shape_cast %and3A_772 : vector<16xi32> to vector<1x16xi32>
      tpu.vector_store %arg6[%swap3A_774, %swap3A_775], %swap3A_778 {strides = array<i32>} : memref<4x128xi32, #tpu.memory_space<vmem>>, vector<1x16xi32>,
      %dma_start3A_779 = arith.constant 0 : i32
      %dma_start3A_780 = arith.constant 0 : i32
      %dma_start3A_781 = tpu.memref_slice %arg6[%dma_start3A_779, %dma_start3A_780] : memref<4x128xi32, #tpu.memory_space<vmem>> -> memref<1x128xi32, #tpu.memory_space<vmem>>
      %dma_start3A_782 = tpu.memref_squeeze %dma_start3A_781 : memref<1x128xi32, #tpu.memory_space<vmem>> -> memref<128xi32, #tpu.memory_space<vmem>>
      %dma_start3A_783 = arith.constant 0 : i32
      %dma_start3A_784 = arith.constant 0 : i32
      %dma_start3A_785 = tpu.memref_slice %arg2[%dma_start3A_783, %dma_start3A_784] : memref<10240x128xf32, #tpu.memory_space<hbm>> -> memref<10240x128xf32, #tpu.memory_space<hbm>>
      tpu.enqueue_indirect_dma source(%dma_start3A_785 : memref<10240x128xf32, #tpu.memory_space<hbm>>) target(%arg7 : memref<128x128xf32, #tpu.memory_space<vmem>>) offsets(%dma_start3A_782 : memref<128xi32, #tpu.memory_space<vmem>>) semaphore(%arg10 : memref<!tpu.dma_semaphore, #tpu.memory_space<semaphore_mem>>)
      %dma_wait3A_786 = arith.constant 2 : i32
      %dma_wait3A_787 = arith.constant 0 : i32
      %dma_wait3A_788 = tpu.memref_slice %arg6[%dma_wait3A_786, %dma_wait3A_787] : memref<4x128xi32, #tpu.memory_space<vmem>> -> memref<1x128xi32, #tpu.memory_space<vmem>>
      %dma_wait3A_789 = tpu.memref_squeeze %dma_wait3A_788 : memref<1x128xi32, #tpu.memory_space<vmem>> -> memref<128xi32, #tpu.memory_space<vmem>>
      %dma_wait3A_790 = arith.constant 0 : i32
      %dma_wait3A_791 = arith.constant 0 : i32
      %dma_wait3A_792 = tpu.memref_slice %arg2[%dma_wait3A_790, %dma_wait3A_791] : memref<10240x128xf32, #tpu.memory_space<hbm>> -> memref<10240x128xf32, #tpu.memory_space<hbm>>
      tpu.wait_indirect_dma semaphore(%arg11 : memref<!tpu.dma_semaphore, #tpu.memory_space<semaphore_mem>>) src(%dma_wait3A_792 : memref<10240x128xf32, #tpu.memory_space<hbm>>) dst(%arg8 : memref<128x128xf32, #tpu.memory_space<vmem>>)
      %run_scoped3A_793 = arith.constant 3 : i32
      "tpu.region"() ({
        %run_scoped3A_794 = tpu.sem_alloc : memref<!tpu.dma_semaphore, #tpu.memory_space<semaphore_mem>>
        %dma_start3A_795 = arith.constant 0 : i32
        %dma_start3A_796 = tpu.memref_slice %arg6[%run_scoped3A_793, %dma_start3A_795] : memref<4x128xi32, #tpu.memory_space<vmem>> -> memref<1x128xi32, #tpu.memory_space<vmem>>
        %dma_start3A_797 = tpu.memref_squeeze %dma_start3A_796 : memref<1x128xi32, #tpu.memory_space<vmem>> -> memref<128xi32, #tpu.memory_space<vmem>>
        %dma_start3A_798 = arith.constant 0 : i32
        %dma_start3A_799 = arith.constant 0 : i32
        %dma_start3A_800 = tpu.memref_slice %arg9[%dma_start3A_798, %dma_start3A_799] : memref<10240x128xf32, #tpu.memory_space<vmem_shared>> -> memref<10240x128xf32, #tpu.memory_space<vmem_shared>>
        tpu.enqueue_indirect_dma source(%arg8 : memref<128x128xf32, #tpu.memory_space<vmem>>) target(%dma_start3A_800 : memref<10240x128xf32, #tpu.memory_space<vmem_shared>>) offsets(%dma_start3A_797 : memref<128xi32, #tpu.memory_space<vmem>>) semaphore(%run_scoped3A_794 : memref<!tpu.dma_semaphore, #tpu.memory_space<semaphore_mem>>) {add = true}
        %dma_wait3A_801 = arith.constant 0 : i32
        %dma_wait3A_802 = tpu.memref_slice %arg6[%run_scoped3A_793, %dma_wait3A_801] : memref<4x128xi32, #tpu.memory_space<vmem>> -> memref<1x128xi32, #tpu.memory_space<vmem>>
        %dma_wait3A_803 = tpu.memref_squeeze %dma_wait3A_802 : memref<1x128xi32, #tpu.memory_space<vmem>> -> memref<128xi32, #tpu.memory_space<vmem>>
        %dma_wait3A_804 = arith.constant 0 : i32
        %dma_wait3A_805 = arith.constant 0 : i32
        %dma_wait3A_806 = tpu.memref_slice %arg9[%dma_wait3A_804, %dma_wait3A_805] : memref<10240x128xf32, #tpu.memory_space<vmem_shared>> -> memref<10240x128xf32, #tpu.memory_space<vmem_shared>>
        tpu.wait_indirect_dma semaphore(%run_scoped3A_794 : memref<!tpu.dma_semaphore, #tpu.memory_space<semaphore_mem>>) src(%arg8 : memref<128x128xf32, #tpu.memory_space<vmem>>) dst(%dma_wait3A_806 : memref<10240x128xf32, #tpu.memory_space<vmem_shared>>)
        tpu.yield
      }) : () -> ()
    }
    %while3A_261 = arith.constant 1 : i32
    scf.for %while3A_405 = %while3A_259 to %while3A_255 step %while3A_261  : i32 {
      %mul3A_406 = arith.constant 2 : i32
      %mul3A_407 = arith.muli %mul3A_406, %while3A_405 : i32
      %add3A_408 = arith.constant 1 : i32
      %add3A_409 = arith.addi %mul3A_407, %add3A_408 : i32
      %get3A_410 = arith.index_cast %add3A_409 : i32 to index
      %get3A_411 = arith.constant 0 : index
      %get3A_412 = tpu.vector_load %arg5[%get3A_410, %get3A_411] {strides = array<i32>} : memref<111x128xi32, #tpu.memory_space<vmem>>, vector<1x16xi32>,
      %get3A_413 = vector.shape_cast %get3A_412 : vector<1x16xi32> to vector<16xi32>
      %shift_right_logical3A_414 = arith.constant 14 : i32
      %shift_right_logical3A_415 = vector.broadcast %shift_right_logical3A_414 : i32 to vector<16xi32>
      %shift_right_logical3A_416 = arith.shrui %get3A_413, %shift_right_logical3A_415 : vector<16xi32>
      %swap3A_417 = arith.constant 2 : i32
      %swap3A_418 = arith.index_cast %swap3A_417 : i32 to index
      %swap3A_419 = arith.constant 0 : index
      %swap3A_420 = tpu.vector_load %arg6[%swap3A_418, %swap3A_419] {strides = array<i32>} : memref<4x128xi32, #tpu.memory_space<vmem>>, vector<1x16xi32>,
      %swap3A_421 = vector.shape_cast %swap3A_420 : vector<1x16xi32> to vector<16xi32>
      %swap3A_422 = vector.shape_cast %shift_right_logical3A_416 : vector<16xi32> to vector<1x16xi32>
      tpu.vector_store %arg6[%swap3A_418, %swap3A_419], %swap3A_422 {strides = array<i32>} : memref<4x128xi32, #tpu.memory_space<vmem>>, vector<1x16xi32>,
      %and3A_423 = arith.constant 16383 : i32
      %and3A_424 = vector.broadcast %and3A_423 : i32 to vector<16xi32>
      %and3A_425 = arith.andi %get3A_413, %and3A_424 : vector<16xi32>
      %swap3A_426 = arith.constant 3 : i32
      %swap3A_427 = arith.index_cast %swap3A_426 : i32 to index
      %swap3A_428 = arith.constant 0 : index
      %swap3A_429 = tpu.vector_load %arg6[%swap3A_427, %swap3A_428] {strides = array<i32>} : memref<4x128xi32, #tpu.memory_space<vmem>>, vector<1x16xi32>,
      %swap3A_430 = vector.shape_cast %swap3A_429 : vector<1x16xi32> to vector<16xi32>
      %swap3A_431 = vector.shape_cast %and3A_425 : vector<16xi32> to vector<1x16xi32>
      tpu.vector_store %arg6[%swap3A_427, %swap3A_428], %swap3A_431 {strides = array<i32>} : memref<4x128xi32, #tpu.memory_space<vmem>>, vector<1x16xi32>,
      %get3A_432 = arith.index_cast %add3A_409 : i32 to index
      %get3A_433 = arith.constant 16 : index
      %get3A_434 = tpu.vector_load %arg5[%get3A_432, %get3A_433] {strides = array<i32>} : memref<111x128xi32, #tpu.memory_space<vmem>>, vector<1x16xi32>,
      %get3A_435 = vector.shape_cast %get3A_434 : vector<1x16xi32> to vector<16xi32>
      %shift_right_logical3A_436 = arith.constant 14 : i32
      %shift_right_logical3A_437 = vector.broadcast %shift_right_logical3A_436 : i32 to vector<16xi32>
      %shift_right_logical3A_438 = arith.shrui %get3A_435, %shift_right_logical3A_437 : vector<16xi32>
      %swap3A_439 = arith.constant 2 : i32
      %swap3A_440 = arith.index_cast %swap3A_439 : i32 to index
      %swap3A_441 = arith.constant 16 : index
      %swap3A_442 = tpu.vector_load %arg6[%swap3A_440, %swap3A_441] {strides = array<i32>} : memref<4x128xi32, #tpu.memory_space<vmem>>, vector<1x16xi32>,
      %swap3A_443 = vector.shape_cast %swap3A_442 : vector<1x16xi32> to vector<16xi32>
      %swap3A_444 = vector.shape_cast %shift_right_logical3A_438 : vector<16xi32> to vector<1x16xi32>
      tpu.vector_store %arg6[%swap3A_440, %swap3A_441], %swap3A_444 {strides = array<i32>} : memref<4x128xi32, #tpu.memory_space<vmem>>, vector<1x16xi32>,
      %and3A_445 = arith.constant 16383 : i32
      %and3A_446 = vector.broadcast %and3A_445 : i32 to vector<16xi32>
      %and3A_447 = arith.andi %get3A_435, %and3A_446 : vector<16xi32>
      %swap3A_448 = arith.constant 3 : i32
      %swap3A_449 = arith.index_cast %swap3A_448 : i32 to index
      %swap3A_450 = arith.constant 16 : index
      %swap3A_451 = tpu.vector_load %arg6[%swap3A_449, %swap3A_450] {strides = array<i32>} : memref<4x128xi32, #tpu.memory_space<vmem>>, vector<1x16xi32>,
      %swap3A_452 = vector.shape_cast %swap3A_451 : vector<1x16xi32> to vector<16xi32>
      %swap3A_453 = vector.shape_cast %and3A_447 : vector<16xi32> to vector<1x16xi32>
      tpu.vector_store %arg6[%swap3A_449, %swap3A_450], %swap3A_453 {strides = array<i32>} : memref<4x128xi32, #tpu.memory_space<vmem>>, vector<1x16xi32>,
      %get3A_454 = arith.index_cast %add3A_409 : i32 to index
      %get3A_455 = arith.constant 32 : index
      %get3A_456 = tpu.vector_load %arg5[%get3A_454, %get3A_455] {strides = array<i32>} : memref<111x128xi32, #tpu.memory_space<vmem>>, vector<1x16xi32>,
      %get3A_457 = vector.shape_cast %get3A_456 : vector<1x16xi32> to vector<16xi32>
      %shift_right_logical3A_458 = arith.constant 14 : i32
      %shift_right_logical3A_459 = vector.broadcast %shift_right_logical3A_458 : i32 to vector<16xi32>
      %shift_right_logical3A_460 = arith.shrui %get3A_457, %shift_right_logical3A_459 : vector<16xi32>
      %swap3A_461 = arith.constant 2 : i32
      %swap3A_462 = arith.index_cast %swap3A_461 : i32 to index
      %swap3A_463 = arith.constant 32 : index
      %swap3A_464 = tpu.vector_load %arg6[%swap3A_462, %swap3A_463] {strides = array<i32>} : memref<4x128xi32, #tpu.memory_space<vmem>>, vector<1x16xi32>,
      %swap3A_465 = vector.shape_cast %swap3A_464 : vector<1x16xi32> to vector<16xi32>
      %swap3A_466 = vector.shape_cast %shift_right_logical3A_460 : vector<16xi32> to vector<1x16xi32>
      tpu.vector_store %arg6[%swap3A_462, %swap3A_463], %swap3A_466 {strides = array<i32>} : memref<4x128xi32, #tpu.memory_space<vmem>>, vector<1x16xi32>,
      %and3A_467 = arith.constant 16383 : i32
      %and3A_468 = vector.broadcast %and3A_467 : i32 to vector<16xi32>
      %and3A_469 = arith.andi %get3A_457, %and3A_468 : vector<16xi32>
      %swap3A_470 = arith.constant 3 : i32
      %swap3A_471 = arith.index_cast %swap3A_470 : i32 to index
      %swap3A_472 = arith.constant 32 : index
      %swap3A_473 = tpu.vector_load %arg6[%swap3A_471, %swap3A_472] {strides = array<i32>} : memref<4x128xi32, #tpu.memory_space<vmem>>, vector<1x16xi32>,
      %swap3A_474 = vector.shape_cast %swap3A_473 : vector<1x16xi32> to vector<16xi32>
      %swap3A_475 = vector.shape_cast %and3A_469 : vector<16xi32> to vector<1x16xi32>
      tpu.vector_store %arg6[%swap3A_471, %swap3A_472], %swap3A_475 {strides = array<i32>} : memref<4x128xi32, #tpu.memory_space<vmem>>, vector<1x16xi32>,
      %get3A_476 = arith.index_cast %add3A_409 : i32 to index
      %get3A_477 = arith.constant 48 : index
      %get3A_478 = tpu.vector_load %arg5[%get3A_476, %get3A_477] {strides = array<i32>} : memref<111x128xi32, #tpu.memory_space<vmem>>, vector<1x16xi32>,
      %get3A_479 = vector.shape_cast %get3A_478 : vector<1x16xi32> to vector<16xi32>
      %shift_right_logical3A_480 = arith.constant 14 : i32
      %shift_right_logical3A_481 = vector.broadcast %shift_right_logical3A_480 : i32 to vector<16xi32>
      %shift_right_logical3A_482 = arith.shrui %get3A_479, %shift_right_logical3A_481 : vector<16xi32>
      %swap3A_483 = arith.constant 2 : i32
      %swap3A_484 = arith.index_cast %swap3A_483 : i32 to index
      %swap3A_485 = arith.constant 48 : index
      %swap3A_486 = tpu.vector_load %arg6[%swap3A_484, %swap3A_485] {strides = array<i32>} : memref<4x128xi32, #tpu.memory_space<vmem>>, vector<1x16xi32>,
      %swap3A_487 = vector.shape_cast %swap3A_486 : vector<1x16xi32> to vector<16xi32>
      %swap3A_488 = vector.shape_cast %shift_right_logical3A_482 : vector<16xi32> to vector<1x16xi32>
      tpu.vector_store %arg6[%swap3A_484, %swap3A_485], %swap3A_488 {strides = array<i32>} : memref<4x128xi32, #tpu.memory_space<vmem>>, vector<1x16xi32>,
      %and3A_489 = arith.constant 16383 : i32
      %and3A_490 = vector.broadcast %and3A_489 : i32 to vector<16xi32>
      %and3A_491 = arith.andi %get3A_479, %and3A_490 : vector<16xi32>
      %swap3A_492 = arith.constant 3 : i32
      %swap3A_493 = arith.index_cast %swap3A_492 : i32 to index
      %swap3A_494 = arith.constant 48 : index
      %swap3A_495 = tpu.vector_load %arg6[%swap3A_493, %swap3A_494] {strides = array<i32>} : memref<4x128xi32, #tpu.memory_space<vmem>>, vector<1x16xi32>,
      %swap3A_496 = vector.shape_cast %swap3A_495 : vector<1x16xi32> to vector<16xi32>
      %swap3A_497 = vector.shape_cast %and3A_491 : vector<16xi32> to vector<1x16xi32>
      tpu.vector_store %arg6[%swap3A_493, %swap3A_494], %swap3A_497 {strides = array<i32>} : memref<4x128xi32, #tpu.memory_space<vmem>>, vector<1x16xi32>,
      %get3A_498 = arith.index_cast %add3A_409 : i32 to index
      %get3A_499 = arith.constant 64 : index
      %get3A_500 = tpu.vector_load %arg5[%get3A_498, %get3A_499] {strides = array<i32>} : memref<111x128xi32, #tpu.memory_space<vmem>>, vector<1x16xi32>,
      %get3A_501 = vector.shape_cast %get3A_500 : vector<1x16xi32> to vector<16xi32>
      %shift_right_logical3A_502 = arith.constant 14 : i32
      %shift_right_logical3A_503 = vector.broadcast %shift_right_logical3A_502 : i32 to vector<16xi32>
      %shift_right_logical3A_504 = arith.shrui %get3A_501, %shift_right_logical3A_503 : vector<16xi32>
      %swap3A_505 = arith.constant 2 : i32
      %swap3A_506 = arith.index_cast %swap3A_505 : i32 to index
      %swap3A_507 = arith.constant 64 : index
      %swap3A_508 = tpu.vector_load %arg6[%swap3A_506, %swap3A_507] {strides = array<i32>} : memref<4x128xi32, #tpu.memory_space<vmem>>, vector<1x16xi32>,
      %swap3A_509 = vector.shape_cast %swap3A_508 : vector<1x16xi32> to vector<16xi32>
      %swap3A_510 = vector.shape_cast %shift_right_logical3A_504 : vector<16xi32> to vector<1x16xi32>
      tpu.vector_store %arg6[%swap3A_506, %swap3A_507], %swap3A_510 {strides = array<i32>} : memref<4x128xi32, #tpu.memory_space<vmem>>, vector<1x16xi32>,
      %and3A_511 = arith.constant 16383 : i32
      %and3A_512 = vector.broadcast %and3A_511 : i32 to vector<16xi32>
      %and3A_513 = arith.andi %get3A_501, %and3A_512 : vector<16xi32>
      %swap3A_514 = arith.constant 3 : i32
      %swap3A_515 = arith.index_cast %swap3A_514 : i32 to index
      %swap3A_516 = arith.constant 64 : index
      %swap3A_517 = tpu.vector_load %arg6[%swap3A_515, %swap3A_516] {strides = array<i32>} : memref<4x128xi32, #tpu.memory_space<vmem>>, vector<1x16xi32>,
      %swap3A_518 = vector.shape_cast %swap3A_517 : vector<1x16xi32> to vector<16xi32>
      %swap3A_519 = vector.shape_cast %and3A_513 : vector<16xi32> to vector<1x16xi32>
      tpu.vector_store %arg6[%swap3A_515, %swap3A_516], %swap3A_519 {strides = array<i32>} : memref<4x128xi32, #tpu.memory_space<vmem>>, vector<1x16xi32>,
      %get3A_520 = arith.index_cast %add3A_409 : i32 to index
      %get3A_521 = arith.constant 80 : index
      %get3A_522 = tpu.vector_load %arg5[%get3A_520, %get3A_521] {strides = array<i32>} : memref<111x128xi32, #tpu.memory_space<vmem>>, vector<1x16xi32>,
      %get3A_523 = vector.shape_cast %get3A_522 : vector<1x16xi32> to vector<16xi32>
      %shift_right_logical3A_524 = arith.constant 14 : i32
      %shift_right_logical3A_525 = vector.broadcast %shift_right_logical3A_524 : i32 to vector<16xi32>
      %shift_right_logical3A_526 = arith.shrui %get3A_523, %shift_right_logical3A_525 : vector<16xi32>
      %swap3A_527 = arith.constant 2 : i32
      %swap3A_528 = arith.index_cast %swap3A_527 : i32 to index
      %swap3A_529 = arith.constant 80 : index
      %swap3A_530 = tpu.vector_load %arg6[%swap3A_528, %swap3A_529] {strides = array<i32>} : memref<4x128xi32, #tpu.memory_space<vmem>>, vector<1x16xi32>,
      %swap3A_531 = vector.shape_cast %swap3A_530 : vector<1x16xi32> to vector<16xi32>
      %swap3A_532 = vector.shape_cast %shift_right_logical3A_526 : vector<16xi32> to vector<1x16xi32>
      tpu.vector_store %arg6[%swap3A_528, %swap3A_529], %swap3A_532 {strides = array<i32>} : memref<4x128xi32, #tpu.memory_space<vmem>>, vector<1x16xi32>,
      %and3A_533 = arith.constant 16383 : i32
      %and3A_534 = vector.broadcast %and3A_533 : i32 to vector<16xi32>
      %and3A_535 = arith.andi %get3A_523, %and3A_534 : vector<16xi32>
      %swap3A_536 = arith.constant 3 : i32
      %swap3A_537 = arith.index_cast %swap3A_536 : i32 to index
      %swap3A_538 = arith.constant 80 : index
      %swap3A_539 = tpu.vector_load %arg6[%swap3A_537, %swap3A_538] {strides = array<i32>} : memref<4x128xi32, #tpu.memory_space<vmem>>, vector<1x16xi32>,
      %swap3A_540 = vector.shape_cast %swap3A_539 : vector<1x16xi32> to vector<16xi32>
      %swap3A_541 = vector.shape_cast %and3A_535 : vector<16xi32> to vector<1x16xi32>
      tpu.vector_store %arg6[%swap3A_537, %swap3A_538], %swap3A_541 {strides = array<i32>} : memref<4x128xi32, #tpu.memory_space<vmem>>, vector<1x16xi32>,
      %get3A_542 = arith.index_cast %add3A_409 : i32 to index
      %get3A_543 = arith.constant 96 : index
      %get3A_544 = tpu.vector_load %arg5[%get3A_542, %get3A_543] {strides = array<i32>} : memref<111x128xi32, #tpu.memory_space<vmem>>, vector<1x16xi32>,
      %get3A_545 = vector.shape_cast %get3A_544 : vector<1x16xi32> to vector<16xi32>
      %shift_right_logical3A_546 = arith.constant 14 : i32
      %shift_right_logical3A_547 = vector.broadcast %shift_right_logical3A_546 : i32 to vector<16xi32>
      %shift_right_logical3A_548 = arith.shrui %get3A_545, %shift_right_logical3A_547 : vector<16xi32>
      %swap3A_549 = arith.constant 2 : i32
      %swap3A_550 = arith.index_cast %swap3A_549 : i32 to index
      %swap3A_551 = arith.constant 96 : index
      %swap3A_552 = tpu.vector_load %arg6[%swap3A_550, %swap3A_551] {strides = array<i32>} : memref<4x128xi32, #tpu.memory_space<vmem>>, vector<1x16xi32>,
      %swap3A_553 = vector.shape_cast %swap3A_552 : vector<1x16xi32> to vector<16xi32>
      %swap3A_554 = vector.shape_cast %shift_right_logical3A_548 : vector<16xi32> to vector<1x16xi32>
      tpu.vector_store %arg6[%swap3A_550, %swap3A_551], %swap3A_554 {strides = array<i32>} : memref<4x128xi32, #tpu.memory_space<vmem>>, vector<1x16xi32>,
      %and3A_555 = arith.constant 16383 : i32
      %and3A_556 = vector.broadcast %and3A_555 : i32 to vector<16xi32>
      %and3A_557 = arith.andi %get3A_545, %and3A_556 : vector<16xi32>
      %swap3A_558 = arith.constant 3 : i32
      %swap3A_559 = arith.index_cast %swap3A_558 : i32 to index
      %swap3A_560 = arith.constant 96 : index
      %swap3A_561 = tpu.vector_load %arg6[%swap3A_559, %swap3A_560] {strides = array<i32>} : memref<4x128xi32, #tpu.memory_space<vmem>>, vector<1x16xi32>,
      %swap3A_562 = vector.shape_cast %swap3A_561 : vector<1x16xi32> to vector<16xi32>
      %swap3A_563 = vector.shape_cast %and3A_557 : vector<16xi32> to vector<1x16xi32>
      tpu.vector_store %arg6[%swap3A_559, %swap3A_560], %swap3A_563 {strides = array<i32>} : memref<4x128xi32, #tpu.memory_space<vmem>>, vector<1x16xi32>,
      %get3A_564 = arith.index_cast %add3A_409 : i32 to index
      %get3A_565 = arith.constant 112 : index
      %get3A_566 = tpu.vector_load %arg5[%get3A_564, %get3A_565] {strides = array<i32>} : memref<111x128xi32, #tpu.memory_space<vmem>>, vector<1x16xi32>,
      %get3A_567 = vector.shape_cast %get3A_566 : vector<1x16xi32> to vector<16xi32>
      %shift_right_logical3A_568 = arith.constant 14 : i32
      %shift_right_logical3A_569 = vector.broadcast %shift_right_logical3A_568 : i32 to vector<16xi32>
      %shift_right_logical3A_570 = arith.shrui %get3A_567, %shift_right_logical3A_569 : vector<16xi32>
      %swap3A_571 = arith.constant 2 : i32
      %swap3A_572 = arith.index_cast %swap3A_571 : i32 to index
      %swap3A_573 = arith.constant 112 : index
      %swap3A_574 = tpu.vector_load %arg6[%swap3A_572, %swap3A_573] {strides = array<i32>} : memref<4x128xi32, #tpu.memory_space<vmem>>, vector<1x16xi32>,
      %swap3A_575 = vector.shape_cast %swap3A_574 : vector<1x16xi32> to vector<16xi32>
      %swap3A_576 = vector.shape_cast %shift_right_logical3A_570 : vector<16xi32> to vector<1x16xi32>
      tpu.vector_store %arg6[%swap3A_572, %swap3A_573], %swap3A_576 {strides = array<i32>} : memref<4x128xi32, #tpu.memory_space<vmem>>, vector<1x16xi32>,
      %and3A_577 = arith.constant 16383 : i32
      %and3A_578 = vector.broadcast %and3A_577 : i32 to vector<16xi32>
      %and3A_579 = arith.andi %get3A_567, %and3A_578 : vector<16xi32>
      %swap3A_580 = arith.constant 3 : i32
      %swap3A_581 = arith.index_cast %swap3A_580 : i32 to index
      %swap3A_582 = arith.constant 112 : index
      %swap3A_583 = tpu.vector_load %arg6[%swap3A_581, %swap3A_582] {strides = array<i32>} : memref<4x128xi32, #tpu.memory_space<vmem>>, vector<1x16xi32>,
      %swap3A_584 = vector.shape_cast %swap3A_583 : vector<1x16xi32> to vector<16xi32>
      %swap3A_585 = vector.shape_cast %and3A_579 : vector<16xi32> to vector<1x16xi32>
      tpu.vector_store %arg6[%swap3A_581, %swap3A_582], %swap3A_585 {strides = array<i32>} : memref<4x128xi32, #tpu.memory_space<vmem>>, vector<1x16xi32>,
      %dma_start3A_586 = arith.constant 2 : i32
      %dma_start3A_587 = arith.constant 0 : i32
      %dma_start3A_588 = tpu.memref_slice %arg6[%dma_start3A_586, %dma_start3A_587] : memref<4x128xi32, #tpu.memory_space<vmem>> -> memref<1x128xi32, #tpu.memory_space<vmem>>
      %dma_start3A_589 = tpu.memref_squeeze %dma_start3A_588 : memref<1x128xi32, #tpu.memory_space<vmem>> -> memref<128xi32, #tpu.memory_space<vmem>>
      %dma_start3A_590 = arith.constant 0 : i32
      %dma_start3A_591 = arith.constant 0 : i32
      %dma_start3A_592 = tpu.memref_slice %arg2[%dma_start3A_590, %dma_start3A_591] : memref<10240x128xf32, #tpu.memory_space<hbm>> -> memref<10240x128xf32, #tpu.memory_space<hbm>>
      tpu.enqueue_indirect_dma source(%dma_start3A_592 : memref<10240x128xf32, #tpu.memory_space<hbm>>) target(%arg8 : memref<128x128xf32, #tpu.memory_space<vmem>>) offsets(%dma_start3A_589 : memref<128xi32, #tpu.memory_space<vmem>>) semaphore(%arg11 : memref<!tpu.dma_semaphore, #tpu.memory_space<semaphore_mem>>)
      %dma_wait3A_593 = arith.constant 0 : i32
      %dma_wait3A_594 = arith.constant 0 : i32
      %dma_wait3A_595 = tpu.memref_slice %arg6[%dma_wait3A_593, %dma_wait3A_594] : memref<4x128xi32, #tpu.memory_space<vmem>> -> memref<1x128xi32, #tpu.memory_space<vmem>>
      %dma_wait3A_596 = tpu.memref_squeeze %dma_wait3A_595 : memref<1x128xi32, #tpu.memory_space<vmem>> -> memref<128xi32, #tpu.memory_space<vmem>>
      %dma_wait3A_597 = arith.constant 0 : i32
      %dma_wait3A_598 = arith.constant 0 : i32
      %dma_wait3A_599 = tpu.memref_slice %arg2[%dma_wait3A_597, %dma_wait3A_598] : memref<10240x128xf32, #tpu.memory_space<hbm>> -> memref<10240x128xf32, #tpu.memory_space<hbm>>
      tpu.wait_indirect_dma semaphore(%arg10 : memref<!tpu.dma_semaphore, #tpu.memory_space<semaphore_mem>>) src(%dma_wait3A_599 : memref<10240x128xf32, #tpu.memory_space<hbm>>) dst(%arg7 : memref<128x128xf32, #tpu.memory_space<vmem>>)
      %run_scoped3A_600 = arith.constant 1 : i32
      "tpu.region"() ({
        %run_scoped3A_794 = tpu.sem_alloc : memref<!tpu.dma_semaphore, #tpu.memory_space<semaphore_mem>>
        %dma_start3A_795 = arith.constant 0 : i32
        %dma_start3A_796 = tpu.memref_slice %arg6[%run_scoped3A_600, %dma_start3A_795] : memref<4x128xi32, #tpu.memory_space<vmem>> -> memref<1x128xi32, #tpu.memory_space<vmem>>
        %dma_start3A_797 = tpu.memref_squeeze %dma_start3A_796 : memref<1x128xi32, #tpu.memory_space<vmem>> -> memref<128xi32, #tpu.memory_space<vmem>>
        %dma_start3A_798 = arith.constant 0 : i32
        %dma_start3A_799 = arith.constant 0 : i32
        %dma_start3A_800 = tpu.memref_slice %arg9[%dma_start3A_798, %dma_start3A_799] : memref<10240x128xf32, #tpu.memory_space<vmem_shared>> -> memref<10240x128xf32, #tpu.memory_space<vmem_shared>>
        tpu.enqueue_indirect_dma source(%arg7 : memref<128x128xf32, #tpu.memory_space<vmem>>) target(%dma_start3A_800 : memref<10240x128xf32, #tpu.memory_space<vmem_shared>>) offsets(%dma_start3A_797 : memref<128xi32, #tpu.memory_space<vmem>>) semaphore(%run_scoped3A_794 : memref<!tpu.dma_semaphore, #tpu.memory_space<semaphore_mem>>) {add = true}
        %dma_wait3A_801 = arith.constant 0 : i32
        %dma_wait3A_802 = tpu.memref_slice %arg6[%run_scoped3A_600, %dma_wait3A_801] : memref<4x128xi32, #tpu.memory_space<vmem>> -> memref<1x128xi32, #tpu.memory_space<vmem>>
        %dma_wait3A_803 = tpu.memref_squeeze %dma_wait3A_802 : memref<1x128xi32, #tpu.memory_space<vmem>> -> memref<128xi32, #tpu.memory_space<vmem>>
        %dma_wait3A_804 = arith.constant 0 : i32
        %dma_wait3A_805 = arith.constant 0 : i32
        %dma_wait3A_806 = tpu.memref_slice %arg9[%dma_wait3A_804, %dma_wait3A_805] : memref<10240x128xf32, #tpu.memory_space<vmem_shared>> -> memref<10240x128xf32, #tpu.memory_space<vmem_shared>>
        tpu.wait_indirect_dma semaphore(%run_scoped3A_794 : memref<!tpu.dma_semaphore, #tpu.memory_space<semaphore_mem>>) src(%arg7 : memref<128x128xf32, #tpu.memory_space<vmem>>) dst(%dma_wait3A_806 : memref<10240x128xf32, #tpu.memory_space<vmem_shared>>)
        tpu.yield
      }) : () -> ()
      %add3A_601 = arith.constant 1 : i32
      %add3A_602 = arith.addi %add3A_409, %add3A_601 : i32
      %get3A_603 = arith.index_cast %add3A_602 : i32 to index
      %get3A_604 = arith.constant 0 : index
      %get3A_605 = tpu.vector_load %arg5[%get3A_603, %get3A_604] {strides = array<i32>} : memref<111x128xi32, #tpu.memory_space<vmem>>, vector<1x16xi32>,
      %get3A_606 = vector.shape_cast %get3A_605 : vector<1x16xi32> to vector<16xi32>
      %shift_right_logical3A_607 = arith.constant 14 : i32
      %shift_right_logical3A_608 = vector.broadcast %shift_right_logical3A_607 : i32 to vector<16xi32>
      %shift_right_logical3A_609 = arith.shrui %get3A_606, %shift_right_logical3A_608 : vector<16xi32>
      %swap3A_610 = arith.constant 0 : i32
      %swap3A_611 = arith.index_cast %swap3A_610 : i32 to index
      %swap3A_612 = arith.constant 0 : index
      %swap3A_613 = tpu.vector_load %arg6[%swap3A_611, %swap3A_612] {strides = array<i32>} : memref<4x128xi32, #tpu.memory_space<vmem>>, vector<1x16xi32>,
      %swap3A_614 = vector.shape_cast %swap3A_613 : vector<1x16xi32> to vector<16xi32>
      %swap3A_615 = vector.shape_cast %shift_right_logical3A_609 : vector<16xi32> to vector<1x16xi32>
      tpu.vector_store %arg6[%swap3A_611, %swap3A_612], %swap3A_615 {strides = array<i32>} : memref<4x128xi32, #tpu.memory_space<vmem>>, vector<1x16xi32>,
      %and3A_616 = arith.constant 16383 : i32
      %and3A_617 = vector.broadcast %and3A_616 : i32 to vector<16xi32>
      %and3A_618 = arith.andi %get3A_606, %and3A_617 : vector<16xi32>
      %swap3A_619 = arith.constant 1 : i32
      %swap3A_620 = arith.index_cast %swap3A_619 : i32 to index
      %swap3A_621 = arith.constant 0 : index
      %swap3A_622 = tpu.vector_load %arg6[%swap3A_620, %swap3A_621] {strides = array<i32>} : memref<4x128xi32, #tpu.memory_space<vmem>>, vector<1x16xi32>,
      %swap3A_623 = vector.shape_cast %swap3A_622 : vector<1x16xi32> to vector<16xi32>
      %swap3A_624 = vector.shape_cast %and3A_618 : vector<16xi32> to vector<1x16xi32>
      tpu.vector_store %arg6[%swap3A_620, %swap3A_621], %swap3A_624 {strides = array<i32>} : memref<4x128xi32, #tpu.memory_space<vmem>>, vector<1x16xi32>,
      %get3A_625 = arith.index_cast %add3A_602 : i32 to index
      %get3A_626 = arith.constant 16 : index
      %get3A_627 = tpu.vector_load %arg5[%get3A_625, %get3A_626] {strides = array<i32>} : memref<111x128xi32, #tpu.memory_space<vmem>>, vector<1x16xi32>,
      %get3A_628 = vector.shape_cast %get3A_627 : vector<1x16xi32> to vector<16xi32>
      %shift_right_logical3A_629 = arith.constant 14 : i32
      %shift_right_logical3A_630 = vector.broadcast %shift_right_logical3A_629 : i32 to vector<16xi32>
      %shift_right_logical3A_631 = arith.shrui %get3A_628, %shift_right_logical3A_630 : vector<16xi32>
      %swap3A_632 = arith.constant 0 : i32
      %swap3A_633 = arith.index_cast %swap3A_632 : i32 to index
      %swap3A_634 = arith.constant 16 : index
      %swap3A_635 = tpu.vector_load %arg6[%swap3A_633, %swap3A_634] {strides = array<i32>} : memref<4x128xi32, #tpu.memory_space<vmem>>, vector<1x16xi32>,
      %swap3A_636 = vector.shape_cast %swap3A_635 : vector<1x16xi32> to vector<16xi32>
      %swap3A_637 = vector.shape_cast %shift_right_logical3A_631 : vector<16xi32> to vector<1x16xi32>
      tpu.vector_store %arg6[%swap3A_633, %swap3A_634], %swap3A_637 {strides = array<i32>} : memref<4x128xi32, #tpu.memory_space<vmem>>, vector<1x16xi32>,
      %and3A_638 = arith.constant 16383 : i32
      %and3A_639 = vector.broadcast %and3A_638 : i32 to vector<16xi32>
      %and3A_640 = arith.andi %get3A_628, %and3A_639 : vector<16xi32>
      %swap3A_641 = arith.constant 1 : i32
      %swap3A_642 = arith.index_cast %swap3A_641 : i32 to index
      %swap3A_643 = arith.constant 16 : index
      %swap3A_644 = tpu.vector_load %arg6[%swap3A_642, %swap3A_643] {strides = array<i32>} : memref<4x128xi32, #tpu.memory_space<vmem>>, vector<1x16xi32>,
      %swap3A_645 = vector.shape_cast %swap3A_644 : vector<1x16xi32> to vector<16xi32>
      %swap3A_646 = vector.shape_cast %and3A_640 : vector<16xi32> to vector<1x16xi32>
      tpu.vector_store %arg6[%swap3A_642, %swap3A_643], %swap3A_646 {strides = array<i32>} : memref<4x128xi32, #tpu.memory_space<vmem>>, vector<1x16xi32>,
      %get3A_647 = arith.index_cast %add3A_602 : i32 to index
      %get3A_648 = arith.constant 32 : index
      %get3A_649 = tpu.vector_load %arg5[%get3A_647, %get3A_648] {strides = array<i32>} : memref<111x128xi32, #tpu.memory_space<vmem>>, vector<1x16xi32>,
      %get3A_650 = vector.shape_cast %get3A_649 : vector<1x16xi32> to vector<16xi32>
      %shift_right_logical3A_651 = arith.constant 14 : i32
      %shift_right_logical3A_652 = vector.broadcast %shift_right_logical3A_651 : i32 to vector<16xi32>
      %shift_right_logical3A_653 = arith.shrui %get3A_650, %shift_right_logical3A_652 : vector<16xi32>
      %swap3A_654 = arith.constant 0 : i32
      %swap3A_655 = arith.index_cast %swap3A_654 : i32 to index
      %swap3A_656 = arith.constant 32 : index
      %swap3A_657 = tpu.vector_load %arg6[%swap3A_655, %swap3A_656] {strides = array<i32>} : memref<4x128xi32, #tpu.memory_space<vmem>>, vector<1x16xi32>,
      %swap3A_658 = vector.shape_cast %swap3A_657 : vector<1x16xi32> to vector<16xi32>
      %swap3A_659 = vector.shape_cast %shift_right_logical3A_653 : vector<16xi32> to vector<1x16xi32>
      tpu.vector_store %arg6[%swap3A_655, %swap3A_656], %swap3A_659 {strides = array<i32>} : memref<4x128xi32, #tpu.memory_space<vmem>>, vector<1x16xi32>,
      %and3A_660 = arith.constant 16383 : i32
      %and3A_661 = vector.broadcast %and3A_660 : i32 to vector<16xi32>
      %and3A_662 = arith.andi %get3A_650, %and3A_661 : vector<16xi32>
      %swap3A_663 = arith.constant 1 : i32
      %swap3A_664 = arith.index_cast %swap3A_663 : i32 to index
      %swap3A_665 = arith.constant 32 : index
      %swap3A_666 = tpu.vector_load %arg6[%swap3A_664, %swap3A_665] {strides = array<i32>} : memref<4x128xi32, #tpu.memory_space<vmem>>, vector<1x16xi32>,
      %swap3A_667 = vector.shape_cast %swap3A_666 : vector<1x16xi32> to vector<16xi32>
      %swap3A_668 = vector.shape_cast %and3A_662 : vector<16xi32> to vector<1x16xi32>
      tpu.vector_store %arg6[%swap3A_664, %swap3A_665], %swap3A_668 {strides = array<i32>} : memref<4x128xi32, #tpu.memory_space<vmem>>, vector<1x16xi32>,
      %get3A_669 = arith.index_cast %add3A_602 : i32 to index
      %get3A_670 = arith.constant 48 : index
      %get3A_671 = tpu.vector_load %arg5[%get3A_669, %get3A_670] {strides = array<i32>} : memref<111x128xi32, #tpu.memory_space<vmem>>, vector<1x16xi32>,
      %get3A_672 = vector.shape_cast %get3A_671 : vector<1x16xi32> to vector<16xi32>
      %shift_right_logical3A_673 = arith.constant 14 : i32
      %shift_right_logical3A_674 = vector.broadcast %shift_right_logical3A_673 : i32 to vector<16xi32>
      %shift_right_logical3A_675 = arith.shrui %get3A_672, %shift_right_logical3A_674 : vector<16xi32>
      %swap3A_676 = arith.constant 0 : i32
      %swap3A_677 = arith.index_cast %swap3A_676 : i32 to index
      %swap3A_678 = arith.constant 48 : index
      %swap3A_679 = tpu.vector_load %arg6[%swap3A_677, %swap3A_678] {strides = array<i32>} : memref<4x128xi32, #tpu.memory_space<vmem>>, vector<1x16xi32>,
      %swap3A_680 = vector.shape_cast %swap3A_679 : vector<1x16xi32> to vector<16xi32>
      %swap3A_681 = vector.shape_cast %shift_right_logical3A_675 : vector<16xi32> to vector<1x16xi32>
      tpu.vector_store %arg6[%swap3A_677, %swap3A_678], %swap3A_681 {strides = array<i32>} : memref<4x128xi32, #tpu.memory_space<vmem>>, vector<1x16xi32>,
      %and3A_682 = arith.constant 16383 : i32
      %and3A_683 = vector.broadcast %and3A_682 : i32 to vector<16xi32>
      %and3A_684 = arith.andi %get3A_672, %and3A_683 : vector<16xi32>
      %swap3A_685 = arith.constant 1 : i32
      %swap3A_686 = arith.index_cast %swap3A_685 : i32 to index
      %swap3A_687 = arith.constant 48 : index
      %swap3A_688 = tpu.vector_load %arg6[%swap3A_686, %swap3A_687] {strides = array<i32>} : memref<4x128xi32, #tpu.memory_space<vmem>>, vector<1x16xi32>,
      %swap3A_689 = vector.shape_cast %swap3A_688 : vector<1x16xi32> to vector<16xi32>
      %swap3A_690 = vector.shape_cast %and3A_684 : vector<16xi32> to vector<1x16xi32>
      tpu.vector_store %arg6[%swap3A_686, %swap3A_687], %swap3A_690 {strides = array<i32>} : memref<4x128xi32, #tpu.memory_space<vmem>>, vector<1x16xi32>,
      %get3A_691 = arith.index_cast %add3A_602 : i32 to index
      %get3A_692 = arith.constant 64 : index
      %get3A_693 = tpu.vector_load %arg5[%get3A_691, %get3A_692] {strides = array<i32>} : memref<111x128xi32, #tpu.memory_space<vmem>>, vector<1x16xi32>,
      %get3A_694 = vector.shape_cast %get3A_693 : vector<1x16xi32> to vector<16xi32>
      %shift_right_logical3A_695 = arith.constant 14 : i32
      %shift_right_logical3A_696 = vector.broadcast %shift_right_logical3A_695 : i32 to vector<16xi32>
      %shift_right_logical3A_697 = arith.shrui %get3A_694, %shift_right_logical3A_696 : vector<16xi32>
      %swap3A_698 = arith.constant 0 : i32
      %swap3A_699 = arith.index_cast %swap3A_698 : i32 to index
      %swap3A_700 = arith.constant 64 : index
      %swap3A_701 = tpu.vector_load %arg6[%swap3A_699, %swap3A_700] {strides = array<i32>} : memref<4x128xi32, #tpu.memory_space<vmem>>, vector<1x16xi32>,
      %swap3A_702 = vector.shape_cast %swap3A_701 : vector<1x16xi32> to vector<16xi32>
      %swap3A_703 = vector.shape_cast %shift_right_logical3A_697 : vector<16xi32> to vector<1x16xi32>
      tpu.vector_store %arg6[%swap3A_699, %swap3A_700], %swap3A_703 {strides = array<i32>} : memref<4x128xi32, #tpu.memory_space<vmem>>, vector<1x16xi32>,
      %and3A_704 = arith.constant 16383 : i32
      %and3A_705 = vector.broadcast %and3A_704 : i32 to vector<16xi32>
      %and3A_706 = arith.andi %get3A_694, %and3A_705 : vector<16xi32>
      %swap3A_707 = arith.constant 1 : i32
      %swap3A_708 = arith.index_cast %swap3A_707 : i32 to index
      %swap3A_709 = arith.constant 64 : index
      %swap3A_710 = tpu.vector_load %arg6[%swap3A_708, %swap3A_709] {strides = array<i32>} : memref<4x128xi32, #tpu.memory_space<vmem>>, vector<1x16xi32>,
      %swap3A_711 = vector.shape_cast %swap3A_710 : vector<1x16xi32> to vector<16xi32>
      %swap3A_712 = vector.shape_cast %and3A_706 : vector<16xi32> to vector<1x16xi32>
      tpu.vector_store %arg6[%swap3A_708, %swap3A_709], %swap3A_712 {strides = array<i32>} : memref<4x128xi32, #tpu.memory_space<vmem>>, vector<1x16xi32>,
      %get3A_713 = arith.index_cast %add3A_602 : i32 to index
      %get3A_714 = arith.constant 80 : index
      %get3A_715 = tpu.vector_load %arg5[%get3A_713, %get3A_714] {strides = array<i32>} : memref<111x128xi32, #tpu.memory_space<vmem>>, vector<1x16xi32>,
      %get3A_716 = vector.shape_cast %get3A_715 : vector<1x16xi32> to vector<16xi32>
      %shift_right_logical3A_717 = arith.constant 14 : i32
      %shift_right_logical3A_718 = vector.broadcast %shift_right_logical3A_717 : i32 to vector<16xi32>
      %shift_right_logical3A_719 = arith.shrui %get3A_716, %shift_right_logical3A_718 : vector<16xi32>
      %swap3A_720 = arith.constant 0 : i32
      %swap3A_721 = arith.index_cast %swap3A_720 : i32 to index
      %swap3A_722 = arith.constant 80 : index
      %swap3A_723 = tpu.vector_load %arg6[%swap3A_721, %swap3A_722] {strides = array<i32>} : memref<4x128xi32, #tpu.memory_space<vmem>>, vector<1x16xi32>,
      %swap3A_724 = vector.shape_cast %swap3A_723 : vector<1x16xi32> to vector<16xi32>
      %swap3A_725 = vector.shape_cast %shift_right_logical3A_719 : vector<16xi32> to vector<1x16xi32>
      tpu.vector_store %arg6[%swap3A_721, %swap3A_722], %swap3A_725 {strides = array<i32>} : memref<4x128xi32, #tpu.memory_space<vmem>>, vector<1x16xi32>,
      %and3A_726 = arith.constant 16383 : i32
      %and3A_727 = vector.broadcast %and3A_726 : i32 to vector<16xi32>
      %and3A_728 = arith.andi %get3A_716, %and3A_727 : vector<16xi32>
      %swap3A_729 = arith.constant 1 : i32
      %swap3A_730 = arith.index_cast %swap3A_729 : i32 to index
      %swap3A_731 = arith.constant 80 : index
      %swap3A_732 = tpu.vector_load %arg6[%swap3A_730, %swap3A_731] {strides = array<i32>} : memref<4x128xi32, #tpu.memory_space<vmem>>, vector<1x16xi32>,
      %swap3A_733 = vector.shape_cast %swap3A_732 : vector<1x16xi32> to vector<16xi32>
      %swap3A_734 = vector.shape_cast %and3A_728 : vector<16xi32> to vector<1x16xi32>
      tpu.vector_store %arg6[%swap3A_730, %swap3A_731], %swap3A_734 {strides = array<i32>} : memref<4x128xi32, #tpu.memory_space<vmem>>, vector<1x16xi32>,
      %get3A_735 = arith.index_cast %add3A_602 : i32 to index
      %get3A_736 = arith.constant 96 : index
      %get3A_737 = tpu.vector_load %arg5[%get3A_735, %get3A_736] {strides = array<i32>} : memref<111x128xi32, #tpu.memory_space<vmem>>, vector<1x16xi32>,
      %get3A_738 = vector.shape_cast %get3A_737 : vector<1x16xi32> to vector<16xi32>
      %shift_right_logical3A_739 = arith.constant 14 : i32
      %shift_right_logical3A_740 = vector.broadcast %shift_right_logical3A_739 : i32 to vector<16xi32>
      %shift_right_logical3A_741 = arith.shrui %get3A_738, %shift_right_logical3A_740 : vector<16xi32>
      %swap3A_742 = arith.constant 0 : i32
      %swap3A_743 = arith.index_cast %swap3A_742 : i32 to index
      %swap3A_744 = arith.constant 96 : index
      %swap3A_745 = tpu.vector_load %arg6[%swap3A_743, %swap3A_744] {strides = array<i32>} : memref<4x128xi32, #tpu.memory_space<vmem>>, vector<1x16xi32>,
      %swap3A_746 = vector.shape_cast %swap3A_745 : vector<1x16xi32> to vector<16xi32>
      %swap3A_747 = vector.shape_cast %shift_right_logical3A_741 : vector<16xi32> to vector<1x16xi32>
      tpu.vector_store %arg6[%swap3A_743, %swap3A_744], %swap3A_747 {strides = array<i32>} : memref<4x128xi32, #tpu.memory_space<vmem>>, vector<1x16xi32>,
      %and3A_748 = arith.constant 16383 : i32
      %and3A_749 = vector.broadcast %and3A_748 : i32 to vector<16xi32>
      %and3A_750 = arith.andi %get3A_738, %and3A_749 : vector<16xi32>
      %swap3A_751 = arith.constant 1 : i32
      %swap3A_752 = arith.index_cast %swap3A_751 : i32 to index
      %swap3A_753 = arith.constant 96 : index
      %swap3A_754 = tpu.vector_load %arg6[%swap3A_752, %swap3A_753] {strides = array<i32>} : memref<4x128xi32, #tpu.memory_space<vmem>>, vector<1x16xi32>,
      %swap3A_755 = vector.shape_cast %swap3A_754 : vector<1x16xi32> to vector<16xi32>
      %swap3A_756 = vector.shape_cast %and3A_750 : vector<16xi32> to vector<1x16xi32>
      tpu.vector_store %arg6[%swap3A_752, %swap3A_753], %swap3A_756 {strides = array<i32>} : memref<4x128xi32, #tpu.memory_space<vmem>>, vector<1x16xi32>,
      %get3A_757 = arith.index_cast %add3A_602 : i32 to index
      %get3A_758 = arith.constant 112 : index
      %get3A_759 = tpu.vector_load %arg5[%get3A_757, %get3A_758] {strides = array<i32>} : memref<111x128xi32, #tpu.memory_space<vmem>>, vector<1x16xi32>,
      %get3A_760 = vector.shape_cast %get3A_759 : vector<1x16xi32> to vector<16xi32>
      %shift_right_logical3A_761 = arith.constant 14 : i32
      %shift_right_logical3A_762 = vector.broadcast %shift_right_logical3A_761 : i32 to vector<16xi32>
      %shift_right_logical3A_763 = arith.shrui %get3A_760, %shift_right_logical3A_762 : vector<16xi32>
      %swap3A_764 = arith.constant 0 : i32
      %swap3A_765 = arith.index_cast %swap3A_764 : i32 to index
      %swap3A_766 = arith.constant 112 : index
      %swap3A_767 = tpu.vector_load %arg6[%swap3A_765, %swap3A_766] {strides = array<i32>} : memref<4x128xi32, #tpu.memory_space<vmem>>, vector<1x16xi32>,
      %swap3A_768 = vector.shape_cast %swap3A_767 : vector<1x16xi32> to vector<16xi32>
      %swap3A_769 = vector.shape_cast %shift_right_logical3A_763 : vector<16xi32> to vector<1x16xi32>
      tpu.vector_store %arg6[%swap3A_765, %swap3A_766], %swap3A_769 {strides = array<i32>} : memref<4x128xi32, #tpu.memory_space<vmem>>, vector<1x16xi32>,
      %and3A_770 = arith.constant 16383 : i32
      %and3A_771 = vector.broadcast %and3A_770 : i32 to vector<16xi32>
      %and3A_772 = arith.andi %get3A_760, %and3A_771 : vector<16xi32>
      %swap3A_773 = arith.constant 1 : i32
      %swap3A_774 = arith.index_cast %swap3A_773 : i32 to index
      %swap3A_775 = arith.constant 112 : index
      %swap3A_776 = tpu.vector_load %arg6[%swap3A_774, %swap3A_775] {strides = array<i32>} : memref<4x128xi32, #tpu.memory_space<vmem>>, vector<1x16xi32>,
      %swap3A_777 = vector.shape_cast %swap3A_776 : vector<1x16xi32> to vector<16xi32>
      %swap3A_778 = vector.shape_cast %and3A_772 : vector<16xi32> to vector<1x16xi32>
      tpu.vector_store %arg6[%swap3A_774, %swap3A_775], %swap3A_778 {strides = array<i32>} : memref<4x128xi32, #tpu.memory_space<vmem>>, vector<1x16xi32>,
      %dma_start3A_779 = arith.constant 0 : i32
      %dma_start3A_780 = arith.constant 0 : i32
      %dma_start3A_781 = tpu.memref_slice %arg6[%dma_start3A_779, %dma_start3A_780] : memref<4x128xi32, #tpu.memory_space<vmem>> -> memref<1x128xi32, #tpu.memory_space<vmem>>
      %dma_start3A_782 = tpu.memref_squeeze %dma_start3A_781 : memref<1x128xi32, #tpu.memory_space<vmem>> -> memref<128xi32, #tpu.memory_space<vmem>>
      %dma_start3A_783 = arith.constant 0 : i32
      %dma_start3A_784 = arith.constant 0 : i32
      %dma_start3A_785 = tpu.memref_slice %arg2[%dma_start3A_783, %dma_start3A_784] : memref<10240x128xf32, #tpu.memory_space<hbm>> -> memref<10240x128xf32, #tpu.memory_space<hbm>>
      tpu.enqueue_indirect_dma source(%dma_start3A_785 : memref<10240x128xf32, #tpu.memory_space<hbm>>) target(%arg7 : memref<128x128xf32, #tpu.memory_space<vmem>>) offsets(%dma_start3A_782 : memref<128xi32, #tpu.memory_space<vmem>>) semaphore(%arg10 : memref<!tpu.dma_semaphore, #tpu.memory_space<semaphore_mem>>)
      %dma_wait3A_786 = arith.constant 2 : i32
      %dma_wait3A_787 = arith.constant 0 : i32
      %dma_wait3A_788 = tpu.memref_slice %arg6[%dma_wait3A_786, %dma_wait3A_787] : memref<4x128xi32, #tpu.memory_space<vmem>> -> memref<1x128xi32, #tpu.memory_space<vmem>>
      %dma_wait3A_789 = tpu.memref_squeeze %dma_wait3A_788 : memref<1x128xi32, #tpu.memory_space<vmem>> -> memref<128xi32, #tpu.memory_space<vmem>>
      %dma_wait3A_790 = arith.constant 0 : i32
      %dma_wait3A_791 = arith.constant 0 : i32
      %dma_wait3A_792 = tpu.memref_slice %arg2[%dma_wait3A_790, %dma_wait3A_791] : memref<10240x128xf32, #tpu.memory_space<hbm>> -> memref<10240x128xf32, #tpu.memory_space<hbm>>
      tpu.wait_indirect_dma semaphore(%arg11 : memref<!tpu.dma_semaphore, #tpu.memory_space<semaphore_mem>>) src(%dma_wait3A_792 : memref<10240x128xf32, #tpu.memory_space<hbm>>) dst(%arg8 : memref<128x128xf32, #tpu.memory_space<vmem>>)
      %run_scoped3A_793 = arith.constant 3 : i32
      "tpu.region"() ({
        %run_scoped3A_794 = tpu.sem_alloc : memref<!tpu.dma_semaphore, #tpu.memory_space<semaphore_mem>>
        %dma_start3A_795 = arith.constant 0 : i32
        %dma_start3A_796 = tpu.memref_slice %arg6[%run_scoped3A_793, %dma_start3A_795] : memref<4x128xi32, #tpu.memory_space<vmem>> -> memref<1x128xi32, #tpu.memory_space<vmem>>
        %dma_start3A_797 = tpu.memref_squeeze %dma_start3A_796 : memref<1x128xi32, #tpu.memory_space<vmem>> -> memref<128xi32, #tpu.memory_space<vmem>>
        %dma_start3A_798 = arith.constant 0 : i32
        %dma_start3A_799 = arith.constant 0 : i32
        %dma_start3A_800 = tpu.memref_slice %arg9[%dma_start3A_798, %dma_start3A_799] : memref<10240x128xf32, #tpu.memory_space<vmem_shared>> -> memref<10240x128xf32, #tpu.memory_space<vmem_shared>>
        tpu.enqueue_indirect_dma source(%arg8 : memref<128x128xf32, #tpu.memory_space<vmem>>) target(%dma_start3A_800 : memref<10240x128xf32, #tpu.memory_space<vmem_shared>>) offsets(%dma_start3A_797 : memref<128xi32, #tpu.memory_space<vmem>>) semaphore(%run_scoped3A_794 : memref<!tpu.dma_semaphore, #tpu.memory_space<semaphore_mem>>) {add = true}
        %dma_wait3A_801 = arith.constant 0 : i32
        %dma_wait3A_802 = tpu.memref_slice %arg6[%run_scoped3A_793, %dma_wait3A_801] : memref<4x128xi32, #tpu.memory_space<vmem>> -> memref<1x128xi32, #tpu.memory_space<vmem>>
        %dma_wait3A_803 = tpu.memref_squeeze %dma_wait3A_802 : memref<1x128xi32, #tpu.memory_space<vmem>> -> memref<128xi32, #tpu.memory_space<vmem>>
        %dma_wait3A_804 = arith.constant 0 : i32
        %dma_wait3A_805 = arith.constant 0 : i32
        %dma_wait3A_806 = tpu.memref_slice %arg9[%dma_wait3A_804, %dma_wait3A_805] : memref<10240x128xf32, #tpu.memory_space<vmem_shared>> -> memref<10240x128xf32, #tpu.memory_space<vmem_shared>>
        tpu.wait_indirect_dma semaphore(%run_scoped3A_794 : memref<!tpu.dma_semaphore, #tpu.memory_space<semaphore_mem>>) src(%arg8 : memref<128x128xf32, #tpu.memory_space<vmem>>) dst(%dma_wait3A_806 : memref<10240x128xf32, #tpu.memory_space<vmem_shared>>)
        tpu.yield
      }) : () -> ()
    }
    %dma_wait3A_262 = arith.constant 0 : i32
    %dma_wait3A_263 = arith.constant 0 : i32
    %dma_wait3A_264 = tpu.memref_slice %arg6[%dma_wait3A_262, %dma_wait3A_263] : memref<4x128xi32, #tpu.memory_space<vmem>> -> memref<1x128xi32, #tpu.memory_space<vmem>>
    %dma_wait3A_265 = tpu.memref_squeeze %dma_wait3A_264 : memref<1x128xi32, #tpu.memory_space<vmem>> -> memref<128xi32, #tpu.memory_space<vmem>>
    %dma_wait3A_266 = arith.constant 0 : i32
    %dma_wait3A_267 = arith.constant 0 : i32
    %dma_wait3A_268 = tpu.memref_slice %arg2[%dma_wait3A_266, %dma_wait3A_267] : memref<10240x128xf32, #tpu.memory_space<hbm>> -> memref<10240x128xf32, #tpu.memory_space<hbm>>
    tpu.wait_indirect_dma semaphore(%arg10 : memref<!tpu.dma_semaphore, #tpu.memory_space<semaphore_mem>>) src(%dma_wait3A_268 : memref<10240x128xf32, #tpu.memory_space<hbm>>) dst(%arg7 : memref<128x128xf32, #tpu.memory_space<vmem>>)
    %run_scoped3A = arith.constant 1 : i32
    "tpu.region"() ({
      %run_scoped3A_405 = tpu.sem_alloc : memref<!tpu.dma_semaphore, #tpu.memory_space<semaphore_mem>>
      %dma_start3A_406 = arith.constant 0 : i32
      %dma_start3A_407 = tpu.memref_slice %arg6[%run_scoped3A, %dma_start3A_406] : memref<4x128xi32, #tpu.memory_space<vmem>> -> memref<1x128xi32, #tpu.memory_space<vmem>>
      %dma_start3A_408 = tpu.memref_squeeze %dma_start3A_407 : memref<1x128xi32, #tpu.memory_space<vmem>> -> memref<128xi32, #tpu.memory_space<vmem>>
      %dma_start3A_409 = arith.constant 0 : i32
      %dma_start3A_410 = arith.constant 0 : i32
      %dma_start3A_411 = tpu.memref_slice %arg9[%dma_start3A_409, %dma_start3A_410] : memref<10240x128xf32, #tpu.memory_space<vmem_shared>> -> memref<10240x128xf32, #tpu.memory_space<vmem_shared>>
      tpu.enqueue_indirect_dma source(%arg7 : memref<128x128xf32, #tpu.memory_space<vmem>>) target(%dma_start3A_411 : memref<10240x128xf32, #tpu.memory_space<vmem_shared>>) offsets(%dma_start3A_408 : memref<128xi32, #tpu.memory_space<vmem>>) semaphore(%run_scoped3A_405 : memref<!tpu.dma_semaphore, #tpu.memory_space<semaphore_mem>>) {add = true}
      %dma_wait3A_412 = arith.constant 0 : i32
      %dma_wait3A_413 = tpu.memref_slice %arg6[%run_scoped3A, %dma_wait3A_412] : memref<4x128xi32, #tpu.memory_space<vmem>> -> memref<1x128xi32, #tpu.memory_space<vmem>>
      %dma_wait3A_414 = tpu.memref_squeeze %dma_wait3A_413 : memref<1x128xi32, #tpu.memory_space<vmem>> -> memref<128xi32, #tpu.memory_space<vmem>>
      %dma_wait3A_415 = arith.constant 0 : i32
      %dma_wait3A_416 = arith.constant 0 : i32
      %dma_wait3A_417 = tpu.memref_slice %arg9[%dma_wait3A_415, %dma_wait3A_416] : memref<10240x128xf32, #tpu.memory_space<vmem_shared>> -> memref<10240x128xf32, #tpu.memory_space<vmem_shared>>
      tpu.wait_indirect_dma semaphore(%run_scoped3A_405 : memref<!tpu.dma_semaphore, #tpu.memory_space<semaphore_mem>>) src(%arg7 : memref<128x128xf32, #tpu.memory_space<vmem>>) dst(%dma_wait3A_417 : memref<10240x128xf32, #tpu.memory_space<vmem_shared>>)
      tpu.yield
    }) : () -> ()
    %barrier3A_269 = arith.constant 0 : index
    tpu.barrier barrier_id(%barrier3A_269)
    %mul3A_270 = arith.constant 640 : i32
    %mul3A_271 = arith.muli %arg1, %mul3A_270 : i32
    %add3A_272 = arith.constant 0 : i32
    %add3A_273 = arith.addi %mul3A_271, %add3A_272 : i32
    %dma_start3A_274 = arith.constant 0 : i32
    %dma_start3A_275 = tpu.memref_slice %arg9[%add3A_273, %dma_start3A_274] : memref<10240x128xf32, #tpu.memory_space<vmem_shared>> -> memref<128x128xf32, #tpu.memory_space<vmem_shared>>
    %dma_start3A_276 = arith.constant 0 : i32
    %dma_start3A_277 = tpu.memref_slice %arg9[%add3A_273, %dma_start3A_276] : memref<10240x128xf32, #tpu.memory_space<vmem_shared>> -> memref<128x128xf32, #tpu.memory_space<vmem_shared>>
    tpu.enqueue_dma source(%dma_start3A_277 : memref<128x128xf32, #tpu.memory_space<vmem_shared>>) target(%arg7 : memref<128x128xf32, #tpu.memory_space<vmem>>) target_semaphore(%arg10 : memref<!tpu.dma_semaphore, #tpu.memory_space<semaphore_mem>>)
    %mul3A_278 = arith.constant 640 : i32
    %mul3A_279 = arith.muli %arg1, %mul3A_278 : i32
    %add3A_280 = arith.constant 128 : i32
    %add3A_281 = arith.addi %mul3A_279, %add3A_280 : i32
    %dma_start3A_282 = arith.constant 0 : i32
    %dma_start3A_283 = tpu.memref_slice %arg9[%add3A_281, %dma_start3A_282] : memref<10240x128xf32, #tpu.memory_space<vmem_shared>> -> memref<128x128xf32, #tpu.memory_space<vmem_shared>>
    %dma_start3A_284 = arith.constant 0 : i32
    %dma_start3A_285 = tpu.memref_slice %arg9[%add3A_281, %dma_start3A_284] : memref<10240x128xf32, #tpu.memory_space<vmem_shared>> -> memref<128x128xf32, #tpu.memory_space<vmem_shared>>
    tpu.enqueue_dma source(%dma_start3A_285 : memref<128x128xf32, #tpu.memory_space<vmem_shared>>) target(%arg8 : memref<128x128xf32, #tpu.memory_space<vmem>>) target_semaphore(%arg11 : memref<!tpu.dma_semaphore, #tpu.memory_space<semaphore_mem>>)
    %dma_wait3A_286 = arith.constant 0 : i32
    %dma_wait3A_287 = tpu.memref_slice %arg9[%add3A_273, %dma_wait3A_286] : memref<10240x128xf32, #tpu.memory_space<vmem_shared>> -> memref<128x128xf32, #tpu.memory_space<vmem_shared>>
    %dma_wait3A_288 = arith.constant 0 : i32
    %dma_wait3A_289 = tpu.memref_slice %arg9[%add3A_273, %dma_wait3A_288] : memref<10240x128xf32, #tpu.memory_space<vmem_shared>> -> memref<128x128xf32, #tpu.memory_space<vmem_shared>>
    tpu.wait_dma2 semaphore(%arg10 : memref<!tpu.dma_semaphore, #tpu.memory_space<semaphore_mem>>) src(%dma_wait3A_289 : memref<128x128xf32, #tpu.memory_space<vmem_shared>>) dst(%arg7 : memref<128x128xf32, #tpu.memory_space<vmem>>)
    %mul3A_290 = arith.constant 10240 : i32
    %mul3A_291 = arith.muli %arg0, %mul3A_290 : i32
    %mul3A_292 = arith.constant 640 : i32
    %mul3A_293 = arith.muli %arg1, %mul3A_292 : i32
    %add3A_294 = arith.addi %mul3A_291, %mul3A_293 : i32
    %add3A_295 = arith.constant 0 : i32
    %add3A_296 = arith.addi %add3A_294, %add3A_295 : i32
    %dma_start3A_297 = arith.constant 0 : i32
    %dma_start3A_298 = tpu.memref_slice %arg4[%add3A_296, %dma_start3A_297] : memref<20480x128xf32, #tpu.memory_space<hbm>> -> memref<128x128xf32, #tpu.memory_space<hbm>>
    %dma_start3A_299 = arith.constant 0 : i32
    %dma_start3A_300 = tpu.memref_slice %arg4[%add3A_296, %dma_start3A_299] : memref<20480x128xf32, #tpu.memory_space<hbm>> -> memref<128x128xf32, #tpu.memory_space<hbm>>
    tpu.enqueue_dma source(%arg7 : memref<128x128xf32, #tpu.memory_space<vmem>>) target(%dma_start3A_300 : memref<128x128xf32, #tpu.memory_space<hbm>>) target_semaphore(%arg12 : memref<!tpu.dma_semaphore, #tpu.memory_space<semaphore_mem>>)
    %dma_wait3A_301 = arith.constant 0 : i32
    %dma_wait3A_302 = tpu.memref_slice %arg4[%add3A_296, %dma_wait3A_301] : memref<20480x128xf32, #tpu.memory_space<hbm>> -> memref<128x128xf32, #tpu.memory_space<hbm>>
    %dma_wait3A_303 = arith.constant 0 : i32
    %dma_wait3A_304 = tpu.memref_slice %arg4[%add3A_296, %dma_wait3A_303] : memref<20480x128xf32, #tpu.memory_space<hbm>> -> memref<128x128xf32, #tpu.memory_space<hbm>>
    tpu.wait_dma2 semaphore(%arg12 : memref<!tpu.dma_semaphore, #tpu.memory_space<semaphore_mem>>) src(%arg7 : memref<128x128xf32, #tpu.memory_space<vmem>>) dst(%dma_wait3A_304 : memref<128x128xf32, #tpu.memory_space<hbm>>)
    %mul3A_305 = arith.constant 640 : i32
    %mul3A_306 = arith.muli %arg1, %mul3A_305 : i32
    %add3A_307 = arith.constant 256 : i32
    %add3A_308 = arith.addi %mul3A_306, %add3A_307 : i32
    %dma_start3A_309 = arith.constant 0 : i32
    %dma_start3A_310 = tpu.memref_slice %arg9[%add3A_308, %dma_start3A_309] : memref<10240x128xf32, #tpu.memory_space<vmem_shared>> -> memref<128x128xf32, #tpu.memory_space<vmem_shared>>
    %dma_start3A_311 = arith.constant 0 : i32
    %dma_start3A_312 = tpu.memref_slice %arg9[%add3A_308, %dma_start3A_311] : memref<10240x128xf32, #tpu.memory_space<vmem_shared>> -> memref<128x128xf32, #tpu.memory_space<vmem_shared>>
    tpu.enqueue_dma source(%dma_start3A_312 : memref<128x128xf32, #tpu.memory_space<vmem_shared>>) target(%arg7 : memref<128x128xf32, #tpu.memory_space<vmem>>) target_semaphore(%arg10 : memref<!tpu.dma_semaphore, #tpu.memory_space<semaphore_mem>>)
    %dma_wait3A_313 = arith.constant 0 : i32
    %dma_wait3A_314 = tpu.memref_slice %arg9[%add3A_281, %dma_wait3A_313] : memref<10240x128xf32, #tpu.memory_space<vmem_shared>> -> memref<128x128xf32, #tpu.memory_space<vmem_shared>>
    %dma_wait3A_315 = arith.constant 0 : i32
    %dma_wait3A_316 = tpu.memref_slice %arg9[%add3A_281, %dma_wait3A_315] : memref<10240x128xf32, #tpu.memory_space<vmem_shared>> -> memref<128x128xf32, #tpu.memory_space<vmem_shared>>
    tpu.wait_dma2 semaphore(%arg11 : memref<!tpu.dma_semaphore, #tpu.memory_space<semaphore_mem>>) src(%dma_wait3A_316 : memref<128x128xf32, #tpu.memory_space<vmem_shared>>) dst(%arg8 : memref<128x128xf32, #tpu.memory_space<vmem>>)
    %mul3A_317 = arith.constant 10240 : i32
    %mul3A_318 = arith.muli %arg0, %mul3A_317 : i32
    %mul3A_319 = arith.constant 640 : i32
    %mul3A_320 = arith.muli %arg1, %mul3A_319 : i32
    %add3A_321 = arith.addi %mul3A_318, %mul3A_320 : i32
    %add3A_322 = arith.constant 128 : i32
    %add3A_323 = arith.addi %add3A_321, %add3A_322 : i32
    %dma_start3A_324 = arith.constant 0 : i32
    %dma_start3A_325 = tpu.memref_slice %arg4[%add3A_323, %dma_start3A_324] : memref<20480x128xf32, #tpu.memory_space<hbm>> -> memref<128x128xf32, #tpu.memory_space<hbm>>
    %dma_start3A_326 = arith.constant 0 : i32
    %dma_start3A_327 = tpu.memref_slice %arg4[%add3A_323, %dma_start3A_326] : memref<20480x128xf32, #tpu.memory_space<hbm>> -> memref<128x128xf32, #tpu.memory_space<hbm>>
    tpu.enqueue_dma source(%arg8 : memref<128x128xf32, #tpu.memory_space<vmem>>) target(%dma_start3A_327 : memref<128x128xf32, #tpu.memory_space<hbm>>) target_semaphore(%arg13 : memref<!tpu.dma_semaphore, #tpu.memory_space<semaphore_mem>>)
    %dma_wait3A_328 = arith.constant 0 : i32
    %dma_wait3A_329 = tpu.memref_slice %arg4[%add3A_323, %dma_wait3A_328] : memref<20480x128xf32, #tpu.memory_space<hbm>> -> memref<128x128xf32, #tpu.memory_space<hbm>>
    %dma_wait3A_330 = arith.constant 0 : i32
    %dma_wait3A_331 = tpu.memref_slice %arg4[%add3A_323, %dma_wait3A_330] : memref<20480x128xf32, #tpu.memory_space<hbm>> -> memref<128x128xf32, #tpu.memory_space<hbm>>
    tpu.wait_dma2 semaphore(%arg13 : memref<!tpu.dma_semaphore, #tpu.memory_space<semaphore_mem>>) src(%arg8 : memref<128x128xf32, #tpu.memory_space<vmem>>) dst(%dma_wait3A_331 : memref<128x128xf32, #tpu.memory_space<hbm>>)
    %mul3A_332 = arith.constant 640 : i32
    %mul3A_333 = arith.muli %arg1, %mul3A_332 : i32
    %add3A_334 = arith.constant 384 : i32
    %add3A_335 = arith.addi %mul3A_333, %add3A_334 : i32
    %dma_start3A_336 = arith.constant 0 : i32
    %dma_start3A_337 = tpu.memref_slice %arg9[%add3A_335, %dma_start3A_336] : memref<10240x128xf32, #tpu.memory_space<vmem_shared>> -> memref<128x128xf32, #tpu.memory_space<vmem_shared>>
    %dma_start3A_338 = arith.constant 0 : i32
    %dma_start3A_339 = tpu.memref_slice %arg9[%add3A_335, %dma_start3A_338] : memref<10240x128xf32, #tpu.memory_space<vmem_shared>> -> memref<128x128xf32, #tpu.memory_space<vmem_shared>>
    tpu.enqueue_dma source(%dma_start3A_339 : memref<128x128xf32, #tpu.memory_space<vmem_shared>>) target(%arg8 : memref<128x128xf32, #tpu.memory_space<vmem>>) target_semaphore(%arg11 : memref<!tpu.dma_semaphore, #tpu.memory_space<semaphore_mem>>)
    %dma_wait3A_340 = arith.constant 0 : i32
    %dma_wait3A_341 = tpu.memref_slice %arg9[%add3A_308, %dma_wait3A_340] : memref<10240x128xf32, #tpu.memory_space<vmem_shared>> -> memref<128x128xf32, #tpu.memory_space<vmem_shared>>
    %dma_wait3A_342 = arith.constant 0 : i32
    %dma_wait3A_343 = tpu.memref_slice %arg9[%add3A_308, %dma_wait3A_342] : memref<10240x128xf32, #tpu.memory_space<vmem_shared>> -> memref<128x128xf32, #tpu.memory_space<vmem_shared>>
    tpu.wait_dma2 semaphore(%arg10 : memref<!tpu.dma_semaphore, #tpu.memory_space<semaphore_mem>>) src(%dma_wait3A_343 : memref<128x128xf32, #tpu.memory_space<vmem_shared>>) dst(%arg7 : memref<128x128xf32, #tpu.memory_space<vmem>>)
    %mul3A_344 = arith.constant 10240 : i32
    %mul3A_345 = arith.muli %arg0, %mul3A_344 : i32
    %mul3A_346 = arith.constant 640 : i32
    %mul3A_347 = arith.muli %arg1, %mul3A_346 : i32
    %add3A_348 = arith.addi %mul3A_345, %mul3A_347 : i32
    %add3A_349 = arith.constant 256 : i32
    %add3A_350 = arith.addi %add3A_348, %add3A_349 : i32
    %dma_start3A_351 = arith.constant 0 : i32
    %dma_start3A_352 = tpu.memref_slice %arg4[%add3A_350, %dma_start3A_351] : memref<20480x128xf32, #tpu.memory_space<hbm>> -> memref<128x128xf32, #tpu.memory_space<hbm>>
    %dma_start3A_353 = arith.constant 0 : i32
    %dma_start3A_354 = tpu.memref_slice %arg4[%add3A_350, %dma_start3A_353] : memref<20480x128xf32, #tpu.memory_space<hbm>> -> memref<128x128xf32, #tpu.memory_space<hbm>>
    tpu.enqueue_dma source(%arg7 : memref<128x128xf32, #tpu.memory_space<vmem>>) target(%dma_start3A_354 : memref<128x128xf32, #tpu.memory_space<hbm>>) target_semaphore(%arg12 : memref<!tpu.dma_semaphore, #tpu.memory_space<semaphore_mem>>)
    %dma_wait3A_355 = arith.constant 0 : i32
    %dma_wait3A_356 = tpu.memref_slice %arg4[%add3A_350, %dma_wait3A_355] : memref<20480x128xf32, #tpu.memory_space<hbm>> -> memref<128x128xf32, #tpu.memory_space<hbm>>
    %dma_wait3A_357 = arith.constant 0 : i32
    %dma_wait3A_358 = tpu.memref_slice %arg4[%add3A_350, %dma_wait3A_357] : memref<20480x128xf32, #tpu.memory_space<hbm>> -> memref<128x128xf32, #tpu.memory_space<hbm>>
    tpu.wait_dma2 semaphore(%arg12 : memref<!tpu.dma_semaphore, #tpu.memory_space<semaphore_mem>>) src(%arg7 : memref<128x128xf32, #tpu.memory_space<vmem>>) dst(%dma_wait3A_358 : memref<128x128xf32, #tpu.memory_space<hbm>>)
    %mul3A_359 = arith.constant 640 : i32
    %mul3A_360 = arith.muli %arg1, %mul3A_359 : i32
    %add3A_361 = arith.constant 512 : i32
    %add3A_362 = arith.addi %mul3A_360, %add3A_361 : i32
    %dma_start3A_363 = arith.constant 0 : i32
    %dma_start3A_364 = tpu.memref_slice %arg9[%add3A_362, %dma_start3A_363] : memref<10240x128xf32, #tpu.memory_space<vmem_shared>> -> memref<128x128xf32, #tpu.memory_space<vmem_shared>>
    %dma_start3A_365 = arith.constant 0 : i32
    %dma_start3A_366 = tpu.memref_slice %arg9[%add3A_362, %dma_start3A_365] : memref<10240x128xf32, #tpu.memory_space<vmem_shared>> -> memref<128x128xf32, #tpu.memory_space<vmem_shared>>
    tpu.enqueue_dma source(%dma_start3A_366 : memref<128x128xf32, #tpu.memory_space<vmem_shared>>) target(%arg7 : memref<128x128xf32, #tpu.memory_space<vmem>>) target_semaphore(%arg10 : memref<!tpu.dma_semaphore, #tpu.memory_space<semaphore_mem>>)
    %dma_wait3A_367 = arith.constant 0 : i32
    %dma_wait3A_368 = tpu.memref_slice %arg9[%add3A_335, %dma_wait3A_367] : memref<10240x128xf32, #tpu.memory_space<vmem_shared>> -> memref<128x128xf32, #tpu.memory_space<vmem_shared>>
    %dma_wait3A_369 = arith.constant 0 : i32
    %dma_wait3A_370 = tpu.memref_slice %arg9[%add3A_335, %dma_wait3A_369] : memref<10240x128xf32, #tpu.memory_space<vmem_shared>> -> memref<128x128xf32, #tpu.memory_space<vmem_shared>>
    tpu.wait_dma2 semaphore(%arg11 : memref<!tpu.dma_semaphore, #tpu.memory_space<semaphore_mem>>) src(%dma_wait3A_370 : memref<128x128xf32, #tpu.memory_space<vmem_shared>>) dst(%arg8 : memref<128x128xf32, #tpu.memory_space<vmem>>)
    %mul3A_371 = arith.constant 10240 : i32
    %mul3A_372 = arith.muli %arg0, %mul3A_371 : i32
    %mul3A_373 = arith.constant 640 : i32
    %mul3A_374 = arith.muli %arg1, %mul3A_373 : i32
    %add3A_375 = arith.addi %mul3A_372, %mul3A_374 : i32
    %add3A_376 = arith.constant 384 : i32
    %add3A_377 = arith.addi %add3A_375, %add3A_376 : i32
    %dma_start3A_378 = arith.constant 0 : i32
    %dma_start3A_379 = tpu.memref_slice %arg4[%add3A_377, %dma_start3A_378] : memref<20480x128xf32, #tpu.memory_space<hbm>> -> memref<128x128xf32, #tpu.memory_space<hbm>>
    %dma_start3A_380 = arith.constant 0 : i32
    %dma_start3A_381 = tpu.memref_slice %arg4[%add3A_377, %dma_start3A_380] : memref<20480x128xf32, #tpu.memory_space<hbm>> -> memref<128x128xf32, #tpu.memory_space<hbm>>
    tpu.enqueue_dma source(%arg8 : memref<128x128xf32, #tpu.memory_space<vmem>>) target(%dma_start3A_381 : memref<128x128xf32, #tpu.memory_space<hbm>>) target_semaphore(%arg13 : memref<!tpu.dma_semaphore, #tpu.memory_space<semaphore_mem>>)
    %dma_wait3A_382 = arith.constant 0 : i32
    %dma_wait3A_383 = tpu.memref_slice %arg9[%add3A_362, %dma_wait3A_382] : memref<10240x128xf32, #tpu.memory_space<vmem_shared>> -> memref<128x128xf32, #tpu.memory_space<vmem_shared>>
    %dma_wait3A_384 = arith.constant 0 : i32
    %dma_wait3A_385 = tpu.memref_slice %arg9[%add3A_362, %dma_wait3A_384] : memref<10240x128xf32, #tpu.memory_space<vmem_shared>> -> memref<128x128xf32, #tpu.memory_space<vmem_shared>>
    tpu.wait_dma2 semaphore(%arg10 : memref<!tpu.dma_semaphore, #tpu.memory_space<semaphore_mem>>) src(%dma_wait3A_385 : memref<128x128xf32, #tpu.memory_space<vmem_shared>>) dst(%arg7 : memref<128x128xf32, #tpu.memory_space<vmem>>)
    %mul3A_386 = arith.constant 10240 : i32
    %mul3A_387 = arith.muli %arg0, %mul3A_386 : i32
    %mul3A_388 = arith.constant 640 : i32
    %mul3A_389 = arith.muli %arg1, %mul3A_388 : i32
    %add3A_390 = arith.addi %mul3A_387, %mul3A_389 : i32
    %add3A_391 = arith.constant 512 : i32
    %add3A_392 = arith.addi %add3A_390, %add3A_391 : i32
    %dma_start3A_393 = arith.constant 0 : i32
    %dma_start3A_394 = tpu.memref_slice %arg4[%add3A_392, %dma_start3A_393] : memref<20480x128xf32, #tpu.memory_space<hbm>> -> memref<128x128xf32, #tpu.memory_space<hbm>>
    %dma_start3A_395 = arith.constant 0 : i32
    %dma_start3A_396 = tpu.memref_slice %arg4[%add3A_392, %dma_start3A_395] : memref<20480x128xf32, #tpu.memory_space<hbm>> -> memref<128x128xf32, #tpu.memory_space<hbm>>
    tpu.enqueue_dma source(%arg7 : memref<128x128xf32, #tpu.memory_space<vmem>>) target(%dma_start3A_396 : memref<128x128xf32, #tpu.memory_space<hbm>>) target_semaphore(%arg12 : memref<!tpu.dma_semaphore, #tpu.memory_space<semaphore_mem>>)
    %dma_wait3A_397 = arith.constant 0 : i32
    %dma_wait3A_398 = tpu.memref_slice %arg4[%add3A_377, %dma_wait3A_397] : memref<20480x128xf32, #tpu.memory_space<hbm>> -> memref<128x128xf32, #tpu.memory_space<hbm>>
    %dma_wait3A_399 = arith.constant 0 : i32
    %dma_wait3A_400 = tpu.memref_slice %arg4[%add3A_377, %dma_wait3A_399] : memref<20480x128xf32, #tpu.memory_space<hbm>> -> memref<128x128xf32, #tpu.memory_space<hbm>>
    tpu.wait_dma2 semaphore(%arg13 : memref<!tpu.dma_semaphore, #tpu.memory_space<semaphore_mem>>) src(%arg8 : memref<128x128xf32, #tpu.memory_space<vmem>>) dst(%dma_wait3A_400 : memref<128x128xf32, #tpu.memory_space<hbm>>)
    %dma_wait3A_401 = arith.constant 0 : i32
    %dma_wait3A_402 = tpu.memref_slice %arg4[%add3A_392, %dma_wait3A_401] : memref<20480x128xf32, #tpu.memory_space<hbm>> -> memref<128x128xf32, #tpu.memory_space<hbm>>
    %dma_wait3A_403 = arith.constant 0 : i32
    %dma_wait3A_404 = tpu.memref_slice %arg4[%add3A_392, %dma_wait3A_403] : memref<20480x128xf32, #tpu.memory_space<hbm>> -> memref<128x128xf32, #tpu.memory_space<hbm>>
    tpu.wait_dma2 semaphore(%arg12 : memref<!tpu.dma_semaphore, #tpu.memory_space<semaphore_mem>>) src(%arg7 : memref<128x128xf32, #tpu.memory_space<vmem>>) dst(%dma_wait3A_404 : memref<128x128xf32, #tpu.memory_space<hbm>>)
    return
  }
}

module attributes {stable_mosaic.version = 14 : i64} {
  func.func @body(%arg0: i32, %arg1: memref<1024x2xf32, #tpu.memory_space<vmem>>, %arg2: memref<1024x128xf32, #tpu.memory_space<vmem>>, %arg3: memref<1024x128xf32, #tpu.memory_space<vmem>>, %arg4: memref<1024x1xf32, #tpu.memory_space<vmem>>) attributes {dimension_semantics = [#tpu.dimension_semantics<arbitrary>], iteration_bounds = array<i64: 10>, scalar_prefetch = 0 : i64, scratch_operands = 0 : i64, tpu.core_type = #tpu.core_type<tc>, window_params = [{transform_indices = @transform_0, window_bounds = array<i64: 1024, 2>}, {transform_indices = @transform_1, window_bounds = array<i64: 1024, 128>}, {transform_indices = @transform_2, window_bounds = array<i64: 1024, 128>}, {transform_indices = @transform_3, window_bounds = array<i64: 1024, 1>}]} {
    %get3A = arith.constant 0 : index
    %get3A_0 = arith.constant 0 : index
    %get3A_1 = vector.load %arg1[%get3A, %get3A_0] : memref<1024x2xf32, #tpu.memory_space<vmem>>, vector<1024x1xf32>
    %get3A_2 = arith.constant 0 : index
    %get3A_3 = arith.constant 1 : index
    %get3A_4 = vector.load %arg1[%get3A_2, %get3A_3] : memref<1024x2xf32, #tpu.memory_space<vmem>>, vector<1024x1xf32>
    %add3A = arith.addf %get3A_1, %get3A_4 : vector<1024x1xf32>
    %add3A_5 = arith.constant 1.000000e+00 : f32
    %add3A_6 = vector.broadcast %add3A_5 : f32 to vector<1024x1xf32>
    %add3A_7 = arith.addf %add3A, %add3A_6 : vector<1024x1xf32>
    %rsqrt3A = math.rsqrt %add3A_7 : vector<1024x1xf32>
    %swap3A = arith.constant 0 : index
    %swap3A_8 = arith.constant 0 : index
    %swap3A_9 = vector.load %arg4[%swap3A, %swap3A_8] : memref<1024x1xf32, #tpu.memory_space<vmem>>, vector<1024x1xf32>
    tpu.vector_store %arg4[%swap3A, %swap3A_8], %rsqrt3A {strides = array<i32>} : memref<1024x1xf32, #tpu.memory_space<vmem>>, vector<1024x1xf32>,
    %get3A_10 = arith.constant 0 : index
    %get3A_11 = arith.constant 0 : index
    %get3A_12 = vector.load %arg2[%get3A_10, %get3A_11] : memref<1024x128xf32, #tpu.memory_space<vmem>>, vector<1024x128xf32>
    %mul3A = vector.broadcast %rsqrt3A : vector<1024x1xf32> to vector<1024x128xf32>
    %mul3A_13 = arith.mulf %get3A_12, %mul3A : vector<1024x128xf32>
    %swap3A_14 = arith.constant 0 : index
    %swap3A_15 = arith.constant 0 : index
    %swap3A_16 = vector.load %arg3[%swap3A_14, %swap3A_15] : memref<1024x128xf32, #tpu.memory_space<vmem>>, vector<1024x128xf32>
    tpu.vector_store %arg3[%swap3A_14, %swap3A_15], %mul3A_13 {strides = array<i32>} : memref<1024x128xf32, #tpu.memory_space<vmem>>, vector<1024x128xf32>,
    return
  }
  func.func @transform_0(%arg0: i32) -> (i32, i32) {
    %c0_i32 = arith.constant 0 : i32
    %c0_i32_0 = arith.constant 0 : i32
    return %arg0, %c0_i32 : i32, i32
  }
  func.func @transform_1(%arg0: i32) -> (i32, i32) {
    %c0_i32 = arith.constant 0 : i32
    %c0_i32_0 = arith.constant 0 : i32
    return %arg0, %c0_i32 : i32, i32
  }
  func.func @transform_2(%arg0: i32) -> (i32, i32) {
    %c0_i32 = arith.constant 0 : i32
    %c0_i32_0 = arith.constant 0 : i32
    return %arg0, %c0_i32 : i32, i32
  }
  func.func @transform_3(%arg0: i32) -> (i32, i32) {
    %c0_i32 = arith.constant 0 : i32
    %c0_i32_0 = arith.constant 0 : i32
    return %arg0, %c0_i32 : i32, i32
  }
}

module attributes {stable_mosaic.version = 14 : i64} {
  func.func @body(%arg0: i32, %arg1: memref<2x1024x128xf32, #tpu.memory_space<vmem>>, %arg2: memref<1024x128xf32, #tpu.memory_space<vmem>>, %arg3: memref<1024x1xf32, #tpu.memory_space<vmem>>, %arg4: memref<128x128xf32, #tpu.memory_space<vmem>>, %arg5: memref<1x128xf32, #tpu.memory_space<vmem>>, %arg6: memref<1024x128xf32, #tpu.memory_space<vmem>>) attributes {dimension_semantics = [#tpu.dimension_semantics<arbitrary>], iteration_bounds = array<i64: 10>, scalar_prefetch = 0 : i64, scratch_operands = 0 : i64, tpu.core_type = #tpu.core_type<tc>, window_params = [{transform_indices = @transform_0, window_bounds = array<i64: 2, 1024, 128>}, {transform_indices = @transform_1, window_bounds = array<i64: 1024, 128>}, {transform_indices = @transform_2, window_bounds = array<i64: 1024, 1>}, {pipeline_mode = #tpu.pipeline_mode<synchronous>, transform_indices = @transform_3, window_bounds = array<i64: 128, 128>}, {pipeline_mode = #tpu.pipeline_mode<synchronous>, transform_indices = @transform_4, window_bounds = array<i64: 1, 128>}, {transform_indices = @transform_5, window_bounds = array<i64: 1024, 128>}]} {
    %get3A = arith.constant 0 : index
    %get3A_0 = arith.constant 0 : index
    %get3A_1 = vector.load %arg3[%get3A, %get3A_0] : memref<1024x1xf32, #tpu.memory_space<vmem>>, vector<1024x1xf32>
    %get3A_2 = arith.constant 0 : index
    %get3A_3 = arith.constant 0 : index
    %get3A_4 = arith.constant 0 : index
    %get3A_5 = vector.load %arg1[%get3A_2, %get3A_3, %get3A_4] : memref<2x1024x128xf32, #tpu.memory_space<vmem>>, vector<1x1024x128xf32>
    %get3A_6 = vector.shape_cast %get3A_5 : vector<1x1024x128xf32> to vector<1024x128xf32>
    %get3A_7 = arith.constant 1 : index
    %get3A_8 = arith.constant 0 : index
    %get3A_9 = arith.constant 0 : index
    %get3A_10 = vector.load %arg1[%get3A_7, %get3A_8, %get3A_9] : memref<2x1024x128xf32, #tpu.memory_space<vmem>>, vector<1x1024x128xf32>
    %get3A_11 = vector.shape_cast %get3A_10 : vector<1x1024x128xf32> to vector<1024x128xf32>
    %add3A = arith.addf %get3A_6, %get3A_11 : vector<1024x128xf32>
    %get3A_12 = arith.constant 0 : index
    %get3A_13 = arith.constant 0 : index
    %get3A_14 = vector.load %arg2[%get3A_12, %get3A_13] : memref<1024x128xf32, #tpu.memory_space<vmem>>, vector<1024x128xf32>
    %add3A_15 = arith.addf %add3A, %get3A_14 : vector<1024x128xf32>
    %mul3A = vector.broadcast %get3A_1 : vector<1024x1xf32> to vector<1024x128xf32>
    %mul3A_16 = arith.mulf %add3A_15, %mul3A : vector<1024x128xf32>
    %get3A_17 = arith.constant 0 : index
    %get3A_18 = arith.constant 0 : index
    %get3A_19 = vector.load %arg4[%get3A_17, %get3A_18] : memref<128x128xf32, #tpu.memory_space<vmem>>, vector<128x128xf32>
    %dot_general3A = arith.constant dense<0.000000e+00> : vector<1024x128xf32>
    %dot_general3A_20 = tpu.matmul %mul3A_16, %get3A_19, %dot_general3A {dimension_numbers = #tpu.dot_dimension_numbers<[1], [0], [0], [1], [0, 0, 1, 1], [], []>, transpose_lhs_hint = false} : vector<1024x128xf32>, vector<128x128xf32>, vector<1024x128xf32> -> vector<1024x128xf32>
    %get3A_21 = arith.constant 0 : index
    %get3A_22 = arith.constant 0 : index
    %get3A_23 = vector.load %arg5[%get3A_21, %get3A_22] : memref<1x128xf32, #tpu.memory_space<vmem>>, vector<1x128xf32>
    %add3A_24 = vector.broadcast %get3A_23 : vector<1x128xf32> to vector<1024x128xf32>
    %add3A_25 = arith.addf %dot_general3A_20, %add3A_24 : vector<1024x128xf32>
    %max3A = arith.constant 0.000000e+00 : f32
    %max3A_26 = vector.broadcast %max3A : f32 to vector<1024x128xf32>
    %max3A_27 = arith.maximumf %add3A_25, %max3A_26 : vector<1024x128xf32>
    %mul3A_28 = vector.broadcast %get3A_1 : vector<1024x1xf32> to vector<1024x128xf32>
    %mul3A_29 = arith.mulf %max3A_27, %mul3A_28 : vector<1024x128xf32>
    %swap3A = arith.constant 0 : index
    %swap3A_30 = arith.constant 0 : index
    %swap3A_31 = vector.load %arg6[%swap3A, %swap3A_30] : memref<1024x128xf32, #tpu.memory_space<vmem>>, vector<1024x128xf32>
    tpu.vector_store %arg6[%swap3A, %swap3A_30], %mul3A_29 {strides = array<i32>} : memref<1024x128xf32, #tpu.memory_space<vmem>>, vector<1024x128xf32>,
    return
  }
  func.func @transform_0(%arg0: i32) -> (i32, i32, i32) {
    %c0_i32 = arith.constant 0 : i32
    %c0_i32_0 = arith.constant 0 : i32
    %c0_i32_1 = arith.constant 0 : i32
    return %c0_i32, %arg0, %c0_i32_0 : i32, i32, i32
  }
  func.func @transform_1(%arg0: i32) -> (i32, i32) {
    %c0_i32 = arith.constant 0 : i32
    %c0_i32_0 = arith.constant 0 : i32
    return %arg0, %c0_i32 : i32, i32
  }
  func.func @transform_2(%arg0: i32) -> (i32, i32) {
    %c0_i32 = arith.constant 0 : i32
    %c0_i32_0 = arith.constant 0 : i32
    return %arg0, %c0_i32 : i32, i32
  }
  func.func @transform_3(%arg0: i32) -> (i32, i32) {
    %c0_i32 = arith.constant 0 : i32
    %c0_i32_0 = arith.constant 0 : i32
    %c0_i32_1 = arith.constant 0 : i32
    return %c0_i32, %c0_i32_0 : i32, i32
  }
  func.func @transform_4(%arg0: i32) -> (i32, i32) {
    %c0_i32 = arith.constant 0 : i32
    %c0_i32_0 = arith.constant 0 : i32
    %c0_i32_1 = arith.constant 0 : i32
    return %c0_i32, %c0_i32_0 : i32, i32
  }
  func.func @transform_5(%arg0: i32) -> (i32, i32) {
    %c0_i32 = arith.constant 0 : i32
    %c0_i32_0 = arith.constant 0 : i32
    return %arg0, %c0_i32 : i32, i32
  }
}

module attributes {stable_mosaic.version = 14 : i64} {
  func.func @body(%arg0: i32, %arg1: memref<2x1024x128xf32, #tpu.memory_space<vmem>>, %arg2: memref<1024x128xf32, #tpu.memory_space<vmem>>, %arg3: memref<1024x1xf32, #tpu.memory_space<vmem>>, %arg4: memref<128x128xf32, #tpu.memory_space<vmem>>, %arg5: memref<1x128xf32, #tpu.memory_space<vmem>>, %arg6: memref<128x2xf32, #tpu.memory_space<vmem>>, %arg7: memref<1x2xf32, #tpu.memory_space<vmem>>, %arg8: memref<1024x2xf32, #tpu.memory_space<vmem>>) attributes {dimension_semantics = [#tpu.dimension_semantics<arbitrary>], iteration_bounds = array<i64: 10>, scalar_prefetch = 0 : i64, scratch_operands = 0 : i64, tpu.core_type = #tpu.core_type<tc>, window_params = [{transform_indices = @transform_0, window_bounds = array<i64: 2, 1024, 128>}, {transform_indices = @transform_1, window_bounds = array<i64: 1024, 128>}, {transform_indices = @transform_2, window_bounds = array<i64: 1024, 1>}, {pipeline_mode = #tpu.pipeline_mode<synchronous>, transform_indices = @transform_3, window_bounds = array<i64: 128, 128>}, {pipeline_mode = #tpu.pipeline_mode<synchronous>, transform_indices = @transform_4, window_bounds = array<i64: 1, 128>}, {pipeline_mode = #tpu.pipeline_mode<synchronous>, transform_indices = @transform_5, window_bounds = array<i64: 128, 2>}, {pipeline_mode = #tpu.pipeline_mode<synchronous>, transform_indices = @transform_6, window_bounds = array<i64: 1, 2>}, {transform_indices = @transform_7, window_bounds = array<i64: 1024, 2>}]} {
    %get3A = arith.constant 0 : index
    %get3A_0 = arith.constant 0 : index
    %get3A_1 = vector.load %arg3[%get3A, %get3A_0] : memref<1024x1xf32, #tpu.memory_space<vmem>>, vector<1024x1xf32>
    %get3A_2 = arith.constant 0 : index
    %get3A_3 = arith.constant 0 : index
    %get3A_4 = arith.constant 0 : index
    %get3A_5 = vector.load %arg1[%get3A_2, %get3A_3, %get3A_4] : memref<2x1024x128xf32, #tpu.memory_space<vmem>>, vector<1x1024x128xf32>
    %get3A_6 = vector.shape_cast %get3A_5 : vector<1x1024x128xf32> to vector<1024x128xf32>
    %get3A_7 = arith.constant 1 : index
    %get3A_8 = arith.constant 0 : index
    %get3A_9 = arith.constant 0 : index
    %get3A_10 = vector.load %arg1[%get3A_7, %get3A_8, %get3A_9] : memref<2x1024x128xf32, #tpu.memory_space<vmem>>, vector<1x1024x128xf32>
    %get3A_11 = vector.shape_cast %get3A_10 : vector<1x1024x128xf32> to vector<1024x128xf32>
    %add3A = arith.addf %get3A_6, %get3A_11 : vector<1024x128xf32>
    %get3A_12 = arith.constant 0 : index
    %get3A_13 = arith.constant 0 : index
    %get3A_14 = vector.load %arg2[%get3A_12, %get3A_13] : memref<1024x128xf32, #tpu.memory_space<vmem>>, vector<1024x128xf32>
    %add3A_15 = arith.addf %add3A, %get3A_14 : vector<1024x128xf32>
    %mul3A = vector.broadcast %get3A_1 : vector<1024x1xf32> to vector<1024x128xf32>
    %mul3A_16 = arith.mulf %add3A_15, %mul3A : vector<1024x128xf32>
    %get3A_17 = arith.constant 0 : index
    %get3A_18 = arith.constant 0 : index
    %get3A_19 = vector.load %arg4[%get3A_17, %get3A_18] : memref<128x128xf32, #tpu.memory_space<vmem>>, vector<128x128xf32>
    %dot_general3A = arith.constant dense<0.000000e+00> : vector<1024x128xf32>
    %dot_general3A_20 = tpu.matmul %mul3A_16, %get3A_19, %dot_general3A {dimension_numbers = #tpu.dot_dimension_numbers<[1], [0], [0], [1], [0, 0, 1, 1], [], []>, transpose_lhs_hint = false} : vector<1024x128xf32>, vector<128x128xf32>, vector<1024x128xf32> -> vector<1024x128xf32>
    %get3A_21 = arith.constant 0 : index
    %get3A_22 = arith.constant 0 : index
    %get3A_23 = vector.load %arg5[%get3A_21, %get3A_22] : memref<1x128xf32, #tpu.memory_space<vmem>>, vector<1x128xf32>
    %add3A_24 = vector.broadcast %get3A_23 : vector<1x128xf32> to vector<1024x128xf32>
    %add3A_25 = arith.addf %dot_general3A_20, %add3A_24 : vector<1024x128xf32>
    %max3A = arith.constant 0.000000e+00 : f32
    %max3A_26 = vector.broadcast %max3A : f32 to vector<1024x128xf32>
    %max3A_27 = arith.maximumf %add3A_25, %max3A_26 : vector<1024x128xf32>
    %get3A_28 = arith.constant 0 : index
    %get3A_29 = arith.constant 0 : index
    %get3A_30 = vector.load %arg6[%get3A_28, %get3A_29] : memref<128x2xf32, #tpu.memory_space<vmem>>, vector<128x2xf32>
    %dot_general3A_31 = arith.constant dense<0.000000e+00> : vector<1024x2xf32>
    %dot_general3A_32 = tpu.matmul %max3A_27, %get3A_30, %dot_general3A_31 {dimension_numbers = #tpu.dot_dimension_numbers<[1], [0], [0], [1], [0, 0, 1, 1], [], []>, transpose_lhs_hint = false} : vector<1024x128xf32>, vector<128x2xf32>, vector<1024x2xf32> -> vector<1024x2xf32>
    %get3A_33 = arith.constant 0 : index
    %get3A_34 = arith.constant 0 : index
    %get3A_35 = vector.load %arg7[%get3A_33, %get3A_34] : memref<1x2xf32, #tpu.memory_space<vmem>>, vector<1x2xf32>
    %add3A_36 = vector.broadcast %get3A_35 : vector<1x2xf32> to vector<1024x2xf32>
    %add3A_37 = arith.addf %dot_general3A_32, %add3A_36 : vector<1024x2xf32>
    %reduce_max3A = arith.constant dense<0xFF800000> : vector<1024xf32>
    %reduce_max3A_38 = vector.multi_reduction <maximumf>, %add3A_37, %reduce_max3A [1] : vector<1024x2xf32> to vector<1024xf32>
    %broadcast_in_dim3A = vector.shape_cast %reduce_max3A_38 : vector<1024xf32> to vector<1024x1xf32>
    %sub3A = vector.broadcast %broadcast_in_dim3A : vector<1024x1xf32> to vector<1024x2xf32>
    %sub3A_39 = arith.subf %add3A_37, %sub3A : vector<1024x2xf32>
    %exp3A = math.exp %sub3A_39 : vector<1024x2xf32>
    %reduce_sum3A = arith.constant dense<0.000000e+00> : vector<1024xf32>
    %reduce_sum3A_40 = vector.multi_reduction <add>, %exp3A, %reduce_sum3A [1] : vector<1024x2xf32> to vector<1024xf32>
    %broadcast_in_dim3A_41 = vector.shape_cast %reduce_sum3A_40 : vector<1024xf32> to vector<1024x1xf32>
    %log3A = math.log %broadcast_in_dim3A_41 : vector<1024x1xf32>
    %add3A_42 = arith.addf %broadcast_in_dim3A, %log3A : vector<1024x1xf32>
    %sub3A_43 = vector.broadcast %add3A_42 : vector<1024x1xf32> to vector<1024x2xf32>
    %sub3A_44 = arith.subf %add3A_37, %sub3A_43 : vector<1024x2xf32>
    %swap3A = arith.constant 0 : index
    %swap3A_45 = arith.constant 0 : index
    %swap3A_46 = vector.load %arg8[%swap3A, %swap3A_45] : memref<1024x2xf32, #tpu.memory_space<vmem>>, vector<1024x2xf32>
    tpu.vector_store %arg8[%swap3A, %swap3A_45], %sub3A_44 {strides = array<i32>} : memref<1024x2xf32, #tpu.memory_space<vmem>>, vector<1024x2xf32>,
    return
  }
  func.func @transform_0(%arg0: i32) -> (i32, i32, i32) {
    %c0_i32 = arith.constant 0 : i32
    %c0_i32_0 = arith.constant 0 : i32
    %c0_i32_1 = arith.constant 0 : i32
    return %c0_i32, %arg0, %c0_i32_0 : i32, i32, i32
  }
  func.func @transform_1(%arg0: i32) -> (i32, i32) {
    %c0_i32 = arith.constant 0 : i32
    %c0_i32_0 = arith.constant 0 : i32
    return %arg0, %c0_i32 : i32, i32
  }
  func.func @transform_2(%arg0: i32) -> (i32, i32) {
    %c0_i32 = arith.constant 0 : i32
    %c0_i32_0 = arith.constant 0 : i32
    return %arg0, %c0_i32 : i32, i32
  }
  func.func @transform_3(%arg0: i32) -> (i32, i32) {
    %c0_i32 = arith.constant 0 : i32
    %c0_i32_0 = arith.constant 0 : i32
    %c0_i32_1 = arith.constant 0 : i32
    return %c0_i32, %c0_i32_0 : i32, i32
  }
  func.func @transform_4(%arg0: i32) -> (i32, i32) {
    %c0_i32 = arith.constant 0 : i32
    %c0_i32_0 = arith.constant 0 : i32
    %c0_i32_1 = arith.constant 0 : i32
    return %c0_i32, %c0_i32_0 : i32, i32
  }
  func.func @transform_5(%arg0: i32) -> (i32, i32) {
    %c0_i32 = arith.constant 0 : i32
    %c0_i32_0 = arith.constant 0 : i32
    %c0_i32_1 = arith.constant 0 : i32
    return %c0_i32, %c0_i32_0 : i32, i32
  }
  func.func @transform_6(%arg0: i32) -> (i32, i32) {
    %c0_i32 = arith.constant 0 : i32
    %c0_i32_0 = arith.constant 0 : i32
    %c0_i32_1 = arith.constant 0 : i32
    return %c0_i32, %c0_i32_0 : i32, i32
  }
  func.func @transform_7(%arg0: i32) -> (i32, i32) {
    %c0_i32 = arith.constant 0 : i32
    %c0_i32_0 = arith.constant 0 : i32
    return %arg0, %c0_i32 : i32, i32
  }
}

</mosaic_0001>

<sc_bundles>
// kernel: kernel.11.cloned.1.call-start
scs
__scs_entry_jumppad:
0x0: {  	(pc) =	sbr.rel $0x88, $3  }
0x1: {  	(tag) =	ssettag $0x0;
	lr =	simm.s32 $0x1  }
0x2: {  	[smem:$0x3F99] =	sst lr;
	_ =	strace $0xD0000000  }
0x3: {  	_ = 	snop  }
0x4: {  	_ = 	snop  }
0x5: {  	_ = 	snop  }
0x6: {  	_ = 	snop  }
0x7: {  	_ = 	snop  }
__scs_overlays_trampoline_lowered:
0x8: {  	[smem:$0x3FA8] =	sst s0  }
0x9: {  	[smem:$0x3FA9] =	sst s1  }
0xa: {  	[smem:$0x3FAA] =	sst s2  }
0xb: {  	[smem:$0x3FAB] =	sst s3  }
0xc: {  	[smem:$0x3FAC] =	sst s4  }
0xd: {  	[smem:$0x3FAD] =	sst s5  }
0xe: {  	[smem:$0x3FAE] =	sst s6  }
0xf: {  	[smem:$0x3FAF] =	sst s7  }
0x10: {  	[smem:$0x3FB0] =	sst s8  }
0x11: {  	[smem:$0x3FB1] =	sst s9;
	s0 =	simm.s32 @!p0 $0x0  }
0x12: {  	s1 =	sld [smem:$0x3F97];
	s0 =	simm.s32 @p0 $0x1  }
0x13: {  	[smem:$0x3FB2] =	sst s0;
	s0 =	simm.s32 @!p1 $0x0  }
0x14: {  	s2 =	sld [smem:$0x3F96];
	s0 =	simm.s32 @p1 $0x1  }
0x15: {  	[smem:$0x3FB3] =	sst s0;
	s0 =	simm.s32 @!p2 $0x0  }
0x16: {  	s3 =	sld [smem:$0x3FDB];
	s0 =	simm.s32 @p2 $0x1  }
0x17: {  	s4 =	simm.s32 $0x1BF5;
	[smem:$0x3FB5] =	sst s0  }
0x18: {  	s0 =	sld [smem:$0x3F98];
	_ =	swait.ge [sflag:s4], $0x0  }
0x19: {  	s7 =	sld [smem:$0x3F99]  }
0x1a: {  	s8 =	sadd.s32 $0xFFFFE003, lr  }
0x1b: {  	s9 =	sadd.s32 $0xFFFFFEF7, lr;
	s5 =	simm.s32 $0xFFFFFFFF;
	p2 =	slt.u32 s8, $0xFFFFF086  }
0x1c: {  	p1 =	slt.u32 s9, $0xF7A;
	s5 =	simm.s32 @!p2 $0x0  }
0x1d: {  	s5 =	simm.s32 @p1 $0x1;
	p0 =	seq.s32 s7, s2  }
0x1e: {  	s7 =	smul.u32 @!p0 $0xF7A, s2;
	p2 =	seq.s32 @!p0 s5, $0x0  }
0x1f: {  	s9 =	smul.u32 $0xF7A, s1;
	s8 =	simm.s32 @!p0 $0x1BF5;
	p2 =	por !p2, p0  }
0x20: {  	[sflag:s8] =	ssyncset.s32 @!p0 $0xFFFFF086;
	s6 =	sadd.s32 @!p0 s3, s7;
	s7 =	simm.s32 @!p0 $0x108  }
0x21: {  	s3 =	sadd.s32 s3, s9;
	s6 =	sadd.s32 @!p0 $0x88, s6;
	s7 =	simm.s32 @p2 $0x1082  }
0x22: {  	[simem:s7], [sflag:s8] =	dma.local @!p0 [hbm:s6], $0xF7A  }
0x23: {  	s9 =	sor.u32 $0xD0000000, s2;
	s6 =	simm.s32 $0x108;
	_ =	swait.ge @!p0 [sflag:s8], $0x0  }
0x24: {  	s3 =	sadd.s32 $0x88, s3;
	s6 =	simm.s32 @!p1 $0x1082;
	[sflag:s4] =	ssyncset.s32 $0xFFFFF086  }
0x25: {  	[simem:s6], [sflag:s4] =	dma.local [hbm:s3], $0xF7A  }
0x26: {  	[smem:$0x3F99] =	sst s1;
	(tag) =	ssettag s2;
	_ =	strace s9  }
0x27: {  	s1 =	sld [smem:$0x3FA9]  }
0x28: {  	s2 =	sld [smem:$0x3FAA]  }
0x29: {  	s4 =	sld [smem:$0x3FAC]  }
0x2a: {  	p0 =	seq.s32 s5, $0x0;
	s5 =	sld [smem:$0x3FAD]  }
0x2b: {  	s6 =	sld [smem:$0x3FAE]  }
0x2c: {  	s7 =	sld [smem:$0x3FAF]  }
0x2d: {  	s3 =	simm.s32 $0x108;
	s8 =	sld [smem:$0x3FB0]  }
0x2e: {  	s3 =	simm.s32 @!p0 $0x1082;
	s9 =	sld [smem:$0x3FB1]  }
0x2f: {  	lr =	sadd.s32 s0, s3;
	s0 =	sld [smem:$0x3FA8]  }
0x30: {  	s3 =	sld [smem:$0x3FAB]  }
0x31: {  	[smem:$0x3FB4] =	sst s10  }
0x32: {  	s10 =	sld [smem:$0x3FB2];
	_ =	sdelay $0x3  }
0x33: {  	p0 =	seq.s32 s10, $0x1;
	s10 =	sld [smem:$0x3FB4];
	_ =	sdelay $0x3  }
0x34: {  	[smem:$0x3FB4] =	sst s10  }
0x35: {  	s10 =	sld [smem:$0x3FB3];
	_ =	sdelay $0x3  }
0x36: {  	p1 =	seq.s32 s10, $0x1;
	s10 =	sld [smem:$0x3FB4];
	_ =	sdelay $0x3  }
0x37: {  	[smem:$0x3FB4] =	sst s10  }
0x38: {  	s10 =	sld [smem:$0x3FB5]  }
0x39: {  	_ = 	snop;
	(pc) =	sbr.ind lr, $3  }
0x3a: {  	_ = 	snop  }
0x3b: {  	_ = 	snop  }
0x3c: {  	p2 =	seq.s32 s10, $0x1;
	s10 =	sld [smem:$0x3FB4]  }
0x3d: {  	_ =	shalt  }
0x3e: {  	_ =	shalt  }
0x3f: {  	_ =	shalt  }
0x40: {  	_ =	shalt  }
0x41: {  	_ =	shalt  }
0x42: {  	_ =	shalt  }
0x43: {  	_ =	shalt  }
0x44: {  	_ =	shalt  }
0x45: {  	_ =	shalt  }
0x46: {  	_ =	shalt  }
0x47: {  	_ =	shalt  }
0x48: {  	_ =	shalt  }
0x49: {  	_ =	shalt  }
0x4a: {  	_ =	shalt  }
0x4b: {  	_ =	shalt  }
0x4c: {  	_ =	shalt  }
0x4d: {  	_ =	shalt  }
0x4e: {  	_ =	shalt  }
0x4f: {  	_ =	shalt  }
0x50: {  	_ =	shalt  }
0x51: {  	_ =	shalt  }
0x52: {  	_ =	shalt  }
0x53: {  	_ =	shalt  }
0x54: {  	_ =	shalt  }
0x55: {  	_ =	shalt  }
0x56: {  	_ =	shalt  }
0x57: {  	_ =	shalt  }
0x58: {  	_ =	shalt  }
0x59: {  	_ =	shalt  }
0x5a: {  	_ =	shalt  }
0x5b: {  	_ =	shalt  }
0x5c: {  	_ =	shalt  }
0x5d: {  	_ =	shalt  }
0x5e: {  	_ =	shalt  }
0x5f: {  	_ =	shalt  }
0x60: {  	_ =	shalt  }
0x61: {  	_ =	shalt  }
0x62: {  	_ =	shalt  }
0x63: {  	_ =	shalt  }
0x64: {  	_ =	shalt  }
0x65: {  	_ =	shalt  }
0x66: {  	_ =	shalt  }
0x67: {  	_ =	shalt  }
0x68: {  	_ =	shalt  }
0x69: {  	_ =	shalt  }
0x6a: {  	_ =	shalt  }
0x6b: {  	_ =	shalt  }
0x6c: {  	_ =	shalt  }
0x6d: {  	_ =	shalt  }
0x6e: {  	_ =	shalt  }
0x6f: {  	_ =	shalt  }
0x70: {  	_ =	shalt  }
0x71: {  	_ =	shalt  }
0x72: {  	_ =	shalt  }
0x73: {  	_ =	shalt  }
0x74: {  	_ =	shalt  }
0x75: {  	_ =	shalt  }
0x76: {  	_ =	shalt  }
0x77: {  	_ =	shalt  }
0x78: {  	_ =	shalt  }
0x79: {  	_ =	shalt  }
0x7a: {  	_ =	shalt  }
0x7b: {  	_ =	shalt  }
0x7c: {  	_ =	shalt  }
0x7d: {  	_ =	shalt  }
0x7e: {  	_ =	shalt  }
0x7f: {  	_ =	shalt  }
0x80: {  	_ =	shalt  }
0x81: {  	_ =	shalt  }
0x82: {  	_ =	shalt  }
0x83: {  	_ =	shalt  }
0x84: {  	_ =	shalt  }
0x85: {  	_ =	shalt  }
0x86: {  	_ =	shalt  }
0x87: {  	_ =	shalt  }
.Lfunc_end0:
.L_simem_size_0:
called_computation.1_lowered:
.L_overlay_start_0:
0x88: {  	s2 =	sld [smem:$0x3FD9]  }
0x89: {  	s3 =	sld [smem:$0x3FFE];
	_ =	sdelay $0x1  }
0x8a: {  	s1 =	srdreg.scid  }
0x8b: {  	s0 =	sand.u32 $0x1, s1  }
0x8c: {  	s16 =	sshll.u32 s0, $0xA;
	s2 =	sadd.s32 s3, s2  }
0x8d: {  	s2 =	sadd.s32 s2, s16  }
0x8e: {  	[smem:$0x3FC0] =	sst s2  }
0x8f: {  	_ = 	snop  }
0x90: {  	(tm) =	ssettm $0x1  }
0x91: {  	s17 =	sld [smem:$0x3FFB];
	_ =	sdelay $0x3  }
0x92: {  	_ =	strace s17  }
0x93: {  	s2 =	sld [smem:$0x3FFC];
	_ =	sdelay $0x3  }
0x94: {  	_ =	strace s2  }
0x95: {  	s2 =	sld [smem:$0x3FFD];
	_ =	sdelay $0x3  }
0x96: {  	_ =	strace s2  }
0x97: {  	_ =	strace $0x8FFFFFFF  }
0x98: {  	s18 =	sld [smem:$0x3FDB];
	_ =	sdelay $0x1  }
0x99: {  	s19 =	simm.s32 $_scs_section_size  }
0x9a: {  	s4 =	simm.s32 $_size__tile_overlayer_lowered;
	s5 =	simm.s32 $_tile_overlayer_lowered  }
0x9b: {  	s22 =	simm.s32 $0x1BFF;
	s21 =	sshll.u32 s5, $0x1;
	s2 =	sadd.s32 s19, s18  }
0x9c: {  	s6 =	simm.s32 $0x0;
	s20 =	sshll.u32 s4, $0x1;
	s4 =	sadd.s32 s21, s2  }
0x9d: {  	[timem:s6], [sflag:s22] =	dma.local [hbm:s4], s20  }
0x9e: {  	_ =	swait.ge [sflag:s22], s20  }
0x9f: {  	s3 =	ssub.s32 $0x0, s20;
	[sflag:s22] =	ssyncset.done $0x0  }
0xa0: {  	[sflag:s22] =	ssyncadd.s32 s3;
	_ =	sdelay $0x1  }
0xa1: {  	s23 =	simm.s32 $0x1B8B  }
0xa2: {  	_ =	swait.ge [sflag:s23], $0x1  }
0xa3: {  	[sflag:s23] =	ssyncset.done $0x0  }
0xa4: {  	s25 =	simm.s32 $0x1B8E;
	s24 =	sld [smem:$0x3FFE];
	[sflag:s23] =	ssyncadd.s32 $0xFFFFFFFF  }
0xa5: {  	s26 =	simm.s32 $execute0_lowered;
	[smem:$0x3FD2] =	sst s25  }
0xa6: {  	s4 =	sshll.u32 s26, $0x1;
	_ =	strace $0x80000049;
	[dreg:$0x1] =	wrdreg $0xFFFFFFFF  }
0xa7: {  	s28 =	simm.s32 $_size_execute0_lowered;
	s2 =	sadd.s32 s2, s4;
	[dreg:$0x0] =	wrdreg $0x0  }
0xa8: {  	s4 =	sshll.u32 s28, $0x1;
	[dreg:$0x2] =	wrdreg s2  }
0xa9: {  	[dreg:$0x3] =	wrdreg s4  }
0xaa: {  	[dreg:$0x4] =	wrdreg $0xC0  }
0xab: {  	_ =	task [dreg:s6], $0x5FFFF  }
0xac: {  	[dreg:$0x1] =	wrdreg $0xFFFFFFFF  }
0xad: {  	[dreg:$0x0] =	wrdreg $0x60  }
0xae: {  	[dreg:$0x2] =	wrdreg s24  }
0xaf: {  	[dreg:$0x3] =	wrdreg $0xBA000  }
0xb0: {  	[dreg:$0x4] =	wrdreg $0x9  }
0xb1: {  	_ =	task.clear_ibuf [dreg:s6], $0x5FFFF;
	_ =	strace $0x90000049  }
0xb2: {  	s29 =	simm.s32 $0x9;
	_ =	strace $0x8000004B  }
0xb3: {  	_ =	swait.ge [sflag:s29], $0x1  }
0xb4: {  	[sflag:s29] =	ssyncadd.s32 $0xFFFFFFFF  }
0xb5: {  	_ =	strace $0x9000004B  }
0xb6: {  	_ =	sfence  }
0xb7: {  	s30 =	sld [smem:$0x0];
	_ =	sdelay $0x2  }
0xb8: {  	s31 =	sshll.u32 s1, $0xD;
	s1 =	sshrl.u32 s1, $0x2  }
0xb9: {  	s3 =	sand.u32 $0x4000, s31;
	s1 =	sadd.s32 s1, s30  }
0xba: {  	s0 =	sor.u32 s3, s0;
	s1 =	sshll.u32 s1, $0x11  }
0xbb: {  	s0 =	sor.u32 s1, s0  }
0xbc: {  	s0 =	sadd.s32 $0x8F2B, s0  }
0xbd: {  	[sflag:s0] =	ssyncadd.remote.s32 $0x1  }
0xbe: {  	_ =	sfence.sel $0xFFFF  }
0xbf: {  	[dreg:$0x0] =	wrdreg $0xFFFFFFFF;
	(pc) =	sbr.abs _section_cstart, $3  }
0xc0: {  	[dreg:$0x1] =	wrdreg $0xFFFFFFFF  }
0xc1: {  	_ =	task.clear_ibuf [dreg:s6], $0x2FFFF;
	_ =	strace $0x9FFFFFFF  }
0xc2: {  	(tm) =	ssettm $0x7FFFFFFF  }
0xc3: {  	_ =	shalt  }
tec
execute0_lowered:
.L_overlay_start_1:
0x0: {  	(tag) =	ssettag $0x1  }
0x1: {  	s0 =	rddreg [dreg:$0x0]  }
0x2: {  	s2 =	rddreg [dreg:$0x1]  }
0x3: {  	s1 =	srdreg.scid;
	s8 =	stileid.u32  }
0x4: {  	s3 =	simm.s32 $0x0;
	s18 =	simm.s32 $0x3A00;
	s19 =	simm.s32 $0x5  }
0x5: {  	s20 =	simm.s32 $0x2;
	s21 =	simm.s32 $0x80;
	s22 =	simm.s32 $0x3800  }
0x6: {  	s28 =	simm.s32 $0x3980;
	s29 =	simm.s32 $0x3;
	s30 =	simm.s32 $0x4  }
0x7: {  	s31 =	simm.s32 $0x0;
	s1 =	sand.u32 $0x1, s1;
	s5 =	smul.u32 $0x280, s8  }
0x8: {  	[smem:$0x7FF] =	sst s3;
	s4 =	sshll.u32 s1, $0x4;
	s6 =	smul.u32 $0x2800, s1  }
0x9: {  	_ =	strace $0x8000004A;
	s23 =	ssub.s32 $0x2, s1;
	p0 =	seq.s32 s1, $0x0  }
0xa: {  	s7 =	sor.u32 s8, s4;
	s4 =	sadd.s32 $0x1EA00, s0;
	s8 =	smul.u32 $0x50000, s8  }
0xb: {  	s24 =	sshrl.u32 s23, $0x1;
	s7 =	smul.u32 $0x700, s7;
	s5 =	sadd.s32 s5, s6  }
0xc: {  	s17 =	ssub.s32 s23, s24;
	s23 =	simm.s32 $0x3900;
	s24 =	simm.s32 $0x7A00  }
0xd: {  	s5 =	sshll.u32 s5, $0x4;
	s25 =	sshrl.u32 s8, $0x2;
	s17 =	smax.u32 s17, $0x1  }
0xe: {  	s11 =	sadd.s32 s7, s0;
	s0 =	sadd.s32 s5, s0;
	s5 =	simm.s32 $0x37  }
0xf: {  	s6 =	sadd.s32 s25, s2;
	s25 =	simm.s32 $0x1;
	s5 =	simm.s32 @!p0 $0x17  }
0x10: {  	s7 =	sadd.s32 $0x4000, s6;
	s8 =	sadd.s32 $0x8000, s6;
	s9 =	sadd.s32 $0xC000, s6  }
0x11: {  	s10 =	sadd.s32 $0x10000, s6;
	s26 =	sadd.s32 $0x10A00, s11;
	s12 =	sadd.s32 $0x46A00, s0  }
0x12: {  	s13 =	sadd.s32 $0x47200, s0;
	s14 =	sadd.s32 $0x47A00, s0;
	s15 =	sadd.s32 $0x48200, s0  }
0x13: {  	v0 =	vimm.f32 $0.0e+00;
	s16 =	sadd.s32 $0x48A00, s0;
	[dreg:$0x3] =	wrdreg s26;
	s26 =	simm.s32 $0x3880  }
.LBB2_1:
0x14: {  	s0 =	simm.s32 $0x0;
	s1 =	simm.s32 $0x200  }
.LBB2_2:
0x15: {  	p0 =	sne.s32 s1, $0xFE00;
	[tilespmem:s0+$0x3A70] =	vst v0  }
0x16: {  	[tilespmem:s0+$0x3A00] =	vst v0  }
0x17: {  	[tilespmem:s0+$0x3A10] =	vst v0  }
.Ltmp0:
0x18: {  	[tilespmem:s0+$0x3A20] =	vst v0;
	(pc) =	sbr.rel @p0 .LBB2_2-.Ltmp0, $4  }
0x19: {  	[tilespmem:s0+$0x3A30] =	vst v0  }
0x1a: {  	[tilespmem:s0+$0x3A40] =	vst v0  }
0x1b: {  	[tilespmem:s0+$0x3A50] =	vst v0  }
0x1c: {  	[tilespmem:s0+$0x3A60] =	vst v0;
	s0 =	sshra.s32 s1, $0x2;
	s1 =	sadd.s32 $0x200, s1  }
0x1d: {  	[tilespmem:s0+$0x3A70] =	vst v0  }
0x1e: {  	[tilespmem:s0+$0x3A00] =	vst v0  }
0x1f: {  	[tilespmem:s0+$0x3A10] =	vst v0  }
0x20: {  	[tilespmem:s0+$0x3A20] =	vst v0  }
0x21: {  	[tilespmem:s0+$0x3A30] =	vst v0  }
0x22: {  	[tilespmem:s0+$0x3A40] =	vst v0  }
0x23: {  	[tilespmem:s0+$0x3A50] =	vst v0  }
0x24: {  	[tilespmem:s0+$0x3A60] =	vst v0  }
0x25: {  	[spmem:s6] =	stream.linear.scatter [tilespmem:s18], [sflag:$0x2], $0x4000, $0x38;
	[tilespmem:$0x1FA00] =	vst v63  }
0x26: {  	_ = 	snop  }
0x27: {  	[spmem:s7] =	stream.linear.scatter [tilespmem:s18], [sflag:$0x2], $0x4000, $0x38;
	[tilespmem:$0x1FA00] =	vst v63  }
0x28: {  	_ = 	snop  }
0x29: {  	[spmem:s8] =	stream.linear.scatter [tilespmem:s18], [sflag:$0x2], $0x4000, $0x38;
	[tilespmem:$0x1FA00] =	vst v63  }
0x2a: {  	_ = 	snop  }
0x2b: {  	[spmem:s9] =	stream.linear.scatter [tilespmem:s18], [sflag:$0x2], $0x4000, $0x38;
	[tilespmem:$0x1FA00] =	vst v63  }
0x2c: {  	_ = 	snop  }
0x2d: {  	[spmem:s10] =	stream.linear.scatter [tilespmem:s18], [sflag:$0x2], $0x4000, $0x38;
	[tilespmem:$0x1FA00] =	vst v63  }
0x2e: {  	s11 =	rddreg [dreg:$0x3]  }
0x2f: {  	[tilespmem:s3], [sflag:$0x5] =	stream.linear.gather [hbm4b:s11+s3], $0x3780, $0x38;
	[tilespmem:$0x1FA00] =	vst v63  }
0x30: {  	_ =	swait.ge [sflag:s19], $0x3780  }
0x31: {  	[sflag:s19] =	ssyncset.done $0x0  }
0x32: {  	[sflag:s19] =	ssyncadd.s32 $0xFFFFC880  }
0x33: {  	_ =	swait.ge [sflag:s20], $0x4000  }
0x34: {  	[sflag:s20] =	ssyncset.done $0x0  }
0x35: {  	[sflag:s20] =	ssyncadd.s32 $0xFFFFC000  }
0x36: {  	_ =	swait.ge [sflag:s20], $0x4000  }
0x37: {  	[sflag:s20] =	ssyncset.done $0x0  }
0x38: {  	[sflag:s20] =	ssyncadd.s32 $0xFFFFC000  }
0x39: {  	_ =	swait.ge [sflag:s20], $0x4000  }
0x3a: {  	[sflag:s20] =	ssyncset.done $0x0  }
0x3b: {  	[sflag:s20] =	ssyncadd.s32 $0xFFFFC000  }
0x3c: {  	_ =	swait.ge [sflag:s20], $0x4000  }
0x3d: {  	[sflag:s20] =	ssyncset.done $0x0  }
0x3e: {  	[sflag:s20] =	ssyncadd.s32 $0xFFFFC000  }
0x3f: {  	_ =	swait.ge [sflag:s20], $0x4000  }
0x40: {  	[sflag:s20] =	ssyncset.done $0x0  }
0x41: {  	[sflag:s20] =	ssyncadd.s32 $0xFFFFC000  }
0x42: {  	[bflag:$0x0] =	sbarrier.arrive $0xFFFF  }
0x43: {  	v1 =	vld [tilespmem:$0x0];
	_ =	sdelay $0x1  }
0x44: {  	v2 =	vld [tilespmem:$0x10];
	_ =	sdelay $0x1  }
0x45: {  	v3 =	vld [tilespmem:$0x20]  }
0x46: {  	v4 =	vshrl.u32 v1, $0xE  }
0x47: {  	v62 =	vld [tilespmem:$0x30];
	v1 =	vand.u32 $0x3FFF, v1;
	[tilespmem:$0x3800] =	vst v4  }
0x48: {  	[tilespmem:$0x3880] =	vst v1;
	v1 =	vshrl.u32 v2, $0xE  }
0x49: {  	[tilespmem:$0x3810] =	vst v1;
	v1 =	vand.u32 $0x3FFF, v2;
	v2 =	vld [tilespmem:$0x40]  }
0x4a: {  	[tilespmem:$0x3890] =	vst v1;
	v1 =	vshrl.u32 v3, $0xE  }
0x4b: {  	[tilespmem:$0x3820] =	vst v1;
	v1 =	vand.u32 $0x3FFF, v3;
	v3 =	vld [tilespmem:$0x50]  }
0x4c: {  	[tilespmem:$0x38A0] =	vst v1;
	v1 =	vshrl.u32 v62, $0xE  }
0x4d: {  	v63 =	vld [tilespmem:$0x60];
	[tilespmem:$0x3830] =	vst v1;
	v1 =	vand.u32 $0x3FFF, v62  }
0x4e: {  	[tilespmem:$0x38B0] =	vst v1;
	v1 =	vshrl.u32 v2, $0xE  }
0x4f: {  	[tilespmem:$0x3840] =	vst v1;
	v1 =	vand.u32 $0x3FFF, v2;
	v2 =	vld [tilespmem:$0x70]  }
0x50: {  	[tilespmem:$0x38C0] =	vst v1;
	v1 =	vshrl.u32 v3, $0xE  }
0x51: {  	[tilespmem:$0x3850] =	vst v1;
	v1 =	vand.u32 $0x3FFF, v3  }
0x52: {  	[tilespmem:$0x38D0] =	vst v1;
	v1 =	vshrl.u32 v63, $0xE  }
0x53: {  	[tilespmem:$0x3860] =	vst v1;
	v1 =	vand.u32 $0x3FFF, v63  }
0x54: {  	[tilespmem:$0x38E0] =	vst v1;
	v1 =	vshrl.u32 v2, $0xE  }
0x55: {  	[tilespmem:$0x3870] =	vst v1;
	v1 =	vand.u32 $0x3FFF, v2  }
0x56: {  	s0 =	simm.s32 $0xC0;
	[tilespmem:$0x38F0] =	vst v1  }
0x57: {  	[tilespmem:s18], [sflag:$0x1] =	stream.indirect.gather [hbm4b:s4+s21], $0x80, s22, s21, $0xb8;
	[tilespmem:$0x1FA00] =	vst v63  }
0x58: {  	v1 =	vld [tilespmem:s0+$0xFFFFFFC0];
	_ =	sdelay $0x4  }
0x59: {  	v2 =	vshrl.u32 v1, $0xE  }
0x5a: {  	v1 =	vand.u32 $0x3FFF, v1;
	[tilespmem:$0x3900] =	vst v2  }
0x5b: {  	[tilespmem:$0x3980] =	vst v1  }
0x5c: {  	v1 =	vld [tilespmem:s0+$0xFFFFFFD0];
	_ =	sdelay $0x4  }
0x5d: {  	v2 =	vshrl.u32 v1, $0xE  }
0x5e: {  	v1 =	vand.u32 $0x3FFF, v1;
	[tilespmem:$0x3910] =	vst v2  }
0x5f: {  	[tilespmem:$0x3990] =	vst v1  }
0x60: {  	v1 =	vld [tilespmem:s0+$0xFFFFFFE0];
	_ =	sdelay $0x4  }
0x61: {  	v2 =	vshrl.u32 v1, $0xE  }
0x62: {  	v1 =	vand.u32 $0x3FFF, v1;
	[tilespmem:$0x3920] =	vst v2  }
0x63: {  	[tilespmem:$0x39A0] =	vst v1  }
0x64: {  	v1 =	vld [tilespmem:s0+$0xFFFFFFF0];
	_ =	sdelay $0x4  }
0x65: {  	v2 =	vshrl.u32 v1, $0xE  }
0x66: {  	v1 =	vand.u32 $0x3FFF, v1;
	[tilespmem:$0x3930] =	vst v2  }
0x67: {  	[tilespmem:$0x39B0] =	vst v1  }
0x68: {  	v1 =	vld [tilespmem:s0+$0x0];
	_ =	sdelay $0x4  }
0x69: {  	v2 =	vshrl.u32 v1, $0xE  }
0x6a: {  	v1 =	vand.u32 $0x3FFF, v1;
	[tilespmem:$0x3940] =	vst v2  }
0x6b: {  	[tilespmem:$0x39C0] =	vst v1  }
0x6c: {  	v1 =	vld [tilespmem:s0+$0x10];
	_ =	sdelay $0x4  }
0x6d: {  	v2 =	vshrl.u32 v1, $0xE  }
0x6e: {  	v1 =	vand.u32 $0x3FFF, v1;
	[tilespmem:$0x3950] =	vst v2  }
0x6f: {  	[tilespmem:$0x39D0] =	vst v1  }
0x70: {  	v1 =	vld [tilespmem:s0+$0x20];
	_ =	sdelay $0x4  }
0x71: {  	v2 =	vshrl.u32 v1, $0xE  }
0x72: {  	v1 =	vand.u32 $0x3FFF, v1;
	[tilespmem:$0x3960] =	vst v2  }
0x73: {  	[tilespmem:$0x39E0] =	vst v1  }
0x74: {  	v1 =	vld [tilespmem:s0+$0x30];
	_ =	sdelay $0x4  }
0x75: {  	v2 =	vshrl.u32 v1, $0xE  }
0x76: {  	v1 =	vand.u32 $0x3FFF, v1;
	[tilespmem:$0x3970] =	vst v2  }
0x77: {  	[tilespmem:$0x39F0] =	vst v1  }
0x78: {  	[tilespmem:s24], [sflag:$0x2] =	stream.indirect.gather [hbm4b:s4+s21], $0x80, s23, s21, $0xb8;
	[tilespmem:$0x1FA00] =	vst v63  }
0x79: {  	_ =	swait.ge [sflag:s25], $0x4000  }
0x7a: {  	[sflag:s25] =	ssyncset.done $0x0  }
0x7b: {  	[sflag:s25] =	ssyncadd.s32 $0xFFFFC000  }
0x7c: {  	[spmem:s2] =	stream.indirect.scatter.add.f32 [tilespmem:s18], [sflag:$0x5], $0x80, s26, s21, $0xb8;
	[tilespmem:$0x1FA00] =	vst v63  }
0x7d: {  	_ =	swait.ge [sflag:s19], $0x4000  }
0x7e: {  	[sflag:s19] =	ssyncset.done $0x0  }
0x7f: {  	[sflag:s19] =	ssyncadd.s32 $0xFFFFC000  }
0x80: {  	v1 =	vld [tilespmem:s0+$0x40];
	_ =	sdelay $0x4  }
0x81: {  	v2 =	vshrl.u32 v1, $0xE  }
0x82: {  	v1 =	vand.u32 $0x3FFF, v1;
	[tilespmem:$0x3800] =	vst v2  }
0x83: {  	[tilespmem:$0x3880] =	vst v1  }
0x84: {  	v1 =	vld [tilespmem:s0+$0x50];
	_ =	sdelay $0x4  }
0x85: {  	v2 =	vshrl.u32 v1, $0xE  }
0x86: {  	v1 =	vand.u32 $0x3FFF, v1;
	[tilespmem:$0x3810] =	vst v2  }
0x87: {  	[tilespmem:$0x3890] =	vst v1  }
0x88: {  	v1 =	vld [tilespmem:s0+$0x60];
	_ =	sdelay $0x4  }
0x89: {  	v2 =	vshrl.u32 v1, $0xE  }
0x8a: {  	v1 =	vand.u32 $0x3FFF, v1;
	[tilespmem:$0x3820] =	vst v2  }
0x8b: {  	[tilespmem:$0x38A0] =	vst v1  }
0x8c: {  	v1 =	vld [tilespmem:s0+$0x70];
	_ =	sdelay $0x4  }
0x8d: {  	v2 =	vshrl.u32 v1, $0xE  }
0x8e: {  	v1 =	vand.u32 $0x3FFF, v1;
	[tilespmem:$0x3830] =	vst v2  }
0x8f: {  	[tilespmem:$0x38B0] =	vst v1  }
0x90: {  	v1 =	vld [tilespmem:s0+$0x80];
	_ =	sdelay $0x4  }
0x91: {  	v2 =	vshrl.u32 v1, $0xE  }
0x92: {  	v1 =	vand.u32 $0x3FFF, v1;
	[tilespmem:$0x3840] =	vst v2  }
0x93: {  	[tilespmem:$0x38C0] =	vst v1  }
0x94: {  	v1 =	vld [tilespmem:s0+$0x90];
	_ =	sdelay $0x4  }
0x95: {  	v2 =	vshrl.u32 v1, $0xE  }
0x96: {  	v1 =	vand.u32 $0x3FFF, v1;
	[tilespmem:$0x3850] =	vst v2  }
0x97: {  	[tilespmem:$0x38D0] =	vst v1  }
0x98: {  	v1 =	vld [tilespmem:s0+$0xA0]  }
0x99: {  	p0 =	sne.s32 s5, $0x1  }
.Ltmp1:
0x9a: {  	_ = 	snop;
	(pc) =	sbr.rel @!p0 .LBB2_5-.Ltmp1, $3  }
0x9b: {  	_ =	sdelay $0x1  }
0x9c: {  	v2 =	vshrl.u32 v1, $0xE  }
0x9d: {  	s1 =	sadd.s32 $0xFFFFFFFF, s5;
	s11 =	simm.s32 $0xC0;
	v1 =	vand.u32 $0x3FFF, v1;
	[tilespmem:$0x3860] =	vst v2  }
.LBB2_4:
0x9e: {  	p0 =	sne.s32 s1, $0x1;
	s1 =	sadd.s32 $0xFFFFFFFF, s1;
	[tilespmem:$0x38E0] =	vst v1;
	s11 =	sadd.s32 $0x100, s11  }
0x9f: {  	v1 =	vld [tilespmem:s0+$0xB0];
	s0 =	smov.u32 s11;
	_ =	sdelay $0x4  }
0xa0: {  	v2 =	vshrl.u32 v1, $0xE;
	v1 =	vand.u32 $0x3FFF, v1  }
0xa1: {  	[tilespmem:$0x3870] =	vst v2  }
0xa2: {  	[tilespmem:$0x38F0] =	vst v1  }
0xa3: {  	[tilespmem:s18], [sflag:$0x1] =	stream.indirect.gather [hbm4b:s4+s21], $0x80, s22, s21, $0xb8;
	[tilespmem:$0x1FA00] =	vst v63  }
0xa4: {  	_ =	swait.ge [sflag:s20], $0x4000  }
0xa5: {  	[sflag:s20] =	ssyncset.done $0x0  }
0xa6: {  	[sflag:s20] =	ssyncadd.s32 $0xFFFFC000  }
0xa7: {  	[spmem:s2] =	stream.indirect.scatter.add.f32 [tilespmem:s24], [sflag:$0x5], $0x80, s28, s21, $0xb8;
	[tilespmem:$0x1FA00] =	vst v63  }
0xa8: {  	_ =	swait.ge [sflag:s19], $0x4000  }
0xa9: {  	[sflag:s19] =	ssyncset.done $0x0  }
0xaa: {  	[sflag:s19] =	ssyncadd.s32 $0xFFFFC000  }
0xab: {  	v1 =	vld [tilespmem:s11+$0xFFFFFFC0];
	_ =	sdelay $0x4  }
0xac: {  	v2 =	vshrl.u32 v1, $0xE;
	v1 =	vand.u32 $0x3FFF, v1  }
0xad: {  	[tilespmem:$0x3900] =	vst v2  }
0xae: {  	[tilespmem:$0x3980] =	vst v1  }
0xaf: {  	v1 =	vld [tilespmem:s11+$0xFFFFFFD0];
	_ =	sdelay $0x4  }
0xb0: {  	v2 =	vshrl.u32 v1, $0xE;
	v1 =	vand.u32 $0x3FFF, v1  }
0xb1: {  	[tilespmem:$0x3910] =	vst v2  }
0xb2: {  	[tilespmem:$0x3990] =	vst v1  }
0xb3: {  	v1 =	vld [tilespmem:s11+$0xFFFFFFE0];
	_ =	sdelay $0x4  }
0xb4: {  	v2 =	vshrl.u32 v1, $0xE;
	v1 =	vand.u32 $0x3FFF, v1  }
0xb5: {  	[tilespmem:$0x3920] =	vst v2  }
0xb6: {  	[tilespmem:$0x39A0] =	vst v1  }
0xb7: {  	v1 =	vld [tilespmem:s11+$0xFFFFFFF0];
	_ =	sdelay $0x4  }
0xb8: {  	v2 =	vshrl.u32 v1, $0xE;
	v1 =	vand.u32 $0x3FFF, v1  }
0xb9: {  	[tilespmem:$0x3930] =	vst v2  }
0xba: {  	[tilespmem:$0x39B0] =	vst v1  }
0xbb: {  	v1 =	vld [tilespmem:s11+$0x0];
	_ =	sdelay $0x4  }
0xbc: {  	v2 =	vshrl.u32 v1, $0xE;
	v1 =	vand.u32 $0x3FFF, v1  }
0xbd: {  	[tilespmem:$0x3940] =	vst v2  }
0xbe: {  	[tilespmem:$0x39C0] =	vst v1  }
0xbf: {  	v1 =	vld [tilespmem:s11+$0x10];
	_ =	sdelay $0x4  }
0xc0: {  	v2 =	vshrl.u32 v1, $0xE;
	v1 =	vand.u32 $0x3FFF, v1  }
0xc1: {  	[tilespmem:$0x3950] =	vst v2  }
0xc2: {  	[tilespmem:$0x39D0] =	vst v1  }
0xc3: {  	v1 =	vld [tilespmem:s11+$0x20];
	_ =	sdelay $0x4  }
0xc4: {  	v2 =	vshrl.u32 v1, $0xE;
	v1 =	vand.u32 $0x3FFF, v1  }
0xc5: {  	[tilespmem:$0x3960] =	vst v2  }
0xc6: {  	[tilespmem:$0x39E0] =	vst v1  }
0xc7: {  	v1 =	vld [tilespmem:s11+$0x30];
	_ =	sdelay $0x4  }
0xc8: {  	v2 =	vshrl.u32 v1, $0xE;
	v1 =	vand.u32 $0x3FFF, v1  }
0xc9: {  	[tilespmem:$0x3970] =	vst v2  }
0xca: {  	[tilespmem:$0x39F0] =	vst v1  }
0xcb: {  	[tilespmem:s24], [sflag:$0x2] =	stream.indirect.gather [hbm4b:s4+s21], $0x80, s23, s21, $0xb8;
	[tilespmem:$0x1FA00] =	vst v63  }
0xcc: {  	_ =	swait.ge [sflag:s25], $0x4000  }
0xcd: {  	[sflag:s25] =	ssyncset.done $0x0  }
0xce: {  	[sflag:s25] =	ssyncadd.s32 $0xFFFFC000  }
0xcf: {  	[spmem:s2] =	stream.indirect.scatter.add.f32 [tilespmem:s18], [sflag:$0x5], $0x80, s26, s21, $0xb8;
	[tilespmem:$0x1FA00] =	vst v63  }
0xd0: {  	_ =	swait.ge [sflag:s19], $0x4000  }
0xd1: {  	[sflag:s19] =	ssyncset.done $0x0  }
0xd2: {  	[sflag:s19] =	ssyncadd.s32 $0xFFFFC000  }
0xd3: {  	v1 =	vld [tilespmem:s11+$0x40];
	_ =	sdelay $0x4  }
0xd4: {  	v2 =	vshrl.u32 v1, $0xE;
	v1 =	vand.u32 $0x3FFF, v1  }
0xd5: {  	[tilespmem:$0x3800] =	vst v2  }
0xd6: {  	[tilespmem:$0x3880] =	vst v1  }
0xd7: {  	v1 =	vld [tilespmem:s11+$0x50];
	_ =	sdelay $0x4  }
0xd8: {  	v2 =	vshrl.u32 v1, $0xE;
	v1 =	vand.u32 $0x3FFF, v1  }
0xd9: {  	[tilespmem:$0x3810] =	vst v2  }
0xda: {  	[tilespmem:$0x3890] =	vst v1  }
0xdb: {  	v1 =	vld [tilespmem:s11+$0x60];
	_ =	sdelay $0x4  }
0xdc: {  	v2 =	vshrl.u32 v1, $0xE;
	v1 =	vand.u32 $0x3FFF, v1  }
0xdd: {  	[tilespmem:$0x3820] =	vst v2  }
0xde: {  	[tilespmem:$0x38A0] =	vst v1  }
0xdf: {  	v1 =	vld [tilespmem:s11+$0x70];
	_ =	sdelay $0x4  }
0xe0: {  	v2 =	vshrl.u32 v1, $0xE;
	v1 =	vand.u32 $0x3FFF, v1  }
0xe1: {  	[tilespmem:$0x3830] =	vst v2  }
0xe2: {  	[tilespmem:$0x38B0] =	vst v1  }
0xe3: {  	v1 =	vld [tilespmem:s11+$0x80];
	_ =	sdelay $0x4  }
0xe4: {  	v2 =	vshrl.u32 v1, $0xE;
	v1 =	vand.u32 $0x3FFF, v1  }
0xe5: {  	[tilespmem:$0x3840] =	vst v2  }
0xe6: {  	[tilespmem:$0x38C0] =	vst v1  }
0xe7: {  	v1 =	vld [tilespmem:s11+$0x90];
	_ =	sdelay $0x4  }
0xe8: {  	v2 =	vshrl.u32 v1, $0xE;
	v1 =	vand.u32 $0x3FFF, v1  }
0xe9: {  	[tilespmem:$0x3850] =	vst v2  }
0xea: {  	[tilespmem:$0x38D0] =	vst v1  }
0xeb: {  	v1 =	vld [tilespmem:s11+$0xA0];
	_ =	sdelay $0x1  }
.Ltmp2:
0xec: {  	(pc) =	sbr.rel @p0 .LBB2_4-.Ltmp2, $3  }
0xed: {  	_ =	sdelay $0x1  }
0xee: {  	v2 =	vshrl.u32 v1, $0xE;
	v1 =	vand.u32 $0x3FFF, v1  }
0xef: {  	[tilespmem:$0x3860] =	vst v2  }
.LBB2_5:
0xf0: {  	[tilespmem:$0x38E0] =	vst v1  }
0xf1: {  	v1 =	vld [tilespmem:s0+$0xB0];
	_ =	sdelay $0x4  }
0xf2: {  	v2 =	vshrl.u32 v1, $0xE  }
0xf3: {  	v1 =	vand.u32 $0x3FFF, v1;
	[tilespmem:$0x3870] =	vst v2  }
0xf4: {  	[tilespmem:$0x38F0] =	vst v1  }
0xf5: {  	[tilespmem:s18], [sflag:$0x1] =	stream.indirect.gather [hbm4b:s4+s21], $0x80, s22, s21, $0xb8;
	[tilespmem:$0x1FA00] =	vst v63  }
0xf6: {  	_ =	swait.ge [sflag:s20], $0x4000  }
0xf7: {  	[sflag:s20] =	ssyncset.done $0x0  }
0xf8: {  	[sflag:s20] =	ssyncadd.s32 $0xFFFFC000  }
0xf9: {  	[spmem:s2] =	stream.indirect.scatter.add.f32 [tilespmem:s24], [sflag:$0x5], $0x80, s28, s21, $0xb8;
	[tilespmem:$0x1FA00] =	vst v63  }
0xfa: {  	_ =	swait.ge [sflag:s19], $0x4000  }
0xfb: {  	[sflag:s19] =	ssyncset.done $0x0  }
0xfc: {  	[sflag:s19] =	ssyncadd.s32 $0xFFFFC000  }
0xfd: {  	_ =	swait.ge [sflag:s25], $0x4000  }
0xfe: {  	[sflag:s25] =	ssyncset.done $0x0  }
0xff: {  	[sflag:s25] =	ssyncadd.s32 $0xFFFFC000  }
0x100: {  	[spmem:s2] =	stream.indirect.scatter.add.f32 [tilespmem:s18], [sflag:$0x5], $0x80, s26, s21, $0xb8;
	[tilespmem:$0x1FA00] =	vst v63  }
0x101: {  	_ =	swait.ge [sflag:s19], $0x4000  }
0x102: {  	[sflag:s19] =	ssyncset.done $0x0  }
0x103: {  	[sflag:s19] =	ssyncadd.s32 $0xFFFFC000  }
0x104: {  	[bflag:$0x0] =	sbarrier.arrive $0xFFFF  }
0x105: {  	[tilespmem:s18], [sflag:$0x1] =	stream.linear.gather [spmem:s6], $0x4000, $0x38;
	[tilespmem:$0x1FA00] =	vst v63  }
0x106: {  	_ = 	snop  }
0x107: {  	[tilespmem:s24], [sflag:$0x2] =	stream.linear.gather [spmem:s7], $0x4000, $0x38;
	[tilespmem:$0x1FA00] =	vst v63  }
0x108: {  	_ =	swait.ge [sflag:s25], $0x4000  }
0x109: {  	[sflag:s25] =	ssyncset.done $0x0  }
0x10a: {  	[sflag:s25] =	ssyncadd.s32 $0xFFFFC000  }
0x10b: {  	[hbm4b:s12+s3] =	stream.linear.scatter [tilespmem:s18], [sflag:$0x3], $0x4000, $0x38;
	[tilespmem:$0x1FA00] =	vst v63  }
0x10c: {  	_ =	swait.ge [sflag:s29], $0x4000  }
0x10d: {  	[sflag:s29] =	ssyncset.done $0x0  }
0x10e: {  	[sflag:s29] =	ssyncadd.s32 $0xFFFFC000  }
0x10f: {  	[tilespmem:s18], [sflag:$0x1] =	stream.linear.gather [spmem:s8], $0x4000, $0x38;
	[tilespmem:$0x1FA00] =	vst v63  }
0x110: {  	_ =	swait.ge [sflag:s20], $0x4000  }
0x111: {  	[sflag:s20] =	ssyncset.done $0x0  }
0x112: {  	[sflag:s20] =	ssyncadd.s32 $0xFFFFC000  }
0x113: {  	[hbm4b:s13+s3] =	stream.linear.scatter [tilespmem:s24], [sflag:$0x4], $0x4000, $0x38;
	[tilespmem:$0x1FA00] =	vst v63  }
0x114: {  	_ =	swait.ge [sflag:s30], $0x4000  }
0x115: {  	[sflag:s30] =	ssyncset.done $0x0  }
0x116: {  	[sflag:s30] =	ssyncadd.s32 $0xFFFFC000  }
0x117: {  	[tilespmem:s24], [sflag:$0x2] =	stream.linear.gather [spmem:s9], $0x4000, $0x38;
	[tilespmem:$0x1FA00] =	vst v63  }
0x118: {  	_ =	swait.ge [sflag:s25], $0x4000  }
0x119: {  	[sflag:s25] =	ssyncset.done $0x0  }
0x11a: {  	[sflag:s25] =	ssyncadd.s32 $0xFFFFC000  }
0x11b: {  	[hbm4b:s14+s3] =	stream.linear.scatter [tilespmem:s18], [sflag:$0x3], $0x4000, $0x38;
	[tilespmem:$0x1FA00] =	vst v63  }
0x11c: {  	_ =	swait.ge [sflag:s29], $0x4000  }
0x11d: {  	[sflag:s29] =	ssyncset.done $0x0  }
0x11e: {  	[sflag:s29] =	ssyncadd.s32 $0xFFFFC000  }
0x11f: {  	[tilespmem:s18], [sflag:$0x1] =	stream.linear.gather [spmem:s10], $0x4000, $0x38;
	[tilespmem:$0x1FA00] =	vst v63  }
0x120: {  	_ =	swait.ge [sflag:s20], $0x4000  }
0x121: {  	[sflag:s20] =	ssyncset.done $0x0  }
0x122: {  	[sflag:s20] =	ssyncadd.s32 $0xFFFFC000  }
0x123: {  	[hbm4b:s15+s3] =	stream.linear.scatter [tilespmem:s24], [sflag:$0x4], $0x4000, $0x38;
	[tilespmem:$0x1FA00] =	vst v63  }
0x124: {  	_ =	swait.ge [sflag:s25], $0x4000  }
0x125: {  	[sflag:s25] =	ssyncset.done $0x0  }
0x126: {  	s31 =	sadd.s32 $0x1, s31;
	[sflag:s25] =	ssyncadd.s32 $0xFFFFC000  }
0x127: {  	[hbm4b:s16+s3] =	stream.linear.scatter [tilespmem:s18], [sflag:$0x3], $0x4000, $0x38;
	[tilespmem:$0x1FA00] =	vst v63  }
0x128: {  	p0 =	sne.s32 s31, s17;
	_ =	swait.ge [sflag:s30], $0x4000  }
.Ltmp3:
0x129: {  	[sflag:s30] =	ssyncset.done $0x0;
	(pc) =	sbr.rel @p0 .LBB2_1-.Ltmp3, $4  }
0x12a: {  	[sflag:s30] =	ssyncadd.s32 $0xFFFFC000  }
0x12b: {  	_ =	swait.ge [sflag:s29], $0x4000  }
0x12c: {  	[sflag:s29] =	ssyncset.done $0x0  }
0x12d: {  	[sflag:s29] =	ssyncadd.s32 $0xFFFFC000  }
0x12e: {  	_ =	sfence.sel $0x180000  }
0x12f: {  	[bflag:$0x0] =	sbarrier.arrive $0xFFFF  }
0x130: {  	_ =	strace $0x9000004A  }
0x131: {  	s0 =	stileid.u32;
	[bflag:$0x2] =	sbarrier.arrive $0xFFFF  }
0x132: {  	p0 =	sne.s32 s0, $0x0;
	s0 =	rddreg [dreg:$0x2]  }
0x133: {  	s0 =	sadd.s32 @!p0 $0x100000, s0  }
0x134: {  	[sflag:s0] =	ssyncadd.tile.s32 @!p0 $0x1;
	_ =	shalt  }
.Lfunc_end2:
_tile_overlayer_lowered:
.L_overlay_start_2:
0x135: {  	(tag) =	ssettag $0x2  }
0x136: {  	s0 =	rddreg [dreg:$0x0];
	s2 =	stileid.u32  }
0x137: {  	s1 =	rddreg [dreg:$0x1];
	p0 =	sne.s32 s2, $0x0  }
0x138: {  	s3 =	rddreg [dreg:$0x2];
	[bflag:$0x3] =	sbarrier.arrive $0xFFFF;
	s2 =	simm.s32 @!p0 $0x1C05  }
0x139: {  	[timem:s3], [sflag:s2] =	dma.local @!p0 [hbm:s0], s1  }
0x13a: {  	s0 =	simm.s32 @!p0 $0x5  }
0x13b: {  	_ =	swait.ge @!p0 [sflag:s0], s1  }
0x13c: {  	s1 =	ssub.s32 @!p0 $0x0, s1;
	[sflag:s0] =	ssyncset.done @!p0 $0x0  }
0x13d: {  	[sflag:s0] =	ssyncadd.s32 @!p0 s1  }
0x13e: {  	[bflag:$0x3] =	sbarrier.arrive $0xFFFF  }
0x13f: {  	_ =	shalt  }

// kernel: kernel.14.cloned.1.call-start
scs
__scs_entry_jumppad:
0x0: {  	(pc) =	sbr.rel $0x88, $3  }
0x1: {  	(tag) =	ssettag $0x0;
	lr =	simm.s32 $0x1  }
0x2: {  	[smem:$0x3F99] =	sst lr;
	_ =	strace $0xD0000000  }
0x3: {  	_ = 	snop  }
0x4: {  	_ = 	snop  }
0x5: {  	_ = 	snop  }
0x6: {  	_ = 	snop  }
0x7: {  	_ = 	snop  }
__scs_overlays_trampoline_lowered:
0x8: {  	[smem:$0x3FA8] =	sst s0  }
0x9: {  	[smem:$0x3FA9] =	sst s1  }
0xa: {  	[smem:$0x3FAA] =	sst s2  }
0xb: {  	[smem:$0x3FAB] =	sst s3  }
0xc: {  	[smem:$0x3FAC] =	sst s4  }
0xd: {  	[smem:$0x3FAD] =	sst s5  }
0xe: {  	[smem:$0x3FAE] =	sst s6  }
0xf: {  	[smem:$0x3FAF] =	sst s7  }
0x10: {  	[smem:$0x3FB0] =	sst s8  }
0x11: {  	[smem:$0x3FB1] =	sst s9;
	s0 =	simm.s32 @!p0 $0x0  }
0x12: {  	s1 =	sld [smem:$0x3F97];
	s0 =	simm.s32 @p0 $0x1  }
0x13: {  	[smem:$0x3FB2] =	sst s0;
	s0 =	simm.s32 @!p1 $0x0  }
0x14: {  	s2 =	sld [smem:$0x3F96];
	s0 =	simm.s32 @p1 $0x1  }
0x15: {  	[smem:$0x3FB3] =	sst s0;
	s0 =	simm.s32 @!p2 $0x0  }
0x16: {  	s3 =	sld [smem:$0x3FDB];
	s0 =	simm.s32 @p2 $0x1  }
0x17: {  	s4 =	simm.s32 $0x1BF5;
	[smem:$0x3FB5] =	sst s0  }
0x18: {  	s0 =	sld [smem:$0x3F98];
	_ =	swait.ge [sflag:s4], $0x0  }
0x19: {  	s7 =	sld [smem:$0x3F99]  }
0x1a: {  	s8 =	sadd.s32 $0xFFFFE003, lr  }
0x1b: {  	s9 =	sadd.s32 $0xFFFFFEF7, lr;
	s5 =	simm.s32 $0xFFFFFFFF;
	p2 =	slt.u32 s8, $0xFFFFF086  }
0x1c: {  	p1 =	slt.u32 s9, $0xF7A;
	s5 =	simm.s32 @!p2 $0x0  }
0x1d: {  	s5 =	simm.s32 @p1 $0x1;
	p0 =	seq.s32 s7, s2  }
0x1e: {  	s7 =	smul.u32 @!p0 $0xF7A, s2;
	p2 =	seq.s32 @!p0 s5, $0x0  }
0x1f: {  	s9 =	smul.u32 $0xF7A, s1;
	s8 =	simm.s32 @!p0 $0x1BF5;
	p2 =	por !p2, p0  }
0x20: {  	[sflag:s8] =	ssyncset.s32 @!p0 $0xFFFFF086;
	s6 =	sadd.s32 @!p0 s3, s7;
	s7 =	simm.s32 @!p0 $0x108  }
0x21: {  	s3 =	sadd.s32 s3, s9;
	s6 =	sadd.s32 @!p0 $0x88, s6;
	s7 =	simm.s32 @p2 $0x1082  }
0x22: {  	[simem:s7], [sflag:s8] =	dma.local @!p0 [hbm:s6], $0xF7A  }
0x23: {  	s9 =	sor.u32 $0xD0000000, s2;
	s6 =	simm.s32 $0x108;
	_ =	swait.ge @!p0 [sflag:s8], $0x0  }
0x24: {  	s3 =	sadd.s32 $0x88, s3;
	s6 =	simm.s32 @!p1 $0x1082;
	[sflag:s4] =	ssyncset.s32 $0xFFFFF086  }
0x25: {  	[simem:s6], [sflag:s4] =	dma.local [hbm:s3], $0xF7A  }
0x26: {  	[smem:$0x3F99] =	sst s1;
	(tag) =	ssettag s2;
	_ =	strace s9  }
0x27: {  	s1 =	sld [smem:$0x3FA9]  }
0x28: {  	s2 =	sld [smem:$0x3FAA]  }
0x29: {  	s4 =	sld [smem:$0x3FAC]  }
0x2a: {  	p0 =	seq.s32 s5, $0x0;
	s5 =	sld [smem:$0x3FAD]  }
0x2b: {  	s6 =	sld [smem:$0x3FAE]  }
0x2c: {  	s7 =	sld [smem:$0x3FAF]  }
0x2d: {  	s3 =	simm.s32 $0x108;
	s8 =	sld [smem:$0x3FB0]  }
0x2e: {  	s3 =	simm.s32 @!p0 $0x1082;
	s9 =	sld [smem:$0x3FB1]  }
0x2f: {  	lr =	sadd.s32 s0, s3;
	s0 =	sld [smem:$0x3FA8]  }
0x30: {  	s3 =	sld [smem:$0x3FAB]  }
0x31: {  	[smem:$0x3FB4] =	sst s10  }
0x32: {  	s10 =	sld [smem:$0x3FB2];
	_ =	sdelay $0x3  }
0x33: {  	p0 =	seq.s32 s10, $0x1;
	s10 =	sld [smem:$0x3FB4];
	_ =	sdelay $0x3  }
0x34: {  	[smem:$0x3FB4] =	sst s10  }
0x35: {  	s10 =	sld [smem:$0x3FB3];
	_ =	sdelay $0x3  }
0x36: {  	p1 =	seq.s32 s10, $0x1;
	s10 =	sld [smem:$0x3FB4];
	_ =	sdelay $0x3  }
0x37: {  	[smem:$0x3FB4] =	sst s10  }
0x38: {  	s10 =	sld [smem:$0x3FB5]  }
0x39: {  	_ = 	snop;
	(pc) =	sbr.ind lr, $3  }
0x3a: {  	_ = 	snop  }
0x3b: {  	_ = 	snop  }
0x3c: {  	p2 =	seq.s32 s10, $0x1;
	s10 =	sld [smem:$0x3FB4]  }
0x3d: {  	_ =	shalt  }
0x3e: {  	_ =	shalt  }
0x3f: {  	_ =	shalt  }
0x40: {  	_ =	shalt  }
0x41: {  	_ =	shalt  }
0x42: {  	_ =	shalt  }
0x43: {  	_ =	shalt  }
0x44: {  	_ =	shalt  }
0x45: {  	_ =	shalt  }
0x46: {  	_ =	shalt  }
0x47: {  	_ =	shalt  }
0x48: {  	_ =	shalt  }
0x49: {  	_ =	shalt  }
0x4a: {  	_ =	shalt  }
0x4b: {  	_ =	shalt  }
0x4c: {  	_ =	shalt  }
0x4d: {  	_ =	shalt  }
0x4e: {  	_ =	shalt  }
0x4f: {  	_ =	shalt  }
0x50: {  	_ =	shalt  }
0x51: {  	_ =	shalt  }
0x52: {  	_ =	shalt  }
0x53: {  	_ =	shalt  }
0x54: {  	_ =	shalt  }
0x55: {  	_ =	shalt  }
0x56: {  	_ =	shalt  }
0x57: {  	_ =	shalt  }
0x58: {  	_ =	shalt  }
0x59: {  	_ =	shalt  }
0x5a: {  	_ =	shalt  }
0x5b: {  	_ =	shalt  }
0x5c: {  	_ =	shalt  }
0x5d: {  	_ =	shalt  }
0x5e: {  	_ =	shalt  }
0x5f: {  	_ =	shalt  }
0x60: {  	_ =	shalt  }
0x61: {  	_ =	shalt  }
0x62: {  	_ =	shalt  }
0x63: {  	_ =	shalt  }
0x64: {  	_ =	shalt  }
0x65: {  	_ =	shalt  }
0x66: {  	_ =	shalt  }
0x67: {  	_ =	shalt  }
0x68: {  	_ =	shalt  }
0x69: {  	_ =	shalt  }
0x6a: {  	_ =	shalt  }
0x6b: {  	_ =	shalt  }
0x6c: {  	_ =	shalt  }
0x6d: {  	_ =	shalt  }
0x6e: {  	_ =	shalt  }
0x6f: {  	_ =	shalt  }
0x70: {  	_ =	shalt  }
0x71: {  	_ =	shalt  }
0x72: {  	_ =	shalt  }
0x73: {  	_ =	shalt  }
0x74: {  	_ =	shalt  }
0x75: {  	_ =	shalt  }
0x76: {  	_ =	shalt  }
0x77: {  	_ =	shalt  }
0x78: {  	_ =	shalt  }
0x79: {  	_ =	shalt  }
0x7a: {  	_ =	shalt  }
0x7b: {  	_ =	shalt  }
0x7c: {  	_ =	shalt  }
0x7d: {  	_ =	shalt  }
0x7e: {  	_ =	shalt  }
0x7f: {  	_ =	shalt  }
0x80: {  	_ =	shalt  }
0x81: {  	_ =	shalt  }
0x82: {  	_ =	shalt  }
0x83: {  	_ =	shalt  }
0x84: {  	_ =	shalt  }
0x85: {  	_ =	shalt  }
0x86: {  	_ =	shalt  }
0x87: {  	_ =	shalt  }
.Lfunc_end0:
.L_simem_size_0:
called_computation.2_lowered:
.L_overlay_start_0:
0x88: {  	s2 =	sld [smem:$0x3FD9]  }
0x89: {  	s3 =	sld [smem:$0x3FFE];
	_ =	sdelay $0x1  }
0x8a: {  	s1 =	srdreg.scid  }
0x8b: {  	s0 =	sand.u32 $0x1, s1  }
0x8c: {  	s16 =	sshll.u32 s0, $0xA;
	s2 =	sadd.s32 s3, s2  }
0x8d: {  	s2 =	sadd.s32 s2, s16  }
0x8e: {  	[smem:$0x3FC0] =	sst s2  }
0x8f: {  	_ = 	snop  }
0x90: {  	(tm) =	ssettm $0x1  }
0x91: {  	s17 =	sld [smem:$0x3FFB];
	_ =	sdelay $0x3  }
0x92: {  	_ =	strace s17  }
0x93: {  	s2 =	sld [smem:$0x3FFC];
	_ =	sdelay $0x3  }
0x94: {  	_ =	strace s2  }
0x95: {  	s2 =	sld [smem:$0x3FFD];
	_ =	sdelay $0x3  }
0x96: {  	_ =	strace s2  }
0x97: {  	_ =	strace $0x8FFFFFFF  }
0x98: {  	s18 =	sld [smem:$0x3FDB];
	_ =	sdelay $0x1  }
0x99: {  	s19 =	simm.s32 $_scs_section_size  }
0x9a: {  	s4 =	simm.s32 $_size__tile_overlayer_lowered;
	s5 =	simm.s32 $_tile_overlayer_lowered  }
0x9b: {  	s22 =	simm.s32 $0x1BFF;
	s21 =	sshll.u32 s5, $0x1;
	s2 =	sadd.s32 s19, s18  }
0x9c: {  	s6 =	simm.s32 $0x0;
	s20 =	sshll.u32 s4, $0x1;
	s4 =	sadd.s32 s21, s2  }
0x9d: {  	[timem:s6], [sflag:s22] =	dma.local [hbm:s4], s20  }
0x9e: {  	_ =	swait.ge [sflag:s22], s20  }
0x9f: {  	s3 =	ssub.s32 $0x0, s20;
	[sflag:s22] =	ssyncset.done $0x0  }
0xa0: {  	[sflag:s22] =	ssyncadd.s32 s3;
	_ =	sdelay $0x1  }
0xa1: {  	s23 =	simm.s32 $0x1B8B  }
0xa2: {  	_ =	swait.ge [sflag:s23], $0x1  }
0xa3: {  	[sflag:s23] =	ssyncset.done $0x0  }
0xa4: {  	s25 =	simm.s32 $0x1B8E;
	s24 =	sld [smem:$0x3FFE];
	[sflag:s23] =	ssyncadd.s32 $0xFFFFFFFF  }
0xa5: {  	s26 =	simm.s32 $execute0_lowered;
	[smem:$0x3FD2] =	sst s25  }
0xa6: {  	s4 =	sshll.u32 s26, $0x1;
	_ =	strace $0x8000004C;
	[dreg:$0x1] =	wrdreg $0xFFFFFFFF  }
0xa7: {  	s28 =	simm.s32 $_size_execute0_lowered;
	s2 =	sadd.s32 s2, s4;
	[dreg:$0x0] =	wrdreg $0x0  }
0xa8: {  	s4 =	sshll.u32 s28, $0x1;
	[dreg:$0x2] =	wrdreg s2  }
0xa9: {  	[dreg:$0x3] =	wrdreg s4  }
0xaa: {  	[dreg:$0x4] =	wrdreg $0xC0  }
0xab: {  	_ =	task [dreg:s6], $0x5FFFF  }
0xac: {  	[dreg:$0x1] =	wrdreg $0xFFFFFFFF  }
0xad: {  	[dreg:$0x0] =	wrdreg $0x60  }
0xae: {  	[dreg:$0x2] =	wrdreg s24  }
0xaf: {  	[dreg:$0x3] =	wrdreg $0xBA000  }
0xb0: {  	[dreg:$0x4] =	wrdreg $0x9  }
0xb1: {  	_ =	task.clear_ibuf [dreg:s6], $0x5FFFF;
	_ =	strace $0x9000004C  }
0xb2: {  	s29 =	simm.s32 $0x9;
	_ =	strace $0x8000004E  }
0xb3: {  	_ =	swait.ge [sflag:s29], $0x1  }
0xb4: {  	[sflag:s29] =	ssyncadd.s32 $0xFFFFFFFF  }
0xb5: {  	_ =	strace $0x9000004E  }
0xb6: {  	_ =	sfence  }
0xb7: {  	s30 =	sld [smem:$0x0];
	_ =	sdelay $0x2  }
0xb8: {  	s31 =	sshll.u32 s1, $0xD;
	s1 =	sshrl.u32 s1, $0x2  }
0xb9: {  	s3 =	sand.u32 $0x4000, s31;
	s1 =	sadd.s32 s1, s30  }
0xba: {  	s0 =	sor.u32 s3, s0;
	s1 =	sshll.u32 s1, $0x11  }
0xbb: {  	s0 =	sor.u32 s1, s0  }
0xbc: {  	s0 =	sadd.s32 $0x8F2B, s0  }
0xbd: {  	[sflag:s0] =	ssyncadd.remote.s32 $0x1  }
0xbe: {  	_ =	sfence.sel $0xFFFF  }
0xbf: {  	[dreg:$0x0] =	wrdreg $0xFFFFFFFF;
	(pc) =	sbr.abs _section_cstart, $3  }
0xc0: {  	[dreg:$0x1] =	wrdreg $0xFFFFFFFF  }
0xc1: {  	_ =	task.clear_ibuf [dreg:s6], $0x2FFFF;
	_ =	strace $0x9FFFFFFF  }
0xc2: {  	(tm) =	ssettm $0x7FFFFFFF  }
0xc3: {  	_ =	shalt  }
tec
execute0_lowered:
.L_overlay_start_1:
0x0: {  	(tag) =	ssettag $0x1  }
0x1: {  	s0 =	rddreg [dreg:$0x0]  }
0x2: {  	s2 =	rddreg [dreg:$0x1]  }
0x3: {  	s1 =	srdreg.scid;
	s8 =	stileid.u32  }
0x4: {  	s3 =	simm.s32 $0x0;
	s18 =	simm.s32 $0x3A00;
	s19 =	simm.s32 $0x5  }
0x5: {  	s20 =	simm.s32 $0x2;
	s21 =	simm.s32 $0x80;
	s22 =	simm.s32 $0x3800  }
0x6: {  	s28 =	simm.s32 $0x3980;
	s29 =	simm.s32 $0x3;
	s30 =	simm.s32 $0x4  }
0x7: {  	s31 =	simm.s32 $0x0;
	s1 =	sand.u32 $0x1, s1;
	s5 =	smul.u32 $0x280, s8  }
0x8: {  	[smem:$0x7FF] =	sst s3;
	s4 =	sshll.u32 s1, $0x4;
	s6 =	smul.u32 $0x2800, s1  }
0x9: {  	_ =	strace $0x8000004D;
	s23 =	ssub.s32 $0x2, s1;
	p0 =	seq.s32 s1, $0x0  }
0xa: {  	s7 =	sor.u32 s8, s4;
	s4 =	sadd.s32 $0x1EA00, s0;
	s8 =	smul.u32 $0x50000, s8  }
0xb: {  	s24 =	sshrl.u32 s23, $0x1;
	s7 =	smul.u32 $0x700, s7;
	s5 =	sadd.s32 s5, s6  }
0xc: {  	s17 =	ssub.s32 s23, s24;
	s23 =	simm.s32 $0x3900;
	s24 =	simm.s32 $0x7A00  }
0xd: {  	s5 =	sshll.u32 s5, $0x4;
	s25 =	sshrl.u32 s8, $0x2;
	s17 =	smax.u32 s17, $0x1  }
0xe: {  	s11 =	sadd.s32 s7, s0;
	s0 =	sadd.s32 s5, s0;
	s5 =	simm.s32 $0x37  }
0xf: {  	s6 =	sadd.s32 s25, s2;
	s25 =	simm.s32 $0x1;
	s5 =	simm.s32 @!p0 $0x17  }
0x10: {  	s7 =	sadd.s32 $0x4000, s6;
	s8 =	sadd.s32 $0x8000, s6;
	s9 =	sadd.s32 $0xC000, s6  }
0x11: {  	s10 =	sadd.s32 $0x10000, s6;
	s26 =	sadd.s32 $0x10A00, s11;
	s12 =	sadd.s32 $0x46A00, s0  }
0x12: {  	s13 =	sadd.s32 $0x47200, s0;
	s14 =	sadd.s32 $0x47A00, s0;
	s15 =	sadd.s32 $0x48200, s0  }
0x13: {  	v0 =	vimm.f32 $0.0e+00;
	s16 =	sadd.s32 $0x48A00, s0;
	[dreg:$0x3] =	wrdreg s26;
	s26 =	simm.s32 $0x3880  }
.LBB2_1:
0x14: {  	s0 =	simm.s32 $0x0;
	s1 =	simm.s32 $0x200  }
.LBB2_2:
0x15: {  	p0 =	sne.s32 s1, $0xFE00;
	[tilespmem:s0+$0x3A70] =	vst v0  }
0x16: {  	[tilespmem:s0+$0x3A00] =	vst v0  }
0x17: {  	[tilespmem:s0+$0x3A10] =	vst v0  }
.Ltmp0:
0x18: {  	[tilespmem:s0+$0x3A20] =	vst v0;
	(pc) =	sbr.rel @p0 .LBB2_2-.Ltmp0, $4  }
0x19: {  	[tilespmem:s0+$0x3A30] =	vst v0  }
0x1a: {  	[tilespmem:s0+$0x3A40] =	vst v0  }
0x1b: {  	[tilespmem:s0+$0x3A50] =	vst v0  }
0x1c: {  	[tilespmem:s0+$0x3A60] =	vst v0;
	s0 =	sshra.s32 s1, $0x2;
	s1 =	sadd.s32 $0x200, s1  }
0x1d: {  	[tilespmem:s0+$0x3A70] =	vst v0  }
0x1e: {  	[tilespmem:s0+$0x3A00] =	vst v0  }
0x1f: {  	[tilespmem:s0+$0x3A10] =	vst v0  }
0x20: {  	[tilespmem:s0+$0x3A20] =	vst v0  }
0x21: {  	[tilespmem:s0+$0x3A30] =	vst v0  }
0x22: {  	[tilespmem:s0+$0x3A40] =	vst v0  }
0x23: {  	[tilespmem:s0+$0x3A50] =	vst v0  }
0x24: {  	[tilespmem:s0+$0x3A60] =	vst v0  }
0x25: {  	[spmem:s6] =	stream.linear.scatter [tilespmem:s18], [sflag:$0x2], $0x4000, $0x38;
	[tilespmem:$0x1FA00] =	vst v63  }
0x26: {  	_ = 	snop  }
0x27: {  	[spmem:s7] =	stream.linear.scatter [tilespmem:s18], [sflag:$0x2], $0x4000, $0x38;
	[tilespmem:$0x1FA00] =	vst v63  }
0x28: {  	_ = 	snop  }
0x29: {  	[spmem:s8] =	stream.linear.scatter [tilespmem:s18], [sflag:$0x2], $0x4000, $0x38;
	[tilespmem:$0x1FA00] =	vst v63  }
0x2a: {  	_ = 	snop  }
0x2b: {  	[spmem:s9] =	stream.linear.scatter [tilespmem:s18], [sflag:$0x2], $0x4000, $0x38;
	[tilespmem:$0x1FA00] =	vst v63  }
0x2c: {  	_ = 	snop  }
0x2d: {  	[spmem:s10] =	stream.linear.scatter [tilespmem:s18], [sflag:$0x2], $0x4000, $0x38;
	[tilespmem:$0x1FA00] =	vst v63  }
0x2e: {  	s11 =	rddreg [dreg:$0x3]  }
0x2f: {  	[tilespmem:s3], [sflag:$0x5] =	stream.linear.gather [hbm4b:s11+s3], $0x3780, $0x38;
	[tilespmem:$0x1FA00] =	vst v63  }
0x30: {  	_ =	swait.ge [sflag:s19], $0x3780  }
0x31: {  	[sflag:s19] =	ssyncset.done $0x0  }
0x32: {  	[sflag:s19] =	ssyncadd.s32 $0xFFFFC880  }
0x33: {  	_ =	swait.ge [sflag:s20], $0x4000  }
0x34: {  	[sflag:s20] =	ssyncset.done $0x0  }
0x35: {  	[sflag:s20] =	ssyncadd.s32 $0xFFFFC000  }
0x36: {  	_ =	swait.ge [sflag:s20], $0x4000  }
0x37: {  	[sflag:s20] =	ssyncset.done $0x0  }
0x38: {  	[sflag:s20] =	ssyncadd.s32 $0xFFFFC000  }
0x39: {  	_ =	swait.ge [sflag:s20], $0x4000  }
0x3a: {  	[sflag:s20] =	ssyncset.done $0x0  }
0x3b: {  	[sflag:s20] =	ssyncadd.s32 $0xFFFFC000  }
0x3c: {  	_ =	swait.ge [sflag:s20], $0x4000  }
0x3d: {  	[sflag:s20] =	ssyncset.done $0x0  }
0x3e: {  	[sflag:s20] =	ssyncadd.s32 $0xFFFFC000  }
0x3f: {  	_ =	swait.ge [sflag:s20], $0x4000  }
0x40: {  	[sflag:s20] =	ssyncset.done $0x0  }
0x41: {  	[sflag:s20] =	ssyncadd.s32 $0xFFFFC000  }
0x42: {  	[bflag:$0x0] =	sbarrier.arrive $0xFFFF  }
0x43: {  	v1 =	vld [tilespmem:$0x0];
	_ =	sdelay $0x1  }
0x44: {  	v2 =	vld [tilespmem:$0x10];
	_ =	sdelay $0x1  }
0x45: {  	v3 =	vld [tilespmem:$0x20]  }
0x46: {  	v4 =	vshrl.u32 v1, $0xE  }
0x47: {  	v62 =	vld [tilespmem:$0x30];
	v1 =	vand.u32 $0x3FFF, v1;
	[tilespmem:$0x3800] =	vst v4  }
0x48: {  	[tilespmem:$0x3880] =	vst v1;
	v1 =	vshrl.u32 v2, $0xE  }
0x49: {  	[tilespmem:$0x3810] =	vst v1;
	v1 =	vand.u32 $0x3FFF, v2;
	v2 =	vld [tilespmem:$0x40]  }
0x4a: {  	[tilespmem:$0x3890] =	vst v1;
	v1 =	vshrl.u32 v3, $0xE  }
0x4b: {  	[tilespmem:$0x3820] =	vst v1;
	v1 =	vand.u32 $0x3FFF, v3;
	v3 =	vld [tilespmem:$0x50]  }
0x4c: {  	[tilespmem:$0x38A0] =	vst v1;
	v1 =	vshrl.u32 v62, $0xE  }
0x4d: {  	v63 =	vld [tilespmem:$0x60];
	[tilespmem:$0x3830] =	vst v1;
	v1 =	vand.u32 $0x3FFF, v62  }
0x4e: {  	[tilespmem:$0x38B0] =	vst v1;
	v1 =	vshrl.u32 v2, $0xE  }
0x4f: {  	[tilespmem:$0x3840] =	vst v1;
	v1 =	vand.u32 $0x3FFF, v2;
	v2 =	vld [tilespmem:$0x70]  }
0x50: {  	[tilespmem:$0x38C0] =	vst v1;
	v1 =	vshrl.u32 v3, $0xE  }
0x51: {  	[tilespmem:$0x3850] =	vst v1;
	v1 =	vand.u32 $0x3FFF, v3  }
0x52: {  	[tilespmem:$0x38D0] =	vst v1;
	v1 =	vshrl.u32 v63, $0xE  }
0x53: {  	[tilespmem:$0x3860] =	vst v1;
	v1 =	vand.u32 $0x3FFF, v63  }
0x54: {  	[tilespmem:$0x38E0] =	vst v1;
	v1 =	vshrl.u32 v2, $0xE  }
0x55: {  	[tilespmem:$0x3870] =	vst v1;
	v1 =	vand.u32 $0x3FFF, v2  }
0x56: {  	s0 =	simm.s32 $0xC0;
	[tilespmem:$0x38F0] =	vst v1  }
0x57: {  	[tilespmem:s18], [sflag:$0x1] =	stream.indirect.gather [hbm4b:s4+s21], $0x80, s22, s21, $0xb8;
	[tilespmem:$0x1FA00] =	vst v63  }
0x58: {  	v1 =	vld [tilespmem:s0+$0xFFFFFFC0];
	_ =	sdelay $0x4  }
0x59: {  	v2 =	vshrl.u32 v1, $0xE  }
0x5a: {  	v1 =	vand.u32 $0x3FFF, v1;
	[tilespmem:$0x3900] =	vst v2  }
0x5b: {  	[tilespmem:$0x3980] =	vst v1  }
0x5c: {  	v1 =	vld [tilespmem:s0+$0xFFFFFFD0];
	_ =	sdelay $0x4  }
0x5d: {  	v2 =	vshrl.u32 v1, $0xE  }
0x5e: {  	v1 =	vand.u32 $0x3FFF, v1;
	[tilespmem:$0x3910] =	vst v2  }
0x5f: {  	[tilespmem:$0x3990] =	vst v1  }
0x60: {  	v1 =	vld [tilespmem:s0+$0xFFFFFFE0];
	_ =	sdelay $0x4  }
0x61: {  	v2 =	vshrl.u32 v1, $0xE  }
0x62: {  	v1 =	vand.u32 $0x3FFF, v1;
	[tilespmem:$0x3920] =	vst v2  }
0x63: {  	[tilespmem:$0x39A0] =	vst v1  }
0x64: {  	v1 =	vld [tilespmem:s0+$0xFFFFFFF0];
	_ =	sdelay $0x4  }
0x65: {  	v2 =	vshrl.u32 v1, $0xE  }
0x66: {  	v1 =	vand.u32 $0x3FFF, v1;
	[tilespmem:$0x3930] =	vst v2  }
0x67: {  	[tilespmem:$0x39B0] =	vst v1  }
0x68: {  	v1 =	vld [tilespmem:s0+$0x0];
	_ =	sdelay $0x4  }
0x69: {  	v2 =	vshrl.u32 v1, $0xE  }
0x6a: {  	v1 =	vand.u32 $0x3FFF, v1;
	[tilespmem:$0x3940] =	vst v2  }
0x6b: {  	[tilespmem:$0x39C0] =	vst v1  }
0x6c: {  	v1 =	vld [tilespmem:s0+$0x10];
	_ =	sdelay $0x4  }
0x6d: {  	v2 =	vshrl.u32 v1, $0xE  }
0x6e: {  	v1 =	vand.u32 $0x3FFF, v1;
	[tilespmem:$0x3950] =	vst v2  }
0x6f: {  	[tilespmem:$0x39D0] =	vst v1  }
0x70: {  	v1 =	vld [tilespmem:s0+$0x20];
	_ =	sdelay $0x4  }
0x71: {  	v2 =	vshrl.u32 v1, $0xE  }
0x72: {  	v1 =	vand.u32 $0x3FFF, v1;
	[tilespmem:$0x3960] =	vst v2  }
0x73: {  	[tilespmem:$0x39E0] =	vst v1  }
0x74: {  	v1 =	vld [tilespmem:s0+$0x30];
	_ =	sdelay $0x4  }
0x75: {  	v2 =	vshrl.u32 v1, $0xE  }
0x76: {  	v1 =	vand.u32 $0x3FFF, v1;
	[tilespmem:$0x3970] =	vst v2  }
0x77: {  	[tilespmem:$0x39F0] =	vst v1  }
0x78: {  	[tilespmem:s24], [sflag:$0x2] =	stream.indirect.gather [hbm4b:s4+s21], $0x80, s23, s21, $0xb8;
	[tilespmem:$0x1FA00] =	vst v63  }
0x79: {  	_ =	swait.ge [sflag:s25], $0x4000  }
0x7a: {  	[sflag:s25] =	ssyncset.done $0x0  }
0x7b: {  	[sflag:s25] =	ssyncadd.s32 $0xFFFFC000  }
0x7c: {  	[spmem:s2] =	stream.indirect.scatter.add.f32 [tilespmem:s18], [sflag:$0x5], $0x80, s26, s21, $0xb8;
	[tilespmem:$0x1FA00] =	vst v63  }
0x7d: {  	_ =	swait.ge [sflag:s19], $0x4000  }
0x7e: {  	[sflag:s19] =	ssyncset.done $0x0  }
0x7f: {  	[sflag:s19] =	ssyncadd.s32 $0xFFFFC000  }
0x80: {  	v1 =	vld [tilespmem:s0+$0x40];
	_ =	sdelay $0x4  }
0x81: {  	v2 =	vshrl.u32 v1, $0xE  }
0x82: {  	v1 =	vand.u32 $0x3FFF, v1;
	[tilespmem:$0x3800] =	vst v2  }
0x83: {  	[tilespmem:$0x3880] =	vst v1  }
0x84: {  	v1 =	vld [tilespmem:s0+$0x50];
	_ =	sdelay $0x4  }
0x85: {  	v2 =	vshrl.u32 v1, $0xE  }
0x86: {  	v1 =	vand.u32 $0x3FFF, v1;
	[tilespmem:$0x3810] =	vst v2  }
0x87: {  	[tilespmem:$0x3890] =	vst v1  }
0x88: {  	v1 =	vld [tilespmem:s0+$0x60];
	_ =	sdelay $0x4  }
0x89: {  	v2 =	vshrl.u32 v1, $0xE  }
0x8a: {  	v1 =	vand.u32 $0x3FFF, v1;
	[tilespmem:$0x3820] =	vst v2  }
0x8b: {  	[tilespmem:$0x38A0] =	vst v1  }
0x8c: {  	v1 =	vld [tilespmem:s0+$0x70];
	_ =	sdelay $0x4  }
0x8d: {  	v2 =	vshrl.u32 v1, $0xE  }
0x8e: {  	v1 =	vand.u32 $0x3FFF, v1;
	[tilespmem:$0x3830] =	vst v2  }
0x8f: {  	[tilespmem:$0x38B0] =	vst v1  }
0x90: {  	v1 =	vld [tilespmem:s0+$0x80];
	_ =	sdelay $0x4  }
0x91: {  	v2 =	vshrl.u32 v1, $0xE  }
0x92: {  	v1 =	vand.u32 $0x3FFF, v1;
	[tilespmem:$0x3840] =	vst v2  }
0x93: {  	[tilespmem:$0x38C0] =	vst v1  }
0x94: {  	v1 =	vld [tilespmem:s0+$0x90];
	_ =	sdelay $0x4  }
0x95: {  	v2 =	vshrl.u32 v1, $0xE  }
0x96: {  	v1 =	vand.u32 $0x3FFF, v1;
	[tilespmem:$0x3850] =	vst v2  }
0x97: {  	[tilespmem:$0x38D0] =	vst v1  }
0x98: {  	v1 =	vld [tilespmem:s0+$0xA0]  }
0x99: {  	p0 =	sne.s32 s5, $0x1  }
.Ltmp1:
0x9a: {  	_ = 	snop;
	(pc) =	sbr.rel @!p0 .LBB2_5-.Ltmp1, $3  }
0x9b: {  	_ =	sdelay $0x1  }
0x9c: {  	v2 =	vshrl.u32 v1, $0xE  }
0x9d: {  	s1 =	sadd.s32 $0xFFFFFFFF, s5;
	s11 =	simm.s32 $0xC0;
	v1 =	vand.u32 $0x3FFF, v1;
	[tilespmem:$0x3860] =	vst v2  }
.LBB2_4:
0x9e: {  	p0 =	sne.s32 s1, $0x1;
	s1 =	sadd.s32 $0xFFFFFFFF, s1;
	[tilespmem:$0x38E0] =	vst v1;
	s11 =	sadd.s32 $0x100, s11  }
0x9f: {  	v1 =	vld [tilespmem:s0+$0xB0];
	s0 =	smov.u32 s11;
	_ =	sdelay $0x4  }
0xa0: {  	v2 =	vshrl.u32 v1, $0xE;
	v1 =	vand.u32 $0x3FFF, v1  }
0xa1: {  	[tilespmem:$0x3870] =	vst v2  }
0xa2: {  	[tilespmem:$0x38F0] =	vst v1  }
0xa3: {  	[tilespmem:s18], [sflag:$0x1] =	stream.indirect.gather [hbm4b:s4+s21], $0x80, s22, s21, $0xb8;
	[tilespmem:$0x1FA00] =	vst v63  }
0xa4: {  	_ =	swait.ge [sflag:s20], $0x4000  }
0xa5: {  	[sflag:s20] =	ssyncset.done $0x0  }
0xa6: {  	[sflag:s20] =	ssyncadd.s32 $0xFFFFC000  }
0xa7: {  	[spmem:s2] =	stream.indirect.scatter.add.f32 [tilespmem:s24], [sflag:$0x5], $0x80, s28, s21, $0xb8;
	[tilespmem:$0x1FA00] =	vst v63  }
0xa8: {  	_ =	swait.ge [sflag:s19], $0x4000  }
0xa9: {  	[sflag:s19] =	ssyncset.done $0x0  }
0xaa: {  	[sflag:s19] =	ssyncadd.s32 $0xFFFFC000  }
0xab: {  	v1 =	vld [tilespmem:s11+$0xFFFFFFC0];
	_ =	sdelay $0x4  }
0xac: {  	v2 =	vshrl.u32 v1, $0xE;
	v1 =	vand.u32 $0x3FFF, v1  }
0xad: {  	[tilespmem:$0x3900] =	vst v2  }
0xae: {  	[tilespmem:$0x3980] =	vst v1  }
0xaf: {  	v1 =	vld [tilespmem:s11+$0xFFFFFFD0];
	_ =	sdelay $0x4  }
0xb0: {  	v2 =	vshrl.u32 v1, $0xE;
	v1 =	vand.u32 $0x3FFF, v1  }
0xb1: {  	[tilespmem:$0x3910] =	vst v2  }
0xb2: {  	[tilespmem:$0x3990] =	vst v1  }
0xb3: {  	v1 =	vld [tilespmem:s11+$0xFFFFFFE0];
	_ =	sdelay $0x4  }
0xb4: {  	v2 =	vshrl.u32 v1, $0xE;
	v1 =	vand.u32 $0x3FFF, v1  }
0xb5: {  	[tilespmem:$0x3920] =	vst v2  }
0xb6: {  	[tilespmem:$0x39A0] =	vst v1  }
0xb7: {  	v1 =	vld [tilespmem:s11+$0xFFFFFFF0];
	_ =	sdelay $0x4  }
0xb8: {  	v2 =	vshrl.u32 v1, $0xE;
	v1 =	vand.u32 $0x3FFF, v1  }
0xb9: {  	[tilespmem:$0x3930] =	vst v2  }
0xba: {  	[tilespmem:$0x39B0] =	vst v1  }
0xbb: {  	v1 =	vld [tilespmem:s11+$0x0];
	_ =	sdelay $0x4  }
0xbc: {  	v2 =	vshrl.u32 v1, $0xE;
	v1 =	vand.u32 $0x3FFF, v1  }
0xbd: {  	[tilespmem:$0x3940] =	vst v2  }
0xbe: {  	[tilespmem:$0x39C0] =	vst v1  }
0xbf: {  	v1 =	vld [tilespmem:s11+$0x10];
	_ =	sdelay $0x4  }
0xc0: {  	v2 =	vshrl.u32 v1, $0xE;
	v1 =	vand.u32 $0x3FFF, v1  }
0xc1: {  	[tilespmem:$0x3950] =	vst v2  }
0xc2: {  	[tilespmem:$0x39D0] =	vst v1  }
0xc3: {  	v1 =	vld [tilespmem:s11+$0x20];
	_ =	sdelay $0x4  }
0xc4: {  	v2 =	vshrl.u32 v1, $0xE;
	v1 =	vand.u32 $0x3FFF, v1  }
0xc5: {  	[tilespmem:$0x3960] =	vst v2  }
0xc6: {  	[tilespmem:$0x39E0] =	vst v1  }
0xc7: {  	v1 =	vld [tilespmem:s11+$0x30];
	_ =	sdelay $0x4  }
0xc8: {  	v2 =	vshrl.u32 v1, $0xE;
	v1 =	vand.u32 $0x3FFF, v1  }
0xc9: {  	[tilespmem:$0x3970] =	vst v2  }
0xca: {  	[tilespmem:$0x39F0] =	vst v1  }
0xcb: {  	[tilespmem:s24], [sflag:$0x2] =	stream.indirect.gather [hbm4b:s4+s21], $0x80, s23, s21, $0xb8;
	[tilespmem:$0x1FA00] =	vst v63  }
0xcc: {  	_ =	swait.ge [sflag:s25], $0x4000  }
0xcd: {  	[sflag:s25] =	ssyncset.done $0x0  }
0xce: {  	[sflag:s25] =	ssyncadd.s32 $0xFFFFC000  }
0xcf: {  	[spmem:s2] =	stream.indirect.scatter.add.f32 [tilespmem:s18], [sflag:$0x5], $0x80, s26, s21, $0xb8;
	[tilespmem:$0x1FA00] =	vst v63  }
0xd0: {  	_ =	swait.ge [sflag:s19], $0x4000  }
0xd1: {  	[sflag:s19] =	ssyncset.done $0x0  }
0xd2: {  	[sflag:s19] =	ssyncadd.s32 $0xFFFFC000  }
0xd3: {  	v1 =	vld [tilespmem:s11+$0x40];
	_ =	sdelay $0x4  }
0xd4: {  	v2 =	vshrl.u32 v1, $0xE;
	v1 =	vand.u32 $0x3FFF, v1  }
0xd5: {  	[tilespmem:$0x3800] =	vst v2  }
0xd6: {  	[tilespmem:$0x3880] =	vst v1  }
0xd7: {  	v1 =	vld [tilespmem:s11+$0x50];
	_ =	sdelay $0x4  }
0xd8: {  	v2 =	vshrl.u32 v1, $0xE;
	v1 =	vand.u32 $0x3FFF, v1  }
0xd9: {  	[tilespmem:$0x3810] =	vst v2  }
0xda: {  	[tilespmem:$0x3890] =	vst v1  }
0xdb: {  	v1 =	vld [tilespmem:s11+$0x60];
	_ =	sdelay $0x4  }
0xdc: {  	v2 =	vshrl.u32 v1, $0xE;
	v1 =	vand.u32 $0x3FFF, v1  }
0xdd: {  	[tilespmem:$0x3820] =	vst v2  }
0xde: {  	[tilespmem:$0x38A0] =	vst v1  }
0xdf: {  	v1 =	vld [tilespmem:s11+$0x70];
	_ =	sdelay $0x4  }
0xe0: {  	v2 =	vshrl.u32 v1, $0xE;
	v1 =	vand.u32 $0x3FFF, v1  }
0xe1: {  	[tilespmem:$0x3830] =	vst v2  }
0xe2: {  	[tilespmem:$0x38B0] =	vst v1  }
0xe3: {  	v1 =	vld [tilespmem:s11+$0x80];
	_ =	sdelay $0x4  }
0xe4: {  	v2 =	vshrl.u32 v1, $0xE;
	v1 =	vand.u32 $0x3FFF, v1  }
0xe5: {  	[tilespmem:$0x3840] =	vst v2  }
0xe6: {  	[tilespmem:$0x38C0] =	vst v1  }
0xe7: {  	v1 =	vld [tilespmem:s11+$0x90];
	_ =	sdelay $0x4  }
0xe8: {  	v2 =	vshrl.u32 v1, $0xE;
	v1 =	vand.u32 $0x3FFF, v1  }
0xe9: {  	[tilespmem:$0x3850] =	vst v2  }
0xea: {  	[tilespmem:$0x38D0] =	vst v1  }
0xeb: {  	v1 =	vld [tilespmem:s11+$0xA0];
	_ =	sdelay $0x1  }
.Ltmp2:
0xec: {  	(pc) =	sbr.rel @p0 .LBB2_4-.Ltmp2, $3  }
0xed: {  	_ =	sdelay $0x1  }
0xee: {  	v2 =	vshrl.u32 v1, $0xE;
	v1 =	vand.u32 $0x3FFF, v1  }
0xef: {  	[tilespmem:$0x3860] =	vst v2  }
.LBB2_5:
0xf0: {  	[tilespmem:$0x38E0] =	vst v1  }
0xf1: {  	v1 =	vld [tilespmem:s0+$0xB0];
	_ =	sdelay $0x4  }
0xf2: {  	v2 =	vshrl.u32 v1, $0xE  }
0xf3: {  	v1 =	vand.u32 $0x3FFF, v1;
	[tilespmem:$0x3870] =	vst v2  }
0xf4: {  	[tilespmem:$0x38F0] =	vst v1  }
0xf5: {  	[tilespmem:s18], [sflag:$0x1] =	stream.indirect.gather [hbm4b:s4+s21], $0x80, s22, s21, $0xb8;
	[tilespmem:$0x1FA00] =	vst v63  }
0xf6: {  	_ =	swait.ge [sflag:s20], $0x4000  }
0xf7: {  	[sflag:s20] =	ssyncset.done $0x0  }
0xf8: {  	[sflag:s20] =	ssyncadd.s32 $0xFFFFC000  }
0xf9: {  	[spmem:s2] =	stream.indirect.scatter.add.f32 [tilespmem:s24], [sflag:$0x5], $0x80, s28, s21, $0xb8;
	[tilespmem:$0x1FA00] =	vst v63  }
0xfa: {  	_ =	swait.ge [sflag:s19], $0x4000  }
0xfb: {  	[sflag:s19] =	ssyncset.done $0x0  }
0xfc: {  	[sflag:s19] =	ssyncadd.s32 $0xFFFFC000  }
0xfd: {  	_ =	swait.ge [sflag:s25], $0x4000  }
0xfe: {  	[sflag:s25] =	ssyncset.done $0x0  }
0xff: {  	[sflag:s25] =	ssyncadd.s32 $0xFFFFC000  }
0x100: {  	[spmem:s2] =	stream.indirect.scatter.add.f32 [tilespmem:s18], [sflag:$0x5], $0x80, s26, s21, $0xb8;
	[tilespmem:$0x1FA00] =	vst v63  }
0x101: {  	_ =	swait.ge [sflag:s19], $0x4000  }
0x102: {  	[sflag:s19] =	ssyncset.done $0x0  }
0x103: {  	[sflag:s19] =	ssyncadd.s32 $0xFFFFC000  }
0x104: {  	[bflag:$0x0] =	sbarrier.arrive $0xFFFF  }
0x105: {  	[tilespmem:s18], [sflag:$0x1] =	stream.linear.gather [spmem:s6], $0x4000, $0x38;
	[tilespmem:$0x1FA00] =	vst v63  }
0x106: {  	_ = 	snop  }
0x107: {  	[tilespmem:s24], [sflag:$0x2] =	stream.linear.gather [spmem:s7], $0x4000, $0x38;
	[tilespmem:$0x1FA00] =	vst v63  }
0x108: {  	_ =	swait.ge [sflag:s25], $0x4000  }
0x109: {  	[sflag:s25] =	ssyncset.done $0x0  }
0x10a: {  	[sflag:s25] =	ssyncadd.s32 $0xFFFFC000  }
0x10b: {  	[hbm4b:s12+s3] =	stream.linear.scatter [tilespmem:s18], [sflag:$0x3], $0x4000, $0x38;
	[tilespmem:$0x1FA00] =	vst v63  }
0x10c: {  	_ =	swait.ge [sflag:s29], $0x4000  }
0x10d: {  	[sflag:s29] =	ssyncset.done $0x0  }
0x10e: {  	[sflag:s29] =	ssyncadd.s32 $0xFFFFC000  }
0x10f: {  	[tilespmem:s18], [sflag:$0x1] =	stream.linear.gather [spmem:s8], $0x4000, $0x38;
	[tilespmem:$0x1FA00] =	vst v63  }
0x110: {  	_ =	swait.ge [sflag:s20], $0x4000  }
0x111: {  	[sflag:s20] =	ssyncset.done $0x0  }
0x112: {  	[sflag:s20] =	ssyncadd.s32 $0xFFFFC000  }
0x113: {  	[hbm4b:s13+s3] =	stream.linear.scatter [tilespmem:s24], [sflag:$0x4], $0x4000, $0x38;
	[tilespmem:$0x1FA00] =	vst v63  }
0x114: {  	_ =	swait.ge [sflag:s30], $0x4000  }
0x115: {  	[sflag:s30] =	ssyncset.done $0x0  }
0x116: {  	[sflag:s30] =	ssyncadd.s32 $0xFFFFC000  }
0x117: {  	[tilespmem:s24], [sflag:$0x2] =	stream.linear.gather [spmem:s9], $0x4000, $0x38;
	[tilespmem:$0x1FA00] =	vst v63  }
0x118: {  	_ =	swait.ge [sflag:s25], $0x4000  }
0x119: {  	[sflag:s25] =	ssyncset.done $0x0  }
0x11a: {  	[sflag:s25] =	ssyncadd.s32 $0xFFFFC000  }
0x11b: {  	[hbm4b:s14+s3] =	stream.linear.scatter [tilespmem:s18], [sflag:$0x3], $0x4000, $0x38;
	[tilespmem:$0x1FA00] =	vst v63  }
0x11c: {  	_ =	swait.ge [sflag:s29], $0x4000  }
0x11d: {  	[sflag:s29] =	ssyncset.done $0x0  }
0x11e: {  	[sflag:s29] =	ssyncadd.s32 $0xFFFFC000  }
0x11f: {  	[tilespmem:s18], [sflag:$0x1] =	stream.linear.gather [spmem:s10], $0x4000, $0x38;
	[tilespmem:$0x1FA00] =	vst v63  }
0x120: {  	_ =	swait.ge [sflag:s20], $0x4000  }
0x121: {  	[sflag:s20] =	ssyncset.done $0x0  }
0x122: {  	[sflag:s20] =	ssyncadd.s32 $0xFFFFC000  }
0x123: {  	[hbm4b:s15+s3] =	stream.linear.scatter [tilespmem:s24], [sflag:$0x4], $0x4000, $0x38;
	[tilespmem:$0x1FA00] =	vst v63  }
0x124: {  	_ =	swait.ge [sflag:s25], $0x4000  }
0x125: {  	[sflag:s25] =	ssyncset.done $0x0  }
0x126: {  	s31 =	sadd.s32 $0x1, s31;
	[sflag:s25] =	ssyncadd.s32 $0xFFFFC000  }
0x127: {  	[hbm4b:s16+s3] =	stream.linear.scatter [tilespmem:s18], [sflag:$0x3], $0x4000, $0x38;
	[tilespmem:$0x1FA00] =	vst v63  }
0x128: {  	p0 =	sne.s32 s31, s17;
	_ =	swait.ge [sflag:s30], $0x4000  }
.Ltmp3:
0x129: {  	[sflag:s30] =	ssyncset.done $0x0;
	(pc) =	sbr.rel @p0 .LBB2_1-.Ltmp3, $4  }
0x12a: {  	[sflag:s30] =	ssyncadd.s32 $0xFFFFC000  }
0x12b: {  	_ =	swait.ge [sflag:s29], $0x4000  }
0x12c: {  	[sflag:s29] =	ssyncset.done $0x0  }
0x12d: {  	[sflag:s29] =	ssyncadd.s32 $0xFFFFC000  }
0x12e: {  	_ =	sfence.sel $0x180000  }
0x12f: {  	[bflag:$0x0] =	sbarrier.arrive $0xFFFF  }
0x130: {  	_ =	strace $0x9000004D  }
0x131: {  	s0 =	stileid.u32;
	[bflag:$0x2] =	sbarrier.arrive $0xFFFF  }
0x132: {  	p0 =	sne.s32 s0, $0x0;
	s0 =	rddreg [dreg:$0x2]  }
0x133: {  	s0 =	sadd.s32 @!p0 $0x100000, s0  }
0x134: {  	[sflag:s0] =	ssyncadd.tile.s32 @!p0 $0x1;
	_ =	shalt  }
.Lfunc_end2:
_tile_overlayer_lowered:
.L_overlay_start_2:
0x135: {  	(tag) =	ssettag $0x2  }
0x136: {  	s0 =	rddreg [dreg:$0x0];
	s2 =	stileid.u32  }
0x137: {  	s1 =	rddreg [dreg:$0x1];
	p0 =	sne.s32 s2, $0x0  }
0x138: {  	s3 =	rddreg [dreg:$0x2];
	[bflag:$0x3] =	sbarrier.arrive $0xFFFF;
	s2 =	simm.s32 @!p0 $0x1C05  }
0x139: {  	[timem:s3], [sflag:s2] =	dma.local @!p0 [hbm:s0], s1  }
0x13a: {  	s0 =	simm.s32 @!p0 $0x5  }
0x13b: {  	_ =	swait.ge @!p0 [sflag:s0], s1  }
0x13c: {  	s1 =	ssub.s32 @!p0 $0x0, s1;
	[sflag:s0] =	ssyncset.done @!p0 $0x0  }
0x13d: {  	[sflag:s0] =	ssyncadd.s32 @!p0 s1  }
0x13e: {  	[bflag:$0x3] =	sbarrier.arrive $0xFFFF  }
0x13f: {  	_ =	shalt  }

// kernel: kernel.8.cloned.1.call-start
scs
__scs_entry_jumppad:
0x0: {  	(pc) =	sbr.rel $0x88, $3  }
0x1: {  	(tag) =	ssettag $0x0;
	lr =	simm.s32 $0x1  }
0x2: {  	[smem:$0x3F99] =	sst lr;
	_ =	strace $0xD0000000  }
0x3: {  	_ = 	snop  }
0x4: {  	_ = 	snop  }
0x5: {  	_ = 	snop  }
0x6: {  	_ = 	snop  }
0x7: {  	_ = 	snop  }
__scs_overlays_trampoline_lowered:
0x8: {  	[smem:$0x3FA8] =	sst s0  }
0x9: {  	[smem:$0x3FA9] =	sst s1  }
0xa: {  	[smem:$0x3FAA] =	sst s2  }
0xb: {  	[smem:$0x3FAB] =	sst s3  }
0xc: {  	[smem:$0x3FAC] =	sst s4  }
0xd: {  	[smem:$0x3FAD] =	sst s5  }
0xe: {  	[smem:$0x3FAE] =	sst s6  }
0xf: {  	[smem:$0x3FAF] =	sst s7  }
0x10: {  	[smem:$0x3FB0] =	sst s8  }
0x11: {  	[smem:$0x3FB1] =	sst s9;
	s0 =	simm.s32 @!p0 $0x0  }
0x12: {  	s1 =	sld [smem:$0x3F97];
	s0 =	simm.s32 @p0 $0x1  }
0x13: {  	[smem:$0x3FB2] =	sst s0;
	s0 =	simm.s32 @!p1 $0x0  }
0x14: {  	s2 =	sld [smem:$0x3F96];
	s0 =	simm.s32 @p1 $0x1  }
0x15: {  	[smem:$0x3FB3] =	sst s0;
	s0 =	simm.s32 @!p2 $0x0  }
0x16: {  	s3 =	sld [smem:$0x3FDB];
	s0 =	simm.s32 @p2 $0x1  }
0x17: {  	s4 =	simm.s32 $0x1BF5;
	[smem:$0x3FB5] =	sst s0  }
0x18: {  	s0 =	sld [smem:$0x3F98];
	_ =	swait.ge [sflag:s4], $0x0  }
0x19: {  	s7 =	sld [smem:$0x3F99]  }
0x1a: {  	s8 =	sadd.s32 $0xFFFFE003, lr  }
0x1b: {  	s9 =	sadd.s32 $0xFFFFFEF7, lr;
	s5 =	simm.s32 $0xFFFFFFFF;
	p2 =	slt.u32 s8, $0xFFFFF086  }
0x1c: {  	p1 =	slt.u32 s9, $0xF7A;
	s5 =	simm.s32 @!p2 $0x0  }
0x1d: {  	s5 =	simm.s32 @p1 $0x1;
	p0 =	seq.s32 s7, s2  }
0x1e: {  	s7 =	smul.u32 @!p0 $0xF7A, s2;
	p2 =	seq.s32 @!p0 s5, $0x0  }
0x1f: {  	s9 =	smul.u32 $0xF7A, s1;
	s8 =	simm.s32 @!p0 $0x1BF5;
	p2 =	por !p2, p0  }
0x20: {  	[sflag:s8] =	ssyncset.s32 @!p0 $0xFFFFF086;
	s6 =	sadd.s32 @!p0 s3, s7;
	s7 =	simm.s32 @!p0 $0x108  }
0x21: {  	s3 =	sadd.s32 s3, s9;
	s6 =	sadd.s32 @!p0 $0x88, s6;
	s7 =	simm.s32 @p2 $0x1082  }
0x22: {  	[simem:s7], [sflag:s8] =	dma.local @!p0 [hbm:s6], $0xF7A  }
0x23: {  	s9 =	sor.u32 $0xD0000000, s2;
	s6 =	simm.s32 $0x108;
	_ =	swait.ge @!p0 [sflag:s8], $0x0  }
0x24: {  	s3 =	sadd.s32 $0x88, s3;
	s6 =	simm.s32 @!p1 $0x1082;
	[sflag:s4] =	ssyncset.s32 $0xFFFFF086  }
0x25: {  	[simem:s6], [sflag:s4] =	dma.local [hbm:s3], $0xF7A  }
0x26: {  	[smem:$0x3F99] =	sst s1;
	(tag) =	ssettag s2;
	_ =	strace s9  }
0x27: {  	s1 =	sld [smem:$0x3FA9]  }
0x28: {  	s2 =	sld [smem:$0x3FAA]  }
0x29: {  	s4 =	sld [smem:$0x3FAC]  }
0x2a: {  	p0 =	seq.s32 s5, $0x0;
	s5 =	sld [smem:$0x3FAD]  }
0x2b: {  	s6 =	sld [smem:$0x3FAE]  }
0x2c: {  	s7 =	sld [smem:$0x3FAF]  }
0x2d: {  	s3 =	simm.s32 $0x108;
	s8 =	sld [smem:$0x3FB0]  }
0x2e: {  	s3 =	simm.s32 @!p0 $0x1082;
	s9 =	sld [smem:$0x3FB1]  }
0x2f: {  	lr =	sadd.s32 s0, s3;
	s0 =	sld [smem:$0x3FA8]  }
0x30: {  	s3 =	sld [smem:$0x3FAB]  }
0x31: {  	[smem:$0x3FB4] =	sst s10  }
0x32: {  	s10 =	sld [smem:$0x3FB2];
	_ =	sdelay $0x3  }
0x33: {  	p0 =	seq.s32 s10, $0x1;
	s10 =	sld [smem:$0x3FB4];
	_ =	sdelay $0x3  }
0x34: {  	[smem:$0x3FB4] =	sst s10  }
0x35: {  	s10 =	sld [smem:$0x3FB3];
	_ =	sdelay $0x3  }
0x36: {  	p1 =	seq.s32 s10, $0x1;
	s10 =	sld [smem:$0x3FB4];
	_ =	sdelay $0x3  }
0x37: {  	[smem:$0x3FB4] =	sst s10  }
0x38: {  	s10 =	sld [smem:$0x3FB5]  }
0x39: {  	_ = 	snop;
	(pc) =	sbr.ind lr, $3  }
0x3a: {  	_ = 	snop  }
0x3b: {  	_ = 	snop  }
0x3c: {  	p2 =	seq.s32 s10, $0x1;
	s10 =	sld [smem:$0x3FB4]  }
0x3d: {  	_ =	shalt  }
0x3e: {  	_ =	shalt  }
0x3f: {  	_ =	shalt  }
0x40: {  	_ =	shalt  }
0x41: {  	_ =	shalt  }
0x42: {  	_ =	shalt  }
0x43: {  	_ =	shalt  }
0x44: {  	_ =	shalt  }
0x45: {  	_ =	shalt  }
0x46: {  	_ =	shalt  }
0x47: {  	_ =	shalt  }
0x48: {  	_ =	shalt  }
0x49: {  	_ =	shalt  }
0x4a: {  	_ =	shalt  }
0x4b: {  	_ =	shalt  }
0x4c: {  	_ =	shalt  }
0x4d: {  	_ =	shalt  }
0x4e: {  	_ =	shalt  }
0x4f: {  	_ =	shalt  }
0x50: {  	_ =	shalt  }
0x51: {  	_ =	shalt  }
0x52: {  	_ =	shalt  }
0x53: {  	_ =	shalt  }
0x54: {  	_ =	shalt  }
0x55: {  	_ =	shalt  }
0x56: {  	_ =	shalt  }
0x57: {  	_ =	shalt  }
0x58: {  	_ =	shalt  }
0x59: {  	_ =	shalt  }
0x5a: {  	_ =	shalt  }
0x5b: {  	_ =	shalt  }
0x5c: {  	_ =	shalt  }
0x5d: {  	_ =	shalt  }
0x5e: {  	_ =	shalt  }
0x5f: {  	_ =	shalt  }
0x60: {  	_ =	shalt  }
0x61: {  	_ =	shalt  }
0x62: {  	_ =	shalt  }
0x63: {  	_ =	shalt  }
0x64: {  	_ =	shalt  }
0x65: {  	_ =	shalt  }
0x66: {  	_ =	shalt  }
0x67: {  	_ =	shalt  }
0x68: {  	_ =	shalt  }
0x69: {  	_ =	shalt  }
0x6a: {  	_ =	shalt  }
0x6b: {  	_ =	shalt  }
0x6c: {  	_ =	shalt  }
0x6d: {  	_ =	shalt  }
0x6e: {  	_ =	shalt  }
0x6f: {  	_ =	shalt  }
0x70: {  	_ =	shalt  }
0x71: {  	_ =	shalt  }
0x72: {  	_ =	shalt  }
0x73: {  	_ =	shalt  }
0x74: {  	_ =	shalt  }
0x75: {  	_ =	shalt  }
0x76: {  	_ =	shalt  }
0x77: {  	_ =	shalt  }
0x78: {  	_ =	shalt  }
0x79: {  	_ =	shalt  }
0x7a: {  	_ =	shalt  }
0x7b: {  	_ =	shalt  }
0x7c: {  	_ =	shalt  }
0x7d: {  	_ =	shalt  }
0x7e: {  	_ =	shalt  }
0x7f: {  	_ =	shalt  }
0x80: {  	_ =	shalt  }
0x81: {  	_ =	shalt  }
0x82: {  	_ =	shalt  }
0x83: {  	_ =	shalt  }
0x84: {  	_ =	shalt  }
0x85: {  	_ =	shalt  }
0x86: {  	_ =	shalt  }
0x87: {  	_ =	shalt  }
.Lfunc_end0:
.L_simem_size_0:
called_computation_lowered:
.L_overlay_start_0:
0x88: {  	s2 =	sld [smem:$0x3FD9]  }
0x89: {  	s3 =	sld [smem:$0x3FFE];
	_ =	sdelay $0x1  }
0x8a: {  	s1 =	srdreg.scid  }
0x8b: {  	s0 =	sand.u32 $0x1, s1  }
0x8c: {  	s16 =	sshll.u32 s0, $0xA;
	s2 =	sadd.s32 s3, s2  }
0x8d: {  	s2 =	sadd.s32 s2, s16  }
0x8e: {  	[smem:$0x3FC0] =	sst s2  }
0x8f: {  	_ = 	snop  }
0x90: {  	(tm) =	ssettm $0x1  }
0x91: {  	s17 =	sld [smem:$0x3FFB];
	_ =	sdelay $0x3  }
0x92: {  	_ =	strace s17  }
0x93: {  	s2 =	sld [smem:$0x3FFC];
	_ =	sdelay $0x3  }
0x94: {  	_ =	strace s2  }
0x95: {  	s2 =	sld [smem:$0x3FFD];
	_ =	sdelay $0x3  }
0x96: {  	_ =	strace s2  }
0x97: {  	_ =	strace $0x8FFFFFFF  }
0x98: {  	s18 =	sld [smem:$0x3FDB];
	_ =	sdelay $0x1  }
0x99: {  	s19 =	simm.s32 $_scs_section_size  }
0x9a: {  	s4 =	simm.s32 $_size__tile_overlayer_lowered;
	s5 =	simm.s32 $_tile_overlayer_lowered  }
0x9b: {  	s22 =	simm.s32 $0x1BFF;
	s21 =	sshll.u32 s5, $0x1;
	s2 =	sadd.s32 s19, s18  }
0x9c: {  	s6 =	simm.s32 $0x0;
	s20 =	sshll.u32 s4, $0x1;
	s4 =	sadd.s32 s21, s2  }
0x9d: {  	[timem:s6], [sflag:s22] =	dma.local [hbm:s4], s20  }
0x9e: {  	_ =	swait.ge [sflag:s22], s20  }
0x9f: {  	s3 =	ssub.s32 $0x0, s20;
	[sflag:s22] =	ssyncset.done $0x0  }
0xa0: {  	[sflag:s22] =	ssyncadd.s32 s3;
	_ =	sdelay $0x1  }
0xa1: {  	s23 =	simm.s32 $0x1B8B  }
0xa2: {  	_ =	swait.ge [sflag:s23], $0x1  }
0xa3: {  	[sflag:s23] =	ssyncset.done $0x0  }
0xa4: {  	s25 =	simm.s32 $0x1B8E;
	s24 =	sld [smem:$0x3FFE];
	[sflag:s23] =	ssyncadd.s32 $0xFFFFFFFF  }
0xa5: {  	s26 =	simm.s32 $execute0_lowered;
	[smem:$0x3FD2] =	sst s25  }
0xa6: {  	s4 =	sshll.u32 s26, $0x1;
	_ =	strace $0x80000046;
	[dreg:$0x1] =	wrdreg $0xFFFFFFFF  }
0xa7: {  	s28 =	simm.s32 $_size_execute0_lowered;
	s2 =	sadd.s32 s2, s4;
	[dreg:$0x0] =	wrdreg $0x0  }
0xa8: {  	s4 =	sshll.u32 s28, $0x1;
	[dreg:$0x2] =	wrdreg s2  }
0xa9: {  	[dreg:$0x3] =	wrdreg s4  }
0xaa: {  	[dreg:$0x4] =	wrdreg $0xC0  }
0xab: {  	_ =	task [dreg:s6], $0x5FFFF  }
0xac: {  	[dreg:$0x1] =	wrdreg $0xFFFFFFFF  }
0xad: {  	[dreg:$0x0] =	wrdreg $0x60  }
0xae: {  	[dreg:$0x2] =	wrdreg s24  }
0xaf: {  	[dreg:$0x3] =	wrdreg $0x3B000  }
0xb0: {  	[dreg:$0x4] =	wrdreg $0x9  }
0xb1: {  	_ =	task.clear_ibuf [dreg:s6], $0x5FFFF;
	_ =	strace $0x90000046  }
0xb2: {  	s29 =	simm.s32 $0x9;
	_ =	strace $0x80000048  }
0xb3: {  	_ =	swait.ge [sflag:s29], $0x1  }
0xb4: {  	[sflag:s29] =	ssyncadd.s32 $0xFFFFFFFF  }
0xb5: {  	_ =	strace $0x90000048  }
0xb6: {  	_ =	sfence  }
0xb7: {  	s30 =	sld [smem:$0x0];
	_ =	sdelay $0x2  }
0xb8: {  	s31 =	sshll.u32 s1, $0xD;
	s1 =	sshrl.u32 s1, $0x2  }
0xb9: {  	s3 =	sand.u32 $0x4000, s31;
	s1 =	sadd.s32 s1, s30  }
0xba: {  	s0 =	sor.u32 s3, s0;
	s1 =	sshll.u32 s1, $0x11  }
0xbb: {  	s0 =	sor.u32 s1, s0  }
0xbc: {  	s0 =	sadd.s32 $0x8F2B, s0  }
0xbd: {  	[sflag:s0] =	ssyncadd.remote.s32 $0x1  }
0xbe: {  	_ =	sfence.sel $0xFFFF  }
0xbf: {  	[dreg:$0x0] =	wrdreg $0xFFFFFFFF;
	(pc) =	sbr.abs _section_cstart, $3  }
0xc0: {  	[dreg:$0x1] =	wrdreg $0xFFFFFFFF  }
0xc1: {  	_ =	task.clear_ibuf [dreg:s6], $0x2FFFF;
	_ =	strace $0x9FFFFFFF  }
0xc2: {  	(tm) =	ssettm $0x7FFFFFFF  }
0xc3: {  	_ =	shalt  }
tec
execute0_lowered:
.L_overlay_start_1:
0x0: {  	(tag) =	ssettag $0x1  }
0x1: {  	s5 =	rddreg [dreg:$0x0]  }
0x2: {  	s0 =	srdreg.scid;
	s2 =	rddreg [dreg:$0x1]  }
0x3: {  	s1 =	stileid.u32;
	s3 =	simm.s32 $0x0;
	s11 =	simm.s32 $0x80  }
0x4: {  	s12 =	simm.s32 $0x3800;
	s4 =	sand.u32 $0x1, s0;
	s0 =	rddreg [dreg:$0x2]  }
0x5: {  	s13 =	simm.s32 $0x0;
	s7 =	smul.u32 $0x280, s1;
	[smem:$0x7FF] =	sst s3  }
0x6: {  	s6 =	sshll.u32 s4, $0x4;
	s8 =	smul.u32 $0x2800, s4;
	_ =	strace $0x80000047  }
0x7: {  	s9 =	ssub.s32 $0x2, s4;
	p0 =	seq.s32 s4, $0x0;
	s6 =	sor.u32 s1, s6  }
0x8: {  	s4 =	simm.s32 $0x6F;
	s10 =	sshrl.u32 s9, $0x1;
	s6 =	smul.u32 $0x700, s6  }
0x9: {  	s4 =	simm.s32 @!p0 $0x2F;
	s8 =	sadd.s32 s7, s8;
	s9 =	ssub.s32 s9, s10  }
0xa: {  	s10 =	simm.s32 $0x3880;
	s8 =	sshrl.u32 s8, $0x3;
	s6 =	sadd.s32 s6, s5  }
0xb: {  	s8 =	sadd.s32 s8, s5;
	s5 =	sadd.s32 $0x2A00, s6;
	s6 =	sadd.s32 s7, s2  }
0xc: {  	v0 =	vimm.f32 $1.000000000e+00;
	v1 =	vimm.f32 $0.0e+00;
	s7 =	sadd.s32 $0x1EA00, s8;
	s8 =	smax.u32 s9, $0x1;
	s9 =	simm.s32 $0x1  }
.LBB2_1:
0xd: {  	[tilespmem:$0x3800] =	vst v0  }
0xe: {  	[tilespmem:$0x3810] =	vst v0  }
0xf: {  	[tilespmem:$0x3820] =	vst v0  }
0x10: {  	[tilespmem:$0x3830] =	vst v0  }
0x11: {  	[tilespmem:$0x3840] =	vst v0  }
0x12: {  	[tilespmem:$0x3850] =	vst v0  }
0x13: {  	[tilespmem:$0x3860] =	vst v0  }
0x14: {  	[tilespmem:$0x3870] =	vst v0  }
0x15: {  	[tilespmem:$0x3880] =	vst v1  }
0x16: {  	[tilespmem:$0x3890] =	vst v1  }
0x17: {  	[tilespmem:$0x38A0] =	vst v1  }
0x18: {  	[tilespmem:$0x38B0] =	vst v1  }
0x19: {  	[tilespmem:$0x38C0] =	vst v1  }
0x1a: {  	[tilespmem:$0x38D0] =	vst v1  }
0x1b: {  	[tilespmem:$0x38E0] =	vst v1  }
0x1c: {  	[tilespmem:$0x38F0] =	vst v1  }
0x1d: {  	[tilespmem:$0x3900] =	vst v1  }
0x1e: {  	[tilespmem:$0x3910] =	vst v1  }
0x1f: {  	[tilespmem:$0x3920] =	vst v1  }
0x20: {  	[tilespmem:$0x3930] =	vst v1  }
0x21: {  	[tilespmem:$0x3940] =	vst v1  }
0x22: {  	[tilespmem:$0x3950] =	vst v1  }
0x23: {  	[tilespmem:$0x3960] =	vst v1  }
0x24: {  	[tilespmem:$0x3970] =	vst v1  }
0x25: {  	[tilespmem:$0x3980] =	vst v1  }
0x26: {  	[tilespmem:$0x3990] =	vst v1  }
0x27: {  	[tilespmem:$0x39A0] =	vst v1  }
0x28: {  	[tilespmem:$0x39B0] =	vst v1  }
0x29: {  	[tilespmem:$0x39C0] =	vst v1  }
0x2a: {  	[tilespmem:$0x39D0] =	vst v1  }
0x2b: {  	[tilespmem:$0x39E0] =	vst v1  }
0x2c: {  	[tilespmem:$0x39F0] =	vst v1  }
0x2d: {  	[tilespmem:$0x3A00] =	vst v1  }
0x2e: {  	[tilespmem:$0x3A10] =	vst v1  }
0x2f: {  	[tilespmem:$0x3A20] =	vst v1  }
0x30: {  	[tilespmem:$0x3A30] =	vst v1  }
0x31: {  	[tilespmem:$0x3A40] =	vst v1  }
0x32: {  	[tilespmem:$0x3A50] =	vst v1  }
0x33: {  	[tilespmem:$0x3A60] =	vst v1  }
0x34: {  	[tilespmem:$0x3A70] =	vst v1  }
0x35: {  	[tilespmem:$0x3A80] =	vst v1  }
0x36: {  	[tilespmem:$0x3A90] =	vst v1  }
0x37: {  	[tilespmem:$0x3AA0] =	vst v1  }
0x38: {  	[tilespmem:$0x3AB0] =	vst v1  }
0x39: {  	[tilespmem:$0x3AC0] =	vst v1  }
0x3a: {  	[tilespmem:$0x3AD0] =	vst v1  }
0x3b: {  	[tilespmem:$0x3AE0] =	vst v1  }
0x3c: {  	[tilespmem:$0x3AF0] =	vst v1  }
0x3d: {  	[tilespmem:s3], [sflag:$0x1] =	stream.linear.gather [hbm4b:s5+s3], $0x3780, $0x38;
	[tilespmem:$0x3D80] =	vst v63  }
0x3e: {  	_ =	swait.ge [sflag:s9], $0x3780  }
0x3f: {  	[sflag:s9] =	ssyncset.done $0x0  }
0x40: {  	[sflag:s9] =	ssyncadd.s32 $0xFFFFC880  }
0x41: {  	[spmem:s6] =	stream.linear.scatter [tilespmem:s10], [sflag:$0x1], $0x280, $0x38;
	[tilespmem:$0x3D80] =	vst v63  }
0x42: {  	_ =	swait.ge [sflag:s9], $0x280  }
0x43: {  	p0 =	sne.s32 s4, $0x1;
	[sflag:s9] =	ssyncset.done $0x0  }
.Ltmp0:
0x44: {  	[sflag:s9] =	ssyncadd.s32 $0xFFFFFD80;
	(pc) =	sbr.rel @!p0 .LBB2_3-.Ltmp0, $4  }
0x45: {  	[bflag:$0x0] =	sbarrier.arrive $0xFFFF  }
0x46: {  	[spmem:s2] =	stream.indirect.scatter.add.f32 [tilespmem:s12], [sflag:$0x1], $0x1, s3, s11, $0xb8;
	[tilespmem:$0x3D80] =	vst v63  }
0x47: {  	_ =	swait.ge [sflag:s9], $0x80  }
0x48: {  	s14 =	sadd.s32 $0xFFFFFFFF, s4;
	s15 =	simm.s32 $0x0;
	[sflag:s9] =	ssyncset.done $0x0  }
.LBB2_2:
0x49: {  	p0 =	sne.s32 s14, $0x1;
	[sflag:s9] =	ssyncadd.s32 $0xFFFFFF80;
	s15 =	sadd.s32 $0x80, s15  }
.Ltmp1:
0x4a: {  	s14 =	sadd.s32 $0xFFFFFFFF, s14;
	(pc) =	sbr.rel @p0 .LBB2_2-.Ltmp1, $4  }
0x4b: {  	_ = 	snop  }
0x4c: {  	[spmem:s2] =	stream.indirect.scatter.add.f32 [tilespmem:s12], [sflag:$0x1], $0x1, s15, s11, $0xb8;
	[tilespmem:$0x3D80] =	vst v63  }
0x4d: {  	_ =	swait.ge [sflag:s9], $0x80  }
0x4e: {  	[sflag:s9] =	ssyncset.done $0x0  }
.LBB2_3:
0x4f: {  	[sflag:s9] =	ssyncadd.s32 $0xFFFFFF80  }
0x50: {  	[bflag:$0x0] =	sbarrier.arrive $0xFFFF  }
0x51: {  	[tilespmem:s10], [sflag:$0x1] =	stream.linear.gather [spmem:s6], $0x280, $0x38;
	[tilespmem:$0x3D80] =	vst v63  }
0x52: {  	s13 =	sadd.s32 $0x1, s13;
	_ =	swait.ge [sflag:s9], $0x280  }
0x53: {  	p0 =	sne.s32 s13, s8;
	[sflag:s9] =	ssyncset.done $0x0  }
.Ltmp2:
0x54: {  	[sflag:s9] =	ssyncadd.s32 $0xFFFFFD80;
	(pc) =	sbr.rel @p0 .LBB2_1-.Ltmp2, $4  }
0x55: {  	[hbm4b:s7+s3] =	stream.linear.scatter [tilespmem:s10], [sflag:$0x1], $0x280, $0x38;
	[tilespmem:$0x3D80] =	vst v63  }
0x56: {  	_ =	swait.ge [sflag:s9], $0x280  }
0x57: {  	[sflag:s9] =	ssyncset.done $0x0  }
0x58: {  	[sflag:s9] =	ssyncadd.s32 $0xFFFFFD80  }
0x59: {  	_ =	sfence.sel $0x180000  }
0x5a: {  	[bflag:$0x0] =	sbarrier.arrive $0xFFFF  }
0x5b: {  	p0 =	sne.s32 s1, $0x0;
	_ =	strace $0x90000047  }
0x5c: {  	s0 =	sadd.s32 @!p0 $0x100000, s0;
	[bflag:$0x2] =	sbarrier.arrive $0xFFFF  }
0x5d: {  	[sflag:s0] =	ssyncadd.tile.s32 @!p0 $0x1;
	_ =	shalt  }
.Lfunc_end2:
_tile_overlayer_lowered:
.L_overlay_start_2:
0x5e: {  	(tag) =	ssettag $0x2  }
0x5f: {  	s0 =	rddreg [dreg:$0x0];
	s2 =	stileid.u32  }
0x60: {  	s1 =	rddreg [dreg:$0x1];
	p0 =	sne.s32 s2, $0x0  }
0x61: {  	s3 =	rddreg [dreg:$0x2];
	[bflag:$0x3] =	sbarrier.arrive $0xFFFF;
	s2 =	simm.s32 @!p0 $0x1C01  }
0x62: {  	[timem:s3], [sflag:s2] =	dma.local @!p0 [hbm:s0], s1  }
0x63: {  	s0 =	simm.s32 @!p0 $0x1  }
0x64: {  	_ =	swait.ge @!p0 [sflag:s0], s1  }
0x65: {  	s1 =	ssub.s32 @!p0 $0x0, s1;
	[sflag:s0] =	ssyncset.done @!p0 $0x0  }
0x66: {  	[sflag:s0] =	ssyncadd.s32 @!p0 s1  }
0x67: {  	[bflag:$0x3] =	sbarrier.arrive $0xFFFF  }
0x68: {  	_ =	shalt  }

</sc_bundles>
